<compile_context>
chip_gen: v7x
topology: tpu7x:2x2x1
jax: 0.10.2.dev20260603
libtpu: 0.0.44.dev20260713+nightly
codegen_flags: <defaults>
</compile_context>

<pallas_src>
import functools

import jax
import jax.numpy as jnp
from jax import lax
from jax.experimental import pallas as pl
from jax.experimental.pallas import tpu as pltpu
from jax.experimental.pallas import tpu_sc as plsc

NC = 2
NS = 16
NW = NC * NS
LANES = 16

CH = 1024
ROW = 128
R = CH // ROW
GROUPS = ROW // LANES
TROW = 128
TGROUPS = TROW // LANES


@functools.lru_cache(maxsize=None)
def _build(n_rows: int, n_points: int, dim0: int, dim1: int, dim2: int):
    tch = (n_rows * TROW) // (NW * CH)
    tail_rows = n_rows - NW * tch * (CH // TROW)
    s12 = dim1 * dim2
    s2 = dim2
    wrap0 = (dim0 - 1) * s12
    wrap1 = (dim1 - 1) * s2
    wrap2 = dim2 - 1

    mesh = plsc.VectorSubcoreMesh(core_axis_name="c", subcore_axis_name="s")

    @functools.partial(
        pl.kernel,
        mesh=mesh,
        out_type=jax.ShapeDtypeStruct((NW, LANES), jnp.float32),
        scratch_types=[
            pltpu.VMEM((3, CH), jnp.int32),
            pltpu.VMEM((3, CH), jnp.int32),
            pltpu.VMEM((4 * R, ROW), jnp.int32),
            pltpu.VMEM((4 * R, ROW), jnp.int32),
            pltpu.VMEM((4 * R, ROW), jnp.float32),
            pltpu.VMEM((4 * R, ROW), jnp.float32),
            pltpu.VMEM((4, TROW), jnp.int32),
            pltpu.VMEM((4, TROW), jnp.float32),
            pltpu.VMEM((LANES,), jnp.float32),
            pltpu.SemaphoreType.DMA,
            pltpu.SemaphoreType.DMA,
            pltpu.SemaphoreType.DMA,
            pltpu.SemaphoreType.DMA,
        ],
    )
    def sc_loss(idx_hbm, table2_hbm, out_hbm, ib0, ib1, fx0, fx1,
                vl0, vl1, fxt, vlt, accs, isem0, isem1, gsem0, gsem1):
        table_hbm = table2_hbm.at[0]
        wid = lax.axis_index("s") * NC + lax.axis_index("c")

        def addrs(i0, i1, i2):
            fc = i0 * s12 + i1 * s2 + i2
            fa = fc + jnp.where(i0 == 0, wrap0, -s12)
            fb = fc + jnp.where(i1 == 0, wrap1, -s2)
            fd = fc + jnp.where(i2 == 0, wrap2, -1)
            return fc, fa, fb, fd
        ibs = (ib0, ib1)
        fxs = (fx0, fx1)
        vls = (vl0, vl1)
        isems = (isem0, isem1)
        gsems = (gsem0, gsem1)

        def chunk_base(t):
            return (wid * tch + t) * CH

        def load_idx(t, b):
            pltpu.async_copy(idx_hbm.at[:, pl.ds(chunk_base(t), CH)],
                             ibs[b], isems[b])

        def addr_fire(t, b):
            ib, fx, vl = ibs[b], fxs[b], vls[b]
            pltpu.make_async_copy(idx_hbm.at[:, pl.ds(0, CH)], ib,
                                  isems[b]).wait()

            def addr_row(r, _):
                for g in range(GROUPS):
                    off = pl.ds(r * ROW + g * LANES, LANES)
                    fc, fa, fb, fd = addrs(ib[0, off], ib[1, off],
                                           ib[2, off])
                    col = pl.ds(g * LANES, LANES)
                    fx[r, col] = fc
                    fx[R + r, col] = fa
                    fx[2 * R + r, col] = fb
                    fx[3 * R + r, col] = fd
                return 0

            lax.fori_loop(0, R, addr_row, 0)

            def fire_cd(r, _):
                pltpu.async_copy(table_hbm.at[fx.at[r]], vl.at[r],
                                 gsems[b])
                pltpu.async_copy(table_hbm.at[fx.at[3 * R + r]],
                                 vl.at[3 * R + r], gsems[b])
                return 0

            lax.fori_loop(0, R, fire_cd, 0)

            def fire(row, _):
                pltpu.async_copy(table_hbm.at[fx.at[row]], vl.at[row],
                                 gsems[b])
                return 0

            lax.fori_loop(R, 3 * R, fire, 0)

        def drain_contrib(b, acc):
            fx, vl = fxs[b], vls[b]

            def drain(row, _):
                pltpu.make_async_copy(table_hbm.at[fx.at[row]],
                                      vl.at[row], gsems[b]).wait()
                return 0

            lax.fori_loop(0, 4 * R, drain, 0)

            def crow(r, a_in):
                av = a_in
                for g in range(GROUPS):
                    col = pl.ds(g * LANES, LANES)
                    c = vl[r, col]
                    d = vl[3 * R + r, col]
                    a = vl[R + r, col]
                    bb = vl[2 * R + r, col]
                    t1 = c - a
                    t2 = c - bb
                    t3 = c - d
                    av = av + (t1 * t1 + t2 * t2 + t3 * t3)
                return av

            return lax.fori_loop(0, R, crow, acc)

        acc = jnp.zeros((LANES,), jnp.float32)
        if tch >= 4:
            load_idx(0, 0)
            load_idx(1, 1)
            addr_fire(0, 0)

            def pair_body(i, acc):
                addr_fire(2 * i + 1, 1)
                load_idx(2 * i + 2, 0)
                acc = drain_contrib(0, acc)
                addr_fire(2 * i + 2, 0)

                @pl.when(2 * i + 3 < tch)
                def _():
                    load_idx(2 * i + 3, 1)

                acc = drain_contrib(1, acc)
                return acc

            acc = lax.fori_loop(0, (tch - 1) // 2, pair_body, acc)
            if tch % 2 == 0:
                addr_fire(tch - 1, 1)
                acc = drain_contrib(0, acc)
                acc = drain_contrib(1, acc)
            else:
                acc = drain_contrib(0, acc)
        elif tch > 0:
            def seq_body(t, acc):
                load_idx(t, 0)
                addr_fire(t, 0)
                return drain_contrib(0, acc)

            acc = lax.fori_loop(0, tch, seq_body, acc)
        accs[...] = acc

        if tail_rows:
            iota = lax.iota(jnp.int32, LANES)

        for j in range((tail_rows + NW - 1) // NW):
            tail_row = NW * tch * (CH // TROW) + wid + j * NW
            tail_base = tail_row * TROW

            @pl.when(wid + j * NW < tail_rows)
            def _(tail_base=tail_base):
                ib = ib0
                pltpu.sync_copy(idx_hbm.at[:, pl.ds(tail_base, TROW)],
                                ib.at[:, pl.ds(0, TROW)])
                for g in range(TGROUPS):
                    off = pl.ds(g * LANES, LANES)
                    fc, fa, fb, fd = addrs(ib[0, off], ib[1, off],
                                           ib[2, off])
                    fxt[0, off] = fc
                    fxt[1, off] = fa
                    fxt[2, off] = fb
                    fxt[3, off] = fd
                for row in range(4):
                    pltpu.async_copy(table_hbm.at[fxt.at[row]],
                                     vlt.at[row], gsem0)
                for row in range(4):
                    pltpu.make_async_copy(table_hbm.at[fxt.at[row]],
                                          vlt.at[row], gsem0).wait()
                av = jnp.zeros((LANES,), jnp.float32)
                for g in range(TGROUPS):
                    off = pl.ds(g * LANES, LANES)
                    c = vlt[0, off]
                    t1 = c - vlt[1, off]
                    t2 = c - vlt[2, off]
                    t3 = c - vlt[3, off]
                    s = t1 * t1 + t2 * t2 + t3 * t3
                    p = tail_base + g * LANES + iota
                    av = av + jnp.where(p < n_points, s, 0.0)
                accs[...] = accs[...] + av

        pltpu.sync_copy(accs, out_hbm.at[wid])

    return sc_loss


def kernel(image, indices):
    n = indices.shape[1]
    d0, d1, d2 = image.shape[2], image.shape[3], image.shape[4]
    n_rows = -(-n // TROW)
    if n_rows * TROW != n:
        indices = jnp.pad(indices, ((0, 0), (0, n_rows * TROW - n)))
    sc_loss = _build(n_rows, n, d0, d1, d2)
    table = image.reshape(1, d0 * d1 * d2)
    partials = sc_loss(indices, table)
    return jnp.sum(partials) / jnp.float32(3 * n)

# --- scband reference (transcript-rebuilt; emitter-appended) ---
"""Pipeline reference for scband-masked-gradient-loss-62173946577082 (READ-ONLY COPY).

The authoritative reference and input builder live on the scoring server;
editing this copy changes nothing except your own understanding.
"""

import jax, jax.numpy as jnp
import numpy as np

SPACING = 1.0


def setup_inputs(seed: int = 0) -> dict:
    key = jax.random.key(seed)
    k1, k2 = jax.random.split(key)
    image = jax.random.normal(k1, (1, 1, 256, 256, 256), dtype=jnp.float32)
    # int32 to avoid x64 config issues; values in [0, 256)
    indices = jax.random.randint(k2, (3, 2000000), 0, 256, dtype=jnp.int32)
    return {"image": image, "indices": indices}


def reference(image, indices):
    # method == 'backward': f_xh = image at indices, f_x = image at indices shifted by -1 per axis
    i0, i1, i2 = indices[0], indices[1], indices[2]
    f_xh = image[:, :, i0, i1, i2][None]  # [1, N, C, K]
    f_x = jnp.stack((
        image[:, :, i0 - 1, i1, i2],
        image[:, :, i0, i1 - 1, i2],
        image[:, :, i0, i1, i2 - 1],
    ))  # [3, N, C, K]
    grad = (f_xh - f_x) / SPACING
    return jnp.mean(grad ** 2)

if __name__ == "__main__":
    import jax
    _d = setup_inputs()
    print(jax.jit(kernel)(*tuple(_d.values())))

</pallas_src>

<mosaic_0001>
#map = affine_map<(d0, d1) -> (0, 0)>
module attributes {stable_mosaic.version = 14 : i64} {
  func.func @sc_loss(%arg0: i32, %arg1: i32, %arg2: memref<3x2000000xi32, #tpu.memory_space<hbm>>, %arg3: memref<1x16777216xf32, #tpu.memory_space<hbm>>, %arg4: memref<32x16xf32, #tpu.memory_space<hbm>>, %arg5: memref<3x1024xi32, #tpu.memory_space<vmem>>, %arg6: memref<3x1024xi32, #tpu.memory_space<vmem>>, %arg7: memref<32x128xi32, #tpu.memory_space<vmem>>, %arg8: memref<32x128xi32, #tpu.memory_space<vmem>>, %arg9: memref<32x128xf32, #tpu.memory_space<vmem>>, %arg10: memref<32x128xf32, #tpu.memory_space<vmem>>, %arg11: memref<4x128xi32, #tpu.memory_space<vmem>>, %arg12: memref<4x128xf32, #tpu.memory_space<vmem>>, %arg13: memref<16xf32, #tpu.memory_space<vmem>>, %arg14: memref<!tpu.dma_semaphore, #tpu.memory_space<semaphore_mem>>, %arg15: memref<!tpu.dma_semaphore, #tpu.memory_space<semaphore_mem>>, %arg16: memref<!tpu.dma_semaphore, #tpu.memory_space<semaphore_mem>>, %arg17: memref<!tpu.dma_semaphore, #tpu.memory_space<semaphore_mem>>) attributes {dimension_semantics = [#tpu.dimension_semantics<core_parallel>, #tpu.dimension_semantics<subcore_parallel>], iteration_bounds = array<i64: 2, 16>, scalar_prefetch = 0 : i64, scratch_operands = 13 : i64, tpu.core_type = #tpu.core_type<sc_vector_subcore>, window_params = [{transform_indices = #map}, {transform_indices = #map}, {transform_indices = #map}]} {
    %mul3A = arith.constant 2 : i32
    %mul3A_0 = arith.muli %arg1, %mul3A : i32
    %add3A = arith.addi %mul3A_0, %arg0 : i32
    %broadcast_in_dim3A = arith.constant 0.000000e+00 : f32
    %broadcast_in_dim3A_1 = vector.broadcast %broadcast_in_dim3A : f32 to vector<16xf32>
    %mul3A_2 = arith.constant 61 : i32
    %mul3A_3 = arith.muli %add3A, %mul3A_2 : i32
    %add3A_4 = arith.constant 0 : i32
    %add3A_5 = arith.addi %mul3A_3, %add3A_4 : i32
    %mul3A_6 = arith.constant 1024 : i32
    %mul3A_7 = arith.muli %add3A_5, %mul3A_6 : i32
    %dma_start3A = arith.constant 0 : i32
    %dma_start3A_8 = tpu.memref_slice %arg2[%dma_start3A, %mul3A_7] : memref<3x2000000xi32, #tpu.memory_space<hbm>> -> memref<3x1024xi32, #tpu.memory_space<hbm>>
    %dma_start3A_9 = arith.constant 0 : i32
    %dma_start3A_10 = tpu.memref_slice %arg2[%dma_start3A_9, %mul3A_7] : memref<3x2000000xi32, #tpu.memory_space<hbm>> -> memref<3x1024xi32, #tpu.memory_space<hbm>>
    tpu.enqueue_dma source(%dma_start3A_10 : memref<3x1024xi32, #tpu.memory_space<hbm>>) target(%arg5 : memref<3x1024xi32, #tpu.memory_space<vmem>>) target_semaphore(%arg14 : memref<!tpu.dma_semaphore, #tpu.memory_space<semaphore_mem>>)
    %mul3A_11 = arith.constant 61 : i32
    %mul3A_12 = arith.muli %add3A, %mul3A_11 : i32
    %add3A_13 = arith.constant 1 : i32
    %add3A_14 = arith.addi %mul3A_12, %add3A_13 : i32
    %mul3A_15 = arith.constant 1024 : i32
    %mul3A_16 = arith.muli %add3A_14, %mul3A_15 : i32
    %dma_start3A_17 = arith.constant 0 : i32
    %dma_start3A_18 = tpu.memref_slice %arg2[%dma_start3A_17, %mul3A_16] : memref<3x2000000xi32, #tpu.memory_space<hbm>> -> memref<3x1024xi32, #tpu.memory_space<hbm>>
    %dma_start3A_19 = arith.constant 0 : i32
    %dma_start3A_20 = tpu.memref_slice %arg2[%dma_start3A_19, %mul3A_16] : memref<3x2000000xi32, #tpu.memory_space<hbm>> -> memref<3x1024xi32, #tpu.memory_space<hbm>>
    tpu.enqueue_dma source(%dma_start3A_20 : memref<3x1024xi32, #tpu.memory_space<hbm>>) target(%arg6 : memref<3x1024xi32, #tpu.memory_space<vmem>>) target_semaphore(%arg15 : memref<!tpu.dma_semaphore, #tpu.memory_space<semaphore_mem>>)
    %dma_wait3A = arith.constant 0 : i32
    %dma_wait3A_21 = arith.constant 0 : i32
    %dma_wait3A_22 = tpu.memref_slice %arg2[%dma_wait3A, %dma_wait3A_21] : memref<3x2000000xi32, #tpu.memory_space<hbm>> -> memref<3x1024xi32, #tpu.memory_space<hbm>>
    %dma_wait3A_23 = arith.constant 0 : i32
    %dma_wait3A_24 = arith.constant 0 : i32
    %dma_wait3A_25 = tpu.memref_slice %arg2[%dma_wait3A_23, %dma_wait3A_24] : memref<3x2000000xi32, #tpu.memory_space<hbm>> -> memref<3x1024xi32, #tpu.memory_space<hbm>>
    tpu.wait_dma2 semaphore(%arg14 : memref<!tpu.dma_semaphore, #tpu.memory_space<semaphore_mem>>) src(%dma_wait3A_25 : memref<3x1024xi32, #tpu.memory_space<hbm>>) dst(%arg5 : memref<3x1024xi32, #tpu.memory_space<vmem>>)
    %scan3A = arith.constant 0 : i32
    %scan3A_26 = arith.constant 0 : i32
    %scan3A_27 = arith.constant 8 : i32
    %scan3A_28 = arith.addi %scan3A_26, %scan3A_27 : i32
    %scan3A_29 = arith.constant 1 : i32
    %scan3A_30 = scf.for %scan3A_83 = %scan3A_26 to %scan3A_28 step %scan3A_29 iter_args(%scan3A_84 = %scan3A) -> (i32)  : i32 {
      %mul3A_85 = arith.constant 128 : i32
      %mul3A_86 = arith.muli %scan3A_83, %mul3A_85 : i32
      %add3A_87 = arith.constant 0 : i32
      %add3A_88 = arith.addi %mul3A_86, %add3A_87 : i32
      %get3A = arith.constant 0 : i32
      %get3A_89 = arith.index_cast %get3A : i32 to index
      %get3A_90 = arith.index_cast %add3A_88 : i32 to index
      %get3A_91 = tpu.vector_load %arg5[%get3A_89, %get3A_90] {strides = array<i32>} : memref<3x1024xi32, #tpu.memory_space<vmem>>, vector<1x16xi32>,
      %get3A_92 = vector.shape_cast %get3A_91 : vector<1x16xi32> to vector<16xi32>
      %get3A_93 = arith.constant 1 : i32
      %get3A_94 = arith.index_cast %get3A_93 : i32 to index
      %get3A_95 = arith.index_cast %add3A_88 : i32 to index
      %get3A_96 = tpu.vector_load %arg5[%get3A_94, %get3A_95] {strides = array<i32>} : memref<3x1024xi32, #tpu.memory_space<vmem>>, vector<1x16xi32>,
      %get3A_97 = vector.shape_cast %get3A_96 : vector<1x16xi32> to vector<16xi32>
      %get3A_98 = arith.constant 2 : i32
      %get3A_99 = arith.index_cast %get3A_98 : i32 to index
      %get3A_100 = arith.index_cast %add3A_88 : i32 to index
      %get3A_101 = tpu.vector_load %arg5[%get3A_99, %get3A_100] {strides = array<i32>} : memref<3x1024xi32, #tpu.memory_space<vmem>>, vector<1x16xi32>,
      %get3A_102 = vector.shape_cast %get3A_101 : vector<1x16xi32> to vector<16xi32>
      %mul3A_103 = arith.constant 65536 : i32
      %mul3A_104 = vector.broadcast %mul3A_103 : i32 to vector<16xi32>
      %mul3A_105 = arith.muli %get3A_92, %mul3A_104 : vector<16xi32>
      %mul3A_106 = arith.constant 256 : i32
      %mul3A_107 = vector.broadcast %mul3A_106 : i32 to vector<16xi32>
      %mul3A_108 = arith.muli %get3A_97, %mul3A_107 : vector<16xi32>
      %add3A_109 = arith.addi %mul3A_105, %mul3A_108 : vector<16xi32>
      %add3A_110 = arith.addi %add3A_109, %get3A_102 : vector<16xi32>
      %eq3A = arith.constant 0 : i32
      %eq3A_111 = vector.broadcast %eq3A : i32 to vector<16xi32>
      %eq3A_112 = arith.cmpi eq, %get3A_92, %eq3A_111 : vector<16xi32>
      %jit3A = arith.constant 16711680 : i32
      %jit3A_113 = arith.constant -65536 : i32
      %broadcast_in_dim3A_114 = vector.broadcast %jit3A : i32 to vector<16xi32>
      %broadcast_in_dim3A_115 = vector.broadcast %jit3A_113 : i32 to vector<16xi32>
      %select_n3A = arith.select %eq3A_112, %broadcast_in_dim3A_114, %broadcast_in_dim3A_115 : vector<16xi1>, vector<16xi32>
      %add3A_116 = arith.addi %add3A_110, %select_n3A : vector<16xi32>
      %eq3A_117 = arith.constant 0 : i32
      %eq3A_118 = vector.broadcast %eq3A_117 : i32 to vector<16xi32>
      %eq3A_119 = arith.cmpi eq, %get3A_97, %eq3A_118 : vector<16xi32>
      %jit3A_120 = arith.constant 65280 : i32
      %jit3A_121 = arith.constant -256 : i32
      %broadcast_in_dim3A_122 = vector.broadcast %jit3A_120 : i32 to vector<16xi32>
      %broadcast_in_dim3A_123 = vector.broadcast %jit3A_121 : i32 to vector<16xi32>
      %select_n3A_124 = arith.select %eq3A_119, %broadcast_in_dim3A_122, %broadcast_in_dim3A_123 : vector<16xi1>, vector<16xi32>
      %add3A_125 = arith.addi %add3A_110, %select_n3A_124 : vector<16xi32>
      %eq3A_126 = arith.constant 0 : i32
      %eq3A_127 = vector.broadcast %eq3A_126 : i32 to vector<16xi32>
      %eq3A_128 = arith.cmpi eq, %get3A_102, %eq3A_127 : vector<16xi32>
      %jit3A_129 = arith.constant 255 : i32
      %jit3A_130 = arith.constant -1 : i32
      %broadcast_in_dim3A_131 = vector.broadcast %jit3A_129 : i32 to vector<16xi32>
      %broadcast_in_dim3A_132 = vector.broadcast %jit3A_130 : i32 to vector<16xi32>
      %select_n3A_133 = arith.select %eq3A_128, %broadcast_in_dim3A_131, %broadcast_in_dim3A_132 : vector<16xi1>, vector<16xi32>
      %add3A_134 = arith.addi %add3A_110, %select_n3A_133 : vector<16xi32>
      %swap3A_135 = arith.index_cast %scan3A_83 : i32 to index
      %swap3A_136 = arith.constant 0 : index
      %swap3A_137 = tpu.vector_load %arg7[%swap3A_135, %swap3A_136] {strides = array<i32>} : memref<32x128xi32, #tpu.memory_space<vmem>>, vector<1x16xi32>,
      %swap3A_138 = vector.shape_cast %swap3A_137 : vector<1x16xi32> to vector<16xi32>
      %swap3A_139 = vector.shape_cast %add3A_110 : vector<16xi32> to vector<1x16xi32>
      tpu.vector_store %arg7[%swap3A_135, %swap3A_136], %swap3A_139 {strides = array<i32>} : memref<32x128xi32, #tpu.memory_space<vmem>>, vector<1x16xi32>,
      %add3A_140 = arith.constant 8 : i32
      %add3A_141 = arith.addi %add3A_140, %scan3A_83 : i32
      %swap3A_142 = arith.index_cast %add3A_141 : i32 to index
      %swap3A_143 = arith.constant 0 : index
      %swap3A_144 = tpu.vector_load %arg7[%swap3A_142, %swap3A_143] {strides = array<i32>} : memref<32x128xi32, #tpu.memory_space<vmem>>, vector<1x16xi32>,
      %swap3A_145 = vector.shape_cast %swap3A_144 : vector<1x16xi32> to vector<16xi32>
      %swap3A_146 = vector.shape_cast %add3A_116 : vector<16xi32> to vector<1x16xi32>
      tpu.vector_store %arg7[%swap3A_142, %swap3A_143], %swap3A_146 {strides = array<i32>} : memref<32x128xi32, #tpu.memory_space<vmem>>, vector<1x16xi32>,
      %add3A_147 = arith.constant 16 : i32
      %add3A_148 = arith.addi %add3A_147, %scan3A_83 : i32
      %swap3A_149 = arith.index_cast %add3A_148 : i32 to index
      %swap3A_150 = arith.constant 0 : index
      %swap3A_151 = tpu.vector_load %arg7[%swap3A_149, %swap3A_150] {strides = array<i32>} : memref<32x128xi32, #tpu.memory_space<vmem>>, vector<1x16xi32>,
      %swap3A_152 = vector.shape_cast %swap3A_151 : vector<1x16xi32> to vector<16xi32>
      %swap3A_153 = vector.shape_cast %add3A_125 : vector<16xi32> to vector<1x16xi32>
      tpu.vector_store %arg7[%swap3A_149, %swap3A_150], %swap3A_153 {strides = array<i32>} : memref<32x128xi32, #tpu.memory_space<vmem>>, vector<1x16xi32>,
      %add3A_154 = arith.constant 24 : i32
      %add3A_155 = arith.addi %add3A_154, %scan3A_83 : i32
      %swap3A_156 = arith.index_cast %add3A_155 : i32 to index
      %swap3A_157 = arith.constant 0 : index
      %swap3A_158 = tpu.vector_load %arg7[%swap3A_156, %swap3A_157] {strides = array<i32>} : memref<32x128xi32, #tpu.memory_space<vmem>>, vector<1x16xi32>,
      %swap3A_159 = vector.shape_cast %swap3A_158 : vector<1x16xi32> to vector<16xi32>
      %swap3A_160 = vector.shape_cast %add3A_134 : vector<16xi32> to vector<1x16xi32>
      tpu.vector_store %arg7[%swap3A_156, %swap3A_157], %swap3A_160 {strides = array<i32>} : memref<32x128xi32, #tpu.memory_space<vmem>>, vector<1x16xi32>,
      %mul3A_161 = arith.constant 128 : i32
      %mul3A_162 = arith.muli %scan3A_83, %mul3A_161 : i32
      %add3A_163 = arith.constant 16 : i32
      %add3A_164 = arith.addi %mul3A_162, %add3A_163 : i32
      %get3A_165 = arith.constant 0 : i32
      %get3A_166 = arith.index_cast %get3A_165 : i32 to index
      %get3A_167 = arith.index_cast %add3A_164 : i32 to index
      %get3A_168 = tpu.vector_load %arg5[%get3A_166, %get3A_167] {strides = array<i32>} : memref<3x1024xi32, #tpu.memory_space<vmem>>, vector<1x16xi32>,
      %get3A_169 = vector.shape_cast %get3A_168 : vector<1x16xi32> to vector<16xi32>
      %get3A_170 = arith.constant 1 : i32
      %get3A_171 = arith.index_cast %get3A_170 : i32 to index
      %get3A_172 = arith.index_cast %add3A_164 : i32 to index
      %get3A_173 = tpu.vector_load %arg5[%get3A_171, %get3A_172] {strides = array<i32>} : memref<3x1024xi32, #tpu.memory_space<vmem>>, vector<1x16xi32>,
      %get3A_174 = vector.shape_cast %get3A_173 : vector<1x16xi32> to vector<16xi32>
      %get3A_175 = arith.constant 2 : i32
      %get3A_176 = arith.index_cast %get3A_175 : i32 to index
      %get3A_177 = arith.index_cast %add3A_164 : i32 to index
      %get3A_178 = tpu.vector_load %arg5[%get3A_176, %get3A_177] {strides = array<i32>} : memref<3x1024xi32, #tpu.memory_space<vmem>>, vector<1x16xi32>,
      %get3A_179 = vector.shape_cast %get3A_178 : vector<1x16xi32> to vector<16xi32>
      %mul3A_180 = arith.constant 65536 : i32
      %mul3A_181 = vector.broadcast %mul3A_180 : i32 to vector<16xi32>
      %mul3A_182 = arith.muli %get3A_169, %mul3A_181 : vector<16xi32>
      %mul3A_183 = arith.constant 256 : i32
      %mul3A_184 = vector.broadcast %mul3A_183 : i32 to vector<16xi32>
      %mul3A_185 = arith.muli %get3A_174, %mul3A_184 : vector<16xi32>
      %add3A_186 = arith.addi %mul3A_182, %mul3A_185 : vector<16xi32>
      %add3A_187 = arith.addi %add3A_186, %get3A_179 : vector<16xi32>
      %eq3A_188 = arith.constant 0 : i32
      %eq3A_189 = vector.broadcast %eq3A_188 : i32 to vector<16xi32>
      %eq3A_190 = arith.cmpi eq, %get3A_169, %eq3A_189 : vector<16xi32>
      %jit3A_191 = arith.constant 16711680 : i32
      %jit3A_192 = arith.constant -65536 : i32
      %broadcast_in_dim3A_193 = vector.broadcast %jit3A_191 : i32 to vector<16xi32>
      %broadcast_in_dim3A_194 = vector.broadcast %jit3A_192 : i32 to vector<16xi32>
      %select_n3A_195 = arith.select %eq3A_190, %broadcast_in_dim3A_193, %broadcast_in_dim3A_194 : vector<16xi1>, vector<16xi32>
      %add3A_196 = arith.addi %add3A_187, %select_n3A_195 : vector<16xi32>
      %eq3A_197 = arith.constant 0 : i32
      %eq3A_198 = vector.broadcast %eq3A_197 : i32 to vector<16xi32>
      %eq3A_199 = arith.cmpi eq, %get3A_174, %eq3A_198 : vector<16xi32>
      %jit3A_200 = arith.constant 65280 : i32
      %jit3A_201 = arith.constant -256 : i32
      %broadcast_in_dim3A_202 = vector.broadcast %jit3A_200 : i32 to vector<16xi32>
      %broadcast_in_dim3A_203 = vector.broadcast %jit3A_201 : i32 to vector<16xi32>
      %select_n3A_204 = arith.select %eq3A_199, %broadcast_in_dim3A_202, %broadcast_in_dim3A_203 : vector<16xi1>, vector<16xi32>
      %add3A_205 = arith.addi %add3A_187, %select_n3A_204 : vector<16xi32>
      %eq3A_206 = arith.constant 0 : i32
      %eq3A_207 = vector.broadcast %eq3A_206 : i32 to vector<16xi32>
      %eq3A_208 = arith.cmpi eq, %get3A_179, %eq3A_207 : vector<16xi32>
      %jit3A_209 = arith.constant 255 : i32
      %jit3A_210 = arith.constant -1 : i32
      %broadcast_in_dim3A_211 = vector.broadcast %jit3A_209 : i32 to vector<16xi32>
      %broadcast_in_dim3A_212 = vector.broadcast %jit3A_210 : i32 to vector<16xi32>
      %select_n3A_213 = arith.select %eq3A_208, %broadcast_in_dim3A_211, %broadcast_in_dim3A_212 : vector<16xi1>, vector<16xi32>
      %add3A_214 = arith.addi %add3A_187, %select_n3A_213 : vector<16xi32>
      %swap3A_215 = arith.index_cast %scan3A_83 : i32 to index
      %swap3A_216 = arith.constant 16 : index
      %swap3A_217 = tpu.vector_load %arg7[%swap3A_215, %swap3A_216] {strides = array<i32>} : memref<32x128xi32, #tpu.memory_space<vmem>>, vector<1x16xi32>,
      %swap3A_218 = vector.shape_cast %swap3A_217 : vector<1x16xi32> to vector<16xi32>
      %swap3A_219 = vector.shape_cast %add3A_187 : vector<16xi32> to vector<1x16xi32>
      tpu.vector_store %arg7[%swap3A_215, %swap3A_216], %swap3A_219 {strides = array<i32>} : memref<32x128xi32, #tpu.memory_space<vmem>>, vector<1x16xi32>,
      %add3A_220 = arith.constant 8 : i32
      %add3A_221 = arith.addi %add3A_220, %scan3A_83 : i32
      %swap3A_222 = arith.index_cast %add3A_221 : i32 to index
      %swap3A_223 = arith.constant 16 : index
      %swap3A_224 = tpu.vector_load %arg7[%swap3A_222, %swap3A_223] {strides = array<i32>} : memref<32x128xi32, #tpu.memory_space<vmem>>, vector<1x16xi32>,
      %swap3A_225 = vector.shape_cast %swap3A_224 : vector<1x16xi32> to vector<16xi32>
      %swap3A_226 = vector.shape_cast %add3A_196 : vector<16xi32> to vector<1x16xi32>
      tpu.vector_store %arg7[%swap3A_222, %swap3A_223], %swap3A_226 {strides = array<i32>} : memref<32x128xi32, #tpu.memory_space<vmem>>, vector<1x16xi32>,
      %add3A_227 = arith.constant 16 : i32
      %add3A_228 = arith.addi %add3A_227, %scan3A_83 : i32
      %swap3A_229 = arith.index_cast %add3A_228 : i32 to index
      %swap3A_230 = arith.constant 16 : index
      %swap3A_231 = tpu.vector_load %arg7[%swap3A_229, %swap3A_230] {strides = array<i32>} : memref<32x128xi32, #tpu.memory_space<vmem>>, vector<1x16xi32>,
      %swap3A_232 = vector.shape_cast %swap3A_231 : vector<1x16xi32> to vector<16xi32>
      %swap3A_233 = vector.shape_cast %add3A_205 : vector<16xi32> to vector<1x16xi32>
      tpu.vector_store %arg7[%swap3A_229, %swap3A_230], %swap3A_233 {strides = array<i32>} : memref<32x128xi32, #tpu.memory_space<vmem>>, vector<1x16xi32>,
      %add3A_234 = arith.constant 24 : i32
      %add3A_235 = arith.addi %add3A_234, %scan3A_83 : i32
      %swap3A_236 = arith.index_cast %add3A_235 : i32 to index
      %swap3A_237 = arith.constant 16 : index
      %swap3A_238 = tpu.vector_load %arg7[%swap3A_236, %swap3A_237] {strides = array<i32>} : memref<32x128xi32, #tpu.memory_space<vmem>>, vector<1x16xi32>,
      %swap3A_239 = vector.shape_cast %swap3A_238 : vector<1x16xi32> to vector<16xi32>
      %swap3A_240 = vector.shape_cast %add3A_214 : vector<16xi32> to vector<1x16xi32>
      tpu.vector_store %arg7[%swap3A_236, %swap3A_237], %swap3A_240 {strides = array<i32>} : memref<32x128xi32, #tpu.memory_space<vmem>>, vector<1x16xi32>,
      %mul3A_241 = arith.constant 128 : i32
      %mul3A_242 = arith.muli %scan3A_83, %mul3A_241 : i32
      %add3A_243 = arith.constant 32 : i32
      %add3A_244 = arith.addi %mul3A_242, %add3A_243 : i32
      %get3A_245 = arith.constant 0 : i32
      %get3A_246 = arith.index_cast %get3A_245 : i32 to index
      %get3A_247 = arith.index_cast %add3A_244 : i32 to index
      %get3A_248 = tpu.vector_load %arg5[%get3A_246, %get3A_247] {strides = array<i32>} : memref<3x1024xi32, #tpu.memory_space<vmem>>, vector<1x16xi32>,
      %get3A_249 = vector.shape_cast %get3A_248 : vector<1x16xi32> to vector<16xi32>
      %get3A_250 = arith.constant 1 : i32
      %get3A_251 = arith.index_cast %get3A_250 : i32 to index
      %get3A_252 = arith.index_cast %add3A_244 : i32 to index
      %get3A_253 = tpu.vector_load %arg5[%get3A_251, %get3A_252] {strides = array<i32>} : memref<3x1024xi32, #tpu.memory_space<vmem>>, vector<1x16xi32>,
      %get3A_254 = vector.shape_cast %get3A_253 : vector<1x16xi32> to vector<16xi32>
      %get3A_255 = arith.constant 2 : i32
      %get3A_256 = arith.index_cast %get3A_255 : i32 to index
      %get3A_257 = arith.index_cast %add3A_244 : i32 to index
      %get3A_258 = tpu.vector_load %arg5[%get3A_256, %get3A_257] {strides = array<i32>} : memref<3x1024xi32, #tpu.memory_space<vmem>>, vector<1x16xi32>,
      %get3A_259 = vector.shape_cast %get3A_258 : vector<1x16xi32> to vector<16xi32>
      %mul3A_260 = arith.constant 65536 : i32
      %mul3A_261 = vector.broadcast %mul3A_260 : i32 to vector<16xi32>
      %mul3A_262 = arith.muli %get3A_249, %mul3A_261 : vector<16xi32>
      %mul3A_263 = arith.constant 256 : i32
      %mul3A_264 = vector.broadcast %mul3A_263 : i32 to vector<16xi32>
      %mul3A_265 = arith.muli %get3A_254, %mul3A_264 : vector<16xi32>
      %add3A_266 = arith.addi %mul3A_262, %mul3A_265 : vector<16xi32>
      %add3A_267 = arith.addi %add3A_266, %get3A_259 : vector<16xi32>
      %eq3A_268 = arith.constant 0 : i32
      %eq3A_269 = vector.broadcast %eq3A_268 : i32 to vector<16xi32>
      %eq3A_270 = arith.cmpi eq, %get3A_249, %eq3A_269 : vector<16xi32>
      %jit3A_271 = arith.constant 16711680 : i32
      %jit3A_272 = arith.constant -65536 : i32
      %broadcast_in_dim3A_273 = vector.broadcast %jit3A_271 : i32 to vector<16xi32>
      %broadcast_in_dim3A_274 = vector.broadcast %jit3A_272 : i32 to vector<16xi32>
      %select_n3A_275 = arith.select %eq3A_270, %broadcast_in_dim3A_273, %broadcast_in_dim3A_274 : vector<16xi1>, vector<16xi32>
      %add3A_276 = arith.addi %add3A_267, %select_n3A_275 : vector<16xi32>
      %eq3A_277 = arith.constant 0 : i32
      %eq3A_278 = vector.broadcast %eq3A_277 : i32 to vector<16xi32>
      %eq3A_279 = arith.cmpi eq, %get3A_254, %eq3A_278 : vector<16xi32>
      %jit3A_280 = arith.constant 65280 : i32
      %jit3A_281 = arith.constant -256 : i32
      %broadcast_in_dim3A_282 = vector.broadcast %jit3A_280 : i32 to vector<16xi32>
      %broadcast_in_dim3A_283 = vector.broadcast %jit3A_281 : i32 to vector<16xi32>
      %select_n3A_284 = arith.select %eq3A_279, %broadcast_in_dim3A_282, %broadcast_in_dim3A_283 : vector<16xi1>, vector<16xi32>
      %add3A_285 = arith.addi %add3A_267, %select_n3A_284 : vector<16xi32>
      %eq3A_286 = arith.constant 0 : i32
      %eq3A_287 = vector.broadcast %eq3A_286 : i32 to vector<16xi32>
      %eq3A_288 = arith.cmpi eq, %get3A_259, %eq3A_287 : vector<16xi32>
      %jit3A_289 = arith.constant 255 : i32
      %jit3A_290 = arith.constant -1 : i32
      %broadcast_in_dim3A_291 = vector.broadcast %jit3A_289 : i32 to vector<16xi32>
      %broadcast_in_dim3A_292 = vector.broadcast %jit3A_290 : i32 to vector<16xi32>
      %select_n3A_293 = arith.select %eq3A_288, %broadcast_in_dim3A_291, %broadcast_in_dim3A_292 : vector<16xi1>, vector<16xi32>
      %add3A_294 = arith.addi %add3A_267, %select_n3A_293 : vector<16xi32>
      %swap3A_295 = arith.index_cast %scan3A_83 : i32 to index
      %swap3A_296 = arith.constant 32 : index
      %swap3A_297 = tpu.vector_load %arg7[%swap3A_295, %swap3A_296] {strides = array<i32>} : memref<32x128xi32, #tpu.memory_space<vmem>>, vector<1x16xi32>,
      %swap3A_298 = vector.shape_cast %swap3A_297 : vector<1x16xi32> to vector<16xi32>
      %swap3A_299 = vector.shape_cast %add3A_267 : vector<16xi32> to vector<1x16xi32>
      tpu.vector_store %arg7[%swap3A_295, %swap3A_296], %swap3A_299 {strides = array<i32>} : memref<32x128xi32, #tpu.memory_space<vmem>>, vector<1x16xi32>,
      %add3A_300 = arith.constant 8 : i32
      %add3A_301 = arith.addi %add3A_300, %scan3A_83 : i32
      %swap3A_302 = arith.index_cast %add3A_301 : i32 to index
      %swap3A_303 = arith.constant 32 : index
      %swap3A_304 = tpu.vector_load %arg7[%swap3A_302, %swap3A_303] {strides = array<i32>} : memref<32x128xi32, #tpu.memory_space<vmem>>, vector<1x16xi32>,
      %swap3A_305 = vector.shape_cast %swap3A_304 : vector<1x16xi32> to vector<16xi32>
      %swap3A_306 = vector.shape_cast %add3A_276 : vector<16xi32> to vector<1x16xi32>
      tpu.vector_store %arg7[%swap3A_302, %swap3A_303], %swap3A_306 {strides = array<i32>} : memref<32x128xi32, #tpu.memory_space<vmem>>, vector<1x16xi32>,
      %add3A_307 = arith.constant 16 : i32
      %add3A_308 = arith.addi %add3A_307, %scan3A_83 : i32
      %swap3A_309 = arith.index_cast %add3A_308 : i32 to index
      %swap3A_310 = arith.constant 32 : index
      %swap3A_311 = tpu.vector_load %arg7[%swap3A_309, %swap3A_310] {strides = array<i32>} : memref<32x128xi32, #tpu.memory_space<vmem>>, vector<1x16xi32>,
      %swap3A_312 = vector.shape_cast %swap3A_311 : vector<1x16xi32> to vector<16xi32>
      %swap3A_313 = vector.shape_cast %add3A_285 : vector<16xi32> to vector<1x16xi32>
      tpu.vector_store %arg7[%swap3A_309, %swap3A_310], %swap3A_313 {strides = array<i32>} : memref<32x128xi32, #tpu.memory_space<vmem>>, vector<1x16xi32>,
      %add3A_314 = arith.constant 24 : i32
      %add3A_315 = arith.addi %add3A_314, %scan3A_83 : i32
      %swap3A_316 = arith.index_cast %add3A_315 : i32 to index
      %swap3A_317 = arith.constant 32 : index
      %swap3A_318 = tpu.vector_load %arg7[%swap3A_316, %swap3A_317] {strides = array<i32>} : memref<32x128xi32, #tpu.memory_space<vmem>>, vector<1x16xi32>,
      %swap3A_319 = vector.shape_cast %swap3A_318 : vector<1x16xi32> to vector<16xi32>
      %swap3A_320 = vector.shape_cast %add3A_294 : vector<16xi32> to vector<1x16xi32>
      tpu.vector_store %arg7[%swap3A_316, %swap3A_317], %swap3A_320 {strides = array<i32>} : memref<32x128xi32, #tpu.memory_space<vmem>>, vector<1x16xi32>,
      %mul3A_321 = arith.constant 128 : i32
      %mul3A_322 = arith.muli %scan3A_83, %mul3A_321 : i32
      %add3A_323 = arith.constant 48 : i32
      %add3A_324 = arith.addi %mul3A_322, %add3A_323 : i32
      %get3A_325 = arith.constant 0 : i32
      %get3A_326 = arith.index_cast %get3A_325 : i32 to index
      %get3A_327 = arith.index_cast %add3A_324 : i32 to index
      %get3A_328 = tpu.vector_load %arg5[%get3A_326, %get3A_327] {strides = array<i32>} : memref<3x1024xi32, #tpu.memory_space<vmem>>, vector<1x16xi32>,
      %get3A_329 = vector.shape_cast %get3A_328 : vector<1x16xi32> to vector<16xi32>
      %get3A_330 = arith.constant 1 : i32
      %get3A_331 = arith.index_cast %get3A_330 : i32 to index
      %get3A_332 = arith.index_cast %add3A_324 : i32 to index
      %get3A_333 = tpu.vector_load %arg5[%get3A_331, %get3A_332] {strides = array<i32>} : memref<3x1024xi32, #tpu.memory_space<vmem>>, vector<1x16xi32>,
      %get3A_334 = vector.shape_cast %get3A_333 : vector<1x16xi32> to vector<16xi32>
      %get3A_335 = arith.constant 2 : i32
      %get3A_336 = arith.index_cast %get3A_335 : i32 to index
      %get3A_337 = arith.index_cast %add3A_324 : i32 to index
      %get3A_338 = tpu.vector_load %arg5[%get3A_336, %get3A_337] {strides = array<i32>} : memref<3x1024xi32, #tpu.memory_space<vmem>>, vector<1x16xi32>,
      %get3A_339 = vector.shape_cast %get3A_338 : vector<1x16xi32> to vector<16xi32>
      %mul3A_340 = arith.constant 65536 : i32
      %mul3A_341 = vector.broadcast %mul3A_340 : i32 to vector<16xi32>
      %mul3A_342 = arith.muli %get3A_329, %mul3A_341 : vector<16xi32>
      %mul3A_343 = arith.constant 256 : i32
      %mul3A_344 = vector.broadcast %mul3A_343 : i32 to vector<16xi32>
      %mul3A_345 = arith.muli %get3A_334, %mul3A_344 : vector<16xi32>
      %add3A_346 = arith.addi %mul3A_342, %mul3A_345 : vector<16xi32>
      %add3A_347 = arith.addi %add3A_346, %get3A_339 : vector<16xi32>
      %eq3A_348 = arith.constant 0 : i32
      %eq3A_349 = vector.broadcast %eq3A_348 : i32 to vector<16xi32>
      %eq3A_350 = arith.cmpi eq, %get3A_329, %eq3A_349 : vector<16xi32>
      %jit3A_351 = arith.constant 16711680 : i32
      %jit3A_352 = arith.constant -65536 : i32
      %broadcast_in_dim3A_353 = vector.broadcast %jit3A_351 : i32 to vector<16xi32>
      %broadcast_in_dim3A_354 = vector.broadcast %jit3A_352 : i32 to vector<16xi32>
      %select_n3A_355 = arith.select %eq3A_350, %broadcast_in_dim3A_353, %broadcast_in_dim3A_354 : vector<16xi1>, vector<16xi32>
      %add3A_356 = arith.addi %add3A_347, %select_n3A_355 : vector<16xi32>
      %eq3A_357 = arith.constant 0 : i32
      %eq3A_358 = vector.broadcast %eq3A_357 : i32 to vector<16xi32>
      %eq3A_359 = arith.cmpi eq, %get3A_334, %eq3A_358 : vector<16xi32>
      %jit3A_360 = arith.constant 65280 : i32
      %jit3A_361 = arith.constant -256 : i32
      %broadcast_in_dim3A_362 = vector.broadcast %jit3A_360 : i32 to vector<16xi32>
      %broadcast_in_dim3A_363 = vector.broadcast %jit3A_361 : i32 to vector<16xi32>
      %select_n3A_364 = arith.select %eq3A_359, %broadcast_in_dim3A_362, %broadcast_in_dim3A_363 : vector<16xi1>, vector<16xi32>
      %add3A_365 = arith.addi %add3A_347, %select_n3A_364 : vector<16xi32>
      %eq3A_366 = arith.constant 0 : i32
      %eq3A_367 = vector.broadcast %eq3A_366 : i32 to vector<16xi32>
      %eq3A_368 = arith.cmpi eq, %get3A_339, %eq3A_367 : vector<16xi32>
      %jit3A_369 = arith.constant 255 : i32
      %jit3A_370 = arith.constant -1 : i32
      %broadcast_in_dim3A_371 = vector.broadcast %jit3A_369 : i32 to vector<16xi32>
      %broadcast_in_dim3A_372 = vector.broadcast %jit3A_370 : i32 to vector<16xi32>
      %select_n3A_373 = arith.select %eq3A_368, %broadcast_in_dim3A_371, %broadcast_in_dim3A_372 : vector<16xi1>, vector<16xi32>
      %add3A_374 = arith.addi %add3A_347, %select_n3A_373 : vector<16xi32>
      %swap3A_375 = arith.index_cast %scan3A_83 : i32 to index
      %swap3A_376 = arith.constant 48 : index
      %swap3A_377 = tpu.vector_load %arg7[%swap3A_375, %swap3A_376] {strides = array<i32>} : memref<32x128xi32, #tpu.memory_space<vmem>>, vector<1x16xi32>,
      %swap3A_378 = vector.shape_cast %swap3A_377 : vector<1x16xi32> to vector<16xi32>
      %swap3A_379 = vector.shape_cast %add3A_347 : vector<16xi32> to vector<1x16xi32>
      tpu.vector_store %arg7[%swap3A_375, %swap3A_376], %swap3A_379 {strides = array<i32>} : memref<32x128xi32, #tpu.memory_space<vmem>>, vector<1x16xi32>,
      %add3A_380 = arith.constant 8 : i32
      %add3A_381 = arith.addi %add3A_380, %scan3A_83 : i32
      %swap3A_382 = arith.index_cast %add3A_381 : i32 to index
      %swap3A_383 = arith.constant 48 : index
      %swap3A_384 = tpu.vector_load %arg7[%swap3A_382, %swap3A_383] {strides = array<i32>} : memref<32x128xi32, #tpu.memory_space<vmem>>, vector<1x16xi32>,
      %swap3A_385 = vector.shape_cast %swap3A_384 : vector<1x16xi32> to vector<16xi32>
      %swap3A_386 = vector.shape_cast %add3A_356 : vector<16xi32> to vector<1x16xi32>
      tpu.vector_store %arg7[%swap3A_382, %swap3A_383], %swap3A_386 {strides = array<i32>} : memref<32x128xi32, #tpu.memory_space<vmem>>, vector<1x16xi32>,
      %add3A_387 = arith.constant 16 : i32
      %add3A_388 = arith.addi %add3A_387, %scan3A_83 : i32
      %swap3A_389 = arith.index_cast %add3A_388 : i32 to index
      %swap3A_390 = arith.constant 48 : index
      %swap3A_391 = tpu.vector_load %arg7[%swap3A_389, %swap3A_390] {strides = array<i32>} : memref<32x128xi32, #tpu.memory_space<vmem>>, vector<1x16xi32>,
      %swap3A_392 = vector.shape_cast %swap3A_391 : vector<1x16xi32> to vector<16xi32>
      %swap3A_393 = vector.shape_cast %add3A_365 : vector<16xi32> to vector<1x16xi32>
      tpu.vector_store %arg7[%swap3A_389, %swap3A_390], %swap3A_393 {strides = array<i32>} : memref<32x128xi32, #tpu.memory_space<vmem>>, vector<1x16xi32>,
      %add3A_394 = arith.constant 24 : i32
      %add3A_395 = arith.addi %add3A_394, %scan3A_83 : i32
      %swap3A_396 = arith.index_cast %add3A_395 : i32 to index
      %swap3A_397 = arith.constant 48 : index
      %swap3A_398 = tpu.vector_load %arg7[%swap3A_396, %swap3A_397] {strides = array<i32>} : memref<32x128xi32, #tpu.memory_space<vmem>>, vector<1x16xi32>,
      %swap3A_399 = vector.shape_cast %swap3A_398 : vector<1x16xi32> to vector<16xi32>
      %swap3A_400 = vector.shape_cast %add3A_374 : vector<16xi32> to vector<1x16xi32>
      tpu.vector_store %arg7[%swap3A_396, %swap3A_397], %swap3A_400 {strides = array<i32>} : memref<32x128xi32, #tpu.memory_space<vmem>>, vector<1x16xi32>,
      %mul3A_401 = arith.constant 128 : i32
      %mul3A_402 = arith.muli %scan3A_83, %mul3A_401 : i32
      %add3A_403 = arith.constant 64 : i32
      %add3A_404 = arith.addi %mul3A_402, %add3A_403 : i32
      %get3A_405 = arith.constant 0 : i32
      %get3A_406 = arith.index_cast %get3A_405 : i32 to index
      %get3A_407 = arith.index_cast %add3A_404 : i32 to index
      %get3A_408 = tpu.vector_load %arg5[%get3A_406, %get3A_407] {strides = array<i32>} : memref<3x1024xi32, #tpu.memory_space<vmem>>, vector<1x16xi32>,
      %get3A_409 = vector.shape_cast %get3A_408 : vector<1x16xi32> to vector<16xi32>
      %get3A_410 = arith.constant 1 : i32
      %get3A_411 = arith.index_cast %get3A_410 : i32 to index
      %get3A_412 = arith.index_cast %add3A_404 : i32 to index
      %get3A_413 = tpu.vector_load %arg5[%get3A_411, %get3A_412] {strides = array<i32>} : memref<3x1024xi32, #tpu.memory_space<vmem>>, vector<1x16xi32>,
      %get3A_414 = vector.shape_cast %get3A_413 : vector<1x16xi32> to vector<16xi32>
      %get3A_415 = arith.constant 2 : i32
      %get3A_416 = arith.index_cast %get3A_415 : i32 to index
      %get3A_417 = arith.index_cast %add3A_404 : i32 to index
      %get3A_418 = tpu.vector_load %arg5[%get3A_416, %get3A_417] {strides = array<i32>} : memref<3x1024xi32, #tpu.memory_space<vmem>>, vector<1x16xi32>,
      %get3A_419 = vector.shape_cast %get3A_418 : vector<1x16xi32> to vector<16xi32>
      %mul3A_420 = arith.constant 65536 : i32
      %mul3A_421 = vector.broadcast %mul3A_420 : i32 to vector<16xi32>
      %mul3A_422 = arith.muli %get3A_409, %mul3A_421 : vector<16xi32>
      %mul3A_423 = arith.constant 256 : i32
      %mul3A_424 = vector.broadcast %mul3A_423 : i32 to vector<16xi32>
      %mul3A_425 = arith.muli %get3A_414, %mul3A_424 : vector<16xi32>
      %add3A_426 = arith.addi %mul3A_422, %mul3A_425 : vector<16xi32>
      %add3A_427 = arith.addi %add3A_426, %get3A_419 : vector<16xi32>
      %eq3A_428 = arith.constant 0 : i32
      %eq3A_429 = vector.broadcast %eq3A_428 : i32 to vector<16xi32>
      %eq3A_430 = arith.cmpi eq, %get3A_409, %eq3A_429 : vector<16xi32>
      %jit3A_431 = arith.constant 16711680 : i32
      %jit3A_432 = arith.constant -65536 : i32
      %broadcast_in_dim3A_433 = vector.broadcast %jit3A_431 : i32 to vector<16xi32>
      %broadcast_in_dim3A_434 = vector.broadcast %jit3A_432 : i32 to vector<16xi32>
      %select_n3A_435 = arith.select %eq3A_430, %broadcast_in_dim3A_433, %broadcast_in_dim3A_434 : vector<16xi1>, vector<16xi32>
      %add3A_436 = arith.addi %add3A_427, %select_n3A_435 : vector<16xi32>
      %eq3A_437 = arith.constant 0 : i32
      %eq3A_438 = vector.broadcast %eq3A_437 : i32 to vector<16xi32>
      %eq3A_439 = arith.cmpi eq, %get3A_414, %eq3A_438 : vector<16xi32>
      %jit3A_440 = arith.constant 65280 : i32
      %jit3A_441 = arith.constant -256 : i32
      %broadcast_in_dim3A_442 = vector.broadcast %jit3A_440 : i32 to vector<16xi32>
      %broadcast_in_dim3A_443 = vector.broadcast %jit3A_441 : i32 to vector<16xi32>
      %select_n3A_444 = arith.select %eq3A_439, %broadcast_in_dim3A_442, %broadcast_in_dim3A_443 : vector<16xi1>, vector<16xi32>
      %add3A_445 = arith.addi %add3A_427, %select_n3A_444 : vector<16xi32>
      %eq3A_446 = arith.constant 0 : i32
      %eq3A_447 = vector.broadcast %eq3A_446 : i32 to vector<16xi32>
      %eq3A_448 = arith.cmpi eq, %get3A_419, %eq3A_447 : vector<16xi32>
      %jit3A_449 = arith.constant 255 : i32
      %jit3A_450 = arith.constant -1 : i32
      %broadcast_in_dim3A_451 = vector.broadcast %jit3A_449 : i32 to vector<16xi32>
      %broadcast_in_dim3A_452 = vector.broadcast %jit3A_450 : i32 to vector<16xi32>
      %select_n3A_453 = arith.select %eq3A_448, %broadcast_in_dim3A_451, %broadcast_in_dim3A_452 : vector<16xi1>, vector<16xi32>
      %add3A_454 = arith.addi %add3A_427, %select_n3A_453 : vector<16xi32>
      %swap3A_455 = arith.index_cast %scan3A_83 : i32 to index
      %swap3A_456 = arith.constant 64 : index
      %swap3A_457 = tpu.vector_load %arg7[%swap3A_455, %swap3A_456] {strides = array<i32>} : memref<32x128xi32, #tpu.memory_space<vmem>>, vector<1x16xi32>,
      %swap3A_458 = vector.shape_cast %swap3A_457 : vector<1x16xi32> to vector<16xi32>
      %swap3A_459 = vector.shape_cast %add3A_427 : vector<16xi32> to vector<1x16xi32>
      tpu.vector_store %arg7[%swap3A_455, %swap3A_456], %swap3A_459 {strides = array<i32>} : memref<32x128xi32, #tpu.memory_space<vmem>>, vector<1x16xi32>,
      %add3A_460 = arith.constant 8 : i32
      %add3A_461 = arith.addi %add3A_460, %scan3A_83 : i32
      %swap3A_462 = arith.index_cast %add3A_461 : i32 to index
      %swap3A_463 = arith.constant 64 : index
      %swap3A_464 = tpu.vector_load %arg7[%swap3A_462, %swap3A_463] {strides = array<i32>} : memref<32x128xi32, #tpu.memory_space<vmem>>, vector<1x16xi32>,
      %swap3A_465 = vector.shape_cast %swap3A_464 : vector<1x16xi32> to vector<16xi32>
      %swap3A_466 = vector.shape_cast %add3A_436 : vector<16xi32> to vector<1x16xi32>
      tpu.vector_store %arg7[%swap3A_462, %swap3A_463], %swap3A_466 {strides = array<i32>} : memref<32x128xi32, #tpu.memory_space<vmem>>, vector<1x16xi32>,
      %add3A_467 = arith.constant 16 : i32
      %add3A_468 = arith.addi %add3A_467, %scan3A_83 : i32
      %swap3A_469 = arith.index_cast %add3A_468 : i32 to index
      %swap3A_470 = arith.constant 64 : index
      %swap3A_471 = tpu.vector_load %arg7[%swap3A_469, %swap3A_470] {strides = array<i32>} : memref<32x128xi32, #tpu.memory_space<vmem>>, vector<1x16xi32>,
      %swap3A_472 = vector.shape_cast %swap3A_471 : vector<1x16xi32> to vector<16xi32>
      %swap3A_473 = vector.shape_cast %add3A_445 : vector<16xi32> to vector<1x16xi32>
      tpu.vector_store %arg7[%swap3A_469, %swap3A_470], %swap3A_473 {strides = array<i32>} : memref<32x128xi32, #tpu.memory_space<vmem>>, vector<1x16xi32>,
      %add3A_474 = arith.constant 24 : i32
      %add3A_475 = arith.addi %add3A_474, %scan3A_83 : i32
      %swap3A_476 = arith.index_cast %add3A_475 : i32 to index
      %swap3A_477 = arith.constant 64 : index
      %swap3A_478 = tpu.vector_load %arg7[%swap3A_476, %swap3A_477] {strides = array<i32>} : memref<32x128xi32, #tpu.memory_space<vmem>>, vector<1x16xi32>,
      %swap3A_479 = vector.shape_cast %swap3A_478 : vector<1x16xi32> to vector<16xi32>
      %swap3A_480 = vector.shape_cast %add3A_454 : vector<16xi32> to vector<1x16xi32>
      tpu.vector_store %arg7[%swap3A_476, %swap3A_477], %swap3A_480 {strides = array<i32>} : memref<32x128xi32, #tpu.memory_space<vmem>>, vector<1x16xi32>,
      %mul3A_481 = arith.constant 128 : i32
      %mul3A_482 = arith.muli %scan3A_83, %mul3A_481 : i32
      %add3A_483 = arith.constant 80 : i32
      %add3A_484 = arith.addi %mul3A_482, %add3A_483 : i32
      %get3A_485 = arith.constant 0 : i32
      %get3A_486 = arith.index_cast %get3A_485 : i32 to index
      %get3A_487 = arith.index_cast %add3A_484 : i32 to index
      %get3A_488 = tpu.vector_load %arg5[%get3A_486, %get3A_487] {strides = array<i32>} : memref<3x1024xi32, #tpu.memory_space<vmem>>, vector<1x16xi32>,
      %get3A_489 = vector.shape_cast %get3A_488 : vector<1x16xi32> to vector<16xi32>
      %get3A_490 = arith.constant 1 : i32
      %get3A_491 = arith.index_cast %get3A_490 : i32 to index
      %get3A_492 = arith.index_cast %add3A_484 : i32 to index
      %get3A_493 = tpu.vector_load %arg5[%get3A_491, %get3A_492] {strides = array<i32>} : memref<3x1024xi32, #tpu.memory_space<vmem>>, vector<1x16xi32>,
      %get3A_494 = vector.shape_cast %get3A_493 : vector<1x16xi32> to vector<16xi32>
      %get3A_495 = arith.constant 2 : i32
      %get3A_496 = arith.index_cast %get3A_495 : i32 to index
      %get3A_497 = arith.index_cast %add3A_484 : i32 to index
      %get3A_498 = tpu.vector_load %arg5[%get3A_496, %get3A_497] {strides = array<i32>} : memref<3x1024xi32, #tpu.memory_space<vmem>>, vector<1x16xi32>,
      %get3A_499 = vector.shape_cast %get3A_498 : vector<1x16xi32> to vector<16xi32>
      %mul3A_500 = arith.constant 65536 : i32
      %mul3A_501 = vector.broadcast %mul3A_500 : i32 to vector<16xi32>
      %mul3A_502 = arith.muli %get3A_489, %mul3A_501 : vector<16xi32>
      %mul3A_503 = arith.constant 256 : i32
      %mul3A_504 = vector.broadcast %mul3A_503 : i32 to vector<16xi32>
      %mul3A_505 = arith.muli %get3A_494, %mul3A_504 : vector<16xi32>
      %add3A_506 = arith.addi %mul3A_502, %mul3A_505 : vector<16xi32>
      %add3A_507 = arith.addi %add3A_506, %get3A_499 : vector<16xi32>
      %eq3A_508 = arith.constant 0 : i32
      %eq3A_509 = vector.broadcast %eq3A_508 : i32 to vector<16xi32>
      %eq3A_510 = arith.cmpi eq, %get3A_489, %eq3A_509 : vector<16xi32>
      %jit3A_511 = arith.constant 16711680 : i32
      %jit3A_512 = arith.constant -65536 : i32
      %broadcast_in_dim3A_513 = vector.broadcast %jit3A_511 : i32 to vector<16xi32>
      %broadcast_in_dim3A_514 = vector.broadcast %jit3A_512 : i32 to vector<16xi32>
      %select_n3A_515 = arith.select %eq3A_510, %broadcast_in_dim3A_513, %broadcast_in_dim3A_514 : vector<16xi1>, vector<16xi32>
      %add3A_516 = arith.addi %add3A_507, %select_n3A_515 : vector<16xi32>
      %eq3A_517 = arith.constant 0 : i32
      %eq3A_518 = vector.broadcast %eq3A_517 : i32 to vector<16xi32>
      %eq3A_519 = arith.cmpi eq, %get3A_494, %eq3A_518 : vector<16xi32>
      %jit3A_520 = arith.constant 65280 : i32
      %jit3A_521 = arith.constant -256 : i32
      %broadcast_in_dim3A_522 = vector.broadcast %jit3A_520 : i32 to vector<16xi32>
      %broadcast_in_dim3A_523 = vector.broadcast %jit3A_521 : i32 to vector<16xi32>
      %select_n3A_524 = arith.select %eq3A_519, %broadcast_in_dim3A_522, %broadcast_in_dim3A_523 : vector<16xi1>, vector<16xi32>
      %add3A_525 = arith.addi %add3A_507, %select_n3A_524 : vector<16xi32>
      %eq3A_526 = arith.constant 0 : i32
      %eq3A_527 = vector.broadcast %eq3A_526 : i32 to vector<16xi32>
      %eq3A_528 = arith.cmpi eq, %get3A_499, %eq3A_527 : vector<16xi32>
      %jit3A_529 = arith.constant 255 : i32
      %jit3A_530 = arith.constant -1 : i32
      %broadcast_in_dim3A_531 = vector.broadcast %jit3A_529 : i32 to vector<16xi32>
      %broadcast_in_dim3A_532 = vector.broadcast %jit3A_530 : i32 to vector<16xi32>
      %select_n3A_533 = arith.select %eq3A_528, %broadcast_in_dim3A_531, %broadcast_in_dim3A_532 : vector<16xi1>, vector<16xi32>
      %add3A_534 = arith.addi %add3A_507, %select_n3A_533 : vector<16xi32>
      %swap3A_535 = arith.index_cast %scan3A_83 : i32 to index
      %swap3A_536 = arith.constant 80 : index
      %swap3A_537 = tpu.vector_load %arg7[%swap3A_535, %swap3A_536] {strides = array<i32>} : memref<32x128xi32, #tpu.memory_space<vmem>>, vector<1x16xi32>,
      %swap3A_538 = vector.shape_cast %swap3A_537 : vector<1x16xi32> to vector<16xi32>
      %swap3A_539 = vector.shape_cast %add3A_507 : vector<16xi32> to vector<1x16xi32>
      tpu.vector_store %arg7[%swap3A_535, %swap3A_536], %swap3A_539 {strides = array<i32>} : memref<32x128xi32, #tpu.memory_space<vmem>>, vector<1x16xi32>,
      %add3A_540 = arith.constant 8 : i32
      %add3A_541 = arith.addi %add3A_540, %scan3A_83 : i32
      %swap3A_542 = arith.index_cast %add3A_541 : i32 to index
      %swap3A_543 = arith.constant 80 : index
      %swap3A_544 = tpu.vector_load %arg7[%swap3A_542, %swap3A_543] {strides = array<i32>} : memref<32x128xi32, #tpu.memory_space<vmem>>, vector<1x16xi32>,
      %swap3A_545 = vector.shape_cast %swap3A_544 : vector<1x16xi32> to vector<16xi32>
      %swap3A_546 = vector.shape_cast %add3A_516 : vector<16xi32> to vector<1x16xi32>
      tpu.vector_store %arg7[%swap3A_542, %swap3A_543], %swap3A_546 {strides = array<i32>} : memref<32x128xi32, #tpu.memory_space<vmem>>, vector<1x16xi32>,
      %add3A_547 = arith.constant 16 : i32
      %add3A_548 = arith.addi %add3A_547, %scan3A_83 : i32
      %swap3A_549 = arith.index_cast %add3A_548 : i32 to index
      %swap3A_550 = arith.constant 80 : index
      %swap3A_551 = tpu.vector_load %arg7[%swap3A_549, %swap3A_550] {strides = array<i32>} : memref<32x128xi32, #tpu.memory_space<vmem>>, vector<1x16xi32>,
      %swap3A_552 = vector.shape_cast %swap3A_551 : vector<1x16xi32> to vector<16xi32>
      %swap3A_553 = vector.shape_cast %add3A_525 : vector<16xi32> to vector<1x16xi32>
      tpu.vector_store %arg7[%swap3A_549, %swap3A_550], %swap3A_553 {strides = array<i32>} : memref<32x128xi32, #tpu.memory_space<vmem>>, vector<1x16xi32>,
      %add3A_554 = arith.constant 24 : i32
      %add3A_555 = arith.addi %add3A_554, %scan3A_83 : i32
      %swap3A_556 = arith.index_cast %add3A_555 : i32 to index
      %swap3A_557 = arith.constant 80 : index
      %swap3A_558 = tpu.vector_load %arg7[%swap3A_556, %swap3A_557] {strides = array<i32>} : memref<32x128xi32, #tpu.memory_space<vmem>>, vector<1x16xi32>,
      %swap3A_559 = vector.shape_cast %swap3A_558 : vector<1x16xi32> to vector<16xi32>
      %swap3A_560 = vector.shape_cast %add3A_534 : vector<16xi32> to vector<1x16xi32>
      tpu.vector_store %arg7[%swap3A_556, %swap3A_557], %swap3A_560 {strides = array<i32>} : memref<32x128xi32, #tpu.memory_space<vmem>>, vector<1x16xi32>,
      %mul3A_561 = arith.constant 128 : i32
      %mul3A_562 = arith.muli %scan3A_83, %mul3A_561 : i32
      %add3A_563 = arith.constant 96 : i32
      %add3A_564 = arith.addi %mul3A_562, %add3A_563 : i32
      %get3A_565 = arith.constant 0 : i32
      %get3A_566 = arith.index_cast %get3A_565 : i32 to index
      %get3A_567 = arith.index_cast %add3A_564 : i32 to index
      %get3A_568 = tpu.vector_load %arg5[%get3A_566, %get3A_567] {strides = array<i32>} : memref<3x1024xi32, #tpu.memory_space<vmem>>, vector<1x16xi32>,
      %get3A_569 = vector.shape_cast %get3A_568 : vector<1x16xi32> to vector<16xi32>
      %get3A_570 = arith.constant 1 : i32
      %get3A_571 = arith.index_cast %get3A_570 : i32 to index
      %get3A_572 = arith.index_cast %add3A_564 : i32 to index
      %get3A_573 = tpu.vector_load %arg5[%get3A_571, %get3A_572] {strides = array<i32>} : memref<3x1024xi32, #tpu.memory_space<vmem>>, vector<1x16xi32>,
      %get3A_574 = vector.shape_cast %get3A_573 : vector<1x16xi32> to vector<16xi32>
      %get3A_575 = arith.constant 2 : i32
      %get3A_576 = arith.index_cast %get3A_575 : i32 to index
      %get3A_577 = arith.index_cast %add3A_564 : i32 to index
      %get3A_578 = tpu.vector_load %arg5[%get3A_576, %get3A_577] {strides = array<i32>} : memref<3x1024xi32, #tpu.memory_space<vmem>>, vector<1x16xi32>,
      %get3A_579 = vector.shape_cast %get3A_578 : vector<1x16xi32> to vector<16xi32>
      %mul3A_580 = arith.constant 65536 : i32
      %mul3A_581 = vector.broadcast %mul3A_580 : i32 to vector<16xi32>
      %mul3A_582 = arith.muli %get3A_569, %mul3A_581 : vector<16xi32>
      %mul3A_583 = arith.constant 256 : i32
      %mul3A_584 = vector.broadcast %mul3A_583 : i32 to vector<16xi32>
      %mul3A_585 = arith.muli %get3A_574, %mul3A_584 : vector<16xi32>
      %add3A_586 = arith.addi %mul3A_582, %mul3A_585 : vector<16xi32>
      %add3A_587 = arith.addi %add3A_586, %get3A_579 : vector<16xi32>
      %eq3A_588 = arith.constant 0 : i32
      %eq3A_589 = vector.broadcast %eq3A_588 : i32 to vector<16xi32>
      %eq3A_590 = arith.cmpi eq, %get3A_569, %eq3A_589 : vector<16xi32>
      %jit3A_591 = arith.constant 16711680 : i32
      %jit3A_592 = arith.constant -65536 : i32
      %broadcast_in_dim3A_593 = vector.broadcast %jit3A_591 : i32 to vector<16xi32>
      %broadcast_in_dim3A_594 = vector.broadcast %jit3A_592 : i32 to vector<16xi32>
      %select_n3A_595 = arith.select %eq3A_590, %broadcast_in_dim3A_593, %broadcast_in_dim3A_594 : vector<16xi1>, vector<16xi32>
      %add3A_596 = arith.addi %add3A_587, %select_n3A_595 : vector<16xi32>
      %eq3A_597 = arith.constant 0 : i32
      %eq3A_598 = vector.broadcast %eq3A_597 : i32 to vector<16xi32>
      %eq3A_599 = arith.cmpi eq, %get3A_574, %eq3A_598 : vector<16xi32>
      %jit3A_600 = arith.constant 65280 : i32
      %jit3A_601 = arith.constant -256 : i32
      %broadcast_in_dim3A_602 = vector.broadcast %jit3A_600 : i32 to vector<16xi32>
      %broadcast_in_dim3A_603 = vector.broadcast %jit3A_601 : i32 to vector<16xi32>
      %select_n3A_604 = arith.select %eq3A_599, %broadcast_in_dim3A_602, %broadcast_in_dim3A_603 : vector<16xi1>, vector<16xi32>
      %add3A_605 = arith.addi %add3A_587, %select_n3A_604 : vector<16xi32>
      %eq3A_606 = arith.constant 0 : i32
      %eq3A_607 = vector.broadcast %eq3A_606 : i32 to vector<16xi32>
      %eq3A_608 = arith.cmpi eq, %get3A_579, %eq3A_607 : vector<16xi32>
      %jit3A_609 = arith.constant 255 : i32
      %jit3A_610 = arith.constant -1 : i32
      %broadcast_in_dim3A_611 = vector.broadcast %jit3A_609 : i32 to vector<16xi32>
      %broadcast_in_dim3A_612 = vector.broadcast %jit3A_610 : i32 to vector<16xi32>
      %select_n3A_613 = arith.select %eq3A_608, %broadcast_in_dim3A_611, %broadcast_in_dim3A_612 : vector<16xi1>, vector<16xi32>
      %add3A_614 = arith.addi %add3A_587, %select_n3A_613 : vector<16xi32>
      %swap3A_615 = arith.index_cast %scan3A_83 : i32 to index
      %swap3A_616 = arith.constant 96 : index
      %swap3A_617 = tpu.vector_load %arg7[%swap3A_615, %swap3A_616] {strides = array<i32>} : memref<32x128xi32, #tpu.memory_space<vmem>>, vector<1x16xi32>,
      %swap3A_618 = vector.shape_cast %swap3A_617 : vector<1x16xi32> to vector<16xi32>
      %swap3A_619 = vector.shape_cast %add3A_587 : vector<16xi32> to vector<1x16xi32>
      tpu.vector_store %arg7[%swap3A_615, %swap3A_616], %swap3A_619 {strides = array<i32>} : memref<32x128xi32, #tpu.memory_space<vmem>>, vector<1x16xi32>,
      %add3A_620 = arith.constant 8 : i32
      %add3A_621 = arith.addi %add3A_620, %scan3A_83 : i32
      %swap3A_622 = arith.index_cast %add3A_621 : i32 to index
      %swap3A_623 = arith.constant 96 : index
      %swap3A_624 = tpu.vector_load %arg7[%swap3A_622, %swap3A_623] {strides = array<i32>} : memref<32x128xi32, #tpu.memory_space<vmem>>, vector<1x16xi32>,
      %swap3A_625 = vector.shape_cast %swap3A_624 : vector<1x16xi32> to vector<16xi32>
      %swap3A_626 = vector.shape_cast %add3A_596 : vector<16xi32> to vector<1x16xi32>
      tpu.vector_store %arg7[%swap3A_622, %swap3A_623], %swap3A_626 {strides = array<i32>} : memref<32x128xi32, #tpu.memory_space<vmem>>, vector<1x16xi32>,
      %add3A_627 = arith.constant 16 : i32
      %add3A_628 = arith.addi %add3A_627, %scan3A_83 : i32
      %swap3A_629 = arith.index_cast %add3A_628 : i32 to index
      %swap3A_630 = arith.constant 96 : index
      %swap3A_631 = tpu.vector_load %arg7[%swap3A_629, %swap3A_630] {strides = array<i32>} : memref<32x128xi32, #tpu.memory_space<vmem>>, vector<1x16xi32>,
      %swap3A_632 = vector.shape_cast %swap3A_631 : vector<1x16xi32> to vector<16xi32>
      %swap3A_633 = vector.shape_cast %add3A_605 : vector<16xi32> to vector<1x16xi32>
      tpu.vector_store %arg7[%swap3A_629, %swap3A_630], %swap3A_633 {strides = array<i32>} : memref<32x128xi32, #tpu.memory_space<vmem>>, vector<1x16xi32>,
      %add3A_634 = arith.constant 24 : i32
      %add3A_635 = arith.addi %add3A_634, %scan3A_83 : i32
      %swap3A_636 = arith.index_cast %add3A_635 : i32 to index
      %swap3A_637 = arith.constant 96 : index
      %swap3A_638 = tpu.vector_load %arg7[%swap3A_636, %swap3A_637] {strides = array<i32>} : memref<32x128xi32, #tpu.memory_space<vmem>>, vector<1x16xi32>,
      %swap3A_639 = vector.shape_cast %swap3A_638 : vector<1x16xi32> to vector<16xi32>
      %swap3A_640 = vector.shape_cast %add3A_614 : vector<16xi32> to vector<1x16xi32>
      tpu.vector_store %arg7[%swap3A_636, %swap3A_637], %swap3A_640 {strides = array<i32>} : memref<32x128xi32, #tpu.memory_space<vmem>>, vector<1x16xi32>,
      %mul3A_641 = arith.constant 128 : i32
      %mul3A_642 = arith.muli %scan3A_83, %mul3A_641 : i32
      %add3A_643 = arith.constant 112 : i32
      %add3A_644 = arith.addi %mul3A_642, %add3A_643 : i32
      %get3A_645 = arith.constant 0 : i32
      %get3A_646 = arith.index_cast %get3A_645 : i32 to index
      %get3A_647 = arith.index_cast %add3A_644 : i32 to index
      %get3A_648 = tpu.vector_load %arg5[%get3A_646, %get3A_647] {strides = array<i32>} : memref<3x1024xi32, #tpu.memory_space<vmem>>, vector<1x16xi32>,
      %get3A_649 = vector.shape_cast %get3A_648 : vector<1x16xi32> to vector<16xi32>
      %get3A_650 = arith.constant 1 : i32
      %get3A_651 = arith.index_cast %get3A_650 : i32 to index
      %get3A_652 = arith.index_cast %add3A_644 : i32 to index
      %get3A_653 = tpu.vector_load %arg5[%get3A_651, %get3A_652] {strides = array<i32>} : memref<3x1024xi32, #tpu.memory_space<vmem>>, vector<1x16xi32>,
      %get3A_654 = vector.shape_cast %get3A_653 : vector<1x16xi32> to vector<16xi32>
      %get3A_655 = arith.constant 2 : i32
      %get3A_656 = arith.index_cast %get3A_655 : i32 to index
      %get3A_657 = arith.index_cast %add3A_644 : i32 to index
      %get3A_658 = tpu.vector_load %arg5[%get3A_656, %get3A_657] {strides = array<i32>} : memref<3x1024xi32, #tpu.memory_space<vmem>>, vector<1x16xi32>,
      %get3A_659 = vector.shape_cast %get3A_658 : vector<1x16xi32> to vector<16xi32>
      %mul3A_660 = arith.constant 65536 : i32
      %mul3A_661 = vector.broadcast %mul3A_660 : i32 to vector<16xi32>
      %mul3A_662 = arith.muli %get3A_649, %mul3A_661 : vector<16xi32>
      %mul3A_663 = arith.constant 256 : i32
      %mul3A_664 = vector.broadcast %mul3A_663 : i32 to vector<16xi32>
      %mul3A_665 = arith.muli %get3A_654, %mul3A_664 : vector<16xi32>
      %add3A_666 = arith.addi %mul3A_662, %mul3A_665 : vector<16xi32>
      %add3A_667 = arith.addi %add3A_666, %get3A_659 : vector<16xi32>
      %eq3A_668 = arith.constant 0 : i32
      %eq3A_669 = vector.broadcast %eq3A_668 : i32 to vector<16xi32>
      %eq3A_670 = arith.cmpi eq, %get3A_649, %eq3A_669 : vector<16xi32>
      %jit3A_671 = arith.constant 16711680 : i32
      %jit3A_672 = arith.constant -65536 : i32
      %broadcast_in_dim3A_673 = vector.broadcast %jit3A_671 : i32 to vector<16xi32>
      %broadcast_in_dim3A_674 = vector.broadcast %jit3A_672 : i32 to vector<16xi32>
      %select_n3A_675 = arith.select %eq3A_670, %broadcast_in_dim3A_673, %broadcast_in_dim3A_674 : vector<16xi1>, vector<16xi32>
      %add3A_676 = arith.addi %add3A_667, %select_n3A_675 : vector<16xi32>
      %eq3A_677 = arith.constant 0 : i32
      %eq3A_678 = vector.broadcast %eq3A_677 : i32 to vector<16xi32>
      %eq3A_679 = arith.cmpi eq, %get3A_654, %eq3A_678 : vector<16xi32>
      %jit3A_680 = arith.constant 65280 : i32
      %jit3A_681 = arith.constant -256 : i32
      %broadcast_in_dim3A_682 = vector.broadcast %jit3A_680 : i32 to vector<16xi32>
      %broadcast_in_dim3A_683 = vector.broadcast %jit3A_681 : i32 to vector<16xi32>
      %select_n3A_684 = arith.select %eq3A_679, %broadcast_in_dim3A_682, %broadcast_in_dim3A_683 : vector<16xi1>, vector<16xi32>
      %add3A_685 = arith.addi %add3A_667, %select_n3A_684 : vector<16xi32>
      %eq3A_686 = arith.constant 0 : i32
      %eq3A_687 = vector.broadcast %eq3A_686 : i32 to vector<16xi32>
      %eq3A_688 = arith.cmpi eq, %get3A_659, %eq3A_687 : vector<16xi32>
      %jit3A_689 = arith.constant 255 : i32
      %jit3A_690 = arith.constant -1 : i32
      %broadcast_in_dim3A_691 = vector.broadcast %jit3A_689 : i32 to vector<16xi32>
      %broadcast_in_dim3A_692 = vector.broadcast %jit3A_690 : i32 to vector<16xi32>
      %select_n3A_693 = arith.select %eq3A_688, %broadcast_in_dim3A_691, %broadcast_in_dim3A_692 : vector<16xi1>, vector<16xi32>
      %add3A_694 = arith.addi %add3A_667, %select_n3A_693 : vector<16xi32>
      %swap3A_695 = arith.index_cast %scan3A_83 : i32 to index
      %swap3A_696 = arith.constant 112 : index
      %swap3A_697 = tpu.vector_load %arg7[%swap3A_695, %swap3A_696] {strides = array<i32>} : memref<32x128xi32, #tpu.memory_space<vmem>>, vector<1x16xi32>,
      %swap3A_698 = vector.shape_cast %swap3A_697 : vector<1x16xi32> to vector<16xi32>
      %swap3A_699 = vector.shape_cast %add3A_667 : vector<16xi32> to vector<1x16xi32>
      tpu.vector_store %arg7[%swap3A_695, %swap3A_696], %swap3A_699 {strides = array<i32>} : memref<32x128xi32, #tpu.memory_space<vmem>>, vector<1x16xi32>,
      %add3A_700 = arith.constant 8 : i32
      %add3A_701 = arith.addi %add3A_700, %scan3A_83 : i32
      %swap3A_702 = arith.index_cast %add3A_701 : i32 to index
      %swap3A_703 = arith.constant 112 : index
      %swap3A_704 = tpu.vector_load %arg7[%swap3A_702, %swap3A_703] {strides = array<i32>} : memref<32x128xi32, #tpu.memory_space<vmem>>, vector<1x16xi32>,
      %swap3A_705 = vector.shape_cast %swap3A_704 : vector<1x16xi32> to vector<16xi32>
      %swap3A_706 = vector.shape_cast %add3A_676 : vector<16xi32> to vector<1x16xi32>
      tpu.vector_store %arg7[%swap3A_702, %swap3A_703], %swap3A_706 {strides = array<i32>} : memref<32x128xi32, #tpu.memory_space<vmem>>, vector<1x16xi32>,
      %add3A_707 = arith.constant 16 : i32
      %add3A_708 = arith.addi %add3A_707, %scan3A_83 : i32
      %swap3A_709 = arith.index_cast %add3A_708 : i32 to index
      %swap3A_710 = arith.constant 112 : index
      %swap3A_711 = tpu.vector_load %arg7[%swap3A_709, %swap3A_710] {strides = array<i32>} : memref<32x128xi32, #tpu.memory_space<vmem>>, vector<1x16xi32>,
      %swap3A_712 = vector.shape_cast %swap3A_711 : vector<1x16xi32> to vector<16xi32>
      %swap3A_713 = vector.shape_cast %add3A_685 : vector<16xi32> to vector<1x16xi32>
      tpu.vector_store %arg7[%swap3A_709, %swap3A_710], %swap3A_713 {strides = array<i32>} : memref<32x128xi32, #tpu.memory_space<vmem>>, vector<1x16xi32>,
      %add3A_714 = arith.constant 24 : i32
      %add3A_715 = arith.addi %add3A_714, %scan3A_83 : i32
      %swap3A_716 = arith.index_cast %add3A_715 : i32 to index
      %swap3A_717 = arith.constant 112 : index
      %swap3A_718 = tpu.vector_load %arg7[%swap3A_716, %swap3A_717] {strides = array<i32>} : memref<32x128xi32, #tpu.memory_space<vmem>>, vector<1x16xi32>,
      %swap3A_719 = vector.shape_cast %swap3A_718 : vector<1x16xi32> to vector<16xi32>
      %swap3A_720 = vector.shape_cast %add3A_694 : vector<16xi32> to vector<1x16xi32>
      tpu.vector_store %arg7[%swap3A_716, %swap3A_717], %swap3A_720 {strides = array<i32>} : memref<32x128xi32, #tpu.memory_space<vmem>>, vector<1x16xi32>,
      %scan3A_721 = arith.constant 0 : i32
      scf.yield %scan3A_721 : i32
    }
    %scan3A_31 = arith.constant 8 : i32
    %scan3A_32 = arith.constant 0 : i32
    %scan3A_33 = arith.constant 0 : i32
    %scan3A_34 = arith.constant 0 : i32
    %scan3A_35 = arith.constant 8 : i32
    %scan3A_36 = arith.addi %scan3A_34, %scan3A_35 : i32
    %scan3A_37 = arith.constant 1 : i32
    %scan3A_38 = scf.for %scan3A_83 = %scan3A_34 to %scan3A_36 step %scan3A_37 iter_args(%scan3A_84 = %scan3A_33) -> (i32)  : i32 {
      %dma_start3A_85 = arith.constant 0 : i32
      %dma_start3A_86 = tpu.memref_slice %arg9[%scan3A_83, %dma_start3A_85] : memref<32x128xf32, #tpu.memory_space<vmem>> -> memref<1x128xf32, #tpu.memory_space<vmem>>
      %dma_start3A_87 = tpu.memref_squeeze %dma_start3A_86 : memref<1x128xf32, #tpu.memory_space<vmem>> -> memref<128xf32, #tpu.memory_space<vmem>>
      %dma_start3A_88 = arith.constant 0 : i32
      %dma_start3A_89 = tpu.memref_slice %arg7[%scan3A_83, %dma_start3A_88] : memref<32x128xi32, #tpu.memory_space<vmem>> -> memref<1x128xi32, #tpu.memory_space<vmem>>
      %dma_start3A_90 = tpu.memref_squeeze %dma_start3A_89 : memref<1x128xi32, #tpu.memory_space<vmem>> -> memref<128xi32, #tpu.memory_space<vmem>>
      %dma_start3A_91 = arith.constant 0 : i32
      %dma_start3A_92 = tpu.memref_slice %arg3[%scan3A_32, %dma_start3A_91] : memref<1x16777216xf32, #tpu.memory_space<hbm>> -> memref<1x16777216xf32, #tpu.memory_space<hbm>>
      %dma_start3A_93 = tpu.memref_squeeze %dma_start3A_92 : memref<1x16777216xf32, #tpu.memory_space<hbm>> -> memref<16777216xf32, #tpu.memory_space<hbm>>
      %dma_start3A_94 = arith.constant 0 : i32
      %dma_start3A_95 = tpu.memref_slice %dma_start3A_93[%dma_start3A_94] : memref<16777216xf32, #tpu.memory_space<hbm>> -> memref<16777216xf32, #tpu.memory_space<hbm>>
      tpu.enqueue_indirect_dma source(%dma_start3A_95 : memref<16777216xf32, #tpu.memory_space<hbm>>) target(%dma_start3A_87 : memref<128xf32, #tpu.memory_space<vmem>>) offsets(%dma_start3A_90 : memref<128xi32, #tpu.memory_space<vmem>>) semaphore(%arg16 : memref<!tpu.dma_semaphore, #tpu.memory_space<semaphore_mem>>)
      %add3A_96 = arith.constant 24 : i32
      %add3A_97 = arith.addi %add3A_96, %scan3A_83 : i32
      %add3A_98 = arith.constant 24 : i32
      %add3A_99 = arith.addi %add3A_98, %scan3A_83 : i32
      %dma_start3A_100 = arith.constant 0 : i32
      %dma_start3A_101 = tpu.memref_slice %arg9[%add3A_99, %dma_start3A_100] : memref<32x128xf32, #tpu.memory_space<vmem>> -> memref<1x128xf32, #tpu.memory_space<vmem>>
      %dma_start3A_102 = tpu.memref_squeeze %dma_start3A_101 : memref<1x128xf32, #tpu.memory_space<vmem>> -> memref<128xf32, #tpu.memory_space<vmem>>
      %dma_start3A_103 = arith.constant 0 : i32
      %dma_start3A_104 = tpu.memref_slice %arg7[%add3A_97, %dma_start3A_103] : memref<32x128xi32, #tpu.memory_space<vmem>> -> memref<1x128xi32, #tpu.memory_space<vmem>>
      %dma_start3A_105 = tpu.memref_squeeze %dma_start3A_104 : memref<1x128xi32, #tpu.memory_space<vmem>> -> memref<128xi32, #tpu.memory_space<vmem>>
      %dma_start3A_106 = arith.constant 0 : i32
      %dma_start3A_107 = tpu.memref_slice %arg3[%scan3A_32, %dma_start3A_106] : memref<1x16777216xf32, #tpu.memory_space<hbm>> -> memref<1x16777216xf32, #tpu.memory_space<hbm>>
      %dma_start3A_108 = tpu.memref_squeeze %dma_start3A_107 : memref<1x16777216xf32, #tpu.memory_space<hbm>> -> memref<16777216xf32, #tpu.memory_space<hbm>>
      %dma_start3A_109 = arith.constant 0 : i32
      %dma_start3A_110 = tpu.memref_slice %dma_start3A_108[%dma_start3A_109] : memref<16777216xf32, #tpu.memory_space<hbm>> -> memref<16777216xf32, #tpu.memory_space<hbm>>
      tpu.enqueue_indirect_dma source(%dma_start3A_110 : memref<16777216xf32, #tpu.memory_space<hbm>>) target(%dma_start3A_102 : memref<128xf32, #tpu.memory_space<vmem>>) offsets(%dma_start3A_105 : memref<128xi32, #tpu.memory_space<vmem>>) semaphore(%arg16 : memref<!tpu.dma_semaphore, #tpu.memory_space<semaphore_mem>>)
      %scan3A_111 = arith.constant 0 : i32
      scf.yield %scan3A_111 : i32
    }
    %scan3A_39 = arith.constant 8 : i32
    %scan3A_40 = arith.constant 0 : i32
    %scan3A_41 = arith.constant 0 : i32
    %scan3A_42 = arith.constant 8 : i32
    %scan3A_43 = arith.constant 16 : i32
    %scan3A_44 = arith.addi %scan3A_42, %scan3A_43 : i32
    %scan3A_45 = arith.constant 1 : i32
    %scan3A_46 = scf.for %scan3A_83 = %scan3A_42 to %scan3A_44 step %scan3A_45 iter_args(%scan3A_84 = %scan3A_41) -> (i32)  : i32 {
      %dma_start3A_85 = arith.constant 0 : i32
      %dma_start3A_86 = tpu.memref_slice %arg9[%scan3A_83, %dma_start3A_85] : memref<32x128xf32, #tpu.memory_space<vmem>> -> memref<1x128xf32, #tpu.memory_space<vmem>>
      %dma_start3A_87 = tpu.memref_squeeze %dma_start3A_86 : memref<1x128xf32, #tpu.memory_space<vmem>> -> memref<128xf32, #tpu.memory_space<vmem>>
      %dma_start3A_88 = arith.constant 0 : i32
      %dma_start3A_89 = tpu.memref_slice %arg7[%scan3A_83, %dma_start3A_88] : memref<32x128xi32, #tpu.memory_space<vmem>> -> memref<1x128xi32, #tpu.memory_space<vmem>>
      %dma_start3A_90 = tpu.memref_squeeze %dma_start3A_89 : memref<1x128xi32, #tpu.memory_space<vmem>> -> memref<128xi32, #tpu.memory_space<vmem>>
      %dma_start3A_91 = arith.constant 0 : i32
      %dma_start3A_92 = tpu.memref_slice %arg3[%scan3A_40, %dma_start3A_91] : memref<1x16777216xf32, #tpu.memory_space<hbm>> -> memref<1x16777216xf32, #tpu.memory_space<hbm>>
      %dma_start3A_93 = tpu.memref_squeeze %dma_start3A_92 : memref<1x16777216xf32, #tpu.memory_space<hbm>> -> memref<16777216xf32, #tpu.memory_space<hbm>>
      %dma_start3A_94 = arith.constant 0 : i32
      %dma_start3A_95 = tpu.memref_slice %dma_start3A_93[%dma_start3A_94] : memref<16777216xf32, #tpu.memory_space<hbm>> -> memref<16777216xf32, #tpu.memory_space<hbm>>
      tpu.enqueue_indirect_dma source(%dma_start3A_95 : memref<16777216xf32, #tpu.memory_space<hbm>>) target(%dma_start3A_87 : memref<128xf32, #tpu.memory_space<vmem>>) offsets(%dma_start3A_90 : memref<128xi32, #tpu.memory_space<vmem>>) semaphore(%arg16 : memref<!tpu.dma_semaphore, #tpu.memory_space<semaphore_mem>>)
      %scan3A_96 = arith.constant 0 : i32
      scf.yield %scan3A_96 : i32
    }
    %scan3A_47 = arith.constant 16 : i32
    %scan3A_48 = arith.constant 0 : i32
    %scan3A_49 = arith.constant 0 : i32
    %scan3A_50 = arith.constant 30 : i32
    %scan3A_51 = arith.addi %scan3A_49, %scan3A_50 : i32
    %scan3A_52 = arith.constant 1 : i32
    %scan3A_53 = scf.for %scan3A_83 = %scan3A_49 to %scan3A_51 step %scan3A_52 iter_args(%scan3A_84 = %broadcast_in_dim3A_1) -> (vector<16xf32>)  : i32 {
      %mul3A_85 = arith.constant 2 : i32
      %mul3A_86 = arith.muli %mul3A_85, %scan3A_83 : i32
      %add3A_87 = arith.constant 1 : i32
      %add3A_88 = arith.addi %mul3A_86, %add3A_87 : i32
      %dma_wait3A_89 = arith.constant 0 : i32
      %dma_wait3A_90 = arith.constant 0 : i32
      %dma_wait3A_91 = tpu.memref_slice %arg2[%dma_wait3A_89, %dma_wait3A_90] : memref<3x2000000xi32, #tpu.memory_space<hbm>> -> memref<3x1024xi32, #tpu.memory_space<hbm>>
      %dma_wait3A_92 = arith.constant 0 : i32
      %dma_wait3A_93 = arith.constant 0 : i32
      %dma_wait3A_94 = tpu.memref_slice %arg2[%dma_wait3A_92, %dma_wait3A_93] : memref<3x2000000xi32, #tpu.memory_space<hbm>> -> memref<3x1024xi32, #tpu.memory_space<hbm>>
      tpu.wait_dma2 semaphore(%arg15 : memref<!tpu.dma_semaphore, #tpu.memory_space<semaphore_mem>>) src(%dma_wait3A_94 : memref<3x1024xi32, #tpu.memory_space<hbm>>) dst(%arg6 : memref<3x1024xi32, #tpu.memory_space<vmem>>)
      %scan3A_95 = arith.constant 0 : i32
      %scan3A_96 = arith.constant 0 : i32
      %scan3A_97 = arith.constant 8 : i32
      %scan3A_98 = arith.addi %scan3A_96, %scan3A_97 : i32
      %scan3A_99 = arith.constant 1 : i32
      %scan3A_100 = scf.for %scan3A_195 = %scan3A_96 to %scan3A_98 step %scan3A_99 iter_args(%scan3A_196 = %scan3A_95) -> (i32)  : i32 {
        %mul3A_197 = arith.constant 128 : i32
        %mul3A_198 = arith.muli %scan3A_195, %mul3A_197 : i32
        %add3A_199 = arith.constant 0 : i32
        %add3A_200 = arith.addi %mul3A_198, %add3A_199 : i32
        %get3A = arith.constant 0 : i32
        %get3A_201 = arith.index_cast %get3A : i32 to index
        %get3A_202 = arith.index_cast %add3A_200 : i32 to index
        %get3A_203 = tpu.vector_load %arg6[%get3A_201, %get3A_202] {strides = array<i32>} : memref<3x1024xi32, #tpu.memory_space<vmem>>, vector<1x16xi32>,
        %get3A_204 = vector.shape_cast %get3A_203 : vector<1x16xi32> to vector<16xi32>
        %get3A_205 = arith.constant 1 : i32
        %get3A_206 = arith.index_cast %get3A_205 : i32 to index
        %get3A_207 = arith.index_cast %add3A_200 : i32 to index
        %get3A_208 = tpu.vector_load %arg6[%get3A_206, %get3A_207] {strides = array<i32>} : memref<3x1024xi32, #tpu.memory_space<vmem>>, vector<1x16xi32>,
        %get3A_209 = vector.shape_cast %get3A_208 : vector<1x16xi32> to vector<16xi32>
        %get3A_210 = arith.constant 2 : i32
        %get3A_211 = arith.index_cast %get3A_210 : i32 to index
        %get3A_212 = arith.index_cast %add3A_200 : i32 to index
        %get3A_213 = tpu.vector_load %arg6[%get3A_211, %get3A_212] {strides = array<i32>} : memref<3x1024xi32, #tpu.memory_space<vmem>>, vector<1x16xi32>,
        %get3A_214 = vector.shape_cast %get3A_213 : vector<1x16xi32> to vector<16xi32>
        %mul3A_215 = arith.constant 65536 : i32
        %mul3A_216 = vector.broadcast %mul3A_215 : i32 to vector<16xi32>
        %mul3A_217 = arith.muli %get3A_204, %mul3A_216 : vector<16xi32>
        %mul3A_218 = arith.constant 256 : i32
        %mul3A_219 = vector.broadcast %mul3A_218 : i32 to vector<16xi32>
        %mul3A_220 = arith.muli %get3A_209, %mul3A_219 : vector<16xi32>
        %add3A_221 = arith.addi %mul3A_217, %mul3A_220 : vector<16xi32>
        %add3A_222 = arith.addi %add3A_221, %get3A_214 : vector<16xi32>
        %eq3A = arith.constant 0 : i32
        %eq3A_223 = vector.broadcast %eq3A : i32 to vector<16xi32>
        %eq3A_224 = arith.cmpi eq, %get3A_204, %eq3A_223 : vector<16xi32>
        %jit3A = arith.constant 16711680 : i32
        %jit3A_225 = arith.constant -65536 : i32
        %broadcast_in_dim3A_226 = vector.broadcast %jit3A : i32 to vector<16xi32>
        %broadcast_in_dim3A_227 = vector.broadcast %jit3A_225 : i32 to vector<16xi32>
        %select_n3A = arith.select %eq3A_224, %broadcast_in_dim3A_226, %broadcast_in_dim3A_227 : vector<16xi1>, vector<16xi32>
        %add3A_228 = arith.addi %add3A_222, %select_n3A : vector<16xi32>
        %eq3A_229 = arith.constant 0 : i32
        %eq3A_230 = vector.broadcast %eq3A_229 : i32 to vector<16xi32>
        %eq3A_231 = arith.cmpi eq, %get3A_209, %eq3A_230 : vector<16xi32>
        %jit3A_232 = arith.constant 65280 : i32
        %jit3A_233 = arith.constant -256 : i32
        %broadcast_in_dim3A_234 = vector.broadcast %jit3A_232 : i32 to vector<16xi32>
        %broadcast_in_dim3A_235 = vector.broadcast %jit3A_233 : i32 to vector<16xi32>
        %select_n3A_236 = arith.select %eq3A_231, %broadcast_in_dim3A_234, %broadcast_in_dim3A_235 : vector<16xi1>, vector<16xi32>
        %add3A_237 = arith.addi %add3A_222, %select_n3A_236 : vector<16xi32>
        %eq3A_238 = arith.constant 0 : i32
        %eq3A_239 = vector.broadcast %eq3A_238 : i32 to vector<16xi32>
        %eq3A_240 = arith.cmpi eq, %get3A_214, %eq3A_239 : vector<16xi32>
        %jit3A_241 = arith.constant 255 : i32
        %jit3A_242 = arith.constant -1 : i32
        %broadcast_in_dim3A_243 = vector.broadcast %jit3A_241 : i32 to vector<16xi32>
        %broadcast_in_dim3A_244 = vector.broadcast %jit3A_242 : i32 to vector<16xi32>
        %select_n3A_245 = arith.select %eq3A_240, %broadcast_in_dim3A_243, %broadcast_in_dim3A_244 : vector<16xi1>, vector<16xi32>
        %add3A_246 = arith.addi %add3A_222, %select_n3A_245 : vector<16xi32>
        %swap3A_247 = arith.index_cast %scan3A_195 : i32 to index
        %swap3A_248 = arith.constant 0 : index
        %swap3A_249 = tpu.vector_load %arg8[%swap3A_247, %swap3A_248] {strides = array<i32>} : memref<32x128xi32, #tpu.memory_space<vmem>>, vector<1x16xi32>,
        %swap3A_250 = vector.shape_cast %swap3A_249 : vector<1x16xi32> to vector<16xi32>
        %swap3A_251 = vector.shape_cast %add3A_222 : vector<16xi32> to vector<1x16xi32>
        tpu.vector_store %arg8[%swap3A_247, %swap3A_248], %swap3A_251 {strides = array<i32>} : memref<32x128xi32, #tpu.memory_space<vmem>>, vector<1x16xi32>,
        %add3A_252 = arith.constant 8 : i32
        %add3A_253 = arith.addi %add3A_252, %scan3A_195 : i32
        %swap3A_254 = arith.index_cast %add3A_253 : i32 to index
        %swap3A_255 = arith.constant 0 : index
        %swap3A_256 = tpu.vector_load %arg8[%swap3A_254, %swap3A_255] {strides = array<i32>} : memref<32x128xi32, #tpu.memory_space<vmem>>, vector<1x16xi32>,
        %swap3A_257 = vector.shape_cast %swap3A_256 : vector<1x16xi32> to vector<16xi32>
        %swap3A_258 = vector.shape_cast %add3A_228 : vector<16xi32> to vector<1x16xi32>
        tpu.vector_store %arg8[%swap3A_254, %swap3A_255], %swap3A_258 {strides = array<i32>} : memref<32x128xi32, #tpu.memory_space<vmem>>, vector<1x16xi32>,
        %add3A_259 = arith.constant 16 : i32
        %add3A_260 = arith.addi %add3A_259, %scan3A_195 : i32
        %swap3A_261 = arith.index_cast %add3A_260 : i32 to index
        %swap3A_262 = arith.constant 0 : index
        %swap3A_263 = tpu.vector_load %arg8[%swap3A_261, %swap3A_262] {strides = array<i32>} : memref<32x128xi32, #tpu.memory_space<vmem>>, vector<1x16xi32>,
        %swap3A_264 = vector.shape_cast %swap3A_263 : vector<1x16xi32> to vector<16xi32>
        %swap3A_265 = vector.shape_cast %add3A_237 : vector<16xi32> to vector<1x16xi32>
        tpu.vector_store %arg8[%swap3A_261, %swap3A_262], %swap3A_265 {strides = array<i32>} : memref<32x128xi32, #tpu.memory_space<vmem>>, vector<1x16xi32>,
        %add3A_266 = arith.constant 24 : i32
        %add3A_267 = arith.addi %add3A_266, %scan3A_195 : i32
        %swap3A_268 = arith.index_cast %add3A_267 : i32 to index
        %swap3A_269 = arith.constant 0 : index
        %swap3A_270 = tpu.vector_load %arg8[%swap3A_268, %swap3A_269] {strides = array<i32>} : memref<32x128xi32, #tpu.memory_space<vmem>>, vector<1x16xi32>,
        %swap3A_271 = vector.shape_cast %swap3A_270 : vector<1x16xi32> to vector<16xi32>
        %swap3A_272 = vector.shape_cast %add3A_246 : vector<16xi32> to vector<1x16xi32>
        tpu.vector_store %arg8[%swap3A_268, %swap3A_269], %swap3A_272 {strides = array<i32>} : memref<32x128xi32, #tpu.memory_space<vmem>>, vector<1x16xi32>,
        %mul3A_273 = arith.constant 128 : i32
        %mul3A_274 = arith.muli %scan3A_195, %mul3A_273 : i32
        %add3A_275 = arith.constant 16 : i32
        %add3A_276 = arith.addi %mul3A_274, %add3A_275 : i32
        %get3A_277 = arith.constant 0 : i32
        %get3A_278 = arith.index_cast %get3A_277 : i32 to index
        %get3A_279 = arith.index_cast %add3A_276 : i32 to index
        %get3A_280 = tpu.vector_load %arg6[%get3A_278, %get3A_279] {strides = array<i32>} : memref<3x1024xi32, #tpu.memory_space<vmem>>, vector<1x16xi32>,
        %get3A_281 = vector.shape_cast %get3A_280 : vector<1x16xi32> to vector<16xi32>
        %get3A_282 = arith.constant 1 : i32
        %get3A_283 = arith.index_cast %get3A_282 : i32 to index
        %get3A_284 = arith.index_cast %add3A_276 : i32 to index
        %get3A_285 = tpu.vector_load %arg6[%get3A_283, %get3A_284] {strides = array<i32>} : memref<3x1024xi32, #tpu.memory_space<vmem>>, vector<1x16xi32>,
        %get3A_286 = vector.shape_cast %get3A_285 : vector<1x16xi32> to vector<16xi32>
        %get3A_287 = arith.constant 2 : i32
        %get3A_288 = arith.index_cast %get3A_287 : i32 to index
        %get3A_289 = arith.index_cast %add3A_276 : i32 to index
        %get3A_290 = tpu.vector_load %arg6[%get3A_288, %get3A_289] {strides = array<i32>} : memref<3x1024xi32, #tpu.memory_space<vmem>>, vector<1x16xi32>,
        %get3A_291 = vector.shape_cast %get3A_290 : vector<1x16xi32> to vector<16xi32>
        %mul3A_292 = arith.constant 65536 : i32
        %mul3A_293 = vector.broadcast %mul3A_292 : i32 to vector<16xi32>
        %mul3A_294 = arith.muli %get3A_281, %mul3A_293 : vector<16xi32>
        %mul3A_295 = arith.constant 256 : i32
        %mul3A_296 = vector.broadcast %mul3A_295 : i32 to vector<16xi32>
        %mul3A_297 = arith.muli %get3A_286, %mul3A_296 : vector<16xi32>
        %add3A_298 = arith.addi %mul3A_294, %mul3A_297 : vector<16xi32>
        %add3A_299 = arith.addi %add3A_298, %get3A_291 : vector<16xi32>
        %eq3A_300 = arith.constant 0 : i32
        %eq3A_301 = vector.broadcast %eq3A_300 : i32 to vector<16xi32>
        %eq3A_302 = arith.cmpi eq, %get3A_281, %eq3A_301 : vector<16xi32>
        %jit3A_303 = arith.constant 16711680 : i32
        %jit3A_304 = arith.constant -65536 : i32
        %broadcast_in_dim3A_305 = vector.broadcast %jit3A_303 : i32 to vector<16xi32>
        %broadcast_in_dim3A_306 = vector.broadcast %jit3A_304 : i32 to vector<16xi32>
        %select_n3A_307 = arith.select %eq3A_302, %broadcast_in_dim3A_305, %broadcast_in_dim3A_306 : vector<16xi1>, vector<16xi32>
        %add3A_308 = arith.addi %add3A_299, %select_n3A_307 : vector<16xi32>
        %eq3A_309 = arith.constant 0 : i32
        %eq3A_310 = vector.broadcast %eq3A_309 : i32 to vector<16xi32>
        %eq3A_311 = arith.cmpi eq, %get3A_286, %eq3A_310 : vector<16xi32>
        %jit3A_312 = arith.constant 65280 : i32
        %jit3A_313 = arith.constant -256 : i32
        %broadcast_in_dim3A_314 = vector.broadcast %jit3A_312 : i32 to vector<16xi32>
        %broadcast_in_dim3A_315 = vector.broadcast %jit3A_313 : i32 to vector<16xi32>
        %select_n3A_316 = arith.select %eq3A_311, %broadcast_in_dim3A_314, %broadcast_in_dim3A_315 : vector<16xi1>, vector<16xi32>
        %add3A_317 = arith.addi %add3A_299, %select_n3A_316 : vector<16xi32>
        %eq3A_318 = arith.constant 0 : i32
        %eq3A_319 = vector.broadcast %eq3A_318 : i32 to vector<16xi32>
        %eq3A_320 = arith.cmpi eq, %get3A_291, %eq3A_319 : vector<16xi32>
        %jit3A_321 = arith.constant 255 : i32
        %jit3A_322 = arith.constant -1 : i32
        %broadcast_in_dim3A_323 = vector.broadcast %jit3A_321 : i32 to vector<16xi32>
        %broadcast_in_dim3A_324 = vector.broadcast %jit3A_322 : i32 to vector<16xi32>
        %select_n3A_325 = arith.select %eq3A_320, %broadcast_in_dim3A_323, %broadcast_in_dim3A_324 : vector<16xi1>, vector<16xi32>
        %add3A_326 = arith.addi %add3A_299, %select_n3A_325 : vector<16xi32>
        %swap3A_327 = arith.index_cast %scan3A_195 : i32 to index
        %swap3A_328 = arith.constant 16 : index
        %swap3A_329 = tpu.vector_load %arg8[%swap3A_327, %swap3A_328] {strides = array<i32>} : memref<32x128xi32, #tpu.memory_space<vmem>>, vector<1x16xi32>,
        %swap3A_330 = vector.shape_cast %swap3A_329 : vector<1x16xi32> to vector<16xi32>
        %swap3A_331 = vector.shape_cast %add3A_299 : vector<16xi32> to vector<1x16xi32>
        tpu.vector_store %arg8[%swap3A_327, %swap3A_328], %swap3A_331 {strides = array<i32>} : memref<32x128xi32, #tpu.memory_space<vmem>>, vector<1x16xi32>,
        %add3A_332 = arith.constant 8 : i32
        %add3A_333 = arith.addi %add3A_332, %scan3A_195 : i32
        %swap3A_334 = arith.index_cast %add3A_333 : i32 to index
        %swap3A_335 = arith.constant 16 : index
        %swap3A_336 = tpu.vector_load %arg8[%swap3A_334, %swap3A_335] {strides = array<i32>} : memref<32x128xi32, #tpu.memory_space<vmem>>, vector<1x16xi32>,
        %swap3A_337 = vector.shape_cast %swap3A_336 : vector<1x16xi32> to vector<16xi32>
        %swap3A_338 = vector.shape_cast %add3A_308 : vector<16xi32> to vector<1x16xi32>
        tpu.vector_store %arg8[%swap3A_334, %swap3A_335], %swap3A_338 {strides = array<i32>} : memref<32x128xi32, #tpu.memory_space<vmem>>, vector<1x16xi32>,
        %add3A_339 = arith.constant 16 : i32
        %add3A_340 = arith.addi %add3A_339, %scan3A_195 : i32
        %swap3A_341 = arith.index_cast %add3A_340 : i32 to index
        %swap3A_342 = arith.constant 16 : index
        %swap3A_343 = tpu.vector_load %arg8[%swap3A_341, %swap3A_342] {strides = array<i32>} : memref<32x128xi32, #tpu.memory_space<vmem>>, vector<1x16xi32>,
        %swap3A_344 = vector.shape_cast %swap3A_343 : vector<1x16xi32> to vector<16xi32>
        %swap3A_345 = vector.shape_cast %add3A_317 : vector<16xi32> to vector<1x16xi32>
        tpu.vector_store %arg8[%swap3A_341, %swap3A_342], %swap3A_345 {strides = array<i32>} : memref<32x128xi32, #tpu.memory_space<vmem>>, vector<1x16xi32>,
        %add3A_346 = arith.constant 24 : i32
        %add3A_347 = arith.addi %add3A_346, %scan3A_195 : i32
        %swap3A_348 = arith.index_cast %add3A_347 : i32 to index
        %swap3A_349 = arith.constant 16 : index
        %swap3A_350 = tpu.vector_load %arg8[%swap3A_348, %swap3A_349] {strides = array<i32>} : memref<32x128xi32, #tpu.memory_space<vmem>>, vector<1x16xi32>,
        %swap3A_351 = vector.shape_cast %swap3A_350 : vector<1x16xi32> to vector<16xi32>
        %swap3A_352 = vector.shape_cast %add3A_326 : vector<16xi32> to vector<1x16xi32>
        tpu.vector_store %arg8[%swap3A_348, %swap3A_349], %swap3A_352 {strides = array<i32>} : memref<32x128xi32, #tpu.memory_space<vmem>>, vector<1x16xi32>,
        %mul3A_353 = arith.constant 128 : i32
        %mul3A_354 = arith.muli %scan3A_195, %mul3A_353 : i32
        %add3A_355 = arith.constant 32 : i32
        %add3A_356 = arith.addi %mul3A_354, %add3A_355 : i32
        %get3A_357 = arith.constant 0 : i32
        %get3A_358 = arith.index_cast %get3A_357 : i32 to index
        %get3A_359 = arith.index_cast %add3A_356 : i32 to index
        %get3A_360 = tpu.vector_load %arg6[%get3A_358, %get3A_359] {strides = array<i32>} : memref<3x1024xi32, #tpu.memory_space<vmem>>, vector<1x16xi32>,
        %get3A_361 = vector.shape_cast %get3A_360 : vector<1x16xi32> to vector<16xi32>
        %get3A_362 = arith.constant 1 : i32
        %get3A_363 = arith.index_cast %get3A_362 : i32 to index
        %get3A_364 = arith.index_cast %add3A_356 : i32 to index
        %get3A_365 = tpu.vector_load %arg6[%get3A_363, %get3A_364] {strides = array<i32>} : memref<3x1024xi32, #tpu.memory_space<vmem>>, vector<1x16xi32>,
        %get3A_366 = vector.shape_cast %get3A_365 : vector<1x16xi32> to vector<16xi32>
        %get3A_367 = arith.constant 2 : i32
        %get3A_368 = arith.index_cast %get3A_367 : i32 to index
        %get3A_369 = arith.index_cast %add3A_356 : i32 to index
        %get3A_370 = tpu.vector_load %arg6[%get3A_368, %get3A_369] {strides = array<i32>} : memref<3x1024xi32, #tpu.memory_space<vmem>>, vector<1x16xi32>,
        %get3A_371 = vector.shape_cast %get3A_370 : vector<1x16xi32> to vector<16xi32>
        %mul3A_372 = arith.constant 65536 : i32
        %mul3A_373 = vector.broadcast %mul3A_372 : i32 to vector<16xi32>
        %mul3A_374 = arith.muli %get3A_361, %mul3A_373 : vector<16xi32>
        %mul3A_375 = arith.constant 256 : i32
        %mul3A_376 = vector.broadcast %mul3A_375 : i32 to vector<16xi32>
        %mul3A_377 = arith.muli %get3A_366, %mul3A_376 : vector<16xi32>
        %add3A_378 = arith.addi %mul3A_374, %mul3A_377 : vector<16xi32>
        %add3A_379 = arith.addi %add3A_378, %get3A_371 : vector<16xi32>
        %eq3A_380 = arith.constant 0 : i32
        %eq3A_381 = vector.broadcast %eq3A_380 : i32 to vector<16xi32>
        %eq3A_382 = arith.cmpi eq, %get3A_361, %eq3A_381 : vector<16xi32>
        %jit3A_383 = arith.constant 16711680 : i32
        %jit3A_384 = arith.constant -65536 : i32
        %broadcast_in_dim3A_385 = vector.broadcast %jit3A_383 : i32 to vector<16xi32>
        %broadcast_in_dim3A_386 = vector.broadcast %jit3A_384 : i32 to vector<16xi32>
        %select_n3A_387 = arith.select %eq3A_382, %broadcast_in_dim3A_385, %broadcast_in_dim3A_386 : vector<16xi1>, vector<16xi32>
        %add3A_388 = arith.addi %add3A_379, %select_n3A_387 : vector<16xi32>
        %eq3A_389 = arith.constant 0 : i32
        %eq3A_390 = vector.broadcast %eq3A_389 : i32 to vector<16xi32>
        %eq3A_391 = arith.cmpi eq, %get3A_366, %eq3A_390 : vector<16xi32>
        %jit3A_392 = arith.constant 65280 : i32
        %jit3A_393 = arith.constant -256 : i32
        %broadcast_in_dim3A_394 = vector.broadcast %jit3A_392 : i32 to vector<16xi32>
        %broadcast_in_dim3A_395 = vector.broadcast %jit3A_393 : i32 to vector<16xi32>
        %select_n3A_396 = arith.select %eq3A_391, %broadcast_in_dim3A_394, %broadcast_in_dim3A_395 : vector<16xi1>, vector<16xi32>
        %add3A_397 = arith.addi %add3A_379, %select_n3A_396 : vector<16xi32>
        %eq3A_398 = arith.constant 0 : i32
        %eq3A_399 = vector.broadcast %eq3A_398 : i32 to vector<16xi32>
        %eq3A_400 = arith.cmpi eq, %get3A_371, %eq3A_399 : vector<16xi32>
        %jit3A_401 = arith.constant 255 : i32
        %jit3A_402 = arith.constant -1 : i32
        %broadcast_in_dim3A_403 = vector.broadcast %jit3A_401 : i32 to vector<16xi32>
        %broadcast_in_dim3A_404 = vector.broadcast %jit3A_402 : i32 to vector<16xi32>
        %select_n3A_405 = arith.select %eq3A_400, %broadcast_in_dim3A_403, %broadcast_in_dim3A_404 : vector<16xi1>, vector<16xi32>
        %add3A_406 = arith.addi %add3A_379, %select_n3A_405 : vector<16xi32>
        %swap3A_407 = arith.index_cast %scan3A_195 : i32 to index
        %swap3A_408 = arith.constant 32 : index
        %swap3A_409 = tpu.vector_load %arg8[%swap3A_407, %swap3A_408] {strides = array<i32>} : memref<32x128xi32, #tpu.memory_space<vmem>>, vector<1x16xi32>,
        %swap3A_410 = vector.shape_cast %swap3A_409 : vector<1x16xi32> to vector<16xi32>
        %swap3A_411 = vector.shape_cast %add3A_379 : vector<16xi32> to vector<1x16xi32>
        tpu.vector_store %arg8[%swap3A_407, %swap3A_408], %swap3A_411 {strides = array<i32>} : memref<32x128xi32, #tpu.memory_space<vmem>>, vector<1x16xi32>,
        %add3A_412 = arith.constant 8 : i32
        %add3A_413 = arith.addi %add3A_412, %scan3A_195 : i32
        %swap3A_414 = arith.index_cast %add3A_413 : i32 to index
        %swap3A_415 = arith.constant 32 : index
        %swap3A_416 = tpu.vector_load %arg8[%swap3A_414, %swap3A_415] {strides = array<i32>} : memref<32x128xi32, #tpu.memory_space<vmem>>, vector<1x16xi32>,
        %swap3A_417 = vector.shape_cast %swap3A_416 : vector<1x16xi32> to vector<16xi32>
        %swap3A_418 = vector.shape_cast %add3A_388 : vector<16xi32> to vector<1x16xi32>
        tpu.vector_store %arg8[%swap3A_414, %swap3A_415], %swap3A_418 {strides = array<i32>} : memref<32x128xi32, #tpu.memory_space<vmem>>, vector<1x16xi32>,
        %add3A_419 = arith.constant 16 : i32
        %add3A_420 = arith.addi %add3A_419, %scan3A_195 : i32
        %swap3A_421 = arith.index_cast %add3A_420 : i32 to index
        %swap3A_422 = arith.constant 32 : index
        %swap3A_423 = tpu.vector_load %arg8[%swap3A_421, %swap3A_422] {strides = array<i32>} : memref<32x128xi32, #tpu.memory_space<vmem>>, vector<1x16xi32>,
        %swap3A_424 = vector.shape_cast %swap3A_423 : vector<1x16xi32> to vector<16xi32>
        %swap3A_425 = vector.shape_cast %add3A_397 : vector<16xi32> to vector<1x16xi32>
        tpu.vector_store %arg8[%swap3A_421, %swap3A_422], %swap3A_425 {strides = array<i32>} : memref<32x128xi32, #tpu.memory_space<vmem>>, vector<1x16xi32>,
        %add3A_426 = arith.constant 24 : i32
        %add3A_427 = arith.addi %add3A_426, %scan3A_195 : i32
        %swap3A_428 = arith.index_cast %add3A_427 : i32 to index
        %swap3A_429 = arith.constant 32 : index
        %swap3A_430 = tpu.vector_load %arg8[%swap3A_428, %swap3A_429] {strides = array<i32>} : memref<32x128xi32, #tpu.memory_space<vmem>>, vector<1x16xi32>,
        %swap3A_431 = vector.shape_cast %swap3A_430 : vector<1x16xi32> to vector<16xi32>
        %swap3A_432 = vector.shape_cast %add3A_406 : vector<16xi32> to vector<1x16xi32>
        tpu.vector_store %arg8[%swap3A_428, %swap3A_429], %swap3A_432 {strides = array<i32>} : memref<32x128xi32, #tpu.memory_space<vmem>>, vector<1x16xi32>,
        %mul3A_433 = arith.constant 128 : i32
        %mul3A_434 = arith.muli %scan3A_195, %mul3A_433 : i32
        %add3A_435 = arith.constant 48 : i32
        %add3A_436 = arith.addi %mul3A_434, %add3A_435 : i32
        %get3A_437 = arith.constant 0 : i32
        %get3A_438 = arith.index_cast %get3A_437 : i32 to index
        %get3A_439 = arith.index_cast %add3A_436 : i32 to index
        %get3A_440 = tpu.vector_load %arg6[%get3A_438, %get3A_439] {strides = array<i32>} : memref<3x1024xi32, #tpu.memory_space<vmem>>, vector<1x16xi32>,
        %get3A_441 = vector.shape_cast %get3A_440 : vector<1x16xi32> to vector<16xi32>
        %get3A_442 = arith.constant 1 : i32
        %get3A_443 = arith.index_cast %get3A_442 : i32 to index
        %get3A_444 = arith.index_cast %add3A_436 : i32 to index
        %get3A_445 = tpu.vector_load %arg6[%get3A_443, %get3A_444] {strides = array<i32>} : memref<3x1024xi32, #tpu.memory_space<vmem>>, vector<1x16xi32>,
        %get3A_446 = vector.shape_cast %get3A_445 : vector<1x16xi32> to vector<16xi32>
        %get3A_447 = arith.constant 2 : i32
        %get3A_448 = arith.index_cast %get3A_447 : i32 to index
        %get3A_449 = arith.index_cast %add3A_436 : i32 to index
        %get3A_450 = tpu.vector_load %arg6[%get3A_448, %get3A_449] {strides = array<i32>} : memref<3x1024xi32, #tpu.memory_space<vmem>>, vector<1x16xi32>,
        %get3A_451 = vector.shape_cast %get3A_450 : vector<1x16xi32> to vector<16xi32>
        %mul3A_452 = arith.constant 65536 : i32
        %mul3A_453 = vector.broadcast %mul3A_452 : i32 to vector<16xi32>
        %mul3A_454 = arith.muli %get3A_441, %mul3A_453 : vector<16xi32>
        %mul3A_455 = arith.constant 256 : i32
        %mul3A_456 = vector.broadcast %mul3A_455 : i32 to vector<16xi32>
        %mul3A_457 = arith.muli %get3A_446, %mul3A_456 : vector<16xi32>
        %add3A_458 = arith.addi %mul3A_454, %mul3A_457 : vector<16xi32>
        %add3A_459 = arith.addi %add3A_458, %get3A_451 : vector<16xi32>
        %eq3A_460 = arith.constant 0 : i32
        %eq3A_461 = vector.broadcast %eq3A_460 : i32 to vector<16xi32>
        %eq3A_462 = arith.cmpi eq, %get3A_441, %eq3A_461 : vector<16xi32>
        %jit3A_463 = arith.constant 16711680 : i32
        %jit3A_464 = arith.constant -65536 : i32
        %broadcast_in_dim3A_465 = vector.broadcast %jit3A_463 : i32 to vector<16xi32>
        %broadcast_in_dim3A_466 = vector.broadcast %jit3A_464 : i32 to vector<16xi32>
        %select_n3A_467 = arith.select %eq3A_462, %broadcast_in_dim3A_465, %broadcast_in_dim3A_466 : vector<16xi1>, vector<16xi32>
        %add3A_468 = arith.addi %add3A_459, %select_n3A_467 : vector<16xi32>
        %eq3A_469 = arith.constant 0 : i32
        %eq3A_470 = vector.broadcast %eq3A_469 : i32 to vector<16xi32>
        %eq3A_471 = arith.cmpi eq, %get3A_446, %eq3A_470 : vector<16xi32>
        %jit3A_472 = arith.constant 65280 : i32
        %jit3A_473 = arith.constant -256 : i32
        %broadcast_in_dim3A_474 = vector.broadcast %jit3A_472 : i32 to vector<16xi32>
        %broadcast_in_dim3A_475 = vector.broadcast %jit3A_473 : i32 to vector<16xi32>
        %select_n3A_476 = arith.select %eq3A_471, %broadcast_in_dim3A_474, %broadcast_in_dim3A_475 : vector<16xi1>, vector<16xi32>
        %add3A_477 = arith.addi %add3A_459, %select_n3A_476 : vector<16xi32>
        %eq3A_478 = arith.constant 0 : i32
        %eq3A_479 = vector.broadcast %eq3A_478 : i32 to vector<16xi32>
        %eq3A_480 = arith.cmpi eq, %get3A_451, %eq3A_479 : vector<16xi32>
        %jit3A_481 = arith.constant 255 : i32
        %jit3A_482 = arith.constant -1 : i32
        %broadcast_in_dim3A_483 = vector.broadcast %jit3A_481 : i32 to vector<16xi32>
        %broadcast_in_dim3A_484 = vector.broadcast %jit3A_482 : i32 to vector<16xi32>
        %select_n3A_485 = arith.select %eq3A_480, %broadcast_in_dim3A_483, %broadcast_in_dim3A_484 : vector<16xi1>, vector<16xi32>
        %add3A_486 = arith.addi %add3A_459, %select_n3A_485 : vector<16xi32>
        %swap3A_487 = arith.index_cast %scan3A_195 : i32 to index
        %swap3A_488 = arith.constant 48 : index
        %swap3A_489 = tpu.vector_load %arg8[%swap3A_487, %swap3A_488] {strides = array<i32>} : memref<32x128xi32, #tpu.memory_space<vmem>>, vector<1x16xi32>,
        %swap3A_490 = vector.shape_cast %swap3A_489 : vector<1x16xi32> to vector<16xi32>
        %swap3A_491 = vector.shape_cast %add3A_459 : vector<16xi32> to vector<1x16xi32>
        tpu.vector_store %arg8[%swap3A_487, %swap3A_488], %swap3A_491 {strides = array<i32>} : memref<32x128xi32, #tpu.memory_space<vmem>>, vector<1x16xi32>,
        %add3A_492 = arith.constant 8 : i32
        %add3A_493 = arith.addi %add3A_492, %scan3A_195 : i32
        %swap3A_494 = arith.index_cast %add3A_493 : i32 to index
        %swap3A_495 = arith.constant 48 : index
        %swap3A_496 = tpu.vector_load %arg8[%swap3A_494, %swap3A_495] {strides = array<i32>} : memref<32x128xi32, #tpu.memory_space<vmem>>, vector<1x16xi32>,
        %swap3A_497 = vector.shape_cast %swap3A_496 : vector<1x16xi32> to vector<16xi32>
        %swap3A_498 = vector.shape_cast %add3A_468 : vector<16xi32> to vector<1x16xi32>
        tpu.vector_store %arg8[%swap3A_494, %swap3A_495], %swap3A_498 {strides = array<i32>} : memref<32x128xi32, #tpu.memory_space<vmem>>, vector<1x16xi32>,
        %add3A_499 = arith.constant 16 : i32
        %add3A_500 = arith.addi %add3A_499, %scan3A_195 : i32
        %swap3A_501 = arith.index_cast %add3A_500 : i32 to index
        %swap3A_502 = arith.constant 48 : index
        %swap3A_503 = tpu.vector_load %arg8[%swap3A_501, %swap3A_502] {strides = array<i32>} : memref<32x128xi32, #tpu.memory_space<vmem>>, vector<1x16xi32>,
        %swap3A_504 = vector.shape_cast %swap3A_503 : vector<1x16xi32> to vector<16xi32>
        %swap3A_505 = vector.shape_cast %add3A_477 : vector<16xi32> to vector<1x16xi32>
        tpu.vector_store %arg8[%swap3A_501, %swap3A_502], %swap3A_505 {strides = array<i32>} : memref<32x128xi32, #tpu.memory_space<vmem>>, vector<1x16xi32>,
        %add3A_506 = arith.constant 24 : i32
        %add3A_507 = arith.addi %add3A_506, %scan3A_195 : i32
        %swap3A_508 = arith.index_cast %add3A_507 : i32 to index
        %swap3A_509 = arith.constant 48 : index
        %swap3A_510 = tpu.vector_load %arg8[%swap3A_508, %swap3A_509] {strides = array<i32>} : memref<32x128xi32, #tpu.memory_space<vmem>>, vector<1x16xi32>,
        %swap3A_511 = vector.shape_cast %swap3A_510 : vector<1x16xi32> to vector<16xi32>
        %swap3A_512 = vector.shape_cast %add3A_486 : vector<16xi32> to vector<1x16xi32>
        tpu.vector_store %arg8[%swap3A_508, %swap3A_509], %swap3A_512 {strides = array<i32>} : memref<32x128xi32, #tpu.memory_space<vmem>>, vector<1x16xi32>,
        %mul3A_513 = arith.constant 128 : i32
        %mul3A_514 = arith.muli %scan3A_195, %mul3A_513 : i32
        %add3A_515 = arith.constant 64 : i32
        %add3A_516 = arith.addi %mul3A_514, %add3A_515 : i32
        %get3A_517 = arith.constant 0 : i32
        %get3A_518 = arith.index_cast %get3A_517 : i32 to index
        %get3A_519 = arith.index_cast %add3A_516 : i32 to index
        %get3A_520 = tpu.vector_load %arg6[%get3A_518, %get3A_519] {strides = array<i32>} : memref<3x1024xi32, #tpu.memory_space<vmem>>, vector<1x16xi32>,
        %get3A_521 = vector.shape_cast %get3A_520 : vector<1x16xi32> to vector<16xi32>
        %get3A_522 = arith.constant 1 : i32
        %get3A_523 = arith.index_cast %get3A_522 : i32 to index
        %get3A_524 = arith.index_cast %add3A_516 : i32 to index
        %get3A_525 = tpu.vector_load %arg6[%get3A_523, %get3A_524] {strides = array<i32>} : memref<3x1024xi32, #tpu.memory_space<vmem>>, vector<1x16xi32>,
        %get3A_526 = vector.shape_cast %get3A_525 : vector<1x16xi32> to vector<16xi32>
        %get3A_527 = arith.constant 2 : i32
        %get3A_528 = arith.index_cast %get3A_527 : i32 to index
        %get3A_529 = arith.index_cast %add3A_516 : i32 to index
        %get3A_530 = tpu.vector_load %arg6[%get3A_528, %get3A_529] {strides = array<i32>} : memref<3x1024xi32, #tpu.memory_space<vmem>>, vector<1x16xi32>,
        %get3A_531 = vector.shape_cast %get3A_530 : vector<1x16xi32> to vector<16xi32>
        %mul3A_532 = arith.constant 65536 : i32
        %mul3A_533 = vector.broadcast %mul3A_532 : i32 to vector<16xi32>
        %mul3A_534 = arith.muli %get3A_521, %mul3A_533 : vector<16xi32>
        %mul3A_535 = arith.constant 256 : i32
        %mul3A_536 = vector.broadcast %mul3A_535 : i32 to vector<16xi32>
        %mul3A_537 = arith.muli %get3A_526, %mul3A_536 : vector<16xi32>
        %add3A_538 = arith.addi %mul3A_534, %mul3A_537 : vector<16xi32>
        %add3A_539 = arith.addi %add3A_538, %get3A_531 : vector<16xi32>
        %eq3A_540 = arith.constant 0 : i32
        %eq3A_541 = vector.broadcast %eq3A_540 : i32 to vector<16xi32>
        %eq3A_542 = arith.cmpi eq, %get3A_521, %eq3A_541 : vector<16xi32>
        %jit3A_543 = arith.constant 16711680 : i32
        %jit3A_544 = arith.constant -65536 : i32
        %broadcast_in_dim3A_545 = vector.broadcast %jit3A_543 : i32 to vector<16xi32>
        %broadcast_in_dim3A_546 = vector.broadcast %jit3A_544 : i32 to vector<16xi32>
        %select_n3A_547 = arith.select %eq3A_542, %broadcast_in_dim3A_545, %broadcast_in_dim3A_546 : vector<16xi1>, vector<16xi32>
        %add3A_548 = arith.addi %add3A_539, %select_n3A_547 : vector<16xi32>
        %eq3A_549 = arith.constant 0 : i32
        %eq3A_550 = vector.broadcast %eq3A_549 : i32 to vector<16xi32>
        %eq3A_551 = arith.cmpi eq, %get3A_526, %eq3A_550 : vector<16xi32>
        %jit3A_552 = arith.constant 65280 : i32
        %jit3A_553 = arith.constant -256 : i32
        %broadcast_in_dim3A_554 = vector.broadcast %jit3A_552 : i32 to vector<16xi32>
        %broadcast_in_dim3A_555 = vector.broadcast %jit3A_553 : i32 to vector<16xi32>
        %select_n3A_556 = arith.select %eq3A_551, %broadcast_in_dim3A_554, %broadcast_in_dim3A_555 : vector<16xi1>, vector<16xi32>
        %add3A_557 = arith.addi %add3A_539, %select_n3A_556 : vector<16xi32>
        %eq3A_558 = arith.constant 0 : i32
        %eq3A_559 = vector.broadcast %eq3A_558 : i32 to vector<16xi32>
        %eq3A_560 = arith.cmpi eq, %get3A_531, %eq3A_559 : vector<16xi32>
        %jit3A_561 = arith.constant 255 : i32
        %jit3A_562 = arith.constant -1 : i32
        %broadcast_in_dim3A_563 = vector.broadcast %jit3A_561 : i32 to vector<16xi32>
        %broadcast_in_dim3A_564 = vector.broadcast %jit3A_562 : i32 to vector<16xi32>
        %select_n3A_565 = arith.select %eq3A_560, %broadcast_in_dim3A_563, %broadcast_in_dim3A_564 : vector<16xi1>, vector<16xi32>
        %add3A_566 = arith.addi %add3A_539, %select_n3A_565 : vector<16xi32>
        %swap3A_567 = arith.index_cast %scan3A_195 : i32 to index
        %swap3A_568 = arith.constant 64 : index
        %swap3A_569 = tpu.vector_load %arg8[%swap3A_567, %swap3A_568] {strides = array<i32>} : memref<32x128xi32, #tpu.memory_space<vmem>>, vector<1x16xi32>,
        %swap3A_570 = vector.shape_cast %swap3A_569 : vector<1x16xi32> to vector<16xi32>
        %swap3A_571 = vector.shape_cast %add3A_539 : vector<16xi32> to vector<1x16xi32>
        tpu.vector_store %arg8[%swap3A_567, %swap3A_568], %swap3A_571 {strides = array<i32>} : memref<32x128xi32, #tpu.memory_space<vmem>>, vector<1x16xi32>,
        %add3A_572 = arith.constant 8 : i32
        %add3A_573 = arith.addi %add3A_572, %scan3A_195 : i32
        %swap3A_574 = arith.index_cast %add3A_573 : i32 to index
        %swap3A_575 = arith.constant 64 : index
        %swap3A_576 = tpu.vector_load %arg8[%swap3A_574, %swap3A_575] {strides = array<i32>} : memref<32x128xi32, #tpu.memory_space<vmem>>, vector<1x16xi32>,
        %swap3A_577 = vector.shape_cast %swap3A_576 : vector<1x16xi32> to vector<16xi32>
        %swap3A_578 = vector.shape_cast %add3A_548 : vector<16xi32> to vector<1x16xi32>
        tpu.vector_store %arg8[%swap3A_574, %swap3A_575], %swap3A_578 {strides = array<i32>} : memref<32x128xi32, #tpu.memory_space<vmem>>, vector<1x16xi32>,
        %add3A_579 = arith.constant 16 : i32
        %add3A_580 = arith.addi %add3A_579, %scan3A_195 : i32
        %swap3A_581 = arith.index_cast %add3A_580 : i32 to index
        %swap3A_582 = arith.constant 64 : index
        %swap3A_583 = tpu.vector_load %arg8[%swap3A_581, %swap3A_582] {strides = array<i32>} : memref<32x128xi32, #tpu.memory_space<vmem>>, vector<1x16xi32>,
        %swap3A_584 = vector.shape_cast %swap3A_583 : vector<1x16xi32> to vector<16xi32>
        %swap3A_585 = vector.shape_cast %add3A_557 : vector<16xi32> to vector<1x16xi32>
        tpu.vector_store %arg8[%swap3A_581, %swap3A_582], %swap3A_585 {strides = array<i32>} : memref<32x128xi32, #tpu.memory_space<vmem>>, vector<1x16xi32>,
        %add3A_586 = arith.constant 24 : i32
        %add3A_587 = arith.addi %add3A_586, %scan3A_195 : i32
        %swap3A_588 = arith.index_cast %add3A_587 : i32 to index
        %swap3A_589 = arith.constant 64 : index
        %swap3A_590 = tpu.vector_load %arg8[%swap3A_588, %swap3A_589] {strides = array<i32>} : memref<32x128xi32, #tpu.memory_space<vmem>>, vector<1x16xi32>,
        %swap3A_591 = vector.shape_cast %swap3A_590 : vector<1x16xi32> to vector<16xi32>
        %swap3A_592 = vector.shape_cast %add3A_566 : vector<16xi32> to vector<1x16xi32>
        tpu.vector_store %arg8[%swap3A_588, %swap3A_589], %swap3A_592 {strides = array<i32>} : memref<32x128xi32, #tpu.memory_space<vmem>>, vector<1x16xi32>,
        %mul3A_593 = arith.constant 128 : i32
        %mul3A_594 = arith.muli %scan3A_195, %mul3A_593 : i32
        %add3A_595 = arith.constant 80 : i32
        %add3A_596 = arith.addi %mul3A_594, %add3A_595 : i32
        %get3A_597 = arith.constant 0 : i32
        %get3A_598 = arith.index_cast %get3A_597 : i32 to index
        %get3A_599 = arith.index_cast %add3A_596 : i32 to index
        %get3A_600 = tpu.vector_load %arg6[%get3A_598, %get3A_599] {strides = array<i32>} : memref<3x1024xi32, #tpu.memory_space<vmem>>, vector<1x16xi32>,
        %get3A_601 = vector.shape_cast %get3A_600 : vector<1x16xi32> to vector<16xi32>
        %get3A_602 = arith.constant 1 : i32
        %get3A_603 = arith.index_cast %get3A_602 : i32 to index
        %get3A_604 = arith.index_cast %add3A_596 : i32 to index
        %get3A_605 = tpu.vector_load %arg6[%get3A_603, %get3A_604] {strides = array<i32>} : memref<3x1024xi32, #tpu.memory_space<vmem>>, vector<1x16xi32>,
        %get3A_606 = vector.shape_cast %get3A_605 : vector<1x16xi32> to vector<16xi32>
        %get3A_607 = arith.constant 2 : i32
        %get3A_608 = arith.index_cast %get3A_607 : i32 to index
        %get3A_609 = arith.index_cast %add3A_596 : i32 to index
        %get3A_610 = tpu.vector_load %arg6[%get3A_608, %get3A_609] {strides = array<i32>} : memref<3x1024xi32, #tpu.memory_space<vmem>>, vector<1x16xi32>,
        %get3A_611 = vector.shape_cast %get3A_610 : vector<1x16xi32> to vector<16xi32>
        %mul3A_612 = arith.constant 65536 : i32
        %mul3A_613 = vector.broadcast %mul3A_612 : i32 to vector<16xi32>
        %mul3A_614 = arith.muli %get3A_601, %mul3A_613 : vector<16xi32>
        %mul3A_615 = arith.constant 256 : i32
        %mul3A_616 = vector.broadcast %mul3A_615 : i32 to vector<16xi32>
        %mul3A_617 = arith.muli %get3A_606, %mul3A_616 : vector<16xi32>
        %add3A_618 = arith.addi %mul3A_614, %mul3A_617 : vector<16xi32>
        %add3A_619 = arith.addi %add3A_618, %get3A_611 : vector<16xi32>
        %eq3A_620 = arith.constant 0 : i32
        %eq3A_621 = vector.broadcast %eq3A_620 : i32 to vector<16xi32>
        %eq3A_622 = arith.cmpi eq, %get3A_601, %eq3A_621 : vector<16xi32>
        %jit3A_623 = arith.constant 16711680 : i32
        %jit3A_624 = arith.constant -65536 : i32
        %broadcast_in_dim3A_625 = vector.broadcast %jit3A_623 : i32 to vector<16xi32>
        %broadcast_in_dim3A_626 = vector.broadcast %jit3A_624 : i32 to vector<16xi32>
        %select_n3A_627 = arith.select %eq3A_622, %broadcast_in_dim3A_625, %broadcast_in_dim3A_626 : vector<16xi1>, vector<16xi32>
        %add3A_628 = arith.addi %add3A_619, %select_n3A_627 : vector<16xi32>
        %eq3A_629 = arith.constant 0 : i32
        %eq3A_630 = vector.broadcast %eq3A_629 : i32 to vector<16xi32>
        %eq3A_631 = arith.cmpi eq, %get3A_606, %eq3A_630 : vector<16xi32>
        %jit3A_632 = arith.constant 65280 : i32
        %jit3A_633 = arith.constant -256 : i32
        %broadcast_in_dim3A_634 = vector.broadcast %jit3A_632 : i32 to vector<16xi32>
        %broadcast_in_dim3A_635 = vector.broadcast %jit3A_633 : i32 to vector<16xi32>
        %select_n3A_636 = arith.select %eq3A_631, %broadcast_in_dim3A_634, %broadcast_in_dim3A_635 : vector<16xi1>, vector<16xi32>
        %add3A_637 = arith.addi %add3A_619, %select_n3A_636 : vector<16xi32>
        %eq3A_638 = arith.constant 0 : i32
        %eq3A_639 = vector.broadcast %eq3A_638 : i32 to vector<16xi32>
        %eq3A_640 = arith.cmpi eq, %get3A_611, %eq3A_639 : vector<16xi32>
        %jit3A_641 = arith.constant 255 : i32
        %jit3A_642 = arith.constant -1 : i32
        %broadcast_in_dim3A_643 = vector.broadcast %jit3A_641 : i32 to vector<16xi32>
        %broadcast_in_dim3A_644 = vector.broadcast %jit3A_642 : i32 to vector<16xi32>
        %select_n3A_645 = arith.select %eq3A_640, %broadcast_in_dim3A_643, %broadcast_in_dim3A_644 : vector<16xi1>, vector<16xi32>
        %add3A_646 = arith.addi %add3A_619, %select_n3A_645 : vector<16xi32>
        %swap3A_647 = arith.index_cast %scan3A_195 : i32 to index
        %swap3A_648 = arith.constant 80 : index
        %swap3A_649 = tpu.vector_load %arg8[%swap3A_647, %swap3A_648] {strides = array<i32>} : memref<32x128xi32, #tpu.memory_space<vmem>>, vector<1x16xi32>,
        %swap3A_650 = vector.shape_cast %swap3A_649 : vector<1x16xi32> to vector<16xi32>
        %swap3A_651 = vector.shape_cast %add3A_619 : vector<16xi32> to vector<1x16xi32>
        tpu.vector_store %arg8[%swap3A_647, %swap3A_648], %swap3A_651 {strides = array<i32>} : memref<32x128xi32, #tpu.memory_space<vmem>>, vector<1x16xi32>,
        %add3A_652 = arith.constant 8 : i32
        %add3A_653 = arith.addi %add3A_652, %scan3A_195 : i32
        %swap3A_654 = arith.index_cast %add3A_653 : i32 to index
        %swap3A_655 = arith.constant 80 : index
        %swap3A_656 = tpu.vector_load %arg8[%swap3A_654, %swap3A_655] {strides = array<i32>} : memref<32x128xi32, #tpu.memory_space<vmem>>, vector<1x16xi32>,
        %swap3A_657 = vector.shape_cast %swap3A_656 : vector<1x16xi32> to vector<16xi32>
        %swap3A_658 = vector.shape_cast %add3A_628 : vector<16xi32> to vector<1x16xi32>
        tpu.vector_store %arg8[%swap3A_654, %swap3A_655], %swap3A_658 {strides = array<i32>} : memref<32x128xi32, #tpu.memory_space<vmem>>, vector<1x16xi32>,
        %add3A_659 = arith.constant 16 : i32
        %add3A_660 = arith.addi %add3A_659, %scan3A_195 : i32
        %swap3A_661 = arith.index_cast %add3A_660 : i32 to index
        %swap3A_662 = arith.constant 80 : index
        %swap3A_663 = tpu.vector_load %arg8[%swap3A_661, %swap3A_662] {strides = array<i32>} : memref<32x128xi32, #tpu.memory_space<vmem>>, vector<1x16xi32>,
        %swap3A_664 = vector.shape_cast %swap3A_663 : vector<1x16xi32> to vector<16xi32>
        %swap3A_665 = vector.shape_cast %add3A_637 : vector<16xi32> to vector<1x16xi32>
        tpu.vector_store %arg8[%swap3A_661, %swap3A_662], %swap3A_665 {strides = array<i32>} : memref<32x128xi32, #tpu.memory_space<vmem>>, vector<1x16xi32>,
        %add3A_666 = arith.constant 24 : i32
        %add3A_667 = arith.addi %add3A_666, %scan3A_195 : i32
        %swap3A_668 = arith.index_cast %add3A_667 : i32 to index
        %swap3A_669 = arith.constant 80 : index
        %swap3A_670 = tpu.vector_load %arg8[%swap3A_668, %swap3A_669] {strides = array<i32>} : memref<32x128xi32, #tpu.memory_space<vmem>>, vector<1x16xi32>,
        %swap3A_671 = vector.shape_cast %swap3A_670 : vector<1x16xi32> to vector<16xi32>
        %swap3A_672 = vector.shape_cast %add3A_646 : vector<16xi32> to vector<1x16xi32>
        tpu.vector_store %arg8[%swap3A_668, %swap3A_669], %swap3A_672 {strides = array<i32>} : memref<32x128xi32, #tpu.memory_space<vmem>>, vector<1x16xi32>,
        %mul3A_673 = arith.constant 128 : i32
        %mul3A_674 = arith.muli %scan3A_195, %mul3A_673 : i32
        %add3A_675 = arith.constant 96 : i32
        %add3A_676 = arith.addi %mul3A_674, %add3A_675 : i32
        %get3A_677 = arith.constant 0 : i32
        %get3A_678 = arith.index_cast %get3A_677 : i32 to index
        %get3A_679 = arith.index_cast %add3A_676 : i32 to index
        %get3A_680 = tpu.vector_load %arg6[%get3A_678, %get3A_679] {strides = array<i32>} : memref<3x1024xi32, #tpu.memory_space<vmem>>, vector<1x16xi32>,
        %get3A_681 = vector.shape_cast %get3A_680 : vector<1x16xi32> to vector<16xi32>
        %get3A_682 = arith.constant 1 : i32
        %get3A_683 = arith.index_cast %get3A_682 : i32 to index
        %get3A_684 = arith.index_cast %add3A_676 : i32 to index
        %get3A_685 = tpu.vector_load %arg6[%get3A_683, %get3A_684] {strides = array<i32>} : memref<3x1024xi32, #tpu.memory_space<vmem>>, vector<1x16xi32>,
        %get3A_686 = vector.shape_cast %get3A_685 : vector<1x16xi32> to vector<16xi32>
        %get3A_687 = arith.constant 2 : i32
        %get3A_688 = arith.index_cast %get3A_687 : i32 to index
        %get3A_689 = arith.index_cast %add3A_676 : i32 to index
        %get3A_690 = tpu.vector_load %arg6[%get3A_688, %get3A_689] {strides = array<i32>} : memref<3x1024xi32, #tpu.memory_space<vmem>>, vector<1x16xi32>,
        %get3A_691 = vector.shape_cast %get3A_690 : vector<1x16xi32> to vector<16xi32>
        %mul3A_692 = arith.constant 65536 : i32
        %mul3A_693 = vector.broadcast %mul3A_692 : i32 to vector<16xi32>
        %mul3A_694 = arith.muli %get3A_681, %mul3A_693 : vector<16xi32>
        %mul3A_695 = arith.constant 256 : i32
        %mul3A_696 = vector.broadcast %mul3A_695 : i32 to vector<16xi32>
        %mul3A_697 = arith.muli %get3A_686, %mul3A_696 : vector<16xi32>
        %add3A_698 = arith.addi %mul3A_694, %mul3A_697 : vector<16xi32>
        %add3A_699 = arith.addi %add3A_698, %get3A_691 : vector<16xi32>
        %eq3A_700 = arith.constant 0 : i32
        %eq3A_701 = vector.broadcast %eq3A_700 : i32 to vector<16xi32>
        %eq3A_702 = arith.cmpi eq, %get3A_681, %eq3A_701 : vector<16xi32>
        %jit3A_703 = arith.constant 16711680 : i32
        %jit3A_704 = arith.constant -65536 : i32
        %broadcast_in_dim3A_705 = vector.broadcast %jit3A_703 : i32 to vector<16xi32>
        %broadcast_in_dim3A_706 = vector.broadcast %jit3A_704 : i32 to vector<16xi32>
        %select_n3A_707 = arith.select %eq3A_702, %broadcast_in_dim3A_705, %broadcast_in_dim3A_706 : vector<16xi1>, vector<16xi32>
        %add3A_708 = arith.addi %add3A_699, %select_n3A_707 : vector<16xi32>
        %eq3A_709 = arith.constant 0 : i32
        %eq3A_710 = vector.broadcast %eq3A_709 : i32 to vector<16xi32>
        %eq3A_711 = arith.cmpi eq, %get3A_686, %eq3A_710 : vector<16xi32>
        %jit3A_712 = arith.constant 65280 : i32
        %jit3A_713 = arith.constant -256 : i32
        %broadcast_in_dim3A_714 = vector.broadcast %jit3A_712 : i32 to vector<16xi32>
        %broadcast_in_dim3A_715 = vector.broadcast %jit3A_713 : i32 to vector<16xi32>
        %select_n3A_716 = arith.select %eq3A_711, %broadcast_in_dim3A_714, %broadcast_in_dim3A_715 : vector<16xi1>, vector<16xi32>
        %add3A_717 = arith.addi %add3A_699, %select_n3A_716 : vector<16xi32>
        %eq3A_718 = arith.constant 0 : i32
        %eq3A_719 = vector.broadcast %eq3A_718 : i32 to vector<16xi32>
        %eq3A_720 = arith.cmpi eq, %get3A_691, %eq3A_719 : vector<16xi32>
        %jit3A_721 = arith.constant 255 : i32
        %jit3A_722 = arith.constant -1 : i32
        %broadcast_in_dim3A_723 = vector.broadcast %jit3A_721 : i32 to vector<16xi32>
        %broadcast_in_dim3A_724 = vector.broadcast %jit3A_722 : i32 to vector<16xi32>
        %select_n3A_725 = arith.select %eq3A_720, %broadcast_in_dim3A_723, %broadcast_in_dim3A_724 : vector<16xi1>, vector<16xi32>
        %add3A_726 = arith.addi %add3A_699, %select_n3A_725 : vector<16xi32>
        %swap3A_727 = arith.index_cast %scan3A_195 : i32 to index
        %swap3A_728 = arith.constant 96 : index
        %swap3A_729 = tpu.vector_load %arg8[%swap3A_727, %swap3A_728] {strides = array<i32>} : memref<32x128xi32, #tpu.memory_space<vmem>>, vector<1x16xi32>,
        %swap3A_730 = vector.shape_cast %swap3A_729 : vector<1x16xi32> to vector<16xi32>
        %swap3A_731 = vector.shape_cast %add3A_699 : vector<16xi32> to vector<1x16xi32>
        tpu.vector_store %arg8[%swap3A_727, %swap3A_728], %swap3A_731 {strides = array<i32>} : memref<32x128xi32, #tpu.memory_space<vmem>>, vector<1x16xi32>,
        %add3A_732 = arith.constant 8 : i32
        %add3A_733 = arith.addi %add3A_732, %scan3A_195 : i32
        %swap3A_734 = arith.index_cast %add3A_733 : i32 to index
        %swap3A_735 = arith.constant 96 : index
        %swap3A_736 = tpu.vector_load %arg8[%swap3A_734, %swap3A_735] {strides = array<i32>} : memref<32x128xi32, #tpu.memory_space<vmem>>, vector<1x16xi32>,
        %swap3A_737 = vector.shape_cast %swap3A_736 : vector<1x16xi32> to vector<16xi32>
        %swap3A_738 = vector.shape_cast %add3A_708 : vector<16xi32> to vector<1x16xi32>
        tpu.vector_store %arg8[%swap3A_734, %swap3A_735], %swap3A_738 {strides = array<i32>} : memref<32x128xi32, #tpu.memory_space<vmem>>, vector<1x16xi32>,
        %add3A_739 = arith.constant 16 : i32
        %add3A_740 = arith.addi %add3A_739, %scan3A_195 : i32
        %swap3A_741 = arith.index_cast %add3A_740 : i32 to index
        %swap3A_742 = arith.constant 96 : index
        %swap3A_743 = tpu.vector_load %arg8[%swap3A_741, %swap3A_742] {strides = array<i32>} : memref<32x128xi32, #tpu.memory_space<vmem>>, vector<1x16xi32>,
        %swap3A_744 = vector.shape_cast %swap3A_743 : vector<1x16xi32> to vector<16xi32>
        %swap3A_745 = vector.shape_cast %add3A_717 : vector<16xi32> to vector<1x16xi32>
        tpu.vector_store %arg8[%swap3A_741, %swap3A_742], %swap3A_745 {strides = array<i32>} : memref<32x128xi32, #tpu.memory_space<vmem>>, vector<1x16xi32>,
        %add3A_746 = arith.constant 24 : i32
        %add3A_747 = arith.addi %add3A_746, %scan3A_195 : i32
        %swap3A_748 = arith.index_cast %add3A_747 : i32 to index
        %swap3A_749 = arith.constant 96 : index
        %swap3A_750 = tpu.vector_load %arg8[%swap3A_748, %swap3A_749] {strides = array<i32>} : memref<32x128xi32, #tpu.memory_space<vmem>>, vector<1x16xi32>,
        %swap3A_751 = vector.shape_cast %swap3A_750 : vector<1x16xi32> to vector<16xi32>
        %swap3A_752 = vector.shape_cast %add3A_726 : vector<16xi32> to vector<1x16xi32>
        tpu.vector_store %arg8[%swap3A_748, %swap3A_749], %swap3A_752 {strides = array<i32>} : memref<32x128xi32, #tpu.memory_space<vmem>>, vector<1x16xi32>,
        %mul3A_753 = arith.constant 128 : i32
        %mul3A_754 = arith.muli %scan3A_195, %mul3A_753 : i32
        %add3A_755 = arith.constant 112 : i32
        %add3A_756 = arith.addi %mul3A_754, %add3A_755 : i32
        %get3A_757 = arith.constant 0 : i32
        %get3A_758 = arith.index_cast %get3A_757 : i32 to index
        %get3A_759 = arith.index_cast %add3A_756 : i32 to index
        %get3A_760 = tpu.vector_load %arg6[%get3A_758, %get3A_759] {strides = array<i32>} : memref<3x1024xi32, #tpu.memory_space<vmem>>, vector<1x16xi32>,
        %get3A_761 = vector.shape_cast %get3A_760 : vector<1x16xi32> to vector<16xi32>
        %get3A_762 = arith.constant 1 : i32
        %get3A_763 = arith.index_cast %get3A_762 : i32 to index
        %get3A_764 = arith.index_cast %add3A_756 : i32 to index
        %get3A_765 = tpu.vector_load %arg6[%get3A_763, %get3A_764] {strides = array<i32>} : memref<3x1024xi32, #tpu.memory_space<vmem>>, vector<1x16xi32>,
        %get3A_766 = vector.shape_cast %get3A_765 : vector<1x16xi32> to vector<16xi32>
        %get3A_767 = arith.constant 2 : i32
        %get3A_768 = arith.index_cast %get3A_767 : i32 to index
        %get3A_769 = arith.index_cast %add3A_756 : i32 to index
        %get3A_770 = tpu.vector_load %arg6[%get3A_768, %get3A_769] {strides = array<i32>} : memref<3x1024xi32, #tpu.memory_space<vmem>>, vector<1x16xi32>,
        %get3A_771 = vector.shape_cast %get3A_770 : vector<1x16xi32> to vector<16xi32>
        %mul3A_772 = arith.constant 65536 : i32
        %mul3A_773 = vector.broadcast %mul3A_772 : i32 to vector<16xi32>
        %mul3A_774 = arith.muli %get3A_761, %mul3A_773 : vector<16xi32>
        %mul3A_775 = arith.constant 256 : i32
        %mul3A_776 = vector.broadcast %mul3A_775 : i32 to vector<16xi32>
        %mul3A_777 = arith.muli %get3A_766, %mul3A_776 : vector<16xi32>
        %add3A_778 = arith.addi %mul3A_774, %mul3A_777 : vector<16xi32>
        %add3A_779 = arith.addi %add3A_778, %get3A_771 : vector<16xi32>
        %eq3A_780 = arith.constant 0 : i32
        %eq3A_781 = vector.broadcast %eq3A_780 : i32 to vector<16xi32>
        %eq3A_782 = arith.cmpi eq, %get3A_761, %eq3A_781 : vector<16xi32>
        %jit3A_783 = arith.constant 16711680 : i32
        %jit3A_784 = arith.constant -65536 : i32
        %broadcast_in_dim3A_785 = vector.broadcast %jit3A_783 : i32 to vector<16xi32>
        %broadcast_in_dim3A_786 = vector.broadcast %jit3A_784 : i32 to vector<16xi32>
        %select_n3A_787 = arith.select %eq3A_782, %broadcast_in_dim3A_785, %broadcast_in_dim3A_786 : vector<16xi1>, vector<16xi32>
        %add3A_788 = arith.addi %add3A_779, %select_n3A_787 : vector<16xi32>
        %eq3A_789 = arith.constant 0 : i32
        %eq3A_790 = vector.broadcast %eq3A_789 : i32 to vector<16xi32>
        %eq3A_791 = arith.cmpi eq, %get3A_766, %eq3A_790 : vector<16xi32>
        %jit3A_792 = arith.constant 65280 : i32
        %jit3A_793 = arith.constant -256 : i32
        %broadcast_in_dim3A_794 = vector.broadcast %jit3A_792 : i32 to vector<16xi32>
        %broadcast_in_dim3A_795 = vector.broadcast %jit3A_793 : i32 to vector<16xi32>
        %select_n3A_796 = arith.select %eq3A_791, %broadcast_in_dim3A_794, %broadcast_in_dim3A_795 : vector<16xi1>, vector<16xi32>
        %add3A_797 = arith.addi %add3A_779, %select_n3A_796 : vector<16xi32>
        %eq3A_798 = arith.constant 0 : i32
        %eq3A_799 = vector.broadcast %eq3A_798 : i32 to vector<16xi32>
        %eq3A_800 = arith.cmpi eq, %get3A_771, %eq3A_799 : vector<16xi32>
        %jit3A_801 = arith.constant 255 : i32
        %jit3A_802 = arith.constant -1 : i32
        %broadcast_in_dim3A_803 = vector.broadcast %jit3A_801 : i32 to vector<16xi32>
        %broadcast_in_dim3A_804 = vector.broadcast %jit3A_802 : i32 to vector<16xi32>
        %select_n3A_805 = arith.select %eq3A_800, %broadcast_in_dim3A_803, %broadcast_in_dim3A_804 : vector<16xi1>, vector<16xi32>
        %add3A_806 = arith.addi %add3A_779, %select_n3A_805 : vector<16xi32>
        %swap3A_807 = arith.index_cast %scan3A_195 : i32 to index
        %swap3A_808 = arith.constant 112 : index
        %swap3A_809 = tpu.vector_load %arg8[%swap3A_807, %swap3A_808] {strides = array<i32>} : memref<32x128xi32, #tpu.memory_space<vmem>>, vector<1x16xi32>,
        %swap3A_810 = vector.shape_cast %swap3A_809 : vector<1x16xi32> to vector<16xi32>
        %swap3A_811 = vector.shape_cast %add3A_779 : vector<16xi32> to vector<1x16xi32>
        tpu.vector_store %arg8[%swap3A_807, %swap3A_808], %swap3A_811 {strides = array<i32>} : memref<32x128xi32, #tpu.memory_space<vmem>>, vector<1x16xi32>,
        %add3A_812 = arith.constant 8 : i32
        %add3A_813 = arith.addi %add3A_812, %scan3A_195 : i32
        %swap3A_814 = arith.index_cast %add3A_813 : i32 to index
        %swap3A_815 = arith.constant 112 : index
        %swap3A_816 = tpu.vector_load %arg8[%swap3A_814, %swap3A_815] {strides = array<i32>} : memref<32x128xi32, #tpu.memory_space<vmem>>, vector<1x16xi32>,
        %swap3A_817 = vector.shape_cast %swap3A_816 : vector<1x16xi32> to vector<16xi32>
        %swap3A_818 = vector.shape_cast %add3A_788 : vector<16xi32> to vector<1x16xi32>
        tpu.vector_store %arg8[%swap3A_814, %swap3A_815], %swap3A_818 {strides = array<i32>} : memref<32x128xi32, #tpu.memory_space<vmem>>, vector<1x16xi32>,
        %add3A_819 = arith.constant 16 : i32
        %add3A_820 = arith.addi %add3A_819, %scan3A_195 : i32
        %swap3A_821 = arith.index_cast %add3A_820 : i32 to index
        %swap3A_822 = arith.constant 112 : index
        %swap3A_823 = tpu.vector_load %arg8[%swap3A_821, %swap3A_822] {strides = array<i32>} : memref<32x128xi32, #tpu.memory_space<vmem>>, vector<1x16xi32>,
        %swap3A_824 = vector.shape_cast %swap3A_823 : vector<1x16xi32> to vector<16xi32>
        %swap3A_825 = vector.shape_cast %add3A_797 : vector<16xi32> to vector<1x16xi32>
        tpu.vector_store %arg8[%swap3A_821, %swap3A_822], %swap3A_825 {strides = array<i32>} : memref<32x128xi32, #tpu.memory_space<vmem>>, vector<1x16xi32>,
        %add3A_826 = arith.constant 24 : i32
        %add3A_827 = arith.addi %add3A_826, %scan3A_195 : i32
        %swap3A_828 = arith.index_cast %add3A_827 : i32 to index
        %swap3A_829 = arith.constant 112 : index
        %swap3A_830 = tpu.vector_load %arg8[%swap3A_828, %swap3A_829] {strides = array<i32>} : memref<32x128xi32, #tpu.memory_space<vmem>>, vector<1x16xi32>,
        %swap3A_831 = vector.shape_cast %swap3A_830 : vector<1x16xi32> to vector<16xi32>
        %swap3A_832 = vector.shape_cast %add3A_806 : vector<16xi32> to vector<1x16xi32>
        tpu.vector_store %arg8[%swap3A_828, %swap3A_829], %swap3A_832 {strides = array<i32>} : memref<32x128xi32, #tpu.memory_space<vmem>>, vector<1x16xi32>,
        %scan3A_833 = arith.constant 0 : i32
        scf.yield %scan3A_833 : i32
      }
      %scan3A_101 = arith.constant 8 : i32
      %scan3A_102 = arith.constant 0 : i32
      %scan3A_103 = arith.constant 0 : i32
      %scan3A_104 = arith.constant 8 : i32
      %scan3A_105 = arith.addi %scan3A_103, %scan3A_104 : i32
      %scan3A_106 = arith.constant 1 : i32
      %scan3A_107 = scf.for %scan3A_195 = %scan3A_103 to %scan3A_105 step %scan3A_106 iter_args(%scan3A_196 = %scan3A_102) -> (i32)  : i32 {
        %dma_start3A_197 = arith.constant 0 : i32
        %dma_start3A_198 = tpu.memref_slice %arg10[%scan3A_195, %dma_start3A_197] : memref<32x128xf32, #tpu.memory_space<vmem>> -> memref<1x128xf32, #tpu.memory_space<vmem>>
        %dma_start3A_199 = tpu.memref_squeeze %dma_start3A_198 : memref<1x128xf32, #tpu.memory_space<vmem>> -> memref<128xf32, #tpu.memory_space<vmem>>
        %dma_start3A_200 = arith.constant 0 : i32
        %dma_start3A_201 = tpu.memref_slice %arg8[%scan3A_195, %dma_start3A_200] : memref<32x128xi32, #tpu.memory_space<vmem>> -> memref<1x128xi32, #tpu.memory_space<vmem>>
        %dma_start3A_202 = tpu.memref_squeeze %dma_start3A_201 : memref<1x128xi32, #tpu.memory_space<vmem>> -> memref<128xi32, #tpu.memory_space<vmem>>
        %dma_start3A_203 = arith.constant 0 : i32
        %dma_start3A_204 = tpu.memref_slice %arg3[%scan3A_48, %dma_start3A_203] : memref<1x16777216xf32, #tpu.memory_space<hbm>> -> memref<1x16777216xf32, #tpu.memory_space<hbm>>
        %dma_start3A_205 = tpu.memref_squeeze %dma_start3A_204 : memref<1x16777216xf32, #tpu.memory_space<hbm>> -> memref<16777216xf32, #tpu.memory_space<hbm>>
        %dma_start3A_206 = arith.constant 0 : i32
        %dma_start3A_207 = tpu.memref_slice %dma_start3A_205[%dma_start3A_206] : memref<16777216xf32, #tpu.memory_space<hbm>> -> memref<16777216xf32, #tpu.memory_space<hbm>>
        tpu.enqueue_indirect_dma source(%dma_start3A_207 : memref<16777216xf32, #tpu.memory_space<hbm>>) target(%dma_start3A_199 : memref<128xf32, #tpu.memory_space<vmem>>) offsets(%dma_start3A_202 : memref<128xi32, #tpu.memory_space<vmem>>) semaphore(%arg17 : memref<!tpu.dma_semaphore, #tpu.memory_space<semaphore_mem>>)
        %add3A_208 = arith.constant 24 : i32
        %add3A_209 = arith.addi %add3A_208, %scan3A_195 : i32
        %add3A_210 = arith.constant 24 : i32
        %add3A_211 = arith.addi %add3A_210, %scan3A_195 : i32
        %dma_start3A_212 = arith.constant 0 : i32
        %dma_start3A_213 = tpu.memref_slice %arg10[%add3A_211, %dma_start3A_212] : memref<32x128xf32, #tpu.memory_space<vmem>> -> memref<1x128xf32, #tpu.memory_space<vmem>>
        %dma_start3A_214 = tpu.memref_squeeze %dma_start3A_213 : memref<1x128xf32, #tpu.memory_space<vmem>> -> memref<128xf32, #tpu.memory_space<vmem>>
        %dma_start3A_215 = arith.constant 0 : i32
        %dma_start3A_216 = tpu.memref_slice %arg8[%add3A_209, %dma_start3A_215] : memref<32x128xi32, #tpu.memory_space<vmem>> -> memref<1x128xi32, #tpu.memory_space<vmem>>
        %dma_start3A_217 = tpu.memref_squeeze %dma_start3A_216 : memref<1x128xi32, #tpu.memory_space<vmem>> -> memref<128xi32, #tpu.memory_space<vmem>>
        %dma_start3A_218 = arith.constant 0 : i32
        %dma_start3A_219 = tpu.memref_slice %arg3[%scan3A_48, %dma_start3A_218] : memref<1x16777216xf32, #tpu.memory_space<hbm>> -> memref<1x16777216xf32, #tpu.memory_space<hbm>>
        %dma_start3A_220 = tpu.memref_squeeze %dma_start3A_219 : memref<1x16777216xf32, #tpu.memory_space<hbm>> -> memref<16777216xf32, #tpu.memory_space<hbm>>
        %dma_start3A_221 = arith.constant 0 : i32
        %dma_start3A_222 = tpu.memref_slice %dma_start3A_220[%dma_start3A_221] : memref<16777216xf32, #tpu.memory_space<hbm>> -> memref<16777216xf32, #tpu.memory_space<hbm>>
        tpu.enqueue_indirect_dma source(%dma_start3A_222 : memref<16777216xf32, #tpu.memory_space<hbm>>) target(%dma_start3A_214 : memref<128xf32, #tpu.memory_space<vmem>>) offsets(%dma_start3A_217 : memref<128xi32, #tpu.memory_space<vmem>>) semaphore(%arg17 : memref<!tpu.dma_semaphore, #tpu.memory_space<semaphore_mem>>)
        %scan3A_223 = arith.constant 0 : i32
        scf.yield %scan3A_223 : i32
      }
      %scan3A_108 = arith.constant 8 : i32
      %scan3A_109 = arith.constant 0 : i32
      %scan3A_110 = arith.constant 8 : i32
      %scan3A_111 = arith.constant 16 : i32
      %scan3A_112 = arith.addi %scan3A_110, %scan3A_111 : i32
      %scan3A_113 = arith.constant 1 : i32
      %scan3A_114 = scf.for %scan3A_195 = %scan3A_110 to %scan3A_112 step %scan3A_113 iter_args(%scan3A_196 = %scan3A_109) -> (i32)  : i32 {
        %dma_start3A_197 = arith.constant 0 : i32
        %dma_start3A_198 = tpu.memref_slice %arg10[%scan3A_195, %dma_start3A_197] : memref<32x128xf32, #tpu.memory_space<vmem>> -> memref<1x128xf32, #tpu.memory_space<vmem>>
        %dma_start3A_199 = tpu.memref_squeeze %dma_start3A_198 : memref<1x128xf32, #tpu.memory_space<vmem>> -> memref<128xf32, #tpu.memory_space<vmem>>
        %dma_start3A_200 = arith.constant 0 : i32
        %dma_start3A_201 = tpu.memref_slice %arg8[%scan3A_195, %dma_start3A_200] : memref<32x128xi32, #tpu.memory_space<vmem>> -> memref<1x128xi32, #tpu.memory_space<vmem>>
        %dma_start3A_202 = tpu.memref_squeeze %dma_start3A_201 : memref<1x128xi32, #tpu.memory_space<vmem>> -> memref<128xi32, #tpu.memory_space<vmem>>
        %dma_start3A_203 = arith.constant 0 : i32
        %dma_start3A_204 = tpu.memref_slice %arg3[%scan3A_48, %dma_start3A_203] : memref<1x16777216xf32, #tpu.memory_space<hbm>> -> memref<1x16777216xf32, #tpu.memory_space<hbm>>
        %dma_start3A_205 = tpu.memref_squeeze %dma_start3A_204 : memref<1x16777216xf32, #tpu.memory_space<hbm>> -> memref<16777216xf32, #tpu.memory_space<hbm>>
        %dma_start3A_206 = arith.constant 0 : i32
        %dma_start3A_207 = tpu.memref_slice %dma_start3A_205[%dma_start3A_206] : memref<16777216xf32, #tpu.memory_space<hbm>> -> memref<16777216xf32, #tpu.memory_space<hbm>>
        tpu.enqueue_indirect_dma source(%dma_start3A_207 : memref<16777216xf32, #tpu.memory_space<hbm>>) target(%dma_start3A_199 : memref<128xf32, #tpu.memory_space<vmem>>) offsets(%dma_start3A_202 : memref<128xi32, #tpu.memory_space<vmem>>) semaphore(%arg17 : memref<!tpu.dma_semaphore, #tpu.memory_space<semaphore_mem>>)
        %scan3A_208 = arith.constant 0 : i32
        scf.yield %scan3A_208 : i32
      }
      %scan3A_115 = arith.constant 16 : i32
      %mul3A_116 = arith.constant 2 : i32
      %mul3A_117 = arith.muli %mul3A_116, %scan3A_83 : i32
      %add3A_118 = arith.constant 2 : i32
      %add3A_119 = arith.addi %mul3A_117, %add3A_118 : i32
      %mul3A_120 = arith.constant 61 : i32
      %mul3A_121 = arith.muli %add3A, %mul3A_120 : i32
      %add3A_122 = arith.addi %mul3A_121, %add3A_119 : i32
      %mul3A_123 = arith.constant 1024 : i32
      %mul3A_124 = arith.muli %add3A_122, %mul3A_123 : i32
      %dma_start3A_125 = arith.constant 0 : i32
      %dma_start3A_126 = tpu.memref_slice %arg2[%dma_start3A_125, %mul3A_124] : memref<3x2000000xi32, #tpu.memory_space<hbm>> -> memref<3x1024xi32, #tpu.memory_space<hbm>>
      %dma_start3A_127 = arith.constant 0 : i32
      %dma_start3A_128 = tpu.memref_slice %arg2[%dma_start3A_127, %mul3A_124] : memref<3x2000000xi32, #tpu.memory_space<hbm>> -> memref<3x1024xi32, #tpu.memory_space<hbm>>
      tpu.enqueue_dma source(%dma_start3A_128 : memref<3x1024xi32, #tpu.memory_space<hbm>>) target(%arg5 : memref<3x1024xi32, #tpu.memory_space<vmem>>) target_semaphore(%arg14 : memref<!tpu.dma_semaphore, #tpu.memory_space<semaphore_mem>>)
      %scan3A_129 = arith.constant 0 : i32
      %scan3A_130 = arith.constant 0 : i32
      %scan3A_131 = arith.constant 32 : i32
      %scan3A_132 = arith.addi %scan3A_130, %scan3A_131 : i32
      %scan3A_133 = arith.constant 1 : i32
      %scan3A_134 = scf.for %scan3A_195 = %scan3A_130 to %scan3A_132 step %scan3A_133 iter_args(%scan3A_196 = %scan3A_129) -> (i32)  : i32 {
        %dma_wait3A_197 = arith.constant 0 : i32
        %dma_wait3A_198 = tpu.memref_slice %arg9[%scan3A_195, %dma_wait3A_197] : memref<32x128xf32, #tpu.memory_space<vmem>> -> memref<1x128xf32, #tpu.memory_space<vmem>>
        %dma_wait3A_199 = tpu.memref_squeeze %dma_wait3A_198 : memref<1x128xf32, #tpu.memory_space<vmem>> -> memref<128xf32, #tpu.memory_space<vmem>>
        %dma_wait3A_200 = arith.constant 0 : i32
        %dma_wait3A_201 = tpu.memref_slice %arg7[%scan3A_195, %dma_wait3A_200] : memref<32x128xi32, #tpu.memory_space<vmem>> -> memref<1x128xi32, #tpu.memory_space<vmem>>
        %dma_wait3A_202 = tpu.memref_squeeze %dma_wait3A_201 : memref<1x128xi32, #tpu.memory_space<vmem>> -> memref<128xi32, #tpu.memory_space<vmem>>
        %dma_wait3A_203 = arith.constant 0 : i32
        %dma_wait3A_204 = tpu.memref_slice %arg3[%scan3A_48, %dma_wait3A_203] : memref<1x16777216xf32, #tpu.memory_space<hbm>> -> memref<1x16777216xf32, #tpu.memory_space<hbm>>
        %dma_wait3A_205 = tpu.memref_squeeze %dma_wait3A_204 : memref<1x16777216xf32, #tpu.memory_space<hbm>> -> memref<16777216xf32, #tpu.memory_space<hbm>>
        %dma_wait3A_206 = arith.constant 0 : i32
        %dma_wait3A_207 = tpu.memref_slice %dma_wait3A_205[%dma_wait3A_206] : memref<16777216xf32, #tpu.memory_space<hbm>> -> memref<16777216xf32, #tpu.memory_space<hbm>>
        tpu.wait_indirect_dma semaphore(%arg16 : memref<!tpu.dma_semaphore, #tpu.memory_space<semaphore_mem>>) src(%dma_wait3A_207 : memref<16777216xf32, #tpu.memory_space<hbm>>) dst(%dma_wait3A_199 : memref<128xf32, #tpu.memory_space<vmem>>)
        %scan3A_208 = arith.constant 0 : i32
        scf.yield %scan3A_208 : i32
      }
      %scan3A_135 = arith.constant 32 : i32
      %scan3A_136 = arith.constant 0 : i32
      %scan3A_137 = arith.constant 8 : i32
      %scan3A_138 = arith.addi %scan3A_136, %scan3A_137 : i32
      %scan3A_139 = arith.constant 1 : i32
      %scan3A_140 = scf.for %scan3A_195 = %scan3A_136 to %scan3A_138 step %scan3A_139 iter_args(%scan3A_196 = %scan3A_84) -> (vector<16xf32>)  : i32 {
        %get3A = arith.index_cast %scan3A_195 : i32 to index
        %get3A_197 = arith.constant 0 : index
        %get3A_198 = tpu.vector_load %arg9[%get3A, %get3A_197] {strides = array<i32>} : memref<32x128xf32, #tpu.memory_space<vmem>>, vector<1x16xf32>,
        %get3A_199 = vector.shape_cast %get3A_198 : vector<1x16xf32> to vector<16xf32>
        %add3A_200 = arith.constant 24 : i32
        %add3A_201 = arith.addi %add3A_200, %scan3A_195 : i32
        %get3A_202 = arith.index_cast %add3A_201 : i32 to index
        %get3A_203 = arith.constant 0 : index
        %get3A_204 = tpu.vector_load %arg9[%get3A_202, %get3A_203] {strides = array<i32>} : memref<32x128xf32, #tpu.memory_space<vmem>>, vector<1x16xf32>,
        %get3A_205 = vector.shape_cast %get3A_204 : vector<1x16xf32> to vector<16xf32>
        %add3A_206 = arith.constant 8 : i32
        %add3A_207 = arith.addi %add3A_206, %scan3A_195 : i32
        %get3A_208 = arith.index_cast %add3A_207 : i32 to index
        %get3A_209 = arith.constant 0 : index
        %get3A_210 = tpu.vector_load %arg9[%get3A_208, %get3A_209] {strides = array<i32>} : memref<32x128xf32, #tpu.memory_space<vmem>>, vector<1x16xf32>,
        %get3A_211 = vector.shape_cast %get3A_210 : vector<1x16xf32> to vector<16xf32>
        %add3A_212 = arith.constant 16 : i32
        %add3A_213 = arith.addi %add3A_212, %scan3A_195 : i32
        %get3A_214 = arith.index_cast %add3A_213 : i32 to index
        %get3A_215 = arith.constant 0 : index
        %get3A_216 = tpu.vector_load %arg9[%get3A_214, %get3A_215] {strides = array<i32>} : memref<32x128xf32, #tpu.memory_space<vmem>>, vector<1x16xf32>,
        %get3A_217 = vector.shape_cast %get3A_216 : vector<1x16xf32> to vector<16xf32>
        %sub3A = arith.subf %get3A_199, %get3A_211 : vector<16xf32>
        %sub3A_218 = arith.subf %get3A_199, %get3A_217 : vector<16xf32>
        %sub3A_219 = arith.subf %get3A_199, %get3A_205 : vector<16xf32>
        %mul3A_220 = arith.mulf %sub3A, %sub3A : vector<16xf32>
        %mul3A_221 = arith.mulf %sub3A_218, %sub3A_218 : vector<16xf32>
        %add3A_222 = arith.addf %mul3A_220, %mul3A_221 : vector<16xf32>
        %mul3A_223 = arith.mulf %sub3A_219, %sub3A_219 : vector<16xf32>
        %add3A_224 = arith.addf %add3A_222, %mul3A_223 : vector<16xf32>
        %add3A_225 = arith.addf %scan3A_196, %add3A_224 : vector<16xf32>
        %get3A_226 = arith.index_cast %scan3A_195 : i32 to index
        %get3A_227 = arith.constant 16 : index
        %get3A_228 = tpu.vector_load %arg9[%get3A_226, %get3A_227] {strides = array<i32>} : memref<32x128xf32, #tpu.memory_space<vmem>>, vector<1x16xf32>,
        %get3A_229 = vector.shape_cast %get3A_228 : vector<1x16xf32> to vector<16xf32>
        %add3A_230 = arith.constant 24 : i32
        %add3A_231 = arith.addi %add3A_230, %scan3A_195 : i32
        %get3A_232 = arith.index_cast %add3A_231 : i32 to index
        %get3A_233 = arith.constant 16 : index
        %get3A_234 = tpu.vector_load %arg9[%get3A_232, %get3A_233] {strides = array<i32>} : memref<32x128xf32, #tpu.memory_space<vmem>>, vector<1x16xf32>,
        %get3A_235 = vector.shape_cast %get3A_234 : vector<1x16xf32> to vector<16xf32>
        %add3A_236 = arith.constant 8 : i32
        %add3A_237 = arith.addi %add3A_236, %scan3A_195 : i32
        %get3A_238 = arith.index_cast %add3A_237 : i32 to index
        %get3A_239 = arith.constant 16 : index
        %get3A_240 = tpu.vector_load %arg9[%get3A_238, %get3A_239] {strides = array<i32>} : memref<32x128xf32, #tpu.memory_space<vmem>>, vector<1x16xf32>,
        %get3A_241 = vector.shape_cast %get3A_240 : vector<1x16xf32> to vector<16xf32>
        %add3A_242 = arith.constant 16 : i32
        %add3A_243 = arith.addi %add3A_242, %scan3A_195 : i32
        %get3A_244 = arith.index_cast %add3A_243 : i32 to index
        %get3A_245 = arith.constant 16 : index
        %get3A_246 = tpu.vector_load %arg9[%get3A_244, %get3A_245] {strides = array<i32>} : memref<32x128xf32, #tpu.memory_space<vmem>>, vector<1x16xf32>,
        %get3A_247 = vector.shape_cast %get3A_246 : vector<1x16xf32> to vector<16xf32>
        %sub3A_248 = arith.subf %get3A_229, %get3A_241 : vector<16xf32>
        %sub3A_249 = arith.subf %get3A_229, %get3A_247 : vector<16xf32>
        %sub3A_250 = arith.subf %get3A_229, %get3A_235 : vector<16xf32>
        %mul3A_251 = arith.mulf %sub3A_248, %sub3A_248 : vector<16xf32>
        %mul3A_252 = arith.mulf %sub3A_249, %sub3A_249 : vector<16xf32>
        %add3A_253 = arith.addf %mul3A_251, %mul3A_252 : vector<16xf32>
        %mul3A_254 = arith.mulf %sub3A_250, %sub3A_250 : vector<16xf32>
        %add3A_255 = arith.addf %add3A_253, %mul3A_254 : vector<16xf32>
        %add3A_256 = arith.addf %add3A_225, %add3A_255 : vector<16xf32>
        %get3A_257 = arith.index_cast %scan3A_195 : i32 to index
        %get3A_258 = arith.constant 32 : index
        %get3A_259 = tpu.vector_load %arg9[%get3A_257, %get3A_258] {strides = array<i32>} : memref<32x128xf32, #tpu.memory_space<vmem>>, vector<1x16xf32>,
        %get3A_260 = vector.shape_cast %get3A_259 : vector<1x16xf32> to vector<16xf32>
        %add3A_261 = arith.constant 24 : i32
        %add3A_262 = arith.addi %add3A_261, %scan3A_195 : i32
        %get3A_263 = arith.index_cast %add3A_262 : i32 to index
        %get3A_264 = arith.constant 32 : index
        %get3A_265 = tpu.vector_load %arg9[%get3A_263, %get3A_264] {strides = array<i32>} : memref<32x128xf32, #tpu.memory_space<vmem>>, vector<1x16xf32>,
        %get3A_266 = vector.shape_cast %get3A_265 : vector<1x16xf32> to vector<16xf32>
        %add3A_267 = arith.constant 8 : i32
        %add3A_268 = arith.addi %add3A_267, %scan3A_195 : i32
        %get3A_269 = arith.index_cast %add3A_268 : i32 to index
        %get3A_270 = arith.constant 32 : index
        %get3A_271 = tpu.vector_load %arg9[%get3A_269, %get3A_270] {strides = array<i32>} : memref<32x128xf32, #tpu.memory_space<vmem>>, vector<1x16xf32>,
        %get3A_272 = vector.shape_cast %get3A_271 : vector<1x16xf32> to vector<16xf32>
        %add3A_273 = arith.constant 16 : i32
        %add3A_274 = arith.addi %add3A_273, %scan3A_195 : i32
        %get3A_275 = arith.index_cast %add3A_274 : i32 to index
        %get3A_276 = arith.constant 32 : index
        %get3A_277 = tpu.vector_load %arg9[%get3A_275, %get3A_276] {strides = array<i32>} : memref<32x128xf32, #tpu.memory_space<vmem>>, vector<1x16xf32>,
        %get3A_278 = vector.shape_cast %get3A_277 : vector<1x16xf32> to vector<16xf32>
        %sub3A_279 = arith.subf %get3A_260, %get3A_272 : vector<16xf32>
        %sub3A_280 = arith.subf %get3A_260, %get3A_278 : vector<16xf32>
        %sub3A_281 = arith.subf %get3A_260, %get3A_266 : vector<16xf32>
        %mul3A_282 = arith.mulf %sub3A_279, %sub3A_279 : vector<16xf32>
        %mul3A_283 = arith.mulf %sub3A_280, %sub3A_280 : vector<16xf32>
        %add3A_284 = arith.addf %mul3A_282, %mul3A_283 : vector<16xf32>
        %mul3A_285 = arith.mulf %sub3A_281, %sub3A_281 : vector<16xf32>
        %add3A_286 = arith.addf %add3A_284, %mul3A_285 : vector<16xf32>
        %add3A_287 = arith.addf %add3A_256, %add3A_286 : vector<16xf32>
        %get3A_288 = arith.index_cast %scan3A_195 : i32 to index
        %get3A_289 = arith.constant 48 : index
        %get3A_290 = tpu.vector_load %arg9[%get3A_288, %get3A_289] {strides = array<i32>} : memref<32x128xf32, #tpu.memory_space<vmem>>, vector<1x16xf32>,
        %get3A_291 = vector.shape_cast %get3A_290 : vector<1x16xf32> to vector<16xf32>
        %add3A_292 = arith.constant 24 : i32
        %add3A_293 = arith.addi %add3A_292, %scan3A_195 : i32
        %get3A_294 = arith.index_cast %add3A_293 : i32 to index
        %get3A_295 = arith.constant 48 : index
        %get3A_296 = tpu.vector_load %arg9[%get3A_294, %get3A_295] {strides = array<i32>} : memref<32x128xf32, #tpu.memory_space<vmem>>, vector<1x16xf32>,
        %get3A_297 = vector.shape_cast %get3A_296 : vector<1x16xf32> to vector<16xf32>
        %add3A_298 = arith.constant 8 : i32
        %add3A_299 = arith.addi %add3A_298, %scan3A_195 : i32
        %get3A_300 = arith.index_cast %add3A_299 : i32 to index
        %get3A_301 = arith.constant 48 : index
        %get3A_302 = tpu.vector_load %arg9[%get3A_300, %get3A_301] {strides = array<i32>} : memref<32x128xf32, #tpu.memory_space<vmem>>, vector<1x16xf32>,
        %get3A_303 = vector.shape_cast %get3A_302 : vector<1x16xf32> to vector<16xf32>
        %add3A_304 = arith.constant 16 : i32
        %add3A_305 = arith.addi %add3A_304, %scan3A_195 : i32
        %get3A_306 = arith.index_cast %add3A_305 : i32 to index
        %get3A_307 = arith.constant 48 : index
        %get3A_308 = tpu.vector_load %arg9[%get3A_306, %get3A_307] {strides = array<i32>} : memref<32x128xf32, #tpu.memory_space<vmem>>, vector<1x16xf32>,
        %get3A_309 = vector.shape_cast %get3A_308 : vector<1x16xf32> to vector<16xf32>
        %sub3A_310 = arith.subf %get3A_291, %get3A_303 : vector<16xf32>
        %sub3A_311 = arith.subf %get3A_291, %get3A_309 : vector<16xf32>
        %sub3A_312 = arith.subf %get3A_291, %get3A_297 : vector<16xf32>
        %mul3A_313 = arith.mulf %sub3A_310, %sub3A_310 : vector<16xf32>
        %mul3A_314 = arith.mulf %sub3A_311, %sub3A_311 : vector<16xf32>
        %add3A_315 = arith.addf %mul3A_313, %mul3A_314 : vector<16xf32>
        %mul3A_316 = arith.mulf %sub3A_312, %sub3A_312 : vector<16xf32>
        %add3A_317 = arith.addf %add3A_315, %mul3A_316 : vector<16xf32>
        %add3A_318 = arith.addf %add3A_287, %add3A_317 : vector<16xf32>
        %get3A_319 = arith.index_cast %scan3A_195 : i32 to index
        %get3A_320 = arith.constant 64 : index
        %get3A_321 = tpu.vector_load %arg9[%get3A_319, %get3A_320] {strides = array<i32>} : memref<32x128xf32, #tpu.memory_space<vmem>>, vector<1x16xf32>,
        %get3A_322 = vector.shape_cast %get3A_321 : vector<1x16xf32> to vector<16xf32>
        %add3A_323 = arith.constant 24 : i32
        %add3A_324 = arith.addi %add3A_323, %scan3A_195 : i32
        %get3A_325 = arith.index_cast %add3A_324 : i32 to index
        %get3A_326 = arith.constant 64 : index
        %get3A_327 = tpu.vector_load %arg9[%get3A_325, %get3A_326] {strides = array<i32>} : memref<32x128xf32, #tpu.memory_space<vmem>>, vector<1x16xf32>,
        %get3A_328 = vector.shape_cast %get3A_327 : vector<1x16xf32> to vector<16xf32>
        %add3A_329 = arith.constant 8 : i32
        %add3A_330 = arith.addi %add3A_329, %scan3A_195 : i32
        %get3A_331 = arith.index_cast %add3A_330 : i32 to index
        %get3A_332 = arith.constant 64 : index
        %get3A_333 = tpu.vector_load %arg9[%get3A_331, %get3A_332] {strides = array<i32>} : memref<32x128xf32, #tpu.memory_space<vmem>>, vector<1x16xf32>,
        %get3A_334 = vector.shape_cast %get3A_333 : vector<1x16xf32> to vector<16xf32>
        %add3A_335 = arith.constant 16 : i32
        %add3A_336 = arith.addi %add3A_335, %scan3A_195 : i32
        %get3A_337 = arith.index_cast %add3A_336 : i32 to index
        %get3A_338 = arith.constant 64 : index
        %get3A_339 = tpu.vector_load %arg9[%get3A_337, %get3A_338] {strides = array<i32>} : memref<32x128xf32, #tpu.memory_space<vmem>>, vector<1x16xf32>,
        %get3A_340 = vector.shape_cast %get3A_339 : vector<1x16xf32> to vector<16xf32>
        %sub3A_341 = arith.subf %get3A_322, %get3A_334 : vector<16xf32>
        %sub3A_342 = arith.subf %get3A_322, %get3A_340 : vector<16xf32>
        %sub3A_343 = arith.subf %get3A_322, %get3A_328 : vector<16xf32>
        %mul3A_344 = arith.mulf %sub3A_341, %sub3A_341 : vector<16xf32>
        %mul3A_345 = arith.mulf %sub3A_342, %sub3A_342 : vector<16xf32>
        %add3A_346 = arith.addf %mul3A_344, %mul3A_345 : vector<16xf32>
        %mul3A_347 = arith.mulf %sub3A_343, %sub3A_343 : vector<16xf32>
        %add3A_348 = arith.addf %add3A_346, %mul3A_347 : vector<16xf32>
        %add3A_349 = arith.addf %add3A_318, %add3A_348 : vector<16xf32>
        %get3A_350 = arith.index_cast %scan3A_195 : i32 to index
        %get3A_351 = arith.constant 80 : index
        %get3A_352 = tpu.vector_load %arg9[%get3A_350, %get3A_351] {strides = array<i32>} : memref<32x128xf32, #tpu.memory_space<vmem>>, vector<1x16xf32>,
        %get3A_353 = vector.shape_cast %get3A_352 : vector<1x16xf32> to vector<16xf32>
        %add3A_354 = arith.constant 24 : i32
        %add3A_355 = arith.addi %add3A_354, %scan3A_195 : i32
        %get3A_356 = arith.index_cast %add3A_355 : i32 to index
        %get3A_357 = arith.constant 80 : index
        %get3A_358 = tpu.vector_load %arg9[%get3A_356, %get3A_357] {strides = array<i32>} : memref<32x128xf32, #tpu.memory_space<vmem>>, vector<1x16xf32>,
        %get3A_359 = vector.shape_cast %get3A_358 : vector<1x16xf32> to vector<16xf32>
        %add3A_360 = arith.constant 8 : i32
        %add3A_361 = arith.addi %add3A_360, %scan3A_195 : i32
        %get3A_362 = arith.index_cast %add3A_361 : i32 to index
        %get3A_363 = arith.constant 80 : index
        %get3A_364 = tpu.vector_load %arg9[%get3A_362, %get3A_363] {strides = array<i32>} : memref<32x128xf32, #tpu.memory_space<vmem>>, vector<1x16xf32>,
        %get3A_365 = vector.shape_cast %get3A_364 : vector<1x16xf32> to vector<16xf32>
        %add3A_366 = arith.constant 16 : i32
        %add3A_367 = arith.addi %add3A_366, %scan3A_195 : i32
        %get3A_368 = arith.index_cast %add3A_367 : i32 to index
        %get3A_369 = arith.constant 80 : index
        %get3A_370 = tpu.vector_load %arg9[%get3A_368, %get3A_369] {strides = array<i32>} : memref<32x128xf32, #tpu.memory_space<vmem>>, vector<1x16xf32>,
        %get3A_371 = vector.shape_cast %get3A_370 : vector<1x16xf32> to vector<16xf32>
        %sub3A_372 = arith.subf %get3A_353, %get3A_365 : vector<16xf32>
        %sub3A_373 = arith.subf %get3A_353, %get3A_371 : vector<16xf32>
        %sub3A_374 = arith.subf %get3A_353, %get3A_359 : vector<16xf32>
        %mul3A_375 = arith.mulf %sub3A_372, %sub3A_372 : vector<16xf32>
        %mul3A_376 = arith.mulf %sub3A_373, %sub3A_373 : vector<16xf32>
        %add3A_377 = arith.addf %mul3A_375, %mul3A_376 : vector<16xf32>
        %mul3A_378 = arith.mulf %sub3A_374, %sub3A_374 : vector<16xf32>
        %add3A_379 = arith.addf %add3A_377, %mul3A_378 : vector<16xf32>
        %add3A_380 = arith.addf %add3A_349, %add3A_379 : vector<16xf32>
        %get3A_381 = arith.index_cast %scan3A_195 : i32 to index
        %get3A_382 = arith.constant 96 : index
        %get3A_383 = tpu.vector_load %arg9[%get3A_381, %get3A_382] {strides = array<i32>} : memref<32x128xf32, #tpu.memory_space<vmem>>, vector<1x16xf32>,
        %get3A_384 = vector.shape_cast %get3A_383 : vector<1x16xf32> to vector<16xf32>
        %add3A_385 = arith.constant 24 : i32
        %add3A_386 = arith.addi %add3A_385, %scan3A_195 : i32
        %get3A_387 = arith.index_cast %add3A_386 : i32 to index
        %get3A_388 = arith.constant 96 : index
        %get3A_389 = tpu.vector_load %arg9[%get3A_387, %get3A_388] {strides = array<i32>} : memref<32x128xf32, #tpu.memory_space<vmem>>, vector<1x16xf32>,
        %get3A_390 = vector.shape_cast %get3A_389 : vector<1x16xf32> to vector<16xf32>
        %add3A_391 = arith.constant 8 : i32
        %add3A_392 = arith.addi %add3A_391, %scan3A_195 : i32
        %get3A_393 = arith.index_cast %add3A_392 : i32 to index
        %get3A_394 = arith.constant 96 : index
        %get3A_395 = tpu.vector_load %arg9[%get3A_393, %get3A_394] {strides = array<i32>} : memref<32x128xf32, #tpu.memory_space<vmem>>, vector<1x16xf32>,
        %get3A_396 = vector.shape_cast %get3A_395 : vector<1x16xf32> to vector<16xf32>
        %add3A_397 = arith.constant 16 : i32
        %add3A_398 = arith.addi %add3A_397, %scan3A_195 : i32
        %get3A_399 = arith.index_cast %add3A_398 : i32 to index
        %get3A_400 = arith.constant 96 : index
        %get3A_401 = tpu.vector_load %arg9[%get3A_399, %get3A_400] {strides = array<i32>} : memref<32x128xf32, #tpu.memory_space<vmem>>, vector<1x16xf32>,
        %get3A_402 = vector.shape_cast %get3A_401 : vector<1x16xf32> to vector<16xf32>
        %sub3A_403 = arith.subf %get3A_384, %get3A_396 : vector<16xf32>
        %sub3A_404 = arith.subf %get3A_384, %get3A_402 : vector<16xf32>
        %sub3A_405 = arith.subf %get3A_384, %get3A_390 : vector<16xf32>
        %mul3A_406 = arith.mulf %sub3A_403, %sub3A_403 : vector<16xf32>
        %mul3A_407 = arith.mulf %sub3A_404, %sub3A_404 : vector<16xf32>
        %add3A_408 = arith.addf %mul3A_406, %mul3A_407 : vector<16xf32>
        %mul3A_409 = arith.mulf %sub3A_405, %sub3A_405 : vector<16xf32>
        %add3A_410 = arith.addf %add3A_408, %mul3A_409 : vector<16xf32>
        %add3A_411 = arith.addf %add3A_380, %add3A_410 : vector<16xf32>
        %get3A_412 = arith.index_cast %scan3A_195 : i32 to index
        %get3A_413 = arith.constant 112 : index
        %get3A_414 = tpu.vector_load %arg9[%get3A_412, %get3A_413] {strides = array<i32>} : memref<32x128xf32, #tpu.memory_space<vmem>>, vector<1x16xf32>,
        %get3A_415 = vector.shape_cast %get3A_414 : vector<1x16xf32> to vector<16xf32>
        %add3A_416 = arith.constant 24 : i32
        %add3A_417 = arith.addi %add3A_416, %scan3A_195 : i32
        %get3A_418 = arith.index_cast %add3A_417 : i32 to index
        %get3A_419 = arith.constant 112 : index
        %get3A_420 = tpu.vector_load %arg9[%get3A_418, %get3A_419] {strides = array<i32>} : memref<32x128xf32, #tpu.memory_space<vmem>>, vector<1x16xf32>,
        %get3A_421 = vector.shape_cast %get3A_420 : vector<1x16xf32> to vector<16xf32>
        %add3A_422 = arith.constant 8 : i32
        %add3A_423 = arith.addi %add3A_422, %scan3A_195 : i32
        %get3A_424 = arith.index_cast %add3A_423 : i32 to index
        %get3A_425 = arith.constant 112 : index
        %get3A_426 = tpu.vector_load %arg9[%get3A_424, %get3A_425] {strides = array<i32>} : memref<32x128xf32, #tpu.memory_space<vmem>>, vector<1x16xf32>,
        %get3A_427 = vector.shape_cast %get3A_426 : vector<1x16xf32> to vector<16xf32>
        %add3A_428 = arith.constant 16 : i32
        %add3A_429 = arith.addi %add3A_428, %scan3A_195 : i32
        %get3A_430 = arith.index_cast %add3A_429 : i32 to index
        %get3A_431 = arith.constant 112 : index
        %get3A_432 = tpu.vector_load %arg9[%get3A_430, %get3A_431] {strides = array<i32>} : memref<32x128xf32, #tpu.memory_space<vmem>>, vector<1x16xf32>,
        %get3A_433 = vector.shape_cast %get3A_432 : vector<1x16xf32> to vector<16xf32>
        %sub3A_434 = arith.subf %get3A_415, %get3A_427 : vector<16xf32>
        %sub3A_435 = arith.subf %get3A_415, %get3A_433 : vector<16xf32>
        %sub3A_436 = arith.subf %get3A_415, %get3A_421 : vector<16xf32>
        %mul3A_437 = arith.mulf %sub3A_434, %sub3A_434 : vector<16xf32>
        %mul3A_438 = arith.mulf %sub3A_435, %sub3A_435 : vector<16xf32>
        %add3A_439 = arith.addf %mul3A_437, %mul3A_438 : vector<16xf32>
        %mul3A_440 = arith.mulf %sub3A_436, %sub3A_436 : vector<16xf32>
        %add3A_441 = arith.addf %add3A_439, %mul3A_440 : vector<16xf32>
        %add3A_442 = arith.addf %add3A_411, %add3A_441 : vector<16xf32>
        scf.yield %add3A_442 : vector<16xf32>
      }
      %scan3A_141 = arith.constant 8 : i32
      %mul3A_142 = arith.constant 2 : i32
      %mul3A_143 = arith.muli %mul3A_142, %scan3A_83 : i32
      %add3A_144 = arith.constant 2 : i32
      %add3A_145 = arith.addi %mul3A_143, %add3A_144 : i32
      %dma_wait3A_146 = arith.constant 0 : i32
      %dma_wait3A_147 = arith.constant 0 : i32
      %dma_wait3A_148 = tpu.memref_slice %arg2[%dma_wait3A_146, %dma_wait3A_147] : memref<3x2000000xi32, #tpu.memory_space<hbm>> -> memref<3x1024xi32, #tpu.memory_space<hbm>>
      %dma_wait3A_149 = arith.constant 0 : i32
      %dma_wait3A_150 = arith.constant 0 : i32
      %dma_wait3A_151 = tpu.memref_slice %arg2[%dma_wait3A_149, %dma_wait3A_150] : memref<3x2000000xi32, #tpu.memory_space<hbm>> -> memref<3x1024xi32, #tpu.memory_space<hbm>>
      tpu.wait_dma2 semaphore(%arg14 : memref<!tpu.dma_semaphore, #tpu.memory_space<semaphore_mem>>) src(%dma_wait3A_151 : memref<3x1024xi32, #tpu.memory_space<hbm>>) dst(%arg5 : memref<3x1024xi32, #tpu.memory_space<vmem>>)
      %scan3A_152 = arith.constant 0 : i32
      %scan3A_153 = arith.constant 0 : i32
      %scan3A_154 = arith.constant 8 : i32
      %scan3A_155 = arith.addi %scan3A_153, %scan3A_154 : i32
      %scan3A_156 = arith.constant 1 : i32
      %scan3A_157 = scf.for %scan3A_195 = %scan3A_153 to %scan3A_155 step %scan3A_156 iter_args(%scan3A_196 = %scan3A_152) -> (i32)  : i32 {
        %mul3A_197 = arith.constant 128 : i32
        %mul3A_198 = arith.muli %scan3A_195, %mul3A_197 : i32
        %add3A_199 = arith.constant 0 : i32
        %add3A_200 = arith.addi %mul3A_198, %add3A_199 : i32
        %get3A = arith.constant 0 : i32
        %get3A_201 = arith.index_cast %get3A : i32 to index
        %get3A_202 = arith.index_cast %add3A_200 : i32 to index
        %get3A_203 = tpu.vector_load %arg5[%get3A_201, %get3A_202] {strides = array<i32>} : memref<3x1024xi32, #tpu.memory_space<vmem>>, vector<1x16xi32>,
        %get3A_204 = vector.shape_cast %get3A_203 : vector<1x16xi32> to vector<16xi32>
        %get3A_205 = arith.constant 1 : i32
        %get3A_206 = arith.index_cast %get3A_205 : i32 to index
        %get3A_207 = arith.index_cast %add3A_200 : i32 to index
        %get3A_208 = tpu.vector_load %arg5[%get3A_206, %get3A_207] {strides = array<i32>} : memref<3x1024xi32, #tpu.memory_space<vmem>>, vector<1x16xi32>,
        %get3A_209 = vector.shape_cast %get3A_208 : vector<1x16xi32> to vector<16xi32>
        %get3A_210 = arith.constant 2 : i32
        %get3A_211 = arith.index_cast %get3A_210 : i32 to index
        %get3A_212 = arith.index_cast %add3A_200 : i32 to index
        %get3A_213 = tpu.vector_load %arg5[%get3A_211, %get3A_212] {strides = array<i32>} : memref<3x1024xi32, #tpu.memory_space<vmem>>, vector<1x16xi32>,
        %get3A_214 = vector.shape_cast %get3A_213 : vector<1x16xi32> to vector<16xi32>
        %mul3A_215 = arith.constant 65536 : i32
        %mul3A_216 = vector.broadcast %mul3A_215 : i32 to vector<16xi32>
        %mul3A_217 = arith.muli %get3A_204, %mul3A_216 : vector<16xi32>
        %mul3A_218 = arith.constant 256 : i32
        %mul3A_219 = vector.broadcast %mul3A_218 : i32 to vector<16xi32>
        %mul3A_220 = arith.muli %get3A_209, %mul3A_219 : vector<16xi32>
        %add3A_221 = arith.addi %mul3A_217, %mul3A_220 : vector<16xi32>
        %add3A_222 = arith.addi %add3A_221, %get3A_214 : vector<16xi32>
        %eq3A = arith.constant 0 : i32
        %eq3A_223 = vector.broadcast %eq3A : i32 to vector<16xi32>
        %eq3A_224 = arith.cmpi eq, %get3A_204, %eq3A_223 : vector<16xi32>
        %jit3A = arith.constant 16711680 : i32
        %jit3A_225 = arith.constant -65536 : i32
        %broadcast_in_dim3A_226 = vector.broadcast %jit3A : i32 to vector<16xi32>
        %broadcast_in_dim3A_227 = vector.broadcast %jit3A_225 : i32 to vector<16xi32>
        %select_n3A = arith.select %eq3A_224, %broadcast_in_dim3A_226, %broadcast_in_dim3A_227 : vector<16xi1>, vector<16xi32>
        %add3A_228 = arith.addi %add3A_222, %select_n3A : vector<16xi32>
        %eq3A_229 = arith.constant 0 : i32
        %eq3A_230 = vector.broadcast %eq3A_229 : i32 to vector<16xi32>
        %eq3A_231 = arith.cmpi eq, %get3A_209, %eq3A_230 : vector<16xi32>
        %jit3A_232 = arith.constant 65280 : i32
        %jit3A_233 = arith.constant -256 : i32
        %broadcast_in_dim3A_234 = vector.broadcast %jit3A_232 : i32 to vector<16xi32>
        %broadcast_in_dim3A_235 = vector.broadcast %jit3A_233 : i32 to vector<16xi32>
        %select_n3A_236 = arith.select %eq3A_231, %broadcast_in_dim3A_234, %broadcast_in_dim3A_235 : vector<16xi1>, vector<16xi32>
        %add3A_237 = arith.addi %add3A_222, %select_n3A_236 : vector<16xi32>
        %eq3A_238 = arith.constant 0 : i32
        %eq3A_239 = vector.broadcast %eq3A_238 : i32 to vector<16xi32>
        %eq3A_240 = arith.cmpi eq, %get3A_214, %eq3A_239 : vector<16xi32>
        %jit3A_241 = arith.constant 255 : i32
        %jit3A_242 = arith.constant -1 : i32
        %broadcast_in_dim3A_243 = vector.broadcast %jit3A_241 : i32 to vector<16xi32>
        %broadcast_in_dim3A_244 = vector.broadcast %jit3A_242 : i32 to vector<16xi32>
        %select_n3A_245 = arith.select %eq3A_240, %broadcast_in_dim3A_243, %broadcast_in_dim3A_244 : vector<16xi1>, vector<16xi32>
        %add3A_246 = arith.addi %add3A_222, %select_n3A_245 : vector<16xi32>
        %swap3A_247 = arith.index_cast %scan3A_195 : i32 to index
        %swap3A_248 = arith.constant 0 : index
        %swap3A_249 = tpu.vector_load %arg7[%swap3A_247, %swap3A_248] {strides = array<i32>} : memref<32x128xi32, #tpu.memory_space<vmem>>, vector<1x16xi32>,
        %swap3A_250 = vector.shape_cast %swap3A_249 : vector<1x16xi32> to vector<16xi32>
        %swap3A_251 = vector.shape_cast %add3A_222 : vector<16xi32> to vector<1x16xi32>
        tpu.vector_store %arg7[%swap3A_247, %swap3A_248], %swap3A_251 {strides = array<i32>} : memref<32x128xi32, #tpu.memory_space<vmem>>, vector<1x16xi32>,
        %add3A_252 = arith.constant 8 : i32
        %add3A_253 = arith.addi %add3A_252, %scan3A_195 : i32
        %swap3A_254 = arith.index_cast %add3A_253 : i32 to index
        %swap3A_255 = arith.constant 0 : index
        %swap3A_256 = tpu.vector_load %arg7[%swap3A_254, %swap3A_255] {strides = array<i32>} : memref<32x128xi32, #tpu.memory_space<vmem>>, vector<1x16xi32>,
        %swap3A_257 = vector.shape_cast %swap3A_256 : vector<1x16xi32> to vector<16xi32>
        %swap3A_258 = vector.shape_cast %add3A_228 : vector<16xi32> to vector<1x16xi32>
        tpu.vector_store %arg7[%swap3A_254, %swap3A_255], %swap3A_258 {strides = array<i32>} : memref<32x128xi32, #tpu.memory_space<vmem>>, vector<1x16xi32>,
        %add3A_259 = arith.constant 16 : i32
        %add3A_260 = arith.addi %add3A_259, %scan3A_195 : i32
        %swap3A_261 = arith.index_cast %add3A_260 : i32 to index
        %swap3A_262 = arith.constant 0 : index
        %swap3A_263 = tpu.vector_load %arg7[%swap3A_261, %swap3A_262] {strides = array<i32>} : memref<32x128xi32, #tpu.memory_space<vmem>>, vector<1x16xi32>,
        %swap3A_264 = vector.shape_cast %swap3A_263 : vector<1x16xi32> to vector<16xi32>
        %swap3A_265 = vector.shape_cast %add3A_237 : vector<16xi32> to vector<1x16xi32>
        tpu.vector_store %arg7[%swap3A_261, %swap3A_262], %swap3A_265 {strides = array<i32>} : memref<32x128xi32, #tpu.memory_space<vmem>>, vector<1x16xi32>,
        %add3A_266 = arith.constant 24 : i32
        %add3A_267 = arith.addi %add3A_266, %scan3A_195 : i32
        %swap3A_268 = arith.index_cast %add3A_267 : i32 to index
        %swap3A_269 = arith.constant 0 : index
        %swap3A_270 = tpu.vector_load %arg7[%swap3A_268, %swap3A_269] {strides = array<i32>} : memref<32x128xi32, #tpu.memory_space<vmem>>, vector<1x16xi32>,
        %swap3A_271 = vector.shape_cast %swap3A_270 : vector<1x16xi32> to vector<16xi32>
        %swap3A_272 = vector.shape_cast %add3A_246 : vector<16xi32> to vector<1x16xi32>
        tpu.vector_store %arg7[%swap3A_268, %swap3A_269], %swap3A_272 {strides = array<i32>} : memref<32x128xi32, #tpu.memory_space<vmem>>, vector<1x16xi32>,
        %mul3A_273 = arith.constant 128 : i32
        %mul3A_274 = arith.muli %scan3A_195, %mul3A_273 : i32
        %add3A_275 = arith.constant 16 : i32
        %add3A_276 = arith.addi %mul3A_274, %add3A_275 : i32
        %get3A_277 = arith.constant 0 : i32
        %get3A_278 = arith.index_cast %get3A_277 : i32 to index
        %get3A_279 = arith.index_cast %add3A_276 : i32 to index
        %get3A_280 = tpu.vector_load %arg5[%get3A_278, %get3A_279] {strides = array<i32>} : memref<3x1024xi32, #tpu.memory_space<vmem>>, vector<1x16xi32>,
        %get3A_281 = vector.shape_cast %get3A_280 : vector<1x16xi32> to vector<16xi32>
        %get3A_282 = arith.constant 1 : i32
        %get3A_283 = arith.index_cast %get3A_282 : i32 to index
        %get3A_284 = arith.index_cast %add3A_276 : i32 to index
        %get3A_285 = tpu.vector_load %arg5[%get3A_283, %get3A_284] {strides = array<i32>} : memref<3x1024xi32, #tpu.memory_space<vmem>>, vector<1x16xi32>,
        %get3A_286 = vector.shape_cast %get3A_285 : vector<1x16xi32> to vector<16xi32>
        %get3A_287 = arith.constant 2 : i32
        %get3A_288 = arith.index_cast %get3A_287 : i32 to index
        %get3A_289 = arith.index_cast %add3A_276 : i32 to index
        %get3A_290 = tpu.vector_load %arg5[%get3A_288, %get3A_289] {strides = array<i32>} : memref<3x1024xi32, #tpu.memory_space<vmem>>, vector<1x16xi32>,
        %get3A_291 = vector.shape_cast %get3A_290 : vector<1x16xi32> to vector<16xi32>
        %mul3A_292 = arith.constant 65536 : i32
        %mul3A_293 = vector.broadcast %mul3A_292 : i32 to vector<16xi32>
        %mul3A_294 = arith.muli %get3A_281, %mul3A_293 : vector<16xi32>
        %mul3A_295 = arith.constant 256 : i32
        %mul3A_296 = vector.broadcast %mul3A_295 : i32 to vector<16xi32>
        %mul3A_297 = arith.muli %get3A_286, %mul3A_296 : vector<16xi32>
        %add3A_298 = arith.addi %mul3A_294, %mul3A_297 : vector<16xi32>
        %add3A_299 = arith.addi %add3A_298, %get3A_291 : vector<16xi32>
        %eq3A_300 = arith.constant 0 : i32
        %eq3A_301 = vector.broadcast %eq3A_300 : i32 to vector<16xi32>
        %eq3A_302 = arith.cmpi eq, %get3A_281, %eq3A_301 : vector<16xi32>
        %jit3A_303 = arith.constant 16711680 : i32
        %jit3A_304 = arith.constant -65536 : i32
        %broadcast_in_dim3A_305 = vector.broadcast %jit3A_303 : i32 to vector<16xi32>
        %broadcast_in_dim3A_306 = vector.broadcast %jit3A_304 : i32 to vector<16xi32>
        %select_n3A_307 = arith.select %eq3A_302, %broadcast_in_dim3A_305, %broadcast_in_dim3A_306 : vector<16xi1>, vector<16xi32>
        %add3A_308 = arith.addi %add3A_299, %select_n3A_307 : vector<16xi32>
        %eq3A_309 = arith.constant 0 : i32
        %eq3A_310 = vector.broadcast %eq3A_309 : i32 to vector<16xi32>
        %eq3A_311 = arith.cmpi eq, %get3A_286, %eq3A_310 : vector<16xi32>
        %jit3A_312 = arith.constant 65280 : i32
        %jit3A_313 = arith.constant -256 : i32
        %broadcast_in_dim3A_314 = vector.broadcast %jit3A_312 : i32 to vector<16xi32>
        %broadcast_in_dim3A_315 = vector.broadcast %jit3A_313 : i32 to vector<16xi32>
        %select_n3A_316 = arith.select %eq3A_311, %broadcast_in_dim3A_314, %broadcast_in_dim3A_315 : vector<16xi1>, vector<16xi32>
        %add3A_317 = arith.addi %add3A_299, %select_n3A_316 : vector<16xi32>
        %eq3A_318 = arith.constant 0 : i32
        %eq3A_319 = vector.broadcast %eq3A_318 : i32 to vector<16xi32>
        %eq3A_320 = arith.cmpi eq, %get3A_291, %eq3A_319 : vector<16xi32>
        %jit3A_321 = arith.constant 255 : i32
        %jit3A_322 = arith.constant -1 : i32
        %broadcast_in_dim3A_323 = vector.broadcast %jit3A_321 : i32 to vector<16xi32>
        %broadcast_in_dim3A_324 = vector.broadcast %jit3A_322 : i32 to vector<16xi32>
        %select_n3A_325 = arith.select %eq3A_320, %broadcast_in_dim3A_323, %broadcast_in_dim3A_324 : vector<16xi1>, vector<16xi32>
        %add3A_326 = arith.addi %add3A_299, %select_n3A_325 : vector<16xi32>
        %swap3A_327 = arith.index_cast %scan3A_195 : i32 to index
        %swap3A_328 = arith.constant 16 : index
        %swap3A_329 = tpu.vector_load %arg7[%swap3A_327, %swap3A_328] {strides = array<i32>} : memref<32x128xi32, #tpu.memory_space<vmem>>, vector<1x16xi32>,
        %swap3A_330 = vector.shape_cast %swap3A_329 : vector<1x16xi32> to vector<16xi32>
        %swap3A_331 = vector.shape_cast %add3A_299 : vector<16xi32> to vector<1x16xi32>
        tpu.vector_store %arg7[%swap3A_327, %swap3A_328], %swap3A_331 {strides = array<i32>} : memref<32x128xi32, #tpu.memory_space<vmem>>, vector<1x16xi32>,
        %add3A_332 = arith.constant 8 : i32
        %add3A_333 = arith.addi %add3A_332, %scan3A_195 : i32
        %swap3A_334 = arith.index_cast %add3A_333 : i32 to index
        %swap3A_335 = arith.constant 16 : index
        %swap3A_336 = tpu.vector_load %arg7[%swap3A_334, %swap3A_335] {strides = array<i32>} : memref<32x128xi32, #tpu.memory_space<vmem>>, vector<1x16xi32>,
        %swap3A_337 = vector.shape_cast %swap3A_336 : vector<1x16xi32> to vector<16xi32>
        %swap3A_338 = vector.shape_cast %add3A_308 : vector<16xi32> to vector<1x16xi32>
        tpu.vector_store %arg7[%swap3A_334, %swap3A_335], %swap3A_338 {strides = array<i32>} : memref<32x128xi32, #tpu.memory_space<vmem>>, vector<1x16xi32>,
        %add3A_339 = arith.constant 16 : i32
        %add3A_340 = arith.addi %add3A_339, %scan3A_195 : i32
        %swap3A_341 = arith.index_cast %add3A_340 : i32 to index
        %swap3A_342 = arith.constant 16 : index
        %swap3A_343 = tpu.vector_load %arg7[%swap3A_341, %swap3A_342] {strides = array<i32>} : memref<32x128xi32, #tpu.memory_space<vmem>>, vector<1x16xi32>,
        %swap3A_344 = vector.shape_cast %swap3A_343 : vector<1x16xi32> to vector<16xi32>
        %swap3A_345 = vector.shape_cast %add3A_317 : vector<16xi32> to vector<1x16xi32>
        tpu.vector_store %arg7[%swap3A_341, %swap3A_342], %swap3A_345 {strides = array<i32>} : memref<32x128xi32, #tpu.memory_space<vmem>>, vector<1x16xi32>,
        %add3A_346 = arith.constant 24 : i32
        %add3A_347 = arith.addi %add3A_346, %scan3A_195 : i32
        %swap3A_348 = arith.index_cast %add3A_347 : i32 to index
        %swap3A_349 = arith.constant 16 : index
        %swap3A_350 = tpu.vector_load %arg7[%swap3A_348, %swap3A_349] {strides = array<i32>} : memref<32x128xi32, #tpu.memory_space<vmem>>, vector<1x16xi32>,
        %swap3A_351 = vector.shape_cast %swap3A_350 : vector<1x16xi32> to vector<16xi32>
        %swap3A_352 = vector.shape_cast %add3A_326 : vector<16xi32> to vector<1x16xi32>
        tpu.vector_store %arg7[%swap3A_348, %swap3A_349], %swap3A_352 {strides = array<i32>} : memref<32x128xi32, #tpu.memory_space<vmem>>, vector<1x16xi32>,
        %mul3A_353 = arith.constant 128 : i32
        %mul3A_354 = arith.muli %scan3A_195, %mul3A_353 : i32
        %add3A_355 = arith.constant 32 : i32
        %add3A_356 = arith.addi %mul3A_354, %add3A_355 : i32
        %get3A_357 = arith.constant 0 : i32
        %get3A_358 = arith.index_cast %get3A_357 : i32 to index
        %get3A_359 = arith.index_cast %add3A_356 : i32 to index
        %get3A_360 = tpu.vector_load %arg5[%get3A_358, %get3A_359] {strides = array<i32>} : memref<3x1024xi32, #tpu.memory_space<vmem>>, vector<1x16xi32>,
        %get3A_361 = vector.shape_cast %get3A_360 : vector<1x16xi32> to vector<16xi32>
        %get3A_362 = arith.constant 1 : i32
        %get3A_363 = arith.index_cast %get3A_362 : i32 to index
        %get3A_364 = arith.index_cast %add3A_356 : i32 to index
        %get3A_365 = tpu.vector_load %arg5[%get3A_363, %get3A_364] {strides = array<i32>} : memref<3x1024xi32, #tpu.memory_space<vmem>>, vector<1x16xi32>,
        %get3A_366 = vector.shape_cast %get3A_365 : vector<1x16xi32> to vector<16xi32>
        %get3A_367 = arith.constant 2 : i32
        %get3A_368 = arith.index_cast %get3A_367 : i32 to index
        %get3A_369 = arith.index_cast %add3A_356 : i32 to index
        %get3A_370 = tpu.vector_load %arg5[%get3A_368, %get3A_369] {strides = array<i32>} : memref<3x1024xi32, #tpu.memory_space<vmem>>, vector<1x16xi32>,
        %get3A_371 = vector.shape_cast %get3A_370 : vector<1x16xi32> to vector<16xi32>
        %mul3A_372 = arith.constant 65536 : i32
        %mul3A_373 = vector.broadcast %mul3A_372 : i32 to vector<16xi32>
        %mul3A_374 = arith.muli %get3A_361, %mul3A_373 : vector<16xi32>
        %mul3A_375 = arith.constant 256 : i32
        %mul3A_376 = vector.broadcast %mul3A_375 : i32 to vector<16xi32>
        %mul3A_377 = arith.muli %get3A_366, %mul3A_376 : vector<16xi32>
        %add3A_378 = arith.addi %mul3A_374, %mul3A_377 : vector<16xi32>
        %add3A_379 = arith.addi %add3A_378, %get3A_371 : vector<16xi32>
        %eq3A_380 = arith.constant 0 : i32
        %eq3A_381 = vector.broadcast %eq3A_380 : i32 to vector<16xi32>
        %eq3A_382 = arith.cmpi eq, %get3A_361, %eq3A_381 : vector<16xi32>
        %jit3A_383 = arith.constant 16711680 : i32
        %jit3A_384 = arith.constant -65536 : i32
        %broadcast_in_dim3A_385 = vector.broadcast %jit3A_383 : i32 to vector<16xi32>
        %broadcast_in_dim3A_386 = vector.broadcast %jit3A_384 : i32 to vector<16xi32>
        %select_n3A_387 = arith.select %eq3A_382, %broadcast_in_dim3A_385, %broadcast_in_dim3A_386 : vector<16xi1>, vector<16xi32>
        %add3A_388 = arith.addi %add3A_379, %select_n3A_387 : vector<16xi32>
        %eq3A_389 = arith.constant 0 : i32
        %eq3A_390 = vector.broadcast %eq3A_389 : i32 to vector<16xi32>
        %eq3A_391 = arith.cmpi eq, %get3A_366, %eq3A_390 : vector<16xi32>
        %jit3A_392 = arith.constant 65280 : i32
        %jit3A_393 = arith.constant -256 : i32
        %broadcast_in_dim3A_394 = vector.broadcast %jit3A_392 : i32 to vector<16xi32>
        %broadcast_in_dim3A_395 = vector.broadcast %jit3A_393 : i32 to vector<16xi32>
        %select_n3A_396 = arith.select %eq3A_391, %broadcast_in_dim3A_394, %broadcast_in_dim3A_395 : vector<16xi1>, vector<16xi32>
        %add3A_397 = arith.addi %add3A_379, %select_n3A_396 : vector<16xi32>
        %eq3A_398 = arith.constant 0 : i32
        %eq3A_399 = vector.broadcast %eq3A_398 : i32 to vector<16xi32>
        %eq3A_400 = arith.cmpi eq, %get3A_371, %eq3A_399 : vector<16xi32>
        %jit3A_401 = arith.constant 255 : i32
        %jit3A_402 = arith.constant -1 : i32
        %broadcast_in_dim3A_403 = vector.broadcast %jit3A_401 : i32 to vector<16xi32>
        %broadcast_in_dim3A_404 = vector.broadcast %jit3A_402 : i32 to vector<16xi32>
        %select_n3A_405 = arith.select %eq3A_400, %broadcast_in_dim3A_403, %broadcast_in_dim3A_404 : vector<16xi1>, vector<16xi32>
        %add3A_406 = arith.addi %add3A_379, %select_n3A_405 : vector<16xi32>
        %swap3A_407 = arith.index_cast %scan3A_195 : i32 to index
        %swap3A_408 = arith.constant 32 : index
        %swap3A_409 = tpu.vector_load %arg7[%swap3A_407, %swap3A_408] {strides = array<i32>} : memref<32x128xi32, #tpu.memory_space<vmem>>, vector<1x16xi32>,
        %swap3A_410 = vector.shape_cast %swap3A_409 : vector<1x16xi32> to vector<16xi32>
        %swap3A_411 = vector.shape_cast %add3A_379 : vector<16xi32> to vector<1x16xi32>
        tpu.vector_store %arg7[%swap3A_407, %swap3A_408], %swap3A_411 {strides = array<i32>} : memref<32x128xi32, #tpu.memory_space<vmem>>, vector<1x16xi32>,
        %add3A_412 = arith.constant 8 : i32
        %add3A_413 = arith.addi %add3A_412, %scan3A_195 : i32
        %swap3A_414 = arith.index_cast %add3A_413 : i32 to index
        %swap3A_415 = arith.constant 32 : index
        %swap3A_416 = tpu.vector_load %arg7[%swap3A_414, %swap3A_415] {strides = array<i32>} : memref<32x128xi32, #tpu.memory_space<vmem>>, vector<1x16xi32>,
        %swap3A_417 = vector.shape_cast %swap3A_416 : vector<1x16xi32> to vector<16xi32>
        %swap3A_418 = vector.shape_cast %add3A_388 : vector<16xi32> to vector<1x16xi32>
        tpu.vector_store %arg7[%swap3A_414, %swap3A_415], %swap3A_418 {strides = array<i32>} : memref<32x128xi32, #tpu.memory_space<vmem>>, vector<1x16xi32>,
        %add3A_419 = arith.constant 16 : i32
        %add3A_420 = arith.addi %add3A_419, %scan3A_195 : i32
        %swap3A_421 = arith.index_cast %add3A_420 : i32 to index
        %swap3A_422 = arith.constant 32 : index
        %swap3A_423 = tpu.vector_load %arg7[%swap3A_421, %swap3A_422] {strides = array<i32>} : memref<32x128xi32, #tpu.memory_space<vmem>>, vector<1x16xi32>,
        %swap3A_424 = vector.shape_cast %swap3A_423 : vector<1x16xi32> to vector<16xi32>
        %swap3A_425 = vector.shape_cast %add3A_397 : vector<16xi32> to vector<1x16xi32>
        tpu.vector_store %arg7[%swap3A_421, %swap3A_422], %swap3A_425 {strides = array<i32>} : memref<32x128xi32, #tpu.memory_space<vmem>>, vector<1x16xi32>,
        %add3A_426 = arith.constant 24 : i32
        %add3A_427 = arith.addi %add3A_426, %scan3A_195 : i32
        %swap3A_428 = arith.index_cast %add3A_427 : i32 to index
        %swap3A_429 = arith.constant 32 : index
        %swap3A_430 = tpu.vector_load %arg7[%swap3A_428, %swap3A_429] {strides = array<i32>} : memref<32x128xi32, #tpu.memory_space<vmem>>, vector<1x16xi32>,
        %swap3A_431 = vector.shape_cast %swap3A_430 : vector<1x16xi32> to vector<16xi32>
        %swap3A_432 = vector.shape_cast %add3A_406 : vector<16xi32> to vector<1x16xi32>
        tpu.vector_store %arg7[%swap3A_428, %swap3A_429], %swap3A_432 {strides = array<i32>} : memref<32x128xi32, #tpu.memory_space<vmem>>, vector<1x16xi32>,
        %mul3A_433 = arith.constant 128 : i32
        %mul3A_434 = arith.muli %scan3A_195, %mul3A_433 : i32
        %add3A_435 = arith.constant 48 : i32
        %add3A_436 = arith.addi %mul3A_434, %add3A_435 : i32
        %get3A_437 = arith.constant 0 : i32
        %get3A_438 = arith.index_cast %get3A_437 : i32 to index
        %get3A_439 = arith.index_cast %add3A_436 : i32 to index
        %get3A_440 = tpu.vector_load %arg5[%get3A_438, %get3A_439] {strides = array<i32>} : memref<3x1024xi32, #tpu.memory_space<vmem>>, vector<1x16xi32>,
        %get3A_441 = vector.shape_cast %get3A_440 : vector<1x16xi32> to vector<16xi32>
        %get3A_442 = arith.constant 1 : i32
        %get3A_443 = arith.index_cast %get3A_442 : i32 to index
        %get3A_444 = arith.index_cast %add3A_436 : i32 to index
        %get3A_445 = tpu.vector_load %arg5[%get3A_443, %get3A_444] {strides = array<i32>} : memref<3x1024xi32, #tpu.memory_space<vmem>>, vector<1x16xi32>,
        %get3A_446 = vector.shape_cast %get3A_445 : vector<1x16xi32> to vector<16xi32>
        %get3A_447 = arith.constant 2 : i32
        %get3A_448 = arith.index_cast %get3A_447 : i32 to index
        %get3A_449 = arith.index_cast %add3A_436 : i32 to index
        %get3A_450 = tpu.vector_load %arg5[%get3A_448, %get3A_449] {strides = array<i32>} : memref<3x1024xi32, #tpu.memory_space<vmem>>, vector<1x16xi32>,
        %get3A_451 = vector.shape_cast %get3A_450 : vector<1x16xi32> to vector<16xi32>
        %mul3A_452 = arith.constant 65536 : i32
        %mul3A_453 = vector.broadcast %mul3A_452 : i32 to vector<16xi32>
        %mul3A_454 = arith.muli %get3A_441, %mul3A_453 : vector<16xi32>
        %mul3A_455 = arith.constant 256 : i32
        %mul3A_456 = vector.broadcast %mul3A_455 : i32 to vector<16xi32>
        %mul3A_457 = arith.muli %get3A_446, %mul3A_456 : vector<16xi32>
        %add3A_458 = arith.addi %mul3A_454, %mul3A_457 : vector<16xi32>
        %add3A_459 = arith.addi %add3A_458, %get3A_451 : vector<16xi32>
        %eq3A_460 = arith.constant 0 : i32
        %eq3A_461 = vector.broadcast %eq3A_460 : i32 to vector<16xi32>
        %eq3A_462 = arith.cmpi eq, %get3A_441, %eq3A_461 : vector<16xi32>
        %jit3A_463 = arith.constant 16711680 : i32
        %jit3A_464 = arith.constant -65536 : i32
        %broadcast_in_dim3A_465 = vector.broadcast %jit3A_463 : i32 to vector<16xi32>
        %broadcast_in_dim3A_466 = vector.broadcast %jit3A_464 : i32 to vector<16xi32>
        %select_n3A_467 = arith.select %eq3A_462, %broadcast_in_dim3A_465, %broadcast_in_dim3A_466 : vector<16xi1>, vector<16xi32>
        %add3A_468 = arith.addi %add3A_459, %select_n3A_467 : vector<16xi32>
        %eq3A_469 = arith.constant 0 : i32
        %eq3A_470 = vector.broadcast %eq3A_469 : i32 to vector<16xi32>
        %eq3A_471 = arith.cmpi eq, %get3A_446, %eq3A_470 : vector<16xi32>
        %jit3A_472 = arith.constant 65280 : i32
        %jit3A_473 = arith.constant -256 : i32
        %broadcast_in_dim3A_474 = vector.broadcast %jit3A_472 : i32 to vector<16xi32>
        %broadcast_in_dim3A_475 = vector.broadcast %jit3A_473 : i32 to vector<16xi32>
        %select_n3A_476 = arith.select %eq3A_471, %broadcast_in_dim3A_474, %broadcast_in_dim3A_475 : vector<16xi1>, vector<16xi32>
        %add3A_477 = arith.addi %add3A_459, %select_n3A_476 : vector<16xi32>
        %eq3A_478 = arith.constant 0 : i32
        %eq3A_479 = vector.broadcast %eq3A_478 : i32 to vector<16xi32>
        %eq3A_480 = arith.cmpi eq, %get3A_451, %eq3A_479 : vector<16xi32>
        %jit3A_481 = arith.constant 255 : i32
        %jit3A_482 = arith.constant -1 : i32
        %broadcast_in_dim3A_483 = vector.broadcast %jit3A_481 : i32 to vector<16xi32>
        %broadcast_in_dim3A_484 = vector.broadcast %jit3A_482 : i32 to vector<16xi32>
        %select_n3A_485 = arith.select %eq3A_480, %broadcast_in_dim3A_483, %broadcast_in_dim3A_484 : vector<16xi1>, vector<16xi32>
        %add3A_486 = arith.addi %add3A_459, %select_n3A_485 : vector<16xi32>
        %swap3A_487 = arith.index_cast %scan3A_195 : i32 to index
        %swap3A_488 = arith.constant 48 : index
        %swap3A_489 = tpu.vector_load %arg7[%swap3A_487, %swap3A_488] {strides = array<i32>} : memref<32x128xi32, #tpu.memory_space<vmem>>, vector<1x16xi32>,
        %swap3A_490 = vector.shape_cast %swap3A_489 : vector<1x16xi32> to vector<16xi32>
        %swap3A_491 = vector.shape_cast %add3A_459 : vector<16xi32> to vector<1x16xi32>
        tpu.vector_store %arg7[%swap3A_487, %swap3A_488], %swap3A_491 {strides = array<i32>} : memref<32x128xi32, #tpu.memory_space<vmem>>, vector<1x16xi32>,
        %add3A_492 = arith.constant 8 : i32
        %add3A_493 = arith.addi %add3A_492, %scan3A_195 : i32
        %swap3A_494 = arith.index_cast %add3A_493 : i32 to index
        %swap3A_495 = arith.constant 48 : index
        %swap3A_496 = tpu.vector_load %arg7[%swap3A_494, %swap3A_495] {strides = array<i32>} : memref<32x128xi32, #tpu.memory_space<vmem>>, vector<1x16xi32>,
        %swap3A_497 = vector.shape_cast %swap3A_496 : vector<1x16xi32> to vector<16xi32>
        %swap3A_498 = vector.shape_cast %add3A_468 : vector<16xi32> to vector<1x16xi32>
        tpu.vector_store %arg7[%swap3A_494, %swap3A_495], %swap3A_498 {strides = array<i32>} : memref<32x128xi32, #tpu.memory_space<vmem>>, vector<1x16xi32>,
        %add3A_499 = arith.constant 16 : i32
        %add3A_500 = arith.addi %add3A_499, %scan3A_195 : i32
        %swap3A_501 = arith.index_cast %add3A_500 : i32 to index
        %swap3A_502 = arith.constant 48 : index
        %swap3A_503 = tpu.vector_load %arg7[%swap3A_501, %swap3A_502] {strides = array<i32>} : memref<32x128xi32, #tpu.memory_space<vmem>>, vector<1x16xi32>,
        %swap3A_504 = vector.shape_cast %swap3A_503 : vector<1x16xi32> to vector<16xi32>
        %swap3A_505 = vector.shape_cast %add3A_477 : vector<16xi32> to vector<1x16xi32>
        tpu.vector_store %arg7[%swap3A_501, %swap3A_502], %swap3A_505 {strides = array<i32>} : memref<32x128xi32, #tpu.memory_space<vmem>>, vector<1x16xi32>,
        %add3A_506 = arith.constant 24 : i32
        %add3A_507 = arith.addi %add3A_506, %scan3A_195 : i32
        %swap3A_508 = arith.index_cast %add3A_507 : i32 to index
        %swap3A_509 = arith.constant 48 : index
        %swap3A_510 = tpu.vector_load %arg7[%swap3A_508, %swap3A_509] {strides = array<i32>} : memref<32x128xi32, #tpu.memory_space<vmem>>, vector<1x16xi32>,
        %swap3A_511 = vector.shape_cast %swap3A_510 : vector<1x16xi32> to vector<16xi32>
        %swap3A_512 = vector.shape_cast %add3A_486 : vector<16xi32> to vector<1x16xi32>
        tpu.vector_store %arg7[%swap3A_508, %swap3A_509], %swap3A_512 {strides = array<i32>} : memref<32x128xi32, #tpu.memory_space<vmem>>, vector<1x16xi32>,
        %mul3A_513 = arith.constant 128 : i32
        %mul3A_514 = arith.muli %scan3A_195, %mul3A_513 : i32
        %add3A_515 = arith.constant 64 : i32
        %add3A_516 = arith.addi %mul3A_514, %add3A_515 : i32
        %get3A_517 = arith.constant 0 : i32
        %get3A_518 = arith.index_cast %get3A_517 : i32 to index
        %get3A_519 = arith.index_cast %add3A_516 : i32 to index
        %get3A_520 = tpu.vector_load %arg5[%get3A_518, %get3A_519] {strides = array<i32>} : memref<3x1024xi32, #tpu.memory_space<vmem>>, vector<1x16xi32>,
        %get3A_521 = vector.shape_cast %get3A_520 : vector<1x16xi32> to vector<16xi32>
        %get3A_522 = arith.constant 1 : i32
        %get3A_523 = arith.index_cast %get3A_522 : i32 to index
        %get3A_524 = arith.index_cast %add3A_516 : i32 to index
        %get3A_525 = tpu.vector_load %arg5[%get3A_523, %get3A_524] {strides = array<i32>} : memref<3x1024xi32, #tpu.memory_space<vmem>>, vector<1x16xi32>,
        %get3A_526 = vector.shape_cast %get3A_525 : vector<1x16xi32> to vector<16xi32>
        %get3A_527 = arith.constant 2 : i32
        %get3A_528 = arith.index_cast %get3A_527 : i32 to index
        %get3A_529 = arith.index_cast %add3A_516 : i32 to index
        %get3A_530 = tpu.vector_load %arg5[%get3A_528, %get3A_529] {strides = array<i32>} : memref<3x1024xi32, #tpu.memory_space<vmem>>, vector<1x16xi32>,
        %get3A_531 = vector.shape_cast %get3A_530 : vector<1x16xi32> to vector<16xi32>
        %mul3A_532 = arith.constant 65536 : i32
        %mul3A_533 = vector.broadcast %mul3A_532 : i32 to vector<16xi32>
        %mul3A_534 = arith.muli %get3A_521, %mul3A_533 : vector<16xi32>
        %mul3A_535 = arith.constant 256 : i32
        %mul3A_536 = vector.broadcast %mul3A_535 : i32 to vector<16xi32>
        %mul3A_537 = arith.muli %get3A_526, %mul3A_536 : vector<16xi32>
        %add3A_538 = arith.addi %mul3A_534, %mul3A_537 : vector<16xi32>
        %add3A_539 = arith.addi %add3A_538, %get3A_531 : vector<16xi32>
        %eq3A_540 = arith.constant 0 : i32
        %eq3A_541 = vector.broadcast %eq3A_540 : i32 to vector<16xi32>
        %eq3A_542 = arith.cmpi eq, %get3A_521, %eq3A_541 : vector<16xi32>
        %jit3A_543 = arith.constant 16711680 : i32
        %jit3A_544 = arith.constant -65536 : i32
        %broadcast_in_dim3A_545 = vector.broadcast %jit3A_543 : i32 to vector<16xi32>
        %broadcast_in_dim3A_546 = vector.broadcast %jit3A_544 : i32 to vector<16xi32>
        %select_n3A_547 = arith.select %eq3A_542, %broadcast_in_dim3A_545, %broadcast_in_dim3A_546 : vector<16xi1>, vector<16xi32>
        %add3A_548 = arith.addi %add3A_539, %select_n3A_547 : vector<16xi32>
        %eq3A_549 = arith.constant 0 : i32
        %eq3A_550 = vector.broadcast %eq3A_549 : i32 to vector<16xi32>
        %eq3A_551 = arith.cmpi eq, %get3A_526, %eq3A_550 : vector<16xi32>
        %jit3A_552 = arith.constant 65280 : i32
        %jit3A_553 = arith.constant -256 : i32
        %broadcast_in_dim3A_554 = vector.broadcast %jit3A_552 : i32 to vector<16xi32>
        %broadcast_in_dim3A_555 = vector.broadcast %jit3A_553 : i32 to vector<16xi32>
        %select_n3A_556 = arith.select %eq3A_551, %broadcast_in_dim3A_554, %broadcast_in_dim3A_555 : vector<16xi1>, vector<16xi32>
        %add3A_557 = arith.addi %add3A_539, %select_n3A_556 : vector<16xi32>
        %eq3A_558 = arith.constant 0 : i32
        %eq3A_559 = vector.broadcast %eq3A_558 : i32 to vector<16xi32>
        %eq3A_560 = arith.cmpi eq, %get3A_531, %eq3A_559 : vector<16xi32>
        %jit3A_561 = arith.constant 255 : i32
        %jit3A_562 = arith.constant -1 : i32
        %broadcast_in_dim3A_563 = vector.broadcast %jit3A_561 : i32 to vector<16xi32>
        %broadcast_in_dim3A_564 = vector.broadcast %jit3A_562 : i32 to vector<16xi32>
        %select_n3A_565 = arith.select %eq3A_560, %broadcast_in_dim3A_563, %broadcast_in_dim3A_564 : vector<16xi1>, vector<16xi32>
        %add3A_566 = arith.addi %add3A_539, %select_n3A_565 : vector<16xi32>
        %swap3A_567 = arith.index_cast %scan3A_195 : i32 to index
        %swap3A_568 = arith.constant 64 : index
        %swap3A_569 = tpu.vector_load %arg7[%swap3A_567, %swap3A_568] {strides = array<i32>} : memref<32x128xi32, #tpu.memory_space<vmem>>, vector<1x16xi32>,
        %swap3A_570 = vector.shape_cast %swap3A_569 : vector<1x16xi32> to vector<16xi32>
        %swap3A_571 = vector.shape_cast %add3A_539 : vector<16xi32> to vector<1x16xi32>
        tpu.vector_store %arg7[%swap3A_567, %swap3A_568], %swap3A_571 {strides = array<i32>} : memref<32x128xi32, #tpu.memory_space<vmem>>, vector<1x16xi32>,
        %add3A_572 = arith.constant 8 : i32
        %add3A_573 = arith.addi %add3A_572, %scan3A_195 : i32
        %swap3A_574 = arith.index_cast %add3A_573 : i32 to index
        %swap3A_575 = arith.constant 64 : index
        %swap3A_576 = tpu.vector_load %arg7[%swap3A_574, %swap3A_575] {strides = array<i32>} : memref<32x128xi32, #tpu.memory_space<vmem>>, vector<1x16xi32>,
        %swap3A_577 = vector.shape_cast %swap3A_576 : vector<1x16xi32> to vector<16xi32>
        %swap3A_578 = vector.shape_cast %add3A_548 : vector<16xi32> to vector<1x16xi32>
        tpu.vector_store %arg7[%swap3A_574, %swap3A_575], %swap3A_578 {strides = array<i32>} : memref<32x128xi32, #tpu.memory_space<vmem>>, vector<1x16xi32>,
        %add3A_579 = arith.constant 16 : i32
        %add3A_580 = arith.addi %add3A_579, %scan3A_195 : i32
        %swap3A_581 = arith.index_cast %add3A_580 : i32 to index
        %swap3A_582 = arith.constant 64 : index
        %swap3A_583 = tpu.vector_load %arg7[%swap3A_581, %swap3A_582] {strides = array<i32>} : memref<32x128xi32, #tpu.memory_space<vmem>>, vector<1x16xi32>,
        %swap3A_584 = vector.shape_cast %swap3A_583 : vector<1x16xi32> to vector<16xi32>
        %swap3A_585 = vector.shape_cast %add3A_557 : vector<16xi32> to vector<1x16xi32>
        tpu.vector_store %arg7[%swap3A_581, %swap3A_582], %swap3A_585 {strides = array<i32>} : memref<32x128xi32, #tpu.memory_space<vmem>>, vector<1x16xi32>,
        %add3A_586 = arith.constant 24 : i32
        %add3A_587 = arith.addi %add3A_586, %scan3A_195 : i32
        %swap3A_588 = arith.index_cast %add3A_587 : i32 to index
        %swap3A_589 = arith.constant 64 : index
        %swap3A_590 = tpu.vector_load %arg7[%swap3A_588, %swap3A_589] {strides = array<i32>} : memref<32x128xi32, #tpu.memory_space<vmem>>, vector<1x16xi32>,
        %swap3A_591 = vector.shape_cast %swap3A_590 : vector<1x16xi32> to vector<16xi32>
        %swap3A_592 = vector.shape_cast %add3A_566 : vector<16xi32> to vector<1x16xi32>
        tpu.vector_store %arg7[%swap3A_588, %swap3A_589], %swap3A_592 {strides = array<i32>} : memref<32x128xi32, #tpu.memory_space<vmem>>, vector<1x16xi32>,
        %mul3A_593 = arith.constant 128 : i32
        %mul3A_594 = arith.muli %scan3A_195, %mul3A_593 : i32
        %add3A_595 = arith.constant 80 : i32
        %add3A_596 = arith.addi %mul3A_594, %add3A_595 : i32
        %get3A_597 = arith.constant 0 : i32
        %get3A_598 = arith.index_cast %get3A_597 : i32 to index
        %get3A_599 = arith.index_cast %add3A_596 : i32 to index
        %get3A_600 = tpu.vector_load %arg5[%get3A_598, %get3A_599] {strides = array<i32>} : memref<3x1024xi32, #tpu.memory_space<vmem>>, vector<1x16xi32>,
        %get3A_601 = vector.shape_cast %get3A_600 : vector<1x16xi32> to vector<16xi32>
        %get3A_602 = arith.constant 1 : i32
        %get3A_603 = arith.index_cast %get3A_602 : i32 to index
        %get3A_604 = arith.index_cast %add3A_596 : i32 to index
        %get3A_605 = tpu.vector_load %arg5[%get3A_603, %get3A_604] {strides = array<i32>} : memref<3x1024xi32, #tpu.memory_space<vmem>>, vector<1x16xi32>,
        %get3A_606 = vector.shape_cast %get3A_605 : vector<1x16xi32> to vector<16xi32>
        %get3A_607 = arith.constant 2 : i32
        %get3A_608 = arith.index_cast %get3A_607 : i32 to index
        %get3A_609 = arith.index_cast %add3A_596 : i32 to index
        %get3A_610 = tpu.vector_load %arg5[%get3A_608, %get3A_609] {strides = array<i32>} : memref<3x1024xi32, #tpu.memory_space<vmem>>, vector<1x16xi32>,
        %get3A_611 = vector.shape_cast %get3A_610 : vector<1x16xi32> to vector<16xi32>
        %mul3A_612 = arith.constant 65536 : i32
        %mul3A_613 = vector.broadcast %mul3A_612 : i32 to vector<16xi32>
        %mul3A_614 = arith.muli %get3A_601, %mul3A_613 : vector<16xi32>
        %mul3A_615 = arith.constant 256 : i32
        %mul3A_616 = vector.broadcast %mul3A_615 : i32 to vector<16xi32>
        %mul3A_617 = arith.muli %get3A_606, %mul3A_616 : vector<16xi32>
        %add3A_618 = arith.addi %mul3A_614, %mul3A_617 : vector<16xi32>
        %add3A_619 = arith.addi %add3A_618, %get3A_611 : vector<16xi32>
        %eq3A_620 = arith.constant 0 : i32
        %eq3A_621 = vector.broadcast %eq3A_620 : i32 to vector<16xi32>
        %eq3A_622 = arith.cmpi eq, %get3A_601, %eq3A_621 : vector<16xi32>
        %jit3A_623 = arith.constant 16711680 : i32
        %jit3A_624 = arith.constant -65536 : i32
        %broadcast_in_dim3A_625 = vector.broadcast %jit3A_623 : i32 to vector<16xi32>
        %broadcast_in_dim3A_626 = vector.broadcast %jit3A_624 : i32 to vector<16xi32>
        %select_n3A_627 = arith.select %eq3A_622, %broadcast_in_dim3A_625, %broadcast_in_dim3A_626 : vector<16xi1>, vector<16xi32>
        %add3A_628 = arith.addi %add3A_619, %select_n3A_627 : vector<16xi32>
        %eq3A_629 = arith.constant 0 : i32
        %eq3A_630 = vector.broadcast %eq3A_629 : i32 to vector<16xi32>
        %eq3A_631 = arith.cmpi eq, %get3A_606, %eq3A_630 : vector<16xi32>
        %jit3A_632 = arith.constant 65280 : i32
        %jit3A_633 = arith.constant -256 : i32
        %broadcast_in_dim3A_634 = vector.broadcast %jit3A_632 : i32 to vector<16xi32>
        %broadcast_in_dim3A_635 = vector.broadcast %jit3A_633 : i32 to vector<16xi32>
        %select_n3A_636 = arith.select %eq3A_631, %broadcast_in_dim3A_634, %broadcast_in_dim3A_635 : vector<16xi1>, vector<16xi32>
        %add3A_637 = arith.addi %add3A_619, %select_n3A_636 : vector<16xi32>
        %eq3A_638 = arith.constant 0 : i32
        %eq3A_639 = vector.broadcast %eq3A_638 : i32 to vector<16xi32>
        %eq3A_640 = arith.cmpi eq, %get3A_611, %eq3A_639 : vector<16xi32>
        %jit3A_641 = arith.constant 255 : i32
        %jit3A_642 = arith.constant -1 : i32
        %broadcast_in_dim3A_643 = vector.broadcast %jit3A_641 : i32 to vector<16xi32>
        %broadcast_in_dim3A_644 = vector.broadcast %jit3A_642 : i32 to vector<16xi32>
        %select_n3A_645 = arith.select %eq3A_640, %broadcast_in_dim3A_643, %broadcast_in_dim3A_644 : vector<16xi1>, vector<16xi32>
        %add3A_646 = arith.addi %add3A_619, %select_n3A_645 : vector<16xi32>
        %swap3A_647 = arith.index_cast %scan3A_195 : i32 to index
        %swap3A_648 = arith.constant 80 : index
        %swap3A_649 = tpu.vector_load %arg7[%swap3A_647, %swap3A_648] {strides = array<i32>} : memref<32x128xi32, #tpu.memory_space<vmem>>, vector<1x16xi32>,
        %swap3A_650 = vector.shape_cast %swap3A_649 : vector<1x16xi32> to vector<16xi32>
        %swap3A_651 = vector.shape_cast %add3A_619 : vector<16xi32> to vector<1x16xi32>
        tpu.vector_store %arg7[%swap3A_647, %swap3A_648], %swap3A_651 {strides = array<i32>} : memref<32x128xi32, #tpu.memory_space<vmem>>, vector<1x16xi32>,
        %add3A_652 = arith.constant 8 : i32
        %add3A_653 = arith.addi %add3A_652, %scan3A_195 : i32
        %swap3A_654 = arith.index_cast %add3A_653 : i32 to index
        %swap3A_655 = arith.constant 80 : index
        %swap3A_656 = tpu.vector_load %arg7[%swap3A_654, %swap3A_655] {strides = array<i32>} : memref<32x128xi32, #tpu.memory_space<vmem>>, vector<1x16xi32>,
        %swap3A_657 = vector.shape_cast %swap3A_656 : vector<1x16xi32> to vector<16xi32>
        %swap3A_658 = vector.shape_cast %add3A_628 : vector<16xi32> to vector<1x16xi32>
        tpu.vector_store %arg7[%swap3A_654, %swap3A_655], %swap3A_658 {strides = array<i32>} : memref<32x128xi32, #tpu.memory_space<vmem>>, vector<1x16xi32>,
        %add3A_659 = arith.constant 16 : i32
        %add3A_660 = arith.addi %add3A_659, %scan3A_195 : i32
        %swap3A_661 = arith.index_cast %add3A_660 : i32 to index
        %swap3A_662 = arith.constant 80 : index
        %swap3A_663 = tpu.vector_load %arg7[%swap3A_661, %swap3A_662] {strides = array<i32>} : memref<32x128xi32, #tpu.memory_space<vmem>>, vector<1x16xi32>,
        %swap3A_664 = vector.shape_cast %swap3A_663 : vector<1x16xi32> to vector<16xi32>
        %swap3A_665 = vector.shape_cast %add3A_637 : vector<16xi32> to vector<1x16xi32>
        tpu.vector_store %arg7[%swap3A_661, %swap3A_662], %swap3A_665 {strides = array<i32>} : memref<32x128xi32, #tpu.memory_space<vmem>>, vector<1x16xi32>,
        %add3A_666 = arith.constant 24 : i32
        %add3A_667 = arith.addi %add3A_666, %scan3A_195 : i32
        %swap3A_668 = arith.index_cast %add3A_667 : i32 to index
        %swap3A_669 = arith.constant 80 : index
        %swap3A_670 = tpu.vector_load %arg7[%swap3A_668, %swap3A_669] {strides = array<i32>} : memref<32x128xi32, #tpu.memory_space<vmem>>, vector<1x16xi32>,
        %swap3A_671 = vector.shape_cast %swap3A_670 : vector<1x16xi32> to vector<16xi32>
        %swap3A_672 = vector.shape_cast %add3A_646 : vector<16xi32> to vector<1x16xi32>
        tpu.vector_store %arg7[%swap3A_668, %swap3A_669], %swap3A_672 {strides = array<i32>} : memref<32x128xi32, #tpu.memory_space<vmem>>, vector<1x16xi32>,
        %mul3A_673 = arith.constant 128 : i32
        %mul3A_674 = arith.muli %scan3A_195, %mul3A_673 : i32
        %add3A_675 = arith.constant 96 : i32
        %add3A_676 = arith.addi %mul3A_674, %add3A_675 : i32
        %get3A_677 = arith.constant 0 : i32
        %get3A_678 = arith.index_cast %get3A_677 : i32 to index
        %get3A_679 = arith.index_cast %add3A_676 : i32 to index
        %get3A_680 = tpu.vector_load %arg5[%get3A_678, %get3A_679] {strides = array<i32>} : memref<3x1024xi32, #tpu.memory_space<vmem>>, vector<1x16xi32>,
        %get3A_681 = vector.shape_cast %get3A_680 : vector<1x16xi32> to vector<16xi32>
        %get3A_682 = arith.constant 1 : i32
        %get3A_683 = arith.index_cast %get3A_682 : i32 to index
        %get3A_684 = arith.index_cast %add3A_676 : i32 to index
        %get3A_685 = tpu.vector_load %arg5[%get3A_683, %get3A_684] {strides = array<i32>} : memref<3x1024xi32, #tpu.memory_space<vmem>>, vector<1x16xi32>,
        %get3A_686 = vector.shape_cast %get3A_685 : vector<1x16xi32> to vector<16xi32>
        %get3A_687 = arith.constant 2 : i32
        %get3A_688 = arith.index_cast %get3A_687 : i32 to index
        %get3A_689 = arith.index_cast %add3A_676 : i32 to index
        %get3A_690 = tpu.vector_load %arg5[%get3A_688, %get3A_689] {strides = array<i32>} : memref<3x1024xi32, #tpu.memory_space<vmem>>, vector<1x16xi32>,
        %get3A_691 = vector.shape_cast %get3A_690 : vector<1x16xi32> to vector<16xi32>
        %mul3A_692 = arith.constant 65536 : i32
        %mul3A_693 = vector.broadcast %mul3A_692 : i32 to vector<16xi32>
        %mul3A_694 = arith.muli %get3A_681, %mul3A_693 : vector<16xi32>
        %mul3A_695 = arith.constant 256 : i32
        %mul3A_696 = vector.broadcast %mul3A_695 : i32 to vector<16xi32>
        %mul3A_697 = arith.muli %get3A_686, %mul3A_696 : vector<16xi32>
        %add3A_698 = arith.addi %mul3A_694, %mul3A_697 : vector<16xi32>
        %add3A_699 = arith.addi %add3A_698, %get3A_691 : vector<16xi32>
        %eq3A_700 = arith.constant 0 : i32
        %eq3A_701 = vector.broadcast %eq3A_700 : i32 to vector<16xi32>
        %eq3A_702 = arith.cmpi eq, %get3A_681, %eq3A_701 : vector<16xi32>
        %jit3A_703 = arith.constant 16711680 : i32
        %jit3A_704 = arith.constant -65536 : i32
        %broadcast_in_dim3A_705 = vector.broadcast %jit3A_703 : i32 to vector<16xi32>
        %broadcast_in_dim3A_706 = vector.broadcast %jit3A_704 : i32 to vector<16xi32>
        %select_n3A_707 = arith.select %eq3A_702, %broadcast_in_dim3A_705, %broadcast_in_dim3A_706 : vector<16xi1>, vector<16xi32>
        %add3A_708 = arith.addi %add3A_699, %select_n3A_707 : vector<16xi32>
        %eq3A_709 = arith.constant 0 : i32
        %eq3A_710 = vector.broadcast %eq3A_709 : i32 to vector<16xi32>
        %eq3A_711 = arith.cmpi eq, %get3A_686, %eq3A_710 : vector<16xi32>
        %jit3A_712 = arith.constant 65280 : i32
        %jit3A_713 = arith.constant -256 : i32
        %broadcast_in_dim3A_714 = vector.broadcast %jit3A_712 : i32 to vector<16xi32>
        %broadcast_in_dim3A_715 = vector.broadcast %jit3A_713 : i32 to vector<16xi32>
        %select_n3A_716 = arith.select %eq3A_711, %broadcast_in_dim3A_714, %broadcast_in_dim3A_715 : vector<16xi1>, vector<16xi32>
        %add3A_717 = arith.addi %add3A_699, %select_n3A_716 : vector<16xi32>
        %eq3A_718 = arith.constant 0 : i32
        %eq3A_719 = vector.broadcast %eq3A_718 : i32 to vector<16xi32>
        %eq3A_720 = arith.cmpi eq, %get3A_691, %eq3A_719 : vector<16xi32>
        %jit3A_721 = arith.constant 255 : i32
        %jit3A_722 = arith.constant -1 : i32
        %broadcast_in_dim3A_723 = vector.broadcast %jit3A_721 : i32 to vector<16xi32>
        %broadcast_in_dim3A_724 = vector.broadcast %jit3A_722 : i32 to vector<16xi32>
        %select_n3A_725 = arith.select %eq3A_720, %broadcast_in_dim3A_723, %broadcast_in_dim3A_724 : vector<16xi1>, vector<16xi32>
        %add3A_726 = arith.addi %add3A_699, %select_n3A_725 : vector<16xi32>
        %swap3A_727 = arith.index_cast %scan3A_195 : i32 to index
        %swap3A_728 = arith.constant 96 : index
        %swap3A_729 = tpu.vector_load %arg7[%swap3A_727, %swap3A_728] {strides = array<i32>} : memref<32x128xi32, #tpu.memory_space<vmem>>, vector<1x16xi32>,
        %swap3A_730 = vector.shape_cast %swap3A_729 : vector<1x16xi32> to vector<16xi32>
        %swap3A_731 = vector.shape_cast %add3A_699 : vector<16xi32> to vector<1x16xi32>
        tpu.vector_store %arg7[%swap3A_727, %swap3A_728], %swap3A_731 {strides = array<i32>} : memref<32x128xi32, #tpu.memory_space<vmem>>, vector<1x16xi32>,
        %add3A_732 = arith.constant 8 : i32
        %add3A_733 = arith.addi %add3A_732, %scan3A_195 : i32
        %swap3A_734 = arith.index_cast %add3A_733 : i32 to index
        %swap3A_735 = arith.constant 96 : index
        %swap3A_736 = tpu.vector_load %arg7[%swap3A_734, %swap3A_735] {strides = array<i32>} : memref<32x128xi32, #tpu.memory_space<vmem>>, vector<1x16xi32>,
        %swap3A_737 = vector.shape_cast %swap3A_736 : vector<1x16xi32> to vector<16xi32>
        %swap3A_738 = vector.shape_cast %add3A_708 : vector<16xi32> to vector<1x16xi32>
        tpu.vector_store %arg7[%swap3A_734, %swap3A_735], %swap3A_738 {strides = array<i32>} : memref<32x128xi32, #tpu.memory_space<vmem>>, vector<1x16xi32>,
        %add3A_739 = arith.constant 16 : i32
        %add3A_740 = arith.addi %add3A_739, %scan3A_195 : i32
        %swap3A_741 = arith.index_cast %add3A_740 : i32 to index
        %swap3A_742 = arith.constant 96 : index
        %swap3A_743 = tpu.vector_load %arg7[%swap3A_741, %swap3A_742] {strides = array<i32>} : memref<32x128xi32, #tpu.memory_space<vmem>>, vector<1x16xi32>,
        %swap3A_744 = vector.shape_cast %swap3A_743 : vector<1x16xi32> to vector<16xi32>
        %swap3A_745 = vector.shape_cast %add3A_717 : vector<16xi32> to vector<1x16xi32>
        tpu.vector_store %arg7[%swap3A_741, %swap3A_742], %swap3A_745 {strides = array<i32>} : memref<32x128xi32, #tpu.memory_space<vmem>>, vector<1x16xi32>,
        %add3A_746 = arith.constant 24 : i32
        %add3A_747 = arith.addi %add3A_746, %scan3A_195 : i32
        %swap3A_748 = arith.index_cast %add3A_747 : i32 to index
        %swap3A_749 = arith.constant 96 : index
        %swap3A_750 = tpu.vector_load %arg7[%swap3A_748, %swap3A_749] {strides = array<i32>} : memref<32x128xi32, #tpu.memory_space<vmem>>, vector<1x16xi32>,
        %swap3A_751 = vector.shape_cast %swap3A_750 : vector<1x16xi32> to vector<16xi32>
        %swap3A_752 = vector.shape_cast %add3A_726 : vector<16xi32> to vector<1x16xi32>
        tpu.vector_store %arg7[%swap3A_748, %swap3A_749], %swap3A_752 {strides = array<i32>} : memref<32x128xi32, #tpu.memory_space<vmem>>, vector<1x16xi32>,
        %mul3A_753 = arith.constant 128 : i32
        %mul3A_754 = arith.muli %scan3A_195, %mul3A_753 : i32
        %add3A_755 = arith.constant 112 : i32
        %add3A_756 = arith.addi %mul3A_754, %add3A_755 : i32
        %get3A_757 = arith.constant 0 : i32
        %get3A_758 = arith.index_cast %get3A_757 : i32 to index
        %get3A_759 = arith.index_cast %add3A_756 : i32 to index
        %get3A_760 = tpu.vector_load %arg5[%get3A_758, %get3A_759] {strides = array<i32>} : memref<3x1024xi32, #tpu.memory_space<vmem>>, vector<1x16xi32>,
        %get3A_761 = vector.shape_cast %get3A_760 : vector<1x16xi32> to vector<16xi32>
        %get3A_762 = arith.constant 1 : i32
        %get3A_763 = arith.index_cast %get3A_762 : i32 to index
        %get3A_764 = arith.index_cast %add3A_756 : i32 to index
        %get3A_765 = tpu.vector_load %arg5[%get3A_763, %get3A_764] {strides = array<i32>} : memref<3x1024xi32, #tpu.memory_space<vmem>>, vector<1x16xi32>,
        %get3A_766 = vector.shape_cast %get3A_765 : vector<1x16xi32> to vector<16xi32>
        %get3A_767 = arith.constant 2 : i32
        %get3A_768 = arith.index_cast %get3A_767 : i32 to index
        %get3A_769 = arith.index_cast %add3A_756 : i32 to index
        %get3A_770 = tpu.vector_load %arg5[%get3A_768, %get3A_769] {strides = array<i32>} : memref<3x1024xi32, #tpu.memory_space<vmem>>, vector<1x16xi32>,
        %get3A_771 = vector.shape_cast %get3A_770 : vector<1x16xi32> to vector<16xi32>
        %mul3A_772 = arith.constant 65536 : i32
        %mul3A_773 = vector.broadcast %mul3A_772 : i32 to vector<16xi32>
        %mul3A_774 = arith.muli %get3A_761, %mul3A_773 : vector<16xi32>
        %mul3A_775 = arith.constant 256 : i32
        %mul3A_776 = vector.broadcast %mul3A_775 : i32 to vector<16xi32>
        %mul3A_777 = arith.muli %get3A_766, %mul3A_776 : vector<16xi32>
        %add3A_778 = arith.addi %mul3A_774, %mul3A_777 : vector<16xi32>
        %add3A_779 = arith.addi %add3A_778, %get3A_771 : vector<16xi32>
        %eq3A_780 = arith.constant 0 : i32
        %eq3A_781 = vector.broadcast %eq3A_780 : i32 to vector<16xi32>
        %eq3A_782 = arith.cmpi eq, %get3A_761, %eq3A_781 : vector<16xi32>
        %jit3A_783 = arith.constant 16711680 : i32
        %jit3A_784 = arith.constant -65536 : i32
        %broadcast_in_dim3A_785 = vector.broadcast %jit3A_783 : i32 to vector<16xi32>
        %broadcast_in_dim3A_786 = vector.broadcast %jit3A_784 : i32 to vector<16xi32>
        %select_n3A_787 = arith.select %eq3A_782, %broadcast_in_dim3A_785, %broadcast_in_dim3A_786 : vector<16xi1>, vector<16xi32>
        %add3A_788 = arith.addi %add3A_779, %select_n3A_787 : vector<16xi32>
        %eq3A_789 = arith.constant 0 : i32
        %eq3A_790 = vector.broadcast %eq3A_789 : i32 to vector<16xi32>
        %eq3A_791 = arith.cmpi eq, %get3A_766, %eq3A_790 : vector<16xi32>
        %jit3A_792 = arith.constant 65280 : i32
        %jit3A_793 = arith.constant -256 : i32
        %broadcast_in_dim3A_794 = vector.broadcast %jit3A_792 : i32 to vector<16xi32>
        %broadcast_in_dim3A_795 = vector.broadcast %jit3A_793 : i32 to vector<16xi32>
        %select_n3A_796 = arith.select %eq3A_791, %broadcast_in_dim3A_794, %broadcast_in_dim3A_795 : vector<16xi1>, vector<16xi32>
        %add3A_797 = arith.addi %add3A_779, %select_n3A_796 : vector<16xi32>
        %eq3A_798 = arith.constant 0 : i32
        %eq3A_799 = vector.broadcast %eq3A_798 : i32 to vector<16xi32>
        %eq3A_800 = arith.cmpi eq, %get3A_771, %eq3A_799 : vector<16xi32>
        %jit3A_801 = arith.constant 255 : i32
        %jit3A_802 = arith.constant -1 : i32
        %broadcast_in_dim3A_803 = vector.broadcast %jit3A_801 : i32 to vector<16xi32>
        %broadcast_in_dim3A_804 = vector.broadcast %jit3A_802 : i32 to vector<16xi32>
        %select_n3A_805 = arith.select %eq3A_800, %broadcast_in_dim3A_803, %broadcast_in_dim3A_804 : vector<16xi1>, vector<16xi32>
        %add3A_806 = arith.addi %add3A_779, %select_n3A_805 : vector<16xi32>
        %swap3A_807 = arith.index_cast %scan3A_195 : i32 to index
        %swap3A_808 = arith.constant 112 : index
        %swap3A_809 = tpu.vector_load %arg7[%swap3A_807, %swap3A_808] {strides = array<i32>} : memref<32x128xi32, #tpu.memory_space<vmem>>, vector<1x16xi32>,
        %swap3A_810 = vector.shape_cast %swap3A_809 : vector<1x16xi32> to vector<16xi32>
        %swap3A_811 = vector.shape_cast %add3A_779 : vector<16xi32> to vector<1x16xi32>
        tpu.vector_store %arg7[%swap3A_807, %swap3A_808], %swap3A_811 {strides = array<i32>} : memref<32x128xi32, #tpu.memory_space<vmem>>, vector<1x16xi32>,
        %add3A_812 = arith.constant 8 : i32
        %add3A_813 = arith.addi %add3A_812, %scan3A_195 : i32
        %swap3A_814 = arith.index_cast %add3A_813 : i32 to index
        %swap3A_815 = arith.constant 112 : index
        %swap3A_816 = tpu.vector_load %arg7[%swap3A_814, %swap3A_815] {strides = array<i32>} : memref<32x128xi32, #tpu.memory_space<vmem>>, vector<1x16xi32>,
        %swap3A_817 = vector.shape_cast %swap3A_816 : vector<1x16xi32> to vector<16xi32>
        %swap3A_818 = vector.shape_cast %add3A_788 : vector<16xi32> to vector<1x16xi32>
        tpu.vector_store %arg7[%swap3A_814, %swap3A_815], %swap3A_818 {strides = array<i32>} : memref<32x128xi32, #tpu.memory_space<vmem>>, vector<1x16xi32>,
        %add3A_819 = arith.constant 16 : i32
        %add3A_820 = arith.addi %add3A_819, %scan3A_195 : i32
        %swap3A_821 = arith.index_cast %add3A_820 : i32 to index
        %swap3A_822 = arith.constant 112 : index
        %swap3A_823 = tpu.vector_load %arg7[%swap3A_821, %swap3A_822] {strides = array<i32>} : memref<32x128xi32, #tpu.memory_space<vmem>>, vector<1x16xi32>,
        %swap3A_824 = vector.shape_cast %swap3A_823 : vector<1x16xi32> to vector<16xi32>
        %swap3A_825 = vector.shape_cast %add3A_797 : vector<16xi32> to vector<1x16xi32>
        tpu.vector_store %arg7[%swap3A_821, %swap3A_822], %swap3A_825 {strides = array<i32>} : memref<32x128xi32, #tpu.memory_space<vmem>>, vector<1x16xi32>,
        %add3A_826 = arith.constant 24 : i32
        %add3A_827 = arith.addi %add3A_826, %scan3A_195 : i32
        %swap3A_828 = arith.index_cast %add3A_827 : i32 to index
        %swap3A_829 = arith.constant 112 : index
        %swap3A_830 = tpu.vector_load %arg7[%swap3A_828, %swap3A_829] {strides = array<i32>} : memref<32x128xi32, #tpu.memory_space<vmem>>, vector<1x16xi32>,
        %swap3A_831 = vector.shape_cast %swap3A_830 : vector<1x16xi32> to vector<16xi32>
        %swap3A_832 = vector.shape_cast %add3A_806 : vector<16xi32> to vector<1x16xi32>
        tpu.vector_store %arg7[%swap3A_828, %swap3A_829], %swap3A_832 {strides = array<i32>} : memref<32x128xi32, #tpu.memory_space<vmem>>, vector<1x16xi32>,
        %scan3A_833 = arith.constant 0 : i32
        scf.yield %scan3A_833 : i32
      }
      %scan3A_158 = arith.constant 8 : i32
      %scan3A_159 = arith.constant 0 : i32
      %scan3A_160 = arith.constant 0 : i32
      %scan3A_161 = arith.constant 8 : i32
      %scan3A_162 = arith.addi %scan3A_160, %scan3A_161 : i32
      %scan3A_163 = arith.constant 1 : i32
      %scan3A_164 = scf.for %scan3A_195 = %scan3A_160 to %scan3A_162 step %scan3A_163 iter_args(%scan3A_196 = %scan3A_159) -> (i32)  : i32 {
        %dma_start3A_197 = arith.constant 0 : i32
        %dma_start3A_198 = tpu.memref_slice %arg9[%scan3A_195, %dma_start3A_197] : memref<32x128xf32, #tpu.memory_space<vmem>> -> memref<1x128xf32, #tpu.memory_space<vmem>>
        %dma_start3A_199 = tpu.memref_squeeze %dma_start3A_198 : memref<1x128xf32, #tpu.memory_space<vmem>> -> memref<128xf32, #tpu.memory_space<vmem>>
        %dma_start3A_200 = arith.constant 0 : i32
        %dma_start3A_201 = tpu.memref_slice %arg7[%scan3A_195, %dma_start3A_200] : memref<32x128xi32, #tpu.memory_space<vmem>> -> memref<1x128xi32, #tpu.memory_space<vmem>>
        %dma_start3A_202 = tpu.memref_squeeze %dma_start3A_201 : memref<1x128xi32, #tpu.memory_space<vmem>> -> memref<128xi32, #tpu.memory_space<vmem>>
        %dma_start3A_203 = arith.constant 0 : i32
        %dma_start3A_204 = tpu.memref_slice %arg3[%scan3A_48, %dma_start3A_203] : memref<1x16777216xf32, #tpu.memory_space<hbm>> -> memref<1x16777216xf32, #tpu.memory_space<hbm>>
        %dma_start3A_205 = tpu.memref_squeeze %dma_start3A_204 : memref<1x16777216xf32, #tpu.memory_space<hbm>> -> memref<16777216xf32, #tpu.memory_space<hbm>>
        %dma_start3A_206 = arith.constant 0 : i32
        %dma_start3A_207 = tpu.memref_slice %dma_start3A_205[%dma_start3A_206] : memref<16777216xf32, #tpu.memory_space<hbm>> -> memref<16777216xf32, #tpu.memory_space<hbm>>
        tpu.enqueue_indirect_dma source(%dma_start3A_207 : memref<16777216xf32, #tpu.memory_space<hbm>>) target(%dma_start3A_199 : memref<128xf32, #tpu.memory_space<vmem>>) offsets(%dma_start3A_202 : memref<128xi32, #tpu.memory_space<vmem>>) semaphore(%arg16 : memref<!tpu.dma_semaphore, #tpu.memory_space<semaphore_mem>>)
        %add3A_208 = arith.constant 24 : i32
        %add3A_209 = arith.addi %add3A_208, %scan3A_195 : i32
        %add3A_210 = arith.constant 24 : i32
        %add3A_211 = arith.addi %add3A_210, %scan3A_195 : i32
        %dma_start3A_212 = arith.constant 0 : i32
        %dma_start3A_213 = tpu.memref_slice %arg9[%add3A_211, %dma_start3A_212] : memref<32x128xf32, #tpu.memory_space<vmem>> -> memref<1x128xf32, #tpu.memory_space<vmem>>
        %dma_start3A_214 = tpu.memref_squeeze %dma_start3A_213 : memref<1x128xf32, #tpu.memory_space<vmem>> -> memref<128xf32, #tpu.memory_space<vmem>>
        %dma_start3A_215 = arith.constant 0 : i32
        %dma_start3A_216 = tpu.memref_slice %arg7[%add3A_209, %dma_start3A_215] : memref<32x128xi32, #tpu.memory_space<vmem>> -> memref<1x128xi32, #tpu.memory_space<vmem>>
        %dma_start3A_217 = tpu.memref_squeeze %dma_start3A_216 : memref<1x128xi32, #tpu.memory_space<vmem>> -> memref<128xi32, #tpu.memory_space<vmem>>
        %dma_start3A_218 = arith.constant 0 : i32
        %dma_start3A_219 = tpu.memref_slice %arg3[%scan3A_48, %dma_start3A_218] : memref<1x16777216xf32, #tpu.memory_space<hbm>> -> memref<1x16777216xf32, #tpu.memory_space<hbm>>
        %dma_start3A_220 = tpu.memref_squeeze %dma_start3A_219 : memref<1x16777216xf32, #tpu.memory_space<hbm>> -> memref<16777216xf32, #tpu.memory_space<hbm>>
        %dma_start3A_221 = arith.constant 0 : i32
        %dma_start3A_222 = tpu.memref_slice %dma_start3A_220[%dma_start3A_221] : memref<16777216xf32, #tpu.memory_space<hbm>> -> memref<16777216xf32, #tpu.memory_space<hbm>>
        tpu.enqueue_indirect_dma source(%dma_start3A_222 : memref<16777216xf32, #tpu.memory_space<hbm>>) target(%dma_start3A_214 : memref<128xf32, #tpu.memory_space<vmem>>) offsets(%dma_start3A_217 : memref<128xi32, #tpu.memory_space<vmem>>) semaphore(%arg16 : memref<!tpu.dma_semaphore, #tpu.memory_space<semaphore_mem>>)
        %scan3A_223 = arith.constant 0 : i32
        scf.yield %scan3A_223 : i32
      }
      %scan3A_165 = arith.constant 8 : i32
      %scan3A_166 = arith.constant 0 : i32
      %scan3A_167 = arith.constant 8 : i32
      %scan3A_168 = arith.constant 16 : i32
      %scan3A_169 = arith.addi %scan3A_167, %scan3A_168 : i32
      %scan3A_170 = arith.constant 1 : i32
      %scan3A_171 = scf.for %scan3A_195 = %scan3A_167 to %scan3A_169 step %scan3A_170 iter_args(%scan3A_196 = %scan3A_166) -> (i32)  : i32 {
        %dma_start3A_197 = arith.constant 0 : i32
        %dma_start3A_198 = tpu.memref_slice %arg9[%scan3A_195, %dma_start3A_197] : memref<32x128xf32, #tpu.memory_space<vmem>> -> memref<1x128xf32, #tpu.memory_space<vmem>>
        %dma_start3A_199 = tpu.memref_squeeze %dma_start3A_198 : memref<1x128xf32, #tpu.memory_space<vmem>> -> memref<128xf32, #tpu.memory_space<vmem>>
        %dma_start3A_200 = arith.constant 0 : i32
        %dma_start3A_201 = tpu.memref_slice %arg7[%scan3A_195, %dma_start3A_200] : memref<32x128xi32, #tpu.memory_space<vmem>> -> memref<1x128xi32, #tpu.memory_space<vmem>>
        %dma_start3A_202 = tpu.memref_squeeze %dma_start3A_201 : memref<1x128xi32, #tpu.memory_space<vmem>> -> memref<128xi32, #tpu.memory_space<vmem>>
        %dma_start3A_203 = arith.constant 0 : i32
        %dma_start3A_204 = tpu.memref_slice %arg3[%scan3A_48, %dma_start3A_203] : memref<1x16777216xf32, #tpu.memory_space<hbm>> -> memref<1x16777216xf32, #tpu.memory_space<hbm>>
        %dma_start3A_205 = tpu.memref_squeeze %dma_start3A_204 : memref<1x16777216xf32, #tpu.memory_space<hbm>> -> memref<16777216xf32, #tpu.memory_space<hbm>>
        %dma_start3A_206 = arith.constant 0 : i32
        %dma_start3A_207 = tpu.memref_slice %dma_start3A_205[%dma_start3A_206] : memref<16777216xf32, #tpu.memory_space<hbm>> -> memref<16777216xf32, #tpu.memory_space<hbm>>
        tpu.enqueue_indirect_dma source(%dma_start3A_207 : memref<16777216xf32, #tpu.memory_space<hbm>>) target(%dma_start3A_199 : memref<128xf32, #tpu.memory_space<vmem>>) offsets(%dma_start3A_202 : memref<128xi32, #tpu.memory_space<vmem>>) semaphore(%arg16 : memref<!tpu.dma_semaphore, #tpu.memory_space<semaphore_mem>>)
        %scan3A_208 = arith.constant 0 : i32
        scf.yield %scan3A_208 : i32
      }
      %scan3A_172 = arith.constant 16 : i32
      %mul3A_173 = arith.constant 2 : i32
      %mul3A_174 = arith.muli %mul3A_173, %scan3A_83 : i32
      %add3A_175 = arith.constant 3 : i32
      %add3A_176 = arith.addi %mul3A_174, %add3A_175 : i32
      %lt3A_177 = arith.constant 61 : i32
      %lt3A_178 = arith.cmpi slt, %add3A_176, %lt3A_177 : i32
      %convert_element_type3A_179 = arith.extui %lt3A_178 : i1 to i32
      %cond3A_180 = arith.constant 0 : i32
      %cond3A_181 = arith.cmpi ne, %convert_element_type3A_179, %cond3A_180 : i32
      scf.if %cond3A_181 {
        %mul3A_195 = arith.constant 2 : i32
        %mul3A_196 = arith.muli %mul3A_195, %scan3A_83 : i32
        %add3A_197 = arith.constant 3 : i32
        %add3A_198 = arith.addi %mul3A_196, %add3A_197 : i32
        %mul3A_199 = arith.constant 61 : i32
        %mul3A_200 = arith.muli %add3A, %mul3A_199 : i32
        %add3A_201 = arith.addi %mul3A_200, %add3A_198 : i32
        %mul3A_202 = arith.constant 1024 : i32
        %mul3A_203 = arith.muli %add3A_201, %mul3A_202 : i32
        %dma_start3A_204 = arith.constant 0 : i32
        %dma_start3A_205 = tpu.memref_slice %arg2[%dma_start3A_204, %mul3A_203] : memref<3x2000000xi32, #tpu.memory_space<hbm>> -> memref<3x1024xi32, #tpu.memory_space<hbm>>
        %dma_start3A_206 = arith.constant 0 : i32
        %dma_start3A_207 = tpu.memref_slice %arg2[%dma_start3A_206, %mul3A_203] : memref<3x2000000xi32, #tpu.memory_space<hbm>> -> memref<3x1024xi32, #tpu.memory_space<hbm>>
        tpu.enqueue_dma source(%dma_start3A_207 : memref<3x1024xi32, #tpu.memory_space<hbm>>) target(%arg6 : memref<3x1024xi32, #tpu.memory_space<vmem>>) target_semaphore(%arg15 : memref<!tpu.dma_semaphore, #tpu.memory_space<semaphore_mem>>)
      } else {
      }
      %scan3A_182 = arith.constant 0 : i32
      %scan3A_183 = arith.constant 0 : i32
      %scan3A_184 = arith.constant 32 : i32
      %scan3A_185 = arith.addi %scan3A_183, %scan3A_184 : i32
      %scan3A_186 = arith.constant 1 : i32
      %scan3A_187 = scf.for %scan3A_195 = %scan3A_183 to %scan3A_185 step %scan3A_186 iter_args(%scan3A_196 = %scan3A_182) -> (i32)  : i32 {
        %dma_wait3A_197 = arith.constant 0 : i32
        %dma_wait3A_198 = tpu.memref_slice %arg10[%scan3A_195, %dma_wait3A_197] : memref<32x128xf32, #tpu.memory_space<vmem>> -> memref<1x128xf32, #tpu.memory_space<vmem>>
        %dma_wait3A_199 = tpu.memref_squeeze %dma_wait3A_198 : memref<1x128xf32, #tpu.memory_space<vmem>> -> memref<128xf32, #tpu.memory_space<vmem>>
        %dma_wait3A_200 = arith.constant 0 : i32
        %dma_wait3A_201 = tpu.memref_slice %arg8[%scan3A_195, %dma_wait3A_200] : memref<32x128xi32, #tpu.memory_space<vmem>> -> memref<1x128xi32, #tpu.memory_space<vmem>>
        %dma_wait3A_202 = tpu.memref_squeeze %dma_wait3A_201 : memref<1x128xi32, #tpu.memory_space<vmem>> -> memref<128xi32, #tpu.memory_space<vmem>>
        %dma_wait3A_203 = arith.constant 0 : i32
        %dma_wait3A_204 = tpu.memref_slice %arg3[%scan3A_48, %dma_wait3A_203] : memref<1x16777216xf32, #tpu.memory_space<hbm>> -> memref<1x16777216xf32, #tpu.memory_space<hbm>>
        %dma_wait3A_205 = tpu.memref_squeeze %dma_wait3A_204 : memref<1x16777216xf32, #tpu.memory_space<hbm>> -> memref<16777216xf32, #tpu.memory_space<hbm>>
        %dma_wait3A_206 = arith.constant 0 : i32
        %dma_wait3A_207 = tpu.memref_slice %dma_wait3A_205[%dma_wait3A_206] : memref<16777216xf32, #tpu.memory_space<hbm>> -> memref<16777216xf32, #tpu.memory_space<hbm>>
        tpu.wait_indirect_dma semaphore(%arg17 : memref<!tpu.dma_semaphore, #tpu.memory_space<semaphore_mem>>) src(%dma_wait3A_207 : memref<16777216xf32, #tpu.memory_space<hbm>>) dst(%dma_wait3A_199 : memref<128xf32, #tpu.memory_space<vmem>>)
        %scan3A_208 = arith.constant 0 : i32
        scf.yield %scan3A_208 : i32
      }
      %scan3A_188 = arith.constant 32 : i32
      %scan3A_189 = arith.constant 0 : i32
      %scan3A_190 = arith.constant 8 : i32
      %scan3A_191 = arith.addi %scan3A_189, %scan3A_190 : i32
      %scan3A_192 = arith.constant 1 : i32
      %scan3A_193 = scf.for %scan3A_195 = %scan3A_189 to %scan3A_191 step %scan3A_192 iter_args(%scan3A_196 = %scan3A_140) -> (vector<16xf32>)  : i32 {
        %get3A = arith.index_cast %scan3A_195 : i32 to index
        %get3A_197 = arith.constant 0 : index
        %get3A_198 = tpu.vector_load %arg10[%get3A, %get3A_197] {strides = array<i32>} : memref<32x128xf32, #tpu.memory_space<vmem>>, vector<1x16xf32>,
        %get3A_199 = vector.shape_cast %get3A_198 : vector<1x16xf32> to vector<16xf32>
        %add3A_200 = arith.constant 24 : i32
        %add3A_201 = arith.addi %add3A_200, %scan3A_195 : i32
        %get3A_202 = arith.index_cast %add3A_201 : i32 to index
        %get3A_203 = arith.constant 0 : index
        %get3A_204 = tpu.vector_load %arg10[%get3A_202, %get3A_203] {strides = array<i32>} : memref<32x128xf32, #tpu.memory_space<vmem>>, vector<1x16xf32>,
        %get3A_205 = vector.shape_cast %get3A_204 : vector<1x16xf32> to vector<16xf32>
        %add3A_206 = arith.constant 8 : i32
        %add3A_207 = arith.addi %add3A_206, %scan3A_195 : i32
        %get3A_208 = arith.index_cast %add3A_207 : i32 to index
        %get3A_209 = arith.constant 0 : index
        %get3A_210 = tpu.vector_load %arg10[%get3A_208, %get3A_209] {strides = array<i32>} : memref<32x128xf32, #tpu.memory_space<vmem>>, vector<1x16xf32>,
        %get3A_211 = vector.shape_cast %get3A_210 : vector<1x16xf32> to vector<16xf32>
        %add3A_212 = arith.constant 16 : i32
        %add3A_213 = arith.addi %add3A_212, %scan3A_195 : i32
        %get3A_214 = arith.index_cast %add3A_213 : i32 to index
        %get3A_215 = arith.constant 0 : index
        %get3A_216 = tpu.vector_load %arg10[%get3A_214, %get3A_215] {strides = array<i32>} : memref<32x128xf32, #tpu.memory_space<vmem>>, vector<1x16xf32>,
        %get3A_217 = vector.shape_cast %get3A_216 : vector<1x16xf32> to vector<16xf32>
        %sub3A = arith.subf %get3A_199, %get3A_211 : vector<16xf32>
        %sub3A_218 = arith.subf %get3A_199, %get3A_217 : vector<16xf32>
        %sub3A_219 = arith.subf %get3A_199, %get3A_205 : vector<16xf32>
        %mul3A_220 = arith.mulf %sub3A, %sub3A : vector<16xf32>
        %mul3A_221 = arith.mulf %sub3A_218, %sub3A_218 : vector<16xf32>
        %add3A_222 = arith.addf %mul3A_220, %mul3A_221 : vector<16xf32>
        %mul3A_223 = arith.mulf %sub3A_219, %sub3A_219 : vector<16xf32>
        %add3A_224 = arith.addf %add3A_222, %mul3A_223 : vector<16xf32>
        %add3A_225 = arith.addf %scan3A_196, %add3A_224 : vector<16xf32>
        %get3A_226 = arith.index_cast %scan3A_195 : i32 to index
        %get3A_227 = arith.constant 16 : index
        %get3A_228 = tpu.vector_load %arg10[%get3A_226, %get3A_227] {strides = array<i32>} : memref<32x128xf32, #tpu.memory_space<vmem>>, vector<1x16xf32>,
        %get3A_229 = vector.shape_cast %get3A_228 : vector<1x16xf32> to vector<16xf32>
        %add3A_230 = arith.constant 24 : i32
        %add3A_231 = arith.addi %add3A_230, %scan3A_195 : i32
        %get3A_232 = arith.index_cast %add3A_231 : i32 to index
        %get3A_233 = arith.constant 16 : index
        %get3A_234 = tpu.vector_load %arg10[%get3A_232, %get3A_233] {strides = array<i32>} : memref<32x128xf32, #tpu.memory_space<vmem>>, vector<1x16xf32>,
        %get3A_235 = vector.shape_cast %get3A_234 : vector<1x16xf32> to vector<16xf32>
        %add3A_236 = arith.constant 8 : i32
        %add3A_237 = arith.addi %add3A_236, %scan3A_195 : i32
        %get3A_238 = arith.index_cast %add3A_237 : i32 to index
        %get3A_239 = arith.constant 16 : index
        %get3A_240 = tpu.vector_load %arg10[%get3A_238, %get3A_239] {strides = array<i32>} : memref<32x128xf32, #tpu.memory_space<vmem>>, vector<1x16xf32>,
        %get3A_241 = vector.shape_cast %get3A_240 : vector<1x16xf32> to vector<16xf32>
        %add3A_242 = arith.constant 16 : i32
        %add3A_243 = arith.addi %add3A_242, %scan3A_195 : i32
        %get3A_244 = arith.index_cast %add3A_243 : i32 to index
        %get3A_245 = arith.constant 16 : index
        %get3A_246 = tpu.vector_load %arg10[%get3A_244, %get3A_245] {strides = array<i32>} : memref<32x128xf32, #tpu.memory_space<vmem>>, vector<1x16xf32>,
        %get3A_247 = vector.shape_cast %get3A_246 : vector<1x16xf32> to vector<16xf32>
        %sub3A_248 = arith.subf %get3A_229, %get3A_241 : vector<16xf32>
        %sub3A_249 = arith.subf %get3A_229, %get3A_247 : vector<16xf32>
        %sub3A_250 = arith.subf %get3A_229, %get3A_235 : vector<16xf32>
        %mul3A_251 = arith.mulf %sub3A_248, %sub3A_248 : vector<16xf32>
        %mul3A_252 = arith.mulf %sub3A_249, %sub3A_249 : vector<16xf32>
        %add3A_253 = arith.addf %mul3A_251, %mul3A_252 : vector<16xf32>
        %mul3A_254 = arith.mulf %sub3A_250, %sub3A_250 : vector<16xf32>
        %add3A_255 = arith.addf %add3A_253, %mul3A_254 : vector<16xf32>
        %add3A_256 = arith.addf %add3A_225, %add3A_255 : vector<16xf32>
        %get3A_257 = arith.index_cast %scan3A_195 : i32 to index
        %get3A_258 = arith.constant 32 : index
        %get3A_259 = tpu.vector_load %arg10[%get3A_257, %get3A_258] {strides = array<i32>} : memref<32x128xf32, #tpu.memory_space<vmem>>, vector<1x16xf32>,
        %get3A_260 = vector.shape_cast %get3A_259 : vector<1x16xf32> to vector<16xf32>
        %add3A_261 = arith.constant 24 : i32
        %add3A_262 = arith.addi %add3A_261, %scan3A_195 : i32
        %get3A_263 = arith.index_cast %add3A_262 : i32 to index
        %get3A_264 = arith.constant 32 : index
        %get3A_265 = tpu.vector_load %arg10[%get3A_263, %get3A_264] {strides = array<i32>} : memref<32x128xf32, #tpu.memory_space<vmem>>, vector<1x16xf32>,
        %get3A_266 = vector.shape_cast %get3A_265 : vector<1x16xf32> to vector<16xf32>
        %add3A_267 = arith.constant 8 : i32
        %add3A_268 = arith.addi %add3A_267, %scan3A_195 : i32
        %get3A_269 = arith.index_cast %add3A_268 : i32 to index
        %get3A_270 = arith.constant 32 : index
        %get3A_271 = tpu.vector_load %arg10[%get3A_269, %get3A_270] {strides = array<i32>} : memref<32x128xf32, #tpu.memory_space<vmem>>, vector<1x16xf32>,
        %get3A_272 = vector.shape_cast %get3A_271 : vector<1x16xf32> to vector<16xf32>
        %add3A_273 = arith.constant 16 : i32
        %add3A_274 = arith.addi %add3A_273, %scan3A_195 : i32
        %get3A_275 = arith.index_cast %add3A_274 : i32 to index
        %get3A_276 = arith.constant 32 : index
        %get3A_277 = tpu.vector_load %arg10[%get3A_275, %get3A_276] {strides = array<i32>} : memref<32x128xf32, #tpu.memory_space<vmem>>, vector<1x16xf32>,
        %get3A_278 = vector.shape_cast %get3A_277 : vector<1x16xf32> to vector<16xf32>
        %sub3A_279 = arith.subf %get3A_260, %get3A_272 : vector<16xf32>
        %sub3A_280 = arith.subf %get3A_260, %get3A_278 : vector<16xf32>
        %sub3A_281 = arith.subf %get3A_260, %get3A_266 : vector<16xf32>
        %mul3A_282 = arith.mulf %sub3A_279, %sub3A_279 : vector<16xf32>
        %mul3A_283 = arith.mulf %sub3A_280, %sub3A_280 : vector<16xf32>
        %add3A_284 = arith.addf %mul3A_282, %mul3A_283 : vector<16xf32>
        %mul3A_285 = arith.mulf %sub3A_281, %sub3A_281 : vector<16xf32>
        %add3A_286 = arith.addf %add3A_284, %mul3A_285 : vector<16xf32>
        %add3A_287 = arith.addf %add3A_256, %add3A_286 : vector<16xf32>
        %get3A_288 = arith.index_cast %scan3A_195 : i32 to index
        %get3A_289 = arith.constant 48 : index
        %get3A_290 = tpu.vector_load %arg10[%get3A_288, %get3A_289] {strides = array<i32>} : memref<32x128xf32, #tpu.memory_space<vmem>>, vector<1x16xf32>,
        %get3A_291 = vector.shape_cast %get3A_290 : vector<1x16xf32> to vector<16xf32>
        %add3A_292 = arith.constant 24 : i32
        %add3A_293 = arith.addi %add3A_292, %scan3A_195 : i32
        %get3A_294 = arith.index_cast %add3A_293 : i32 to index
        %get3A_295 = arith.constant 48 : index
        %get3A_296 = tpu.vector_load %arg10[%get3A_294, %get3A_295] {strides = array<i32>} : memref<32x128xf32, #tpu.memory_space<vmem>>, vector<1x16xf32>,
        %get3A_297 = vector.shape_cast %get3A_296 : vector<1x16xf32> to vector<16xf32>
        %add3A_298 = arith.constant 8 : i32
        %add3A_299 = arith.addi %add3A_298, %scan3A_195 : i32
        %get3A_300 = arith.index_cast %add3A_299 : i32 to index
        %get3A_301 = arith.constant 48 : index
        %get3A_302 = tpu.vector_load %arg10[%get3A_300, %get3A_301] {strides = array<i32>} : memref<32x128xf32, #tpu.memory_space<vmem>>, vector<1x16xf32>,
        %get3A_303 = vector.shape_cast %get3A_302 : vector<1x16xf32> to vector<16xf32>
        %add3A_304 = arith.constant 16 : i32
        %add3A_305 = arith.addi %add3A_304, %scan3A_195 : i32
        %get3A_306 = arith.index_cast %add3A_305 : i32 to index
        %get3A_307 = arith.constant 48 : index
        %get3A_308 = tpu.vector_load %arg10[%get3A_306, %get3A_307] {strides = array<i32>} : memref<32x128xf32, #tpu.memory_space<vmem>>, vector<1x16xf32>,
        %get3A_309 = vector.shape_cast %get3A_308 : vector<1x16xf32> to vector<16xf32>
        %sub3A_310 = arith.subf %get3A_291, %get3A_303 : vector<16xf32>
        %sub3A_311 = arith.subf %get3A_291, %get3A_309 : vector<16xf32>
        %sub3A_312 = arith.subf %get3A_291, %get3A_297 : vector<16xf32>
        %mul3A_313 = arith.mulf %sub3A_310, %sub3A_310 : vector<16xf32>
        %mul3A_314 = arith.mulf %sub3A_311, %sub3A_311 : vector<16xf32>
        %add3A_315 = arith.addf %mul3A_313, %mul3A_314 : vector<16xf32>
        %mul3A_316 = arith.mulf %sub3A_312, %sub3A_312 : vector<16xf32>
        %add3A_317 = arith.addf %add3A_315, %mul3A_316 : vector<16xf32>
        %add3A_318 = arith.addf %add3A_287, %add3A_317 : vector<16xf32>
        %get3A_319 = arith.index_cast %scan3A_195 : i32 to index
        %get3A_320 = arith.constant 64 : index
        %get3A_321 = tpu.vector_load %arg10[%get3A_319, %get3A_320] {strides = array<i32>} : memref<32x128xf32, #tpu.memory_space<vmem>>, vector<1x16xf32>,
        %get3A_322 = vector.shape_cast %get3A_321 : vector<1x16xf32> to vector<16xf32>
        %add3A_323 = arith.constant 24 : i32
        %add3A_324 = arith.addi %add3A_323, %scan3A_195 : i32
        %get3A_325 = arith.index_cast %add3A_324 : i32 to index
        %get3A_326 = arith.constant 64 : index
        %get3A_327 = tpu.vector_load %arg10[%get3A_325, %get3A_326] {strides = array<i32>} : memref<32x128xf32, #tpu.memory_space<vmem>>, vector<1x16xf32>,
        %get3A_328 = vector.shape_cast %get3A_327 : vector<1x16xf32> to vector<16xf32>
        %add3A_329 = arith.constant 8 : i32
        %add3A_330 = arith.addi %add3A_329, %scan3A_195 : i32
        %get3A_331 = arith.index_cast %add3A_330 : i32 to index
        %get3A_332 = arith.constant 64 : index
        %get3A_333 = tpu.vector_load %arg10[%get3A_331, %get3A_332] {strides = array<i32>} : memref<32x128xf32, #tpu.memory_space<vmem>>, vector<1x16xf32>,
        %get3A_334 = vector.shape_cast %get3A_333 : vector<1x16xf32> to vector<16xf32>
        %add3A_335 = arith.constant 16 : i32
        %add3A_336 = arith.addi %add3A_335, %scan3A_195 : i32
        %get3A_337 = arith.index_cast %add3A_336 : i32 to index
        %get3A_338 = arith.constant 64 : index
        %get3A_339 = tpu.vector_load %arg10[%get3A_337, %get3A_338] {strides = array<i32>} : memref<32x128xf32, #tpu.memory_space<vmem>>, vector<1x16xf32>,
        %get3A_340 = vector.shape_cast %get3A_339 : vector<1x16xf32> to vector<16xf32>
        %sub3A_341 = arith.subf %get3A_322, %get3A_334 : vector<16xf32>
        %sub3A_342 = arith.subf %get3A_322, %get3A_340 : vector<16xf32>
        %sub3A_343 = arith.subf %get3A_322, %get3A_328 : vector<16xf32>
        %mul3A_344 = arith.mulf %sub3A_341, %sub3A_341 : vector<16xf32>
        %mul3A_345 = arith.mulf %sub3A_342, %sub3A_342 : vector<16xf32>
        %add3A_346 = arith.addf %mul3A_344, %mul3A_345 : vector<16xf32>
        %mul3A_347 = arith.mulf %sub3A_343, %sub3A_343 : vector<16xf32>
        %add3A_348 = arith.addf %add3A_346, %mul3A_347 : vector<16xf32>
        %add3A_349 = arith.addf %add3A_318, %add3A_348 : vector<16xf32>
        %get3A_350 = arith.index_cast %scan3A_195 : i32 to index
        %get3A_351 = arith.constant 80 : index
        %get3A_352 = tpu.vector_load %arg10[%get3A_350, %get3A_351] {strides = array<i32>} : memref<32x128xf32, #tpu.memory_space<vmem>>, vector<1x16xf32>,
        %get3A_353 = vector.shape_cast %get3A_352 : vector<1x16xf32> to vector<16xf32>
        %add3A_354 = arith.constant 24 : i32
        %add3A_355 = arith.addi %add3A_354, %scan3A_195 : i32
        %get3A_356 = arith.index_cast %add3A_355 : i32 to index
        %get3A_357 = arith.constant 80 : index
        %get3A_358 = tpu.vector_load %arg10[%get3A_356, %get3A_357] {strides = array<i32>} : memref<32x128xf32, #tpu.memory_space<vmem>>, vector<1x16xf32>,
        %get3A_359 = vector.shape_cast %get3A_358 : vector<1x16xf32> to vector<16xf32>
        %add3A_360 = arith.constant 8 : i32
        %add3A_361 = arith.addi %add3A_360, %scan3A_195 : i32
        %get3A_362 = arith.index_cast %add3A_361 : i32 to index
        %get3A_363 = arith.constant 80 : index
        %get3A_364 = tpu.vector_load %arg10[%get3A_362, %get3A_363] {strides = array<i32>} : memref<32x128xf32, #tpu.memory_space<vmem>>, vector<1x16xf32>,
        %get3A_365 = vector.shape_cast %get3A_364 : vector<1x16xf32> to vector<16xf32>
        %add3A_366 = arith.constant 16 : i32
        %add3A_367 = arith.addi %add3A_366, %scan3A_195 : i32
        %get3A_368 = arith.index_cast %add3A_367 : i32 to index
        %get3A_369 = arith.constant 80 : index
        %get3A_370 = tpu.vector_load %arg10[%get3A_368, %get3A_369] {strides = array<i32>} : memref<32x128xf32, #tpu.memory_space<vmem>>, vector<1x16xf32>,
        %get3A_371 = vector.shape_cast %get3A_370 : vector<1x16xf32> to vector<16xf32>
        %sub3A_372 = arith.subf %get3A_353, %get3A_365 : vector<16xf32>
        %sub3A_373 = arith.subf %get3A_353, %get3A_371 : vector<16xf32>
        %sub3A_374 = arith.subf %get3A_353, %get3A_359 : vector<16xf32>
        %mul3A_375 = arith.mulf %sub3A_372, %sub3A_372 : vector<16xf32>
        %mul3A_376 = arith.mulf %sub3A_373, %sub3A_373 : vector<16xf32>
        %add3A_377 = arith.addf %mul3A_375, %mul3A_376 : vector<16xf32>
        %mul3A_378 = arith.mulf %sub3A_374, %sub3A_374 : vector<16xf32>
        %add3A_379 = arith.addf %add3A_377, %mul3A_378 : vector<16xf32>
        %add3A_380 = arith.addf %add3A_349, %add3A_379 : vector<16xf32>
        %get3A_381 = arith.index_cast %scan3A_195 : i32 to index
        %get3A_382 = arith.constant 96 : index
        %get3A_383 = tpu.vector_load %arg10[%get3A_381, %get3A_382] {strides = array<i32>} : memref<32x128xf32, #tpu.memory_space<vmem>>, vector<1x16xf32>,
        %get3A_384 = vector.shape_cast %get3A_383 : vector<1x16xf32> to vector<16xf32>
        %add3A_385 = arith.constant 24 : i32
        %add3A_386 = arith.addi %add3A_385, %scan3A_195 : i32
        %get3A_387 = arith.index_cast %add3A_386 : i32 to index
        %get3A_388 = arith.constant 96 : index
        %get3A_389 = tpu.vector_load %arg10[%get3A_387, %get3A_388] {strides = array<i32>} : memref<32x128xf32, #tpu.memory_space<vmem>>, vector<1x16xf32>,
        %get3A_390 = vector.shape_cast %get3A_389 : vector<1x16xf32> to vector<16xf32>
        %add3A_391 = arith.constant 8 : i32
        %add3A_392 = arith.addi %add3A_391, %scan3A_195 : i32
        %get3A_393 = arith.index_cast %add3A_392 : i32 to index
        %get3A_394 = arith.constant 96 : index
        %get3A_395 = tpu.vector_load %arg10[%get3A_393, %get3A_394] {strides = array<i32>} : memref<32x128xf32, #tpu.memory_space<vmem>>, vector<1x16xf32>,
        %get3A_396 = vector.shape_cast %get3A_395 : vector<1x16xf32> to vector<16xf32>
        %add3A_397 = arith.constant 16 : i32
        %add3A_398 = arith.addi %add3A_397, %scan3A_195 : i32
        %get3A_399 = arith.index_cast %add3A_398 : i32 to index
        %get3A_400 = arith.constant 96 : index
        %get3A_401 = tpu.vector_load %arg10[%get3A_399, %get3A_400] {strides = array<i32>} : memref<32x128xf32, #tpu.memory_space<vmem>>, vector<1x16xf32>,
        %get3A_402 = vector.shape_cast %get3A_401 : vector<1x16xf32> to vector<16xf32>
        %sub3A_403 = arith.subf %get3A_384, %get3A_396 : vector<16xf32>
        %sub3A_404 = arith.subf %get3A_384, %get3A_402 : vector<16xf32>
        %sub3A_405 = arith.subf %get3A_384, %get3A_390 : vector<16xf32>
        %mul3A_406 = arith.mulf %sub3A_403, %sub3A_403 : vector<16xf32>
        %mul3A_407 = arith.mulf %sub3A_404, %sub3A_404 : vector<16xf32>
        %add3A_408 = arith.addf %mul3A_406, %mul3A_407 : vector<16xf32>
        %mul3A_409 = arith.mulf %sub3A_405, %sub3A_405 : vector<16xf32>
        %add3A_410 = arith.addf %add3A_408, %mul3A_409 : vector<16xf32>
        %add3A_411 = arith.addf %add3A_380, %add3A_410 : vector<16xf32>
        %get3A_412 = arith.index_cast %scan3A_195 : i32 to index
        %get3A_413 = arith.constant 112 : index
        %get3A_414 = tpu.vector_load %arg10[%get3A_412, %get3A_413] {strides = array<i32>} : memref<32x128xf32, #tpu.memory_space<vmem>>, vector<1x16xf32>,
        %get3A_415 = vector.shape_cast %get3A_414 : vector<1x16xf32> to vector<16xf32>
        %add3A_416 = arith.constant 24 : i32
        %add3A_417 = arith.addi %add3A_416, %scan3A_195 : i32
        %get3A_418 = arith.index_cast %add3A_417 : i32 to index
        %get3A_419 = arith.constant 112 : index
        %get3A_420 = tpu.vector_load %arg10[%get3A_418, %get3A_419] {strides = array<i32>} : memref<32x128xf32, #tpu.memory_space<vmem>>, vector<1x16xf32>,
        %get3A_421 = vector.shape_cast %get3A_420 : vector<1x16xf32> to vector<16xf32>
        %add3A_422 = arith.constant 8 : i32
        %add3A_423 = arith.addi %add3A_422, %scan3A_195 : i32
        %get3A_424 = arith.index_cast %add3A_423 : i32 to index
        %get3A_425 = arith.constant 112 : index
        %get3A_426 = tpu.vector_load %arg10[%get3A_424, %get3A_425] {strides = array<i32>} : memref<32x128xf32, #tpu.memory_space<vmem>>, vector<1x16xf32>,
        %get3A_427 = vector.shape_cast %get3A_426 : vector<1x16xf32> to vector<16xf32>
        %add3A_428 = arith.constant 16 : i32
        %add3A_429 = arith.addi %add3A_428, %scan3A_195 : i32
        %get3A_430 = arith.index_cast %add3A_429 : i32 to index
        %get3A_431 = arith.constant 112 : index
        %get3A_432 = tpu.vector_load %arg10[%get3A_430, %get3A_431] {strides = array<i32>} : memref<32x128xf32, #tpu.memory_space<vmem>>, vector<1x16xf32>,
        %get3A_433 = vector.shape_cast %get3A_432 : vector<1x16xf32> to vector<16xf32>
        %sub3A_434 = arith.subf %get3A_415, %get3A_427 : vector<16xf32>
        %sub3A_435 = arith.subf %get3A_415, %get3A_433 : vector<16xf32>
        %sub3A_436 = arith.subf %get3A_415, %get3A_421 : vector<16xf32>
        %mul3A_437 = arith.mulf %sub3A_434, %sub3A_434 : vector<16xf32>
        %mul3A_438 = arith.mulf %sub3A_435, %sub3A_435 : vector<16xf32>
        %add3A_439 = arith.addf %mul3A_437, %mul3A_438 : vector<16xf32>
        %mul3A_440 = arith.mulf %sub3A_436, %sub3A_436 : vector<16xf32>
        %add3A_441 = arith.addf %add3A_439, %mul3A_440 : vector<16xf32>
        %add3A_442 = arith.addf %add3A_411, %add3A_441 : vector<16xf32>
        scf.yield %add3A_442 : vector<16xf32>
      }
      %scan3A_194 = arith.constant 8 : i32
      scf.yield %scan3A_193 : vector<16xf32>
    }
    %scan3A_54 = arith.constant 30 : i32
    %scan3A_55 = arith.constant 0 : i32
    %scan3A_56 = arith.constant 0 : i32
    %scan3A_57 = arith.constant 0 : i32
    %scan3A_58 = arith.constant 32 : i32
    %scan3A_59 = arith.addi %scan3A_57, %scan3A_58 : i32
    %scan3A_60 = arith.constant 1 : i32
    %scan3A_61 = scf.for %scan3A_83 = %scan3A_57 to %scan3A_59 step %scan3A_60 iter_args(%scan3A_84 = %scan3A_56) -> (i32)  : i32 {
      %dma_wait3A_85 = arith.constant 0 : i32
      %dma_wait3A_86 = tpu.memref_slice %arg9[%scan3A_83, %dma_wait3A_85] : memref<32x128xf32, #tpu.memory_space<vmem>> -> memref<1x128xf32, #tpu.memory_space<vmem>>
      %dma_wait3A_87 = tpu.memref_squeeze %dma_wait3A_86 : memref<1x128xf32, #tpu.memory_space<vmem>> -> memref<128xf32, #tpu.memory_space<vmem>>
      %dma_wait3A_88 = arith.constant 0 : i32
      %dma_wait3A_89 = tpu.memref_slice %arg7[%scan3A_83, %dma_wait3A_88] : memref<32x128xi32, #tpu.memory_space<vmem>> -> memref<1x128xi32, #tpu.memory_space<vmem>>
      %dma_wait3A_90 = tpu.memref_squeeze %dma_wait3A_89 : memref<1x128xi32, #tpu.memory_space<vmem>> -> memref<128xi32, #tpu.memory_space<vmem>>
      %dma_wait3A_91 = arith.constant 0 : i32
      %dma_wait3A_92 = tpu.memref_slice %arg3[%scan3A_55, %dma_wait3A_91] : memref<1x16777216xf32, #tpu.memory_space<hbm>> -> memref<1x16777216xf32, #tpu.memory_space<hbm>>
      %dma_wait3A_93 = tpu.memref_squeeze %dma_wait3A_92 : memref<1x16777216xf32, #tpu.memory_space<hbm>> -> memref<16777216xf32, #tpu.memory_space<hbm>>
      %dma_wait3A_94 = arith.constant 0 : i32
      %dma_wait3A_95 = tpu.memref_slice %dma_wait3A_93[%dma_wait3A_94] : memref<16777216xf32, #tpu.memory_space<hbm>> -> memref<16777216xf32, #tpu.memory_space<hbm>>
      tpu.wait_indirect_dma semaphore(%arg16 : memref<!tpu.dma_semaphore, #tpu.memory_space<semaphore_mem>>) src(%dma_wait3A_95 : memref<16777216xf32, #tpu.memory_space<hbm>>) dst(%dma_wait3A_87 : memref<128xf32, #tpu.memory_space<vmem>>)
      %scan3A_96 = arith.constant 0 : i32
      scf.yield %scan3A_96 : i32
    }
    %scan3A_62 = arith.constant 32 : i32
    %scan3A_63 = arith.constant 0 : i32
    %scan3A_64 = arith.constant 8 : i32
    %scan3A_65 = arith.addi %scan3A_63, %scan3A_64 : i32
    %scan3A_66 = arith.constant 1 : i32
    %scan3A_67 = scf.for %scan3A_83 = %scan3A_63 to %scan3A_65 step %scan3A_66 iter_args(%scan3A_84 = %scan3A_53) -> (vector<16xf32>)  : i32 {
      %get3A = arith.index_cast %scan3A_83 : i32 to index
      %get3A_85 = arith.constant 0 : index
      %get3A_86 = tpu.vector_load %arg9[%get3A, %get3A_85] {strides = array<i32>} : memref<32x128xf32, #tpu.memory_space<vmem>>, vector<1x16xf32>,
      %get3A_87 = vector.shape_cast %get3A_86 : vector<1x16xf32> to vector<16xf32>
      %add3A_88 = arith.constant 24 : i32
      %add3A_89 = arith.addi %add3A_88, %scan3A_83 : i32
      %get3A_90 = arith.index_cast %add3A_89 : i32 to index
      %get3A_91 = arith.constant 0 : index
      %get3A_92 = tpu.vector_load %arg9[%get3A_90, %get3A_91] {strides = array<i32>} : memref<32x128xf32, #tpu.memory_space<vmem>>, vector<1x16xf32>,
      %get3A_93 = vector.shape_cast %get3A_92 : vector<1x16xf32> to vector<16xf32>
      %add3A_94 = arith.constant 8 : i32
      %add3A_95 = arith.addi %add3A_94, %scan3A_83 : i32
      %get3A_96 = arith.index_cast %add3A_95 : i32 to index
      %get3A_97 = arith.constant 0 : index
      %get3A_98 = tpu.vector_load %arg9[%get3A_96, %get3A_97] {strides = array<i32>} : memref<32x128xf32, #tpu.memory_space<vmem>>, vector<1x16xf32>,
      %get3A_99 = vector.shape_cast %get3A_98 : vector<1x16xf32> to vector<16xf32>
      %add3A_100 = arith.constant 16 : i32
      %add3A_101 = arith.addi %add3A_100, %scan3A_83 : i32
      %get3A_102 = arith.index_cast %add3A_101 : i32 to index
      %get3A_103 = arith.constant 0 : index
      %get3A_104 = tpu.vector_load %arg9[%get3A_102, %get3A_103] {strides = array<i32>} : memref<32x128xf32, #tpu.memory_space<vmem>>, vector<1x16xf32>,
      %get3A_105 = vector.shape_cast %get3A_104 : vector<1x16xf32> to vector<16xf32>
      %sub3A = arith.subf %get3A_87, %get3A_99 : vector<16xf32>
      %sub3A_106 = arith.subf %get3A_87, %get3A_105 : vector<16xf32>
      %sub3A_107 = arith.subf %get3A_87, %get3A_93 : vector<16xf32>
      %mul3A_108 = arith.mulf %sub3A, %sub3A : vector<16xf32>
      %mul3A_109 = arith.mulf %sub3A_106, %sub3A_106 : vector<16xf32>
      %add3A_110 = arith.addf %mul3A_108, %mul3A_109 : vector<16xf32>
      %mul3A_111 = arith.mulf %sub3A_107, %sub3A_107 : vector<16xf32>
      %add3A_112 = arith.addf %add3A_110, %mul3A_111 : vector<16xf32>
      %add3A_113 = arith.addf %scan3A_84, %add3A_112 : vector<16xf32>
      %get3A_114 = arith.index_cast %scan3A_83 : i32 to index
      %get3A_115 = arith.constant 16 : index
      %get3A_116 = tpu.vector_load %arg9[%get3A_114, %get3A_115] {strides = array<i32>} : memref<32x128xf32, #tpu.memory_space<vmem>>, vector<1x16xf32>,
      %get3A_117 = vector.shape_cast %get3A_116 : vector<1x16xf32> to vector<16xf32>
      %add3A_118 = arith.constant 24 : i32
      %add3A_119 = arith.addi %add3A_118, %scan3A_83 : i32
      %get3A_120 = arith.index_cast %add3A_119 : i32 to index
      %get3A_121 = arith.constant 16 : index
      %get3A_122 = tpu.vector_load %arg9[%get3A_120, %get3A_121] {strides = array<i32>} : memref<32x128xf32, #tpu.memory_space<vmem>>, vector<1x16xf32>,
      %get3A_123 = vector.shape_cast %get3A_122 : vector<1x16xf32> to vector<16xf32>
      %add3A_124 = arith.constant 8 : i32
      %add3A_125 = arith.addi %add3A_124, %scan3A_83 : i32
      %get3A_126 = arith.index_cast %add3A_125 : i32 to index
      %get3A_127 = arith.constant 16 : index
      %get3A_128 = tpu.vector_load %arg9[%get3A_126, %get3A_127] {strides = array<i32>} : memref<32x128xf32, #tpu.memory_space<vmem>>, vector<1x16xf32>,
      %get3A_129 = vector.shape_cast %get3A_128 : vector<1x16xf32> to vector<16xf32>
      %add3A_130 = arith.constant 16 : i32
      %add3A_131 = arith.addi %add3A_130, %scan3A_83 : i32
      %get3A_132 = arith.index_cast %add3A_131 : i32 to index
      %get3A_133 = arith.constant 16 : index
      %get3A_134 = tpu.vector_load %arg9[%get3A_132, %get3A_133] {strides = array<i32>} : memref<32x128xf32, #tpu.memory_space<vmem>>, vector<1x16xf32>,
      %get3A_135 = vector.shape_cast %get3A_134 : vector<1x16xf32> to vector<16xf32>
      %sub3A_136 = arith.subf %get3A_117, %get3A_129 : vector<16xf32>
      %sub3A_137 = arith.subf %get3A_117, %get3A_135 : vector<16xf32>
      %sub3A_138 = arith.subf %get3A_117, %get3A_123 : vector<16xf32>
      %mul3A_139 = arith.mulf %sub3A_136, %sub3A_136 : vector<16xf32>
      %mul3A_140 = arith.mulf %sub3A_137, %sub3A_137 : vector<16xf32>
      %add3A_141 = arith.addf %mul3A_139, %mul3A_140 : vector<16xf32>
      %mul3A_142 = arith.mulf %sub3A_138, %sub3A_138 : vector<16xf32>
      %add3A_143 = arith.addf %add3A_141, %mul3A_142 : vector<16xf32>
      %add3A_144 = arith.addf %add3A_113, %add3A_143 : vector<16xf32>
      %get3A_145 = arith.index_cast %scan3A_83 : i32 to index
      %get3A_146 = arith.constant 32 : index
      %get3A_147 = tpu.vector_load %arg9[%get3A_145, %get3A_146] {strides = array<i32>} : memref<32x128xf32, #tpu.memory_space<vmem>>, vector<1x16xf32>,
      %get3A_148 = vector.shape_cast %get3A_147 : vector<1x16xf32> to vector<16xf32>
      %add3A_149 = arith.constant 24 : i32
      %add3A_150 = arith.addi %add3A_149, %scan3A_83 : i32
      %get3A_151 = arith.index_cast %add3A_150 : i32 to index
      %get3A_152 = arith.constant 32 : index
      %get3A_153 = tpu.vector_load %arg9[%get3A_151, %get3A_152] {strides = array<i32>} : memref<32x128xf32, #tpu.memory_space<vmem>>, vector<1x16xf32>,
      %get3A_154 = vector.shape_cast %get3A_153 : vector<1x16xf32> to vector<16xf32>
      %add3A_155 = arith.constant 8 : i32
      %add3A_156 = arith.addi %add3A_155, %scan3A_83 : i32
      %get3A_157 = arith.index_cast %add3A_156 : i32 to index
      %get3A_158 = arith.constant 32 : index
      %get3A_159 = tpu.vector_load %arg9[%get3A_157, %get3A_158] {strides = array<i32>} : memref<32x128xf32, #tpu.memory_space<vmem>>, vector<1x16xf32>,
      %get3A_160 = vector.shape_cast %get3A_159 : vector<1x16xf32> to vector<16xf32>
      %add3A_161 = arith.constant 16 : i32
      %add3A_162 = arith.addi %add3A_161, %scan3A_83 : i32
      %get3A_163 = arith.index_cast %add3A_162 : i32 to index
      %get3A_164 = arith.constant 32 : index
      %get3A_165 = tpu.vector_load %arg9[%get3A_163, %get3A_164] {strides = array<i32>} : memref<32x128xf32, #tpu.memory_space<vmem>>, vector<1x16xf32>,
      %get3A_166 = vector.shape_cast %get3A_165 : vector<1x16xf32> to vector<16xf32>
      %sub3A_167 = arith.subf %get3A_148, %get3A_160 : vector<16xf32>
      %sub3A_168 = arith.subf %get3A_148, %get3A_166 : vector<16xf32>
      %sub3A_169 = arith.subf %get3A_148, %get3A_154 : vector<16xf32>
      %mul3A_170 = arith.mulf %sub3A_167, %sub3A_167 : vector<16xf32>
      %mul3A_171 = arith.mulf %sub3A_168, %sub3A_168 : vector<16xf32>
      %add3A_172 = arith.addf %mul3A_170, %mul3A_171 : vector<16xf32>
      %mul3A_173 = arith.mulf %sub3A_169, %sub3A_169 : vector<16xf32>
      %add3A_174 = arith.addf %add3A_172, %mul3A_173 : vector<16xf32>
      %add3A_175 = arith.addf %add3A_144, %add3A_174 : vector<16xf32>
      %get3A_176 = arith.index_cast %scan3A_83 : i32 to index
      %get3A_177 = arith.constant 48 : index
      %get3A_178 = tpu.vector_load %arg9[%get3A_176, %get3A_177] {strides = array<i32>} : memref<32x128xf32, #tpu.memory_space<vmem>>, vector<1x16xf32>,
      %get3A_179 = vector.shape_cast %get3A_178 : vector<1x16xf32> to vector<16xf32>
      %add3A_180 = arith.constant 24 : i32
      %add3A_181 = arith.addi %add3A_180, %scan3A_83 : i32
      %get3A_182 = arith.index_cast %add3A_181 : i32 to index
      %get3A_183 = arith.constant 48 : index
      %get3A_184 = tpu.vector_load %arg9[%get3A_182, %get3A_183] {strides = array<i32>} : memref<32x128xf32, #tpu.memory_space<vmem>>, vector<1x16xf32>,
      %get3A_185 = vector.shape_cast %get3A_184 : vector<1x16xf32> to vector<16xf32>
      %add3A_186 = arith.constant 8 : i32
      %add3A_187 = arith.addi %add3A_186, %scan3A_83 : i32
      %get3A_188 = arith.index_cast %add3A_187 : i32 to index
      %get3A_189 = arith.constant 48 : index
      %get3A_190 = tpu.vector_load %arg9[%get3A_188, %get3A_189] {strides = array<i32>} : memref<32x128xf32, #tpu.memory_space<vmem>>, vector<1x16xf32>,
      %get3A_191 = vector.shape_cast %get3A_190 : vector<1x16xf32> to vector<16xf32>
      %add3A_192 = arith.constant 16 : i32
      %add3A_193 = arith.addi %add3A_192, %scan3A_83 : i32
      %get3A_194 = arith.index_cast %add3A_193 : i32 to index
      %get3A_195 = arith.constant 48 : index
      %get3A_196 = tpu.vector_load %arg9[%get3A_194, %get3A_195] {strides = array<i32>} : memref<32x128xf32, #tpu.memory_space<vmem>>, vector<1x16xf32>,
      %get3A_197 = vector.shape_cast %get3A_196 : vector<1x16xf32> to vector<16xf32>
      %sub3A_198 = arith.subf %get3A_179, %get3A_191 : vector<16xf32>
      %sub3A_199 = arith.subf %get3A_179, %get3A_197 : vector<16xf32>
      %sub3A_200 = arith.subf %get3A_179, %get3A_185 : vector<16xf32>
      %mul3A_201 = arith.mulf %sub3A_198, %sub3A_198 : vector<16xf32>
      %mul3A_202 = arith.mulf %sub3A_199, %sub3A_199 : vector<16xf32>
      %add3A_203 = arith.addf %mul3A_201, %mul3A_202 : vector<16xf32>
      %mul3A_204 = arith.mulf %sub3A_200, %sub3A_200 : vector<16xf32>
      %add3A_205 = arith.addf %add3A_203, %mul3A_204 : vector<16xf32>
      %add3A_206 = arith.addf %add3A_175, %add3A_205 : vector<16xf32>
      %get3A_207 = arith.index_cast %scan3A_83 : i32 to index
      %get3A_208 = arith.constant 64 : index
      %get3A_209 = tpu.vector_load %arg9[%get3A_207, %get3A_208] {strides = array<i32>} : memref<32x128xf32, #tpu.memory_space<vmem>>, vector<1x16xf32>,
      %get3A_210 = vector.shape_cast %get3A_209 : vector<1x16xf32> to vector<16xf32>
      %add3A_211 = arith.constant 24 : i32
      %add3A_212 = arith.addi %add3A_211, %scan3A_83 : i32
      %get3A_213 = arith.index_cast %add3A_212 : i32 to index
      %get3A_214 = arith.constant 64 : index
      %get3A_215 = tpu.vector_load %arg9[%get3A_213, %get3A_214] {strides = array<i32>} : memref<32x128xf32, #tpu.memory_space<vmem>>, vector<1x16xf32>,
      %get3A_216 = vector.shape_cast %get3A_215 : vector<1x16xf32> to vector<16xf32>
      %add3A_217 = arith.constant 8 : i32
      %add3A_218 = arith.addi %add3A_217, %scan3A_83 : i32
      %get3A_219 = arith.index_cast %add3A_218 : i32 to index
      %get3A_220 = arith.constant 64 : index
      %get3A_221 = tpu.vector_load %arg9[%get3A_219, %get3A_220] {strides = array<i32>} : memref<32x128xf32, #tpu.memory_space<vmem>>, vector<1x16xf32>,
      %get3A_222 = vector.shape_cast %get3A_221 : vector<1x16xf32> to vector<16xf32>
      %add3A_223 = arith.constant 16 : i32
      %add3A_224 = arith.addi %add3A_223, %scan3A_83 : i32
      %get3A_225 = arith.index_cast %add3A_224 : i32 to index
      %get3A_226 = arith.constant 64 : index
      %get3A_227 = tpu.vector_load %arg9[%get3A_225, %get3A_226] {strides = array<i32>} : memref<32x128xf32, #tpu.memory_space<vmem>>, vector<1x16xf32>,
      %get3A_228 = vector.shape_cast %get3A_227 : vector<1x16xf32> to vector<16xf32>
      %sub3A_229 = arith.subf %get3A_210, %get3A_222 : vector<16xf32>
      %sub3A_230 = arith.subf %get3A_210, %get3A_228 : vector<16xf32>
      %sub3A_231 = arith.subf %get3A_210, %get3A_216 : vector<16xf32>
      %mul3A_232 = arith.mulf %sub3A_229, %sub3A_229 : vector<16xf32>
      %mul3A_233 = arith.mulf %sub3A_230, %sub3A_230 : vector<16xf32>
      %add3A_234 = arith.addf %mul3A_232, %mul3A_233 : vector<16xf32>
      %mul3A_235 = arith.mulf %sub3A_231, %sub3A_231 : vector<16xf32>
      %add3A_236 = arith.addf %add3A_234, %mul3A_235 : vector<16xf32>
      %add3A_237 = arith.addf %add3A_206, %add3A_236 : vector<16xf32>
      %get3A_238 = arith.index_cast %scan3A_83 : i32 to index
      %get3A_239 = arith.constant 80 : index
      %get3A_240 = tpu.vector_load %arg9[%get3A_238, %get3A_239] {strides = array<i32>} : memref<32x128xf32, #tpu.memory_space<vmem>>, vector<1x16xf32>,
      %get3A_241 = vector.shape_cast %get3A_240 : vector<1x16xf32> to vector<16xf32>
      %add3A_242 = arith.constant 24 : i32
      %add3A_243 = arith.addi %add3A_242, %scan3A_83 : i32
      %get3A_244 = arith.index_cast %add3A_243 : i32 to index
      %get3A_245 = arith.constant 80 : index
      %get3A_246 = tpu.vector_load %arg9[%get3A_244, %get3A_245] {strides = array<i32>} : memref<32x128xf32, #tpu.memory_space<vmem>>, vector<1x16xf32>,
      %get3A_247 = vector.shape_cast %get3A_246 : vector<1x16xf32> to vector<16xf32>
      %add3A_248 = arith.constant 8 : i32
      %add3A_249 = arith.addi %add3A_248, %scan3A_83 : i32
      %get3A_250 = arith.index_cast %add3A_249 : i32 to index
      %get3A_251 = arith.constant 80 : index
      %get3A_252 = tpu.vector_load %arg9[%get3A_250, %get3A_251] {strides = array<i32>} : memref<32x128xf32, #tpu.memory_space<vmem>>, vector<1x16xf32>,
      %get3A_253 = vector.shape_cast %get3A_252 : vector<1x16xf32> to vector<16xf32>
      %add3A_254 = arith.constant 16 : i32
      %add3A_255 = arith.addi %add3A_254, %scan3A_83 : i32
      %get3A_256 = arith.index_cast %add3A_255 : i32 to index
      %get3A_257 = arith.constant 80 : index
      %get3A_258 = tpu.vector_load %arg9[%get3A_256, %get3A_257] {strides = array<i32>} : memref<32x128xf32, #tpu.memory_space<vmem>>, vector<1x16xf32>,
      %get3A_259 = vector.shape_cast %get3A_258 : vector<1x16xf32> to vector<16xf32>
      %sub3A_260 = arith.subf %get3A_241, %get3A_253 : vector<16xf32>
      %sub3A_261 = arith.subf %get3A_241, %get3A_259 : vector<16xf32>
      %sub3A_262 = arith.subf %get3A_241, %get3A_247 : vector<16xf32>
      %mul3A_263 = arith.mulf %sub3A_260, %sub3A_260 : vector<16xf32>
      %mul3A_264 = arith.mulf %sub3A_261, %sub3A_261 : vector<16xf32>
      %add3A_265 = arith.addf %mul3A_263, %mul3A_264 : vector<16xf32>
      %mul3A_266 = arith.mulf %sub3A_262, %sub3A_262 : vector<16xf32>
      %add3A_267 = arith.addf %add3A_265, %mul3A_266 : vector<16xf32>
      %add3A_268 = arith.addf %add3A_237, %add3A_267 : vector<16xf32>
      %get3A_269 = arith.index_cast %scan3A_83 : i32 to index
      %get3A_270 = arith.constant 96 : index
      %get3A_271 = tpu.vector_load %arg9[%get3A_269, %get3A_270] {strides = array<i32>} : memref<32x128xf32, #tpu.memory_space<vmem>>, vector<1x16xf32>,
      %get3A_272 = vector.shape_cast %get3A_271 : vector<1x16xf32> to vector<16xf32>
      %add3A_273 = arith.constant 24 : i32
      %add3A_274 = arith.addi %add3A_273, %scan3A_83 : i32
      %get3A_275 = arith.index_cast %add3A_274 : i32 to index
      %get3A_276 = arith.constant 96 : index
      %get3A_277 = tpu.vector_load %arg9[%get3A_275, %get3A_276] {strides = array<i32>} : memref<32x128xf32, #tpu.memory_space<vmem>>, vector<1x16xf32>,
      %get3A_278 = vector.shape_cast %get3A_277 : vector<1x16xf32> to vector<16xf32>
      %add3A_279 = arith.constant 8 : i32
      %add3A_280 = arith.addi %add3A_279, %scan3A_83 : i32
      %get3A_281 = arith.index_cast %add3A_280 : i32 to index
      %get3A_282 = arith.constant 96 : index
      %get3A_283 = tpu.vector_load %arg9[%get3A_281, %get3A_282] {strides = array<i32>} : memref<32x128xf32, #tpu.memory_space<vmem>>, vector<1x16xf32>,
      %get3A_284 = vector.shape_cast %get3A_283 : vector<1x16xf32> to vector<16xf32>
      %add3A_285 = arith.constant 16 : i32
      %add3A_286 = arith.addi %add3A_285, %scan3A_83 : i32
      %get3A_287 = arith.index_cast %add3A_286 : i32 to index
      %get3A_288 = arith.constant 96 : index
      %get3A_289 = tpu.vector_load %arg9[%get3A_287, %get3A_288] {strides = array<i32>} : memref<32x128xf32, #tpu.memory_space<vmem>>, vector<1x16xf32>,
      %get3A_290 = vector.shape_cast %get3A_289 : vector<1x16xf32> to vector<16xf32>
      %sub3A_291 = arith.subf %get3A_272, %get3A_284 : vector<16xf32>
      %sub3A_292 = arith.subf %get3A_272, %get3A_290 : vector<16xf32>
      %sub3A_293 = arith.subf %get3A_272, %get3A_278 : vector<16xf32>
      %mul3A_294 = arith.mulf %sub3A_291, %sub3A_291 : vector<16xf32>
      %mul3A_295 = arith.mulf %sub3A_292, %sub3A_292 : vector<16xf32>
      %add3A_296 = arith.addf %mul3A_294, %mul3A_295 : vector<16xf32>
      %mul3A_297 = arith.mulf %sub3A_293, %sub3A_293 : vector<16xf32>
      %add3A_298 = arith.addf %add3A_296, %mul3A_297 : vector<16xf32>
      %add3A_299 = arith.addf %add3A_268, %add3A_298 : vector<16xf32>
      %get3A_300 = arith.index_cast %scan3A_83 : i32 to index
      %get3A_301 = arith.constant 112 : index
      %get3A_302 = tpu.vector_load %arg9[%get3A_300, %get3A_301] {strides = array<i32>} : memref<32x128xf32, #tpu.memory_space<vmem>>, vector<1x16xf32>,
      %get3A_303 = vector.shape_cast %get3A_302 : vector<1x16xf32> to vector<16xf32>
      %add3A_304 = arith.constant 24 : i32
      %add3A_305 = arith.addi %add3A_304, %scan3A_83 : i32
      %get3A_306 = arith.index_cast %add3A_305 : i32 to index
      %get3A_307 = arith.constant 112 : index
      %get3A_308 = tpu.vector_load %arg9[%get3A_306, %get3A_307] {strides = array<i32>} : memref<32x128xf32, #tpu.memory_space<vmem>>, vector<1x16xf32>,
      %get3A_309 = vector.shape_cast %get3A_308 : vector<1x16xf32> to vector<16xf32>
      %add3A_310 = arith.constant 8 : i32
      %add3A_311 = arith.addi %add3A_310, %scan3A_83 : i32
      %get3A_312 = arith.index_cast %add3A_311 : i32 to index
      %get3A_313 = arith.constant 112 : index
      %get3A_314 = tpu.vector_load %arg9[%get3A_312, %get3A_313] {strides = array<i32>} : memref<32x128xf32, #tpu.memory_space<vmem>>, vector<1x16xf32>,
      %get3A_315 = vector.shape_cast %get3A_314 : vector<1x16xf32> to vector<16xf32>
      %add3A_316 = arith.constant 16 : i32
      %add3A_317 = arith.addi %add3A_316, %scan3A_83 : i32
      %get3A_318 = arith.index_cast %add3A_317 : i32 to index
      %get3A_319 = arith.constant 112 : index
      %get3A_320 = tpu.vector_load %arg9[%get3A_318, %get3A_319] {strides = array<i32>} : memref<32x128xf32, #tpu.memory_space<vmem>>, vector<1x16xf32>,
      %get3A_321 = vector.shape_cast %get3A_320 : vector<1x16xf32> to vector<16xf32>
      %sub3A_322 = arith.subf %get3A_303, %get3A_315 : vector<16xf32>
      %sub3A_323 = arith.subf %get3A_303, %get3A_321 : vector<16xf32>
      %sub3A_324 = arith.subf %get3A_303, %get3A_309 : vector<16xf32>
      %mul3A_325 = arith.mulf %sub3A_322, %sub3A_322 : vector<16xf32>
      %mul3A_326 = arith.mulf %sub3A_323, %sub3A_323 : vector<16xf32>
      %add3A_327 = arith.addf %mul3A_325, %mul3A_326 : vector<16xf32>
      %mul3A_328 = arith.mulf %sub3A_324, %sub3A_324 : vector<16xf32>
      %add3A_329 = arith.addf %add3A_327, %mul3A_328 : vector<16xf32>
      %add3A_330 = arith.addf %add3A_299, %add3A_329 : vector<16xf32>
      scf.yield %add3A_330 : vector<16xf32>
    }
    %scan3A_68 = arith.constant 8 : i32
    %swap3A = arith.constant 0 : index
    %swap3A_69 = tpu.vector_load %arg13[%swap3A] {strides = array<i32>} : memref<16xf32, #tpu.memory_space<vmem>>, vector<16xf32>,
    %swap3A_70 = vector.shape_cast %swap3A_69 : vector<16xf32> to vector<16xf32>
    %swap3A_71 = vector.shape_cast %scan3A_67 : vector<16xf32> to vector<16xf32>
    tpu.vector_store %arg13[%swap3A], %swap3A_71 {strides = array<i32>} : memref<16xf32, #tpu.memory_space<vmem>>, vector<16xf32>,
    %iota3A = tpu.iota {dimensions = array<i32: 0>} : vector<16xi32>
    %add3A_72 = arith.constant 15616 : i32
    %add3A_73 = arith.addi %add3A_72, %add3A : i32
    %add3A_74 = arith.constant 0 : i32
    %add3A_75 = arith.addi %add3A_73, %add3A_74 : i32
    %mul3A_76 = arith.constant 128 : i32
    %mul3A_77 = arith.muli %add3A_75, %mul3A_76 : i32
    %add3A_78 = arith.constant 0 : i32
    %add3A_79 = arith.addi %add3A, %add3A_78 : i32
    %lt3A = arith.constant 9 : i32
    %lt3A_80 = arith.cmpi slt, %add3A_79, %lt3A : i32
    %convert_element_type3A = arith.extui %lt3A_80 : i1 to i32
    %cond3A = arith.constant 0 : i32
    %cond3A_81 = arith.constant 0 : i32
    %cond3A_82 = arith.cmpi ne, %convert_element_type3A, %cond3A_81 : i32
    scf.if %cond3A_82 {
      "tpu.region"() ({
        %run_scoped3A = tpu.sem_alloc : memref<!tpu.dma_semaphore, #tpu.memory_space<semaphore_mem>>
        %dma_start3A_1096 = arith.constant 0 : i32
        %dma_start3A_1097 = arith.constant 0 : i32
        %dma_start3A_1098 = tpu.memref_slice %arg5[%dma_start3A_1096, %dma_start3A_1097] : memref<3x1024xi32, #tpu.memory_space<vmem>> -> memref<3x128xi32, #tpu.memory_space<vmem>>
        %dma_start3A_1099 = arith.constant 0 : i32
        %dma_start3A_1100 = tpu.memref_slice %arg2[%dma_start3A_1099, %mul3A_77] : memref<3x2000000xi32, #tpu.memory_space<hbm>> -> memref<3x128xi32, #tpu.memory_space<hbm>>
        %dma_start3A_1101 = arith.constant 0 : i32
        %dma_start3A_1102 = arith.constant 0 : i32
        %dma_start3A_1103 = tpu.memref_slice %arg5[%dma_start3A_1101, %dma_start3A_1102] : memref<3x1024xi32, #tpu.memory_space<vmem>> -> memref<3x128xi32, #tpu.memory_space<vmem>>
        %dma_start3A_1104 = arith.constant 0 : i32
        %dma_start3A_1105 = tpu.memref_slice %arg2[%dma_start3A_1104, %mul3A_77] : memref<3x2000000xi32, #tpu.memory_space<hbm>> -> memref<3x128xi32, #tpu.memory_space<hbm>>
        tpu.enqueue_dma source(%dma_start3A_1105 : memref<3x128xi32, #tpu.memory_space<hbm>>) target(%dma_start3A_1103 : memref<3x128xi32, #tpu.memory_space<vmem>>) target_semaphore(%run_scoped3A : memref<!tpu.dma_semaphore, #tpu.memory_space<semaphore_mem>>)
        %dma_wait3A_1106 = arith.constant 0 : i32
        %dma_wait3A_1107 = arith.constant 0 : i32
        %dma_wait3A_1108 = tpu.memref_slice %arg5[%dma_wait3A_1106, %dma_wait3A_1107] : memref<3x1024xi32, #tpu.memory_space<vmem>> -> memref<3x128xi32, #tpu.memory_space<vmem>>
        %dma_wait3A_1109 = arith.constant 0 : i32
        %dma_wait3A_1110 = tpu.memref_slice %arg2[%dma_wait3A_1109, %mul3A_77] : memref<3x2000000xi32, #tpu.memory_space<hbm>> -> memref<3x128xi32, #tpu.memory_space<hbm>>
        %dma_wait3A_1111 = arith.constant 0 : i32
        %dma_wait3A_1112 = arith.constant 0 : i32
        %dma_wait3A_1113 = tpu.memref_slice %arg5[%dma_wait3A_1111, %dma_wait3A_1112] : memref<3x1024xi32, #tpu.memory_space<vmem>> -> memref<3x128xi32, #tpu.memory_space<vmem>>
        %dma_wait3A_1114 = arith.constant 0 : i32
        %dma_wait3A_1115 = tpu.memref_slice %arg2[%dma_wait3A_1114, %mul3A_77] : memref<3x2000000xi32, #tpu.memory_space<hbm>> -> memref<3x128xi32, #tpu.memory_space<hbm>>
        tpu.wait_dma2 semaphore(%run_scoped3A : memref<!tpu.dma_semaphore, #tpu.memory_space<semaphore_mem>>) src(%dma_wait3A_1115 : memref<3x128xi32, #tpu.memory_space<hbm>>) dst(%dma_wait3A_1113 : memref<3x128xi32, #tpu.memory_space<vmem>>)
        tpu.yield
      }) : () -> ()
      %get3A = arith.constant 0 : i32
      %get3A_83 = arith.index_cast %get3A : i32 to index
      %get3A_84 = arith.constant 0 : index
      %get3A_85 = tpu.vector_load %arg5[%get3A_83, %get3A_84] {strides = array<i32>} : memref<3x1024xi32, #tpu.memory_space<vmem>>, vector<1x16xi32>,
      %get3A_86 = vector.shape_cast %get3A_85 : vector<1x16xi32> to vector<16xi32>
      %get3A_87 = arith.constant 1 : i32
      %get3A_88 = arith.index_cast %get3A_87 : i32 to index
      %get3A_89 = arith.constant 0 : index
      %get3A_90 = tpu.vector_load %arg5[%get3A_88, %get3A_89] {strides = array<i32>} : memref<3x1024xi32, #tpu.memory_space<vmem>>, vector<1x16xi32>,
      %get3A_91 = vector.shape_cast %get3A_90 : vector<1x16xi32> to vector<16xi32>
      %get3A_92 = arith.constant 2 : i32
      %get3A_93 = arith.index_cast %get3A_92 : i32 to index
      %get3A_94 = arith.constant 0 : index
      %get3A_95 = tpu.vector_load %arg5[%get3A_93, %get3A_94] {strides = array<i32>} : memref<3x1024xi32, #tpu.memory_space<vmem>>, vector<1x16xi32>,
      %get3A_96 = vector.shape_cast %get3A_95 : vector<1x16xi32> to vector<16xi32>
      %mul3A_97 = arith.constant 65536 : i32
      %mul3A_98 = vector.broadcast %mul3A_97 : i32 to vector<16xi32>
      %mul3A_99 = arith.muli %get3A_86, %mul3A_98 : vector<16xi32>
      %mul3A_100 = arith.constant 256 : i32
      %mul3A_101 = vector.broadcast %mul3A_100 : i32 to vector<16xi32>
      %mul3A_102 = arith.muli %get3A_91, %mul3A_101 : vector<16xi32>
      %add3A_103 = arith.addi %mul3A_99, %mul3A_102 : vector<16xi32>
      %add3A_104 = arith.addi %add3A_103, %get3A_96 : vector<16xi32>
      %eq3A = arith.constant 0 : i32
      %eq3A_105 = vector.broadcast %eq3A : i32 to vector<16xi32>
      %eq3A_106 = arith.cmpi eq, %get3A_86, %eq3A_105 : vector<16xi32>
      %jit3A = arith.constant 16711680 : i32
      %jit3A_107 = arith.constant -65536 : i32
      %broadcast_in_dim3A_108 = vector.broadcast %jit3A : i32 to vector<16xi32>
      %broadcast_in_dim3A_109 = vector.broadcast %jit3A_107 : i32 to vector<16xi32>
      %select_n3A = arith.select %eq3A_106, %broadcast_in_dim3A_108, %broadcast_in_dim3A_109 : vector<16xi1>, vector<16xi32>
      %add3A_110 = arith.addi %add3A_104, %select_n3A : vector<16xi32>
      %eq3A_111 = arith.constant 0 : i32
      %eq3A_112 = vector.broadcast %eq3A_111 : i32 to vector<16xi32>
      %eq3A_113 = arith.cmpi eq, %get3A_91, %eq3A_112 : vector<16xi32>
      %jit3A_114 = arith.constant 65280 : i32
      %jit3A_115 = arith.constant -256 : i32
      %broadcast_in_dim3A_116 = vector.broadcast %jit3A_114 : i32 to vector<16xi32>
      %broadcast_in_dim3A_117 = vector.broadcast %jit3A_115 : i32 to vector<16xi32>
      %select_n3A_118 = arith.select %eq3A_113, %broadcast_in_dim3A_116, %broadcast_in_dim3A_117 : vector<16xi1>, vector<16xi32>
      %add3A_119 = arith.addi %add3A_104, %select_n3A_118 : vector<16xi32>
      %eq3A_120 = arith.constant 0 : i32
      %eq3A_121 = vector.broadcast %eq3A_120 : i32 to vector<16xi32>
      %eq3A_122 = arith.cmpi eq, %get3A_96, %eq3A_121 : vector<16xi32>
      %jit3A_123 = arith.constant 255 : i32
      %jit3A_124 = arith.constant -1 : i32
      %broadcast_in_dim3A_125 = vector.broadcast %jit3A_123 : i32 to vector<16xi32>
      %broadcast_in_dim3A_126 = vector.broadcast %jit3A_124 : i32 to vector<16xi32>
      %select_n3A_127 = arith.select %eq3A_122, %broadcast_in_dim3A_125, %broadcast_in_dim3A_126 : vector<16xi1>, vector<16xi32>
      %add3A_128 = arith.addi %add3A_104, %select_n3A_127 : vector<16xi32>
      %swap3A_129 = arith.constant 0 : i32
      %swap3A_130 = arith.index_cast %swap3A_129 : i32 to index
      %swap3A_131 = arith.constant 0 : index
      %swap3A_132 = tpu.vector_load %arg11[%swap3A_130, %swap3A_131] {strides = array<i32>} : memref<4x128xi32, #tpu.memory_space<vmem>>, vector<1x16xi32>,
      %swap3A_133 = vector.shape_cast %swap3A_132 : vector<1x16xi32> to vector<16xi32>
      %swap3A_134 = vector.shape_cast %add3A_104 : vector<16xi32> to vector<1x16xi32>
      tpu.vector_store %arg11[%swap3A_130, %swap3A_131], %swap3A_134 {strides = array<i32>} : memref<4x128xi32, #tpu.memory_space<vmem>>, vector<1x16xi32>,
      %swap3A_135 = arith.constant 1 : i32
      %swap3A_136 = arith.index_cast %swap3A_135 : i32 to index
      %swap3A_137 = arith.constant 0 : index
      %swap3A_138 = tpu.vector_load %arg11[%swap3A_136, %swap3A_137] {strides = array<i32>} : memref<4x128xi32, #tpu.memory_space<vmem>>, vector<1x16xi32>,
      %swap3A_139 = vector.shape_cast %swap3A_138 : vector<1x16xi32> to vector<16xi32>
      %swap3A_140 = vector.shape_cast %add3A_110 : vector<16xi32> to vector<1x16xi32>
      tpu.vector_store %arg11[%swap3A_136, %swap3A_137], %swap3A_140 {strides = array<i32>} : memref<4x128xi32, #tpu.memory_space<vmem>>, vector<1x16xi32>,
      %swap3A_141 = arith.constant 2 : i32
      %swap3A_142 = arith.index_cast %swap3A_141 : i32 to index
      %swap3A_143 = arith.constant 0 : index
      %swap3A_144 = tpu.vector_load %arg11[%swap3A_142, %swap3A_143] {strides = array<i32>} : memref<4x128xi32, #tpu.memory_space<vmem>>, vector<1x16xi32>,
      %swap3A_145 = vector.shape_cast %swap3A_144 : vector<1x16xi32> to vector<16xi32>
      %swap3A_146 = vector.shape_cast %add3A_119 : vector<16xi32> to vector<1x16xi32>
      tpu.vector_store %arg11[%swap3A_142, %swap3A_143], %swap3A_146 {strides = array<i32>} : memref<4x128xi32, #tpu.memory_space<vmem>>, vector<1x16xi32>,
      %swap3A_147 = arith.constant 3 : i32
      %swap3A_148 = arith.index_cast %swap3A_147 : i32 to index
      %swap3A_149 = arith.constant 0 : index
      %swap3A_150 = tpu.vector_load %arg11[%swap3A_148, %swap3A_149] {strides = array<i32>} : memref<4x128xi32, #tpu.memory_space<vmem>>, vector<1x16xi32>,
      %swap3A_151 = vector.shape_cast %swap3A_150 : vector<1x16xi32> to vector<16xi32>
      %swap3A_152 = vector.shape_cast %add3A_128 : vector<16xi32> to vector<1x16xi32>
      tpu.vector_store %arg11[%swap3A_148, %swap3A_149], %swap3A_152 {strides = array<i32>} : memref<4x128xi32, #tpu.memory_space<vmem>>, vector<1x16xi32>,
      %get3A_153 = arith.constant 0 : i32
      %get3A_154 = arith.index_cast %get3A_153 : i32 to index
      %get3A_155 = arith.constant 16 : index
      %get3A_156 = tpu.vector_load %arg5[%get3A_154, %get3A_155] {strides = array<i32>} : memref<3x1024xi32, #tpu.memory_space<vmem>>, vector<1x16xi32>,
      %get3A_157 = vector.shape_cast %get3A_156 : vector<1x16xi32> to vector<16xi32>
      %get3A_158 = arith.constant 1 : i32
      %get3A_159 = arith.index_cast %get3A_158 : i32 to index
      %get3A_160 = arith.constant 16 : index
      %get3A_161 = tpu.vector_load %arg5[%get3A_159, %get3A_160] {strides = array<i32>} : memref<3x1024xi32, #tpu.memory_space<vmem>>, vector<1x16xi32>,
      %get3A_162 = vector.shape_cast %get3A_161 : vector<1x16xi32> to vector<16xi32>
      %get3A_163 = arith.constant 2 : i32
      %get3A_164 = arith.index_cast %get3A_163 : i32 to index
      %get3A_165 = arith.constant 16 : index
      %get3A_166 = tpu.vector_load %arg5[%get3A_164, %get3A_165] {strides = array<i32>} : memref<3x1024xi32, #tpu.memory_space<vmem>>, vector<1x16xi32>,
      %get3A_167 = vector.shape_cast %get3A_166 : vector<1x16xi32> to vector<16xi32>
      %mul3A_168 = arith.constant 65536 : i32
      %mul3A_169 = vector.broadcast %mul3A_168 : i32 to vector<16xi32>
      %mul3A_170 = arith.muli %get3A_157, %mul3A_169 : vector<16xi32>
      %mul3A_171 = arith.constant 256 : i32
      %mul3A_172 = vector.broadcast %mul3A_171 : i32 to vector<16xi32>
      %mul3A_173 = arith.muli %get3A_162, %mul3A_172 : vector<16xi32>
      %add3A_174 = arith.addi %mul3A_170, %mul3A_173 : vector<16xi32>
      %add3A_175 = arith.addi %add3A_174, %get3A_167 : vector<16xi32>
      %eq3A_176 = arith.constant 0 : i32
      %eq3A_177 = vector.broadcast %eq3A_176 : i32 to vector<16xi32>
      %eq3A_178 = arith.cmpi eq, %get3A_157, %eq3A_177 : vector<16xi32>
      %jit3A_179 = arith.constant 16711680 : i32
      %jit3A_180 = arith.constant -65536 : i32
      %broadcast_in_dim3A_181 = vector.broadcast %jit3A_179 : i32 to vector<16xi32>
      %broadcast_in_dim3A_182 = vector.broadcast %jit3A_180 : i32 to vector<16xi32>
      %select_n3A_183 = arith.select %eq3A_178, %broadcast_in_dim3A_181, %broadcast_in_dim3A_182 : vector<16xi1>, vector<16xi32>
      %add3A_184 = arith.addi %add3A_175, %select_n3A_183 : vector<16xi32>
      %eq3A_185 = arith.constant 0 : i32
      %eq3A_186 = vector.broadcast %eq3A_185 : i32 to vector<16xi32>
      %eq3A_187 = arith.cmpi eq, %get3A_162, %eq3A_186 : vector<16xi32>
      %jit3A_188 = arith.constant 65280 : i32
      %jit3A_189 = arith.constant -256 : i32
      %broadcast_in_dim3A_190 = vector.broadcast %jit3A_188 : i32 to vector<16xi32>
      %broadcast_in_dim3A_191 = vector.broadcast %jit3A_189 : i32 to vector<16xi32>
      %select_n3A_192 = arith.select %eq3A_187, %broadcast_in_dim3A_190, %broadcast_in_dim3A_191 : vector<16xi1>, vector<16xi32>
      %add3A_193 = arith.addi %add3A_175, %select_n3A_192 : vector<16xi32>
      %eq3A_194 = arith.constant 0 : i32
      %eq3A_195 = vector.broadcast %eq3A_194 : i32 to vector<16xi32>
      %eq3A_196 = arith.cmpi eq, %get3A_167, %eq3A_195 : vector<16xi32>
      %jit3A_197 = arith.constant 255 : i32
      %jit3A_198 = arith.constant -1 : i32
      %broadcast_in_dim3A_199 = vector.broadcast %jit3A_197 : i32 to vector<16xi32>
      %broadcast_in_dim3A_200 = vector.broadcast %jit3A_198 : i32 to vector<16xi32>
      %select_n3A_201 = arith.select %eq3A_196, %broadcast_in_dim3A_199, %broadcast_in_dim3A_200 : vector<16xi1>, vector<16xi32>
      %add3A_202 = arith.addi %add3A_175, %select_n3A_201 : vector<16xi32>
      %swap3A_203 = arith.constant 0 : i32
      %swap3A_204 = arith.index_cast %swap3A_203 : i32 to index
      %swap3A_205 = arith.constant 16 : index
      %swap3A_206 = tpu.vector_load %arg11[%swap3A_204, %swap3A_205] {strides = array<i32>} : memref<4x128xi32, #tpu.memory_space<vmem>>, vector<1x16xi32>,
      %swap3A_207 = vector.shape_cast %swap3A_206 : vector<1x16xi32> to vector<16xi32>
      %swap3A_208 = vector.shape_cast %add3A_175 : vector<16xi32> to vector<1x16xi32>
      tpu.vector_store %arg11[%swap3A_204, %swap3A_205], %swap3A_208 {strides = array<i32>} : memref<4x128xi32, #tpu.memory_space<vmem>>, vector<1x16xi32>,
      %swap3A_209 = arith.constant 1 : i32
      %swap3A_210 = arith.index_cast %swap3A_209 : i32 to index
      %swap3A_211 = arith.constant 16 : index
      %swap3A_212 = tpu.vector_load %arg11[%swap3A_210, %swap3A_211] {strides = array<i32>} : memref<4x128xi32, #tpu.memory_space<vmem>>, vector<1x16xi32>,
      %swap3A_213 = vector.shape_cast %swap3A_212 : vector<1x16xi32> to vector<16xi32>
      %swap3A_214 = vector.shape_cast %add3A_184 : vector<16xi32> to vector<1x16xi32>
      tpu.vector_store %arg11[%swap3A_210, %swap3A_211], %swap3A_214 {strides = array<i32>} : memref<4x128xi32, #tpu.memory_space<vmem>>, vector<1x16xi32>,
      %swap3A_215 = arith.constant 2 : i32
      %swap3A_216 = arith.index_cast %swap3A_215 : i32 to index
      %swap3A_217 = arith.constant 16 : index
      %swap3A_218 = tpu.vector_load %arg11[%swap3A_216, %swap3A_217] {strides = array<i32>} : memref<4x128xi32, #tpu.memory_space<vmem>>, vector<1x16xi32>,
      %swap3A_219 = vector.shape_cast %swap3A_218 : vector<1x16xi32> to vector<16xi32>
      %swap3A_220 = vector.shape_cast %add3A_193 : vector<16xi32> to vector<1x16xi32>
      tpu.vector_store %arg11[%swap3A_216, %swap3A_217], %swap3A_220 {strides = array<i32>} : memref<4x128xi32, #tpu.memory_space<vmem>>, vector<1x16xi32>,
      %swap3A_221 = arith.constant 3 : i32
      %swap3A_222 = arith.index_cast %swap3A_221 : i32 to index
      %swap3A_223 = arith.constant 16 : index
      %swap3A_224 = tpu.vector_load %arg11[%swap3A_222, %swap3A_223] {strides = array<i32>} : memref<4x128xi32, #tpu.memory_space<vmem>>, vector<1x16xi32>,
      %swap3A_225 = vector.shape_cast %swap3A_224 : vector<1x16xi32> to vector<16xi32>
      %swap3A_226 = vector.shape_cast %add3A_202 : vector<16xi32> to vector<1x16xi32>
      tpu.vector_store %arg11[%swap3A_222, %swap3A_223], %swap3A_226 {strides = array<i32>} : memref<4x128xi32, #tpu.memory_space<vmem>>, vector<1x16xi32>,
      %get3A_227 = arith.constant 0 : i32
      %get3A_228 = arith.index_cast %get3A_227 : i32 to index
      %get3A_229 = arith.constant 32 : index
      %get3A_230 = tpu.vector_load %arg5[%get3A_228, %get3A_229] {strides = array<i32>} : memref<3x1024xi32, #tpu.memory_space<vmem>>, vector<1x16xi32>,
      %get3A_231 = vector.shape_cast %get3A_230 : vector<1x16xi32> to vector<16xi32>
      %get3A_232 = arith.constant 1 : i32
      %get3A_233 = arith.index_cast %get3A_232 : i32 to index
      %get3A_234 = arith.constant 32 : index
      %get3A_235 = tpu.vector_load %arg5[%get3A_233, %get3A_234] {strides = array<i32>} : memref<3x1024xi32, #tpu.memory_space<vmem>>, vector<1x16xi32>,
      %get3A_236 = vector.shape_cast %get3A_235 : vector<1x16xi32> to vector<16xi32>
      %get3A_237 = arith.constant 2 : i32
      %get3A_238 = arith.index_cast %get3A_237 : i32 to index
      %get3A_239 = arith.constant 32 : index
      %get3A_240 = tpu.vector_load %arg5[%get3A_238, %get3A_239] {strides = array<i32>} : memref<3x1024xi32, #tpu.memory_space<vmem>>, vector<1x16xi32>,
      %get3A_241 = vector.shape_cast %get3A_240 : vector<1x16xi32> to vector<16xi32>
      %mul3A_242 = arith.constant 65536 : i32
      %mul3A_243 = vector.broadcast %mul3A_242 : i32 to vector<16xi32>
      %mul3A_244 = arith.muli %get3A_231, %mul3A_243 : vector<16xi32>
      %mul3A_245 = arith.constant 256 : i32
      %mul3A_246 = vector.broadcast %mul3A_245 : i32 to vector<16xi32>
      %mul3A_247 = arith.muli %get3A_236, %mul3A_246 : vector<16xi32>
      %add3A_248 = arith.addi %mul3A_244, %mul3A_247 : vector<16xi32>
      %add3A_249 = arith.addi %add3A_248, %get3A_241 : vector<16xi32>
      %eq3A_250 = arith.constant 0 : i32
      %eq3A_251 = vector.broadcast %eq3A_250 : i32 to vector<16xi32>
      %eq3A_252 = arith.cmpi eq, %get3A_231, %eq3A_251 : vector<16xi32>
      %jit3A_253 = arith.constant 16711680 : i32
      %jit3A_254 = arith.constant -65536 : i32
      %broadcast_in_dim3A_255 = vector.broadcast %jit3A_253 : i32 to vector<16xi32>
      %broadcast_in_dim3A_256 = vector.broadcast %jit3A_254 : i32 to vector<16xi32>
      %select_n3A_257 = arith.select %eq3A_252, %broadcast_in_dim3A_255, %broadcast_in_dim3A_256 : vector<16xi1>, vector<16xi32>
      %add3A_258 = arith.addi %add3A_249, %select_n3A_257 : vector<16xi32>
      %eq3A_259 = arith.constant 0 : i32
      %eq3A_260 = vector.broadcast %eq3A_259 : i32 to vector<16xi32>
      %eq3A_261 = arith.cmpi eq, %get3A_236, %eq3A_260 : vector<16xi32>
      %jit3A_262 = arith.constant 65280 : i32
      %jit3A_263 = arith.constant -256 : i32
      %broadcast_in_dim3A_264 = vector.broadcast %jit3A_262 : i32 to vector<16xi32>
      %broadcast_in_dim3A_265 = vector.broadcast %jit3A_263 : i32 to vector<16xi32>
      %select_n3A_266 = arith.select %eq3A_261, %broadcast_in_dim3A_264, %broadcast_in_dim3A_265 : vector<16xi1>, vector<16xi32>
      %add3A_267 = arith.addi %add3A_249, %select_n3A_266 : vector<16xi32>
      %eq3A_268 = arith.constant 0 : i32
      %eq3A_269 = vector.broadcast %eq3A_268 : i32 to vector<16xi32>
      %eq3A_270 = arith.cmpi eq, %get3A_241, %eq3A_269 : vector<16xi32>
      %jit3A_271 = arith.constant 255 : i32
      %jit3A_272 = arith.constant -1 : i32
      %broadcast_in_dim3A_273 = vector.broadcast %jit3A_271 : i32 to vector<16xi32>
      %broadcast_in_dim3A_274 = vector.broadcast %jit3A_272 : i32 to vector<16xi32>
      %select_n3A_275 = arith.select %eq3A_270, %broadcast_in_dim3A_273, %broadcast_in_dim3A_274 : vector<16xi1>, vector<16xi32>
      %add3A_276 = arith.addi %add3A_249, %select_n3A_275 : vector<16xi32>
      %swap3A_277 = arith.constant 0 : i32
      %swap3A_278 = arith.index_cast %swap3A_277 : i32 to index
      %swap3A_279 = arith.constant 32 : index
      %swap3A_280 = tpu.vector_load %arg11[%swap3A_278, %swap3A_279] {strides = array<i32>} : memref<4x128xi32, #tpu.memory_space<vmem>>, vector<1x16xi32>,
      %swap3A_281 = vector.shape_cast %swap3A_280 : vector<1x16xi32> to vector<16xi32>
      %swap3A_282 = vector.shape_cast %add3A_249 : vector<16xi32> to vector<1x16xi32>
      tpu.vector_store %arg11[%swap3A_278, %swap3A_279], %swap3A_282 {strides = array<i32>} : memref<4x128xi32, #tpu.memory_space<vmem>>, vector<1x16xi32>,
      %swap3A_283 = arith.constant 1 : i32
      %swap3A_284 = arith.index_cast %swap3A_283 : i32 to index
      %swap3A_285 = arith.constant 32 : index
      %swap3A_286 = tpu.vector_load %arg11[%swap3A_284, %swap3A_285] {strides = array<i32>} : memref<4x128xi32, #tpu.memory_space<vmem>>, vector<1x16xi32>,
      %swap3A_287 = vector.shape_cast %swap3A_286 : vector<1x16xi32> to vector<16xi32>
      %swap3A_288 = vector.shape_cast %add3A_258 : vector<16xi32> to vector<1x16xi32>
      tpu.vector_store %arg11[%swap3A_284, %swap3A_285], %swap3A_288 {strides = array<i32>} : memref<4x128xi32, #tpu.memory_space<vmem>>, vector<1x16xi32>,
      %swap3A_289 = arith.constant 2 : i32
      %swap3A_290 = arith.index_cast %swap3A_289 : i32 to index
      %swap3A_291 = arith.constant 32 : index
      %swap3A_292 = tpu.vector_load %arg11[%swap3A_290, %swap3A_291] {strides = array<i32>} : memref<4x128xi32, #tpu.memory_space<vmem>>, vector<1x16xi32>,
      %swap3A_293 = vector.shape_cast %swap3A_292 : vector<1x16xi32> to vector<16xi32>
      %swap3A_294 = vector.shape_cast %add3A_267 : vector<16xi32> to vector<1x16xi32>
      tpu.vector_store %arg11[%swap3A_290, %swap3A_291], %swap3A_294 {strides = array<i32>} : memref<4x128xi32, #tpu.memory_space<vmem>>, vector<1x16xi32>,
      %swap3A_295 = arith.constant 3 : i32
      %swap3A_296 = arith.index_cast %swap3A_295 : i32 to index
      %swap3A_297 = arith.constant 32 : index
      %swap3A_298 = tpu.vector_load %arg11[%swap3A_296, %swap3A_297] {strides = array<i32>} : memref<4x128xi32, #tpu.memory_space<vmem>>, vector<1x16xi32>,
      %swap3A_299 = vector.shape_cast %swap3A_298 : vector<1x16xi32> to vector<16xi32>
      %swap3A_300 = vector.shape_cast %add3A_276 : vector<16xi32> to vector<1x16xi32>
      tpu.vector_store %arg11[%swap3A_296, %swap3A_297], %swap3A_300 {strides = array<i32>} : memref<4x128xi32, #tpu.memory_space<vmem>>, vector<1x16xi32>,
      %get3A_301 = arith.constant 0 : i32
      %get3A_302 = arith.index_cast %get3A_301 : i32 to index
      %get3A_303 = arith.constant 48 : index
      %get3A_304 = tpu.vector_load %arg5[%get3A_302, %get3A_303] {strides = array<i32>} : memref<3x1024xi32, #tpu.memory_space<vmem>>, vector<1x16xi32>,
      %get3A_305 = vector.shape_cast %get3A_304 : vector<1x16xi32> to vector<16xi32>
      %get3A_306 = arith.constant 1 : i32
      %get3A_307 = arith.index_cast %get3A_306 : i32 to index
      %get3A_308 = arith.constant 48 : index
      %get3A_309 = tpu.vector_load %arg5[%get3A_307, %get3A_308] {strides = array<i32>} : memref<3x1024xi32, #tpu.memory_space<vmem>>, vector<1x16xi32>,
      %get3A_310 = vector.shape_cast %get3A_309 : vector<1x16xi32> to vector<16xi32>
      %get3A_311 = arith.constant 2 : i32
      %get3A_312 = arith.index_cast %get3A_311 : i32 to index
      %get3A_313 = arith.constant 48 : index
      %get3A_314 = tpu.vector_load %arg5[%get3A_312, %get3A_313] {strides = array<i32>} : memref<3x1024xi32, #tpu.memory_space<vmem>>, vector<1x16xi32>,
      %get3A_315 = vector.shape_cast %get3A_314 : vector<1x16xi32> to vector<16xi32>
      %mul3A_316 = arith.constant 65536 : i32
      %mul3A_317 = vector.broadcast %mul3A_316 : i32 to vector<16xi32>
      %mul3A_318 = arith.muli %get3A_305, %mul3A_317 : vector<16xi32>
      %mul3A_319 = arith.constant 256 : i32
      %mul3A_320 = vector.broadcast %mul3A_319 : i32 to vector<16xi32>
      %mul3A_321 = arith.muli %get3A_310, %mul3A_320 : vector<16xi32>
      %add3A_322 = arith.addi %mul3A_318, %mul3A_321 : vector<16xi32>
      %add3A_323 = arith.addi %add3A_322, %get3A_315 : vector<16xi32>
      %eq3A_324 = arith.constant 0 : i32
      %eq3A_325 = vector.broadcast %eq3A_324 : i32 to vector<16xi32>
      %eq3A_326 = arith.cmpi eq, %get3A_305, %eq3A_325 : vector<16xi32>
      %jit3A_327 = arith.constant 16711680 : i32
      %jit3A_328 = arith.constant -65536 : i32
      %broadcast_in_dim3A_329 = vector.broadcast %jit3A_327 : i32 to vector<16xi32>
      %broadcast_in_dim3A_330 = vector.broadcast %jit3A_328 : i32 to vector<16xi32>
      %select_n3A_331 = arith.select %eq3A_326, %broadcast_in_dim3A_329, %broadcast_in_dim3A_330 : vector<16xi1>, vector<16xi32>
      %add3A_332 = arith.addi %add3A_323, %select_n3A_331 : vector<16xi32>
      %eq3A_333 = arith.constant 0 : i32
      %eq3A_334 = vector.broadcast %eq3A_333 : i32 to vector<16xi32>
      %eq3A_335 = arith.cmpi eq, %get3A_310, %eq3A_334 : vector<16xi32>
      %jit3A_336 = arith.constant 65280 : i32
      %jit3A_337 = arith.constant -256 : i32
      %broadcast_in_dim3A_338 = vector.broadcast %jit3A_336 : i32 to vector<16xi32>
      %broadcast_in_dim3A_339 = vector.broadcast %jit3A_337 : i32 to vector<16xi32>
      %select_n3A_340 = arith.select %eq3A_335, %broadcast_in_dim3A_338, %broadcast_in_dim3A_339 : vector<16xi1>, vector<16xi32>
      %add3A_341 = arith.addi %add3A_323, %select_n3A_340 : vector<16xi32>
      %eq3A_342 = arith.constant 0 : i32
      %eq3A_343 = vector.broadcast %eq3A_342 : i32 to vector<16xi32>
      %eq3A_344 = arith.cmpi eq, %get3A_315, %eq3A_343 : vector<16xi32>
      %jit3A_345 = arith.constant 255 : i32
      %jit3A_346 = arith.constant -1 : i32
      %broadcast_in_dim3A_347 = vector.broadcast %jit3A_345 : i32 to vector<16xi32>
      %broadcast_in_dim3A_348 = vector.broadcast %jit3A_346 : i32 to vector<16xi32>
      %select_n3A_349 = arith.select %eq3A_344, %broadcast_in_dim3A_347, %broadcast_in_dim3A_348 : vector<16xi1>, vector<16xi32>
      %add3A_350 = arith.addi %add3A_323, %select_n3A_349 : vector<16xi32>
      %swap3A_351 = arith.constant 0 : i32
      %swap3A_352 = arith.index_cast %swap3A_351 : i32 to index
      %swap3A_353 = arith.constant 48 : index
      %swap3A_354 = tpu.vector_load %arg11[%swap3A_352, %swap3A_353] {strides = array<i32>} : memref<4x128xi32, #tpu.memory_space<vmem>>, vector<1x16xi32>,
      %swap3A_355 = vector.shape_cast %swap3A_354 : vector<1x16xi32> to vector<16xi32>
      %swap3A_356 = vector.shape_cast %add3A_323 : vector<16xi32> to vector<1x16xi32>
      tpu.vector_store %arg11[%swap3A_352, %swap3A_353], %swap3A_356 {strides = array<i32>} : memref<4x128xi32, #tpu.memory_space<vmem>>, vector<1x16xi32>,
      %swap3A_357 = arith.constant 1 : i32
      %swap3A_358 = arith.index_cast %swap3A_357 : i32 to index
      %swap3A_359 = arith.constant 48 : index
      %swap3A_360 = tpu.vector_load %arg11[%swap3A_358, %swap3A_359] {strides = array<i32>} : memref<4x128xi32, #tpu.memory_space<vmem>>, vector<1x16xi32>,
      %swap3A_361 = vector.shape_cast %swap3A_360 : vector<1x16xi32> to vector<16xi32>
      %swap3A_362 = vector.shape_cast %add3A_332 : vector<16xi32> to vector<1x16xi32>
      tpu.vector_store %arg11[%swap3A_358, %swap3A_359], %swap3A_362 {strides = array<i32>} : memref<4x128xi32, #tpu.memory_space<vmem>>, vector<1x16xi32>,
      %swap3A_363 = arith.constant 2 : i32
      %swap3A_364 = arith.index_cast %swap3A_363 : i32 to index
      %swap3A_365 = arith.constant 48 : index
      %swap3A_366 = tpu.vector_load %arg11[%swap3A_364, %swap3A_365] {strides = array<i32>} : memref<4x128xi32, #tpu.memory_space<vmem>>, vector<1x16xi32>,
      %swap3A_367 = vector.shape_cast %swap3A_366 : vector<1x16xi32> to vector<16xi32>
      %swap3A_368 = vector.shape_cast %add3A_341 : vector<16xi32> to vector<1x16xi32>
      tpu.vector_store %arg11[%swap3A_364, %swap3A_365], %swap3A_368 {strides = array<i32>} : memref<4x128xi32, #tpu.memory_space<vmem>>, vector<1x16xi32>,
      %swap3A_369 = arith.constant 3 : i32
      %swap3A_370 = arith.index_cast %swap3A_369 : i32 to index
      %swap3A_371 = arith.constant 48 : index
      %swap3A_372 = tpu.vector_load %arg11[%swap3A_370, %swap3A_371] {strides = array<i32>} : memref<4x128xi32, #tpu.memory_space<vmem>>, vector<1x16xi32>,
      %swap3A_373 = vector.shape_cast %swap3A_372 : vector<1x16xi32> to vector<16xi32>
      %swap3A_374 = vector.shape_cast %add3A_350 : vector<16xi32> to vector<1x16xi32>
      tpu.vector_store %arg11[%swap3A_370, %swap3A_371], %swap3A_374 {strides = array<i32>} : memref<4x128xi32, #tpu.memory_space<vmem>>, vector<1x16xi32>,
      %get3A_375 = arith.constant 0 : i32
      %get3A_376 = arith.index_cast %get3A_375 : i32 to index
      %get3A_377 = arith.constant 64 : index
      %get3A_378 = tpu.vector_load %arg5[%get3A_376, %get3A_377] {strides = array<i32>} : memref<3x1024xi32, #tpu.memory_space<vmem>>, vector<1x16xi32>,
      %get3A_379 = vector.shape_cast %get3A_378 : vector<1x16xi32> to vector<16xi32>
      %get3A_380 = arith.constant 1 : i32
      %get3A_381 = arith.index_cast %get3A_380 : i32 to index
      %get3A_382 = arith.constant 64 : index
      %get3A_383 = tpu.vector_load %arg5[%get3A_381, %get3A_382] {strides = array<i32>} : memref<3x1024xi32, #tpu.memory_space<vmem>>, vector<1x16xi32>,
      %get3A_384 = vector.shape_cast %get3A_383 : vector<1x16xi32> to vector<16xi32>
      %get3A_385 = arith.constant 2 : i32
      %get3A_386 = arith.index_cast %get3A_385 : i32 to index
      %get3A_387 = arith.constant 64 : index
      %get3A_388 = tpu.vector_load %arg5[%get3A_386, %get3A_387] {strides = array<i32>} : memref<3x1024xi32, #tpu.memory_space<vmem>>, vector<1x16xi32>,
      %get3A_389 = vector.shape_cast %get3A_388 : vector<1x16xi32> to vector<16xi32>
      %mul3A_390 = arith.constant 65536 : i32
      %mul3A_391 = vector.broadcast %mul3A_390 : i32 to vector<16xi32>
      %mul3A_392 = arith.muli %get3A_379, %mul3A_391 : vector<16xi32>
      %mul3A_393 = arith.constant 256 : i32
      %mul3A_394 = vector.broadcast %mul3A_393 : i32 to vector<16xi32>
      %mul3A_395 = arith.muli %get3A_384, %mul3A_394 : vector<16xi32>
      %add3A_396 = arith.addi %mul3A_392, %mul3A_395 : vector<16xi32>
      %add3A_397 = arith.addi %add3A_396, %get3A_389 : vector<16xi32>
      %eq3A_398 = arith.constant 0 : i32
      %eq3A_399 = vector.broadcast %eq3A_398 : i32 to vector<16xi32>
      %eq3A_400 = arith.cmpi eq, %get3A_379, %eq3A_399 : vector<16xi32>
      %jit3A_401 = arith.constant 16711680 : i32
      %jit3A_402 = arith.constant -65536 : i32
      %broadcast_in_dim3A_403 = vector.broadcast %jit3A_401 : i32 to vector<16xi32>
      %broadcast_in_dim3A_404 = vector.broadcast %jit3A_402 : i32 to vector<16xi32>
      %select_n3A_405 = arith.select %eq3A_400, %broadcast_in_dim3A_403, %broadcast_in_dim3A_404 : vector<16xi1>, vector<16xi32>
      %add3A_406 = arith.addi %add3A_397, %select_n3A_405 : vector<16xi32>
      %eq3A_407 = arith.constant 0 : i32
      %eq3A_408 = vector.broadcast %eq3A_407 : i32 to vector<16xi32>
      %eq3A_409 = arith.cmpi eq, %get3A_384, %eq3A_408 : vector<16xi32>
      %jit3A_410 = arith.constant 65280 : i32
      %jit3A_411 = arith.constant -256 : i32
      %broadcast_in_dim3A_412 = vector.broadcast %jit3A_410 : i32 to vector<16xi32>
      %broadcast_in_dim3A_413 = vector.broadcast %jit3A_411 : i32 to vector<16xi32>
      %select_n3A_414 = arith.select %eq3A_409, %broadcast_in_dim3A_412, %broadcast_in_dim3A_413 : vector<16xi1>, vector<16xi32>
      %add3A_415 = arith.addi %add3A_397, %select_n3A_414 : vector<16xi32>
      %eq3A_416 = arith.constant 0 : i32
      %eq3A_417 = vector.broadcast %eq3A_416 : i32 to vector<16xi32>
      %eq3A_418 = arith.cmpi eq, %get3A_389, %eq3A_417 : vector<16xi32>
      %jit3A_419 = arith.constant 255 : i32
      %jit3A_420 = arith.constant -1 : i32
      %broadcast_in_dim3A_421 = vector.broadcast %jit3A_419 : i32 to vector<16xi32>
      %broadcast_in_dim3A_422 = vector.broadcast %jit3A_420 : i32 to vector<16xi32>
      %select_n3A_423 = arith.select %eq3A_418, %broadcast_in_dim3A_421, %broadcast_in_dim3A_422 : vector<16xi1>, vector<16xi32>
      %add3A_424 = arith.addi %add3A_397, %select_n3A_423 : vector<16xi32>
      %swap3A_425 = arith.constant 0 : i32
      %swap3A_426 = arith.index_cast %swap3A_425 : i32 to index
      %swap3A_427 = arith.constant 64 : index
      %swap3A_428 = tpu.vector_load %arg11[%swap3A_426, %swap3A_427] {strides = array<i32>} : memref<4x128xi32, #tpu.memory_space<vmem>>, vector<1x16xi32>,
      %swap3A_429 = vector.shape_cast %swap3A_428 : vector<1x16xi32> to vector<16xi32>
      %swap3A_430 = vector.shape_cast %add3A_397 : vector<16xi32> to vector<1x16xi32>
      tpu.vector_store %arg11[%swap3A_426, %swap3A_427], %swap3A_430 {strides = array<i32>} : memref<4x128xi32, #tpu.memory_space<vmem>>, vector<1x16xi32>,
      %swap3A_431 = arith.constant 1 : i32
      %swap3A_432 = arith.index_cast %swap3A_431 : i32 to index
      %swap3A_433 = arith.constant 64 : index
      %swap3A_434 = tpu.vector_load %arg11[%swap3A_432, %swap3A_433] {strides = array<i32>} : memref<4x128xi32, #tpu.memory_space<vmem>>, vector<1x16xi32>,
      %swap3A_435 = vector.shape_cast %swap3A_434 : vector<1x16xi32> to vector<16xi32>
      %swap3A_436 = vector.shape_cast %add3A_406 : vector<16xi32> to vector<1x16xi32>
      tpu.vector_store %arg11[%swap3A_432, %swap3A_433], %swap3A_436 {strides = array<i32>} : memref<4x128xi32, #tpu.memory_space<vmem>>, vector<1x16xi32>,
      %swap3A_437 = arith.constant 2 : i32
      %swap3A_438 = arith.index_cast %swap3A_437 : i32 to index
      %swap3A_439 = arith.constant 64 : index
      %swap3A_440 = tpu.vector_load %arg11[%swap3A_438, %swap3A_439] {strides = array<i32>} : memref<4x128xi32, #tpu.memory_space<vmem>>, vector<1x16xi32>,
      %swap3A_441 = vector.shape_cast %swap3A_440 : vector<1x16xi32> to vector<16xi32>
      %swap3A_442 = vector.shape_cast %add3A_415 : vector<16xi32> to vector<1x16xi32>
      tpu.vector_store %arg11[%swap3A_438, %swap3A_439], %swap3A_442 {strides = array<i32>} : memref<4x128xi32, #tpu.memory_space<vmem>>, vector<1x16xi32>,
      %swap3A_443 = arith.constant 3 : i32
      %swap3A_444 = arith.index_cast %swap3A_443 : i32 to index
      %swap3A_445 = arith.constant 64 : index
      %swap3A_446 = tpu.vector_load %arg11[%swap3A_444, %swap3A_445] {strides = array<i32>} : memref<4x128xi32, #tpu.memory_space<vmem>>, vector<1x16xi32>,
      %swap3A_447 = vector.shape_cast %swap3A_446 : vector<1x16xi32> to vector<16xi32>
      %swap3A_448 = vector.shape_cast %add3A_424 : vector<16xi32> to vector<1x16xi32>
      tpu.vector_store %arg11[%swap3A_444, %swap3A_445], %swap3A_448 {strides = array<i32>} : memref<4x128xi32, #tpu.memory_space<vmem>>, vector<1x16xi32>,
      %get3A_449 = arith.constant 0 : i32
      %get3A_450 = arith.index_cast %get3A_449 : i32 to index
      %get3A_451 = arith.constant 80 : index
      %get3A_452 = tpu.vector_load %arg5[%get3A_450, %get3A_451] {strides = array<i32>} : memref<3x1024xi32, #tpu.memory_space<vmem>>, vector<1x16xi32>,
      %get3A_453 = vector.shape_cast %get3A_452 : vector<1x16xi32> to vector<16xi32>
      %get3A_454 = arith.constant 1 : i32
      %get3A_455 = arith.index_cast %get3A_454 : i32 to index
      %get3A_456 = arith.constant 80 : index
      %get3A_457 = tpu.vector_load %arg5[%get3A_455, %get3A_456] {strides = array<i32>} : memref<3x1024xi32, #tpu.memory_space<vmem>>, vector<1x16xi32>,
      %get3A_458 = vector.shape_cast %get3A_457 : vector<1x16xi32> to vector<16xi32>
      %get3A_459 = arith.constant 2 : i32
      %get3A_460 = arith.index_cast %get3A_459 : i32 to index
      %get3A_461 = arith.constant 80 : index
      %get3A_462 = tpu.vector_load %arg5[%get3A_460, %get3A_461] {strides = array<i32>} : memref<3x1024xi32, #tpu.memory_space<vmem>>, vector<1x16xi32>,
      %get3A_463 = vector.shape_cast %get3A_462 : vector<1x16xi32> to vector<16xi32>
      %mul3A_464 = arith.constant 65536 : i32
      %mul3A_465 = vector.broadcast %mul3A_464 : i32 to vector<16xi32>
      %mul3A_466 = arith.muli %get3A_453, %mul3A_465 : vector<16xi32>
      %mul3A_467 = arith.constant 256 : i32
      %mul3A_468 = vector.broadcast %mul3A_467 : i32 to vector<16xi32>
      %mul3A_469 = arith.muli %get3A_458, %mul3A_468 : vector<16xi32>
      %add3A_470 = arith.addi %mul3A_466, %mul3A_469 : vector<16xi32>
      %add3A_471 = arith.addi %add3A_470, %get3A_463 : vector<16xi32>
      %eq3A_472 = arith.constant 0 : i32
      %eq3A_473 = vector.broadcast %eq3A_472 : i32 to vector<16xi32>
      %eq3A_474 = arith.cmpi eq, %get3A_453, %eq3A_473 : vector<16xi32>
      %jit3A_475 = arith.constant 16711680 : i32
      %jit3A_476 = arith.constant -65536 : i32
      %broadcast_in_dim3A_477 = vector.broadcast %jit3A_475 : i32 to vector<16xi32>
      %broadcast_in_dim3A_478 = vector.broadcast %jit3A_476 : i32 to vector<16xi32>
      %select_n3A_479 = arith.select %eq3A_474, %broadcast_in_dim3A_477, %broadcast_in_dim3A_478 : vector<16xi1>, vector<16xi32>
      %add3A_480 = arith.addi %add3A_471, %select_n3A_479 : vector<16xi32>
      %eq3A_481 = arith.constant 0 : i32
      %eq3A_482 = vector.broadcast %eq3A_481 : i32 to vector<16xi32>
      %eq3A_483 = arith.cmpi eq, %get3A_458, %eq3A_482 : vector<16xi32>
      %jit3A_484 = arith.constant 65280 : i32
      %jit3A_485 = arith.constant -256 : i32
      %broadcast_in_dim3A_486 = vector.broadcast %jit3A_484 : i32 to vector<16xi32>
      %broadcast_in_dim3A_487 = vector.broadcast %jit3A_485 : i32 to vector<16xi32>
      %select_n3A_488 = arith.select %eq3A_483, %broadcast_in_dim3A_486, %broadcast_in_dim3A_487 : vector<16xi1>, vector<16xi32>
      %add3A_489 = arith.addi %add3A_471, %select_n3A_488 : vector<16xi32>
      %eq3A_490 = arith.constant 0 : i32
      %eq3A_491 = vector.broadcast %eq3A_490 : i32 to vector<16xi32>
      %eq3A_492 = arith.cmpi eq, %get3A_463, %eq3A_491 : vector<16xi32>
      %jit3A_493 = arith.constant 255 : i32
      %jit3A_494 = arith.constant -1 : i32
      %broadcast_in_dim3A_495 = vector.broadcast %jit3A_493 : i32 to vector<16xi32>
      %broadcast_in_dim3A_496 = vector.broadcast %jit3A_494 : i32 to vector<16xi32>
      %select_n3A_497 = arith.select %eq3A_492, %broadcast_in_dim3A_495, %broadcast_in_dim3A_496 : vector<16xi1>, vector<16xi32>
      %add3A_498 = arith.addi %add3A_471, %select_n3A_497 : vector<16xi32>
      %swap3A_499 = arith.constant 0 : i32
      %swap3A_500 = arith.index_cast %swap3A_499 : i32 to index
      %swap3A_501 = arith.constant 80 : index
      %swap3A_502 = tpu.vector_load %arg11[%swap3A_500, %swap3A_501] {strides = array<i32>} : memref<4x128xi32, #tpu.memory_space<vmem>>, vector<1x16xi32>,
      %swap3A_503 = vector.shape_cast %swap3A_502 : vector<1x16xi32> to vector<16xi32>
      %swap3A_504 = vector.shape_cast %add3A_471 : vector<16xi32> to vector<1x16xi32>
      tpu.vector_store %arg11[%swap3A_500, %swap3A_501], %swap3A_504 {strides = array<i32>} : memref<4x128xi32, #tpu.memory_space<vmem>>, vector<1x16xi32>,
      %swap3A_505 = arith.constant 1 : i32
      %swap3A_506 = arith.index_cast %swap3A_505 : i32 to index
      %swap3A_507 = arith.constant 80 : index
      %swap3A_508 = tpu.vector_load %arg11[%swap3A_506, %swap3A_507] {strides = array<i32>} : memref<4x128xi32, #tpu.memory_space<vmem>>, vector<1x16xi32>,
      %swap3A_509 = vector.shape_cast %swap3A_508 : vector<1x16xi32> to vector<16xi32>
      %swap3A_510 = vector.shape_cast %add3A_480 : vector<16xi32> to vector<1x16xi32>
      tpu.vector_store %arg11[%swap3A_506, %swap3A_507], %swap3A_510 {strides = array<i32>} : memref<4x128xi32, #tpu.memory_space<vmem>>, vector<1x16xi32>,
      %swap3A_511 = arith.constant 2 : i32
      %swap3A_512 = arith.index_cast %swap3A_511 : i32 to index
      %swap3A_513 = arith.constant 80 : index
      %swap3A_514 = tpu.vector_load %arg11[%swap3A_512, %swap3A_513] {strides = array<i32>} : memref<4x128xi32, #tpu.memory_space<vmem>>, vector<1x16xi32>,
      %swap3A_515 = vector.shape_cast %swap3A_514 : vector<1x16xi32> to vector<16xi32>
      %swap3A_516 = vector.shape_cast %add3A_489 : vector<16xi32> to vector<1x16xi32>
      tpu.vector_store %arg11[%swap3A_512, %swap3A_513], %swap3A_516 {strides = array<i32>} : memref<4x128xi32, #tpu.memory_space<vmem>>, vector<1x16xi32>,
      %swap3A_517 = arith.constant 3 : i32
      %swap3A_518 = arith.index_cast %swap3A_517 : i32 to index
      %swap3A_519 = arith.constant 80 : index
      %swap3A_520 = tpu.vector_load %arg11[%swap3A_518, %swap3A_519] {strides = array<i32>} : memref<4x128xi32, #tpu.memory_space<vmem>>, vector<1x16xi32>,
      %swap3A_521 = vector.shape_cast %swap3A_520 : vector<1x16xi32> to vector<16xi32>
      %swap3A_522 = vector.shape_cast %add3A_498 : vector<16xi32> to vector<1x16xi32>
      tpu.vector_store %arg11[%swap3A_518, %swap3A_519], %swap3A_522 {strides = array<i32>} : memref<4x128xi32, #tpu.memory_space<vmem>>, vector<1x16xi32>,
      %get3A_523 = arith.constant 0 : i32
      %get3A_524 = arith.index_cast %get3A_523 : i32 to index
      %get3A_525 = arith.constant 96 : index
      %get3A_526 = tpu.vector_load %arg5[%get3A_524, %get3A_525] {strides = array<i32>} : memref<3x1024xi32, #tpu.memory_space<vmem>>, vector<1x16xi32>,
      %get3A_527 = vector.shape_cast %get3A_526 : vector<1x16xi32> to vector<16xi32>
      %get3A_528 = arith.constant 1 : i32
      %get3A_529 = arith.index_cast %get3A_528 : i32 to index
      %get3A_530 = arith.constant 96 : index
      %get3A_531 = tpu.vector_load %arg5[%get3A_529, %get3A_530] {strides = array<i32>} : memref<3x1024xi32, #tpu.memory_space<vmem>>, vector<1x16xi32>,
      %get3A_532 = vector.shape_cast %get3A_531 : vector<1x16xi32> to vector<16xi32>
      %get3A_533 = arith.constant 2 : i32
      %get3A_534 = arith.index_cast %get3A_533 : i32 to index
      %get3A_535 = arith.constant 96 : index
      %get3A_536 = tpu.vector_load %arg5[%get3A_534, %get3A_535] {strides = array<i32>} : memref<3x1024xi32, #tpu.memory_space<vmem>>, vector<1x16xi32>,
      %get3A_537 = vector.shape_cast %get3A_536 : vector<1x16xi32> to vector<16xi32>
      %mul3A_538 = arith.constant 65536 : i32
      %mul3A_539 = vector.broadcast %mul3A_538 : i32 to vector<16xi32>
      %mul3A_540 = arith.muli %get3A_527, %mul3A_539 : vector<16xi32>
      %mul3A_541 = arith.constant 256 : i32
      %mul3A_542 = vector.broadcast %mul3A_541 : i32 to vector<16xi32>
      %mul3A_543 = arith.muli %get3A_532, %mul3A_542 : vector<16xi32>
      %add3A_544 = arith.addi %mul3A_540, %mul3A_543 : vector<16xi32>
      %add3A_545 = arith.addi %add3A_544, %get3A_537 : vector<16xi32>
      %eq3A_546 = arith.constant 0 : i32
      %eq3A_547 = vector.broadcast %eq3A_546 : i32 to vector<16xi32>
      %eq3A_548 = arith.cmpi eq, %get3A_527, %eq3A_547 : vector<16xi32>
      %jit3A_549 = arith.constant 16711680 : i32
      %jit3A_550 = arith.constant -65536 : i32
      %broadcast_in_dim3A_551 = vector.broadcast %jit3A_549 : i32 to vector<16xi32>
      %broadcast_in_dim3A_552 = vector.broadcast %jit3A_550 : i32 to vector<16xi32>
      %select_n3A_553 = arith.select %eq3A_548, %broadcast_in_dim3A_551, %broadcast_in_dim3A_552 : vector<16xi1>, vector<16xi32>
      %add3A_554 = arith.addi %add3A_545, %select_n3A_553 : vector<16xi32>
      %eq3A_555 = arith.constant 0 : i32
      %eq3A_556 = vector.broadcast %eq3A_555 : i32 to vector<16xi32>
      %eq3A_557 = arith.cmpi eq, %get3A_532, %eq3A_556 : vector<16xi32>
      %jit3A_558 = arith.constant 65280 : i32
      %jit3A_559 = arith.constant -256 : i32
      %broadcast_in_dim3A_560 = vector.broadcast %jit3A_558 : i32 to vector<16xi32>
      %broadcast_in_dim3A_561 = vector.broadcast %jit3A_559 : i32 to vector<16xi32>
      %select_n3A_562 = arith.select %eq3A_557, %broadcast_in_dim3A_560, %broadcast_in_dim3A_561 : vector<16xi1>, vector<16xi32>
      %add3A_563 = arith.addi %add3A_545, %select_n3A_562 : vector<16xi32>
      %eq3A_564 = arith.constant 0 : i32
      %eq3A_565 = vector.broadcast %eq3A_564 : i32 to vector<16xi32>
      %eq3A_566 = arith.cmpi eq, %get3A_537, %eq3A_565 : vector<16xi32>
      %jit3A_567 = arith.constant 255 : i32
      %jit3A_568 = arith.constant -1 : i32
      %broadcast_in_dim3A_569 = vector.broadcast %jit3A_567 : i32 to vector<16xi32>
      %broadcast_in_dim3A_570 = vector.broadcast %jit3A_568 : i32 to vector<16xi32>
      %select_n3A_571 = arith.select %eq3A_566, %broadcast_in_dim3A_569, %broadcast_in_dim3A_570 : vector<16xi1>, vector<16xi32>
      %add3A_572 = arith.addi %add3A_545, %select_n3A_571 : vector<16xi32>
      %swap3A_573 = arith.constant 0 : i32
      %swap3A_574 = arith.index_cast %swap3A_573 : i32 to index
      %swap3A_575 = arith.constant 96 : index
      %swap3A_576 = tpu.vector_load %arg11[%swap3A_574, %swap3A_575] {strides = array<i32>} : memref<4x128xi32, #tpu.memory_space<vmem>>, vector<1x16xi32>,
      %swap3A_577 = vector.shape_cast %swap3A_576 : vector<1x16xi32> to vector<16xi32>
      %swap3A_578 = vector.shape_cast %add3A_545 : vector<16xi32> to vector<1x16xi32>
      tpu.vector_store %arg11[%swap3A_574, %swap3A_575], %swap3A_578 {strides = array<i32>} : memref<4x128xi32, #tpu.memory_space<vmem>>, vector<1x16xi32>,
      %swap3A_579 = arith.constant 1 : i32
      %swap3A_580 = arith.index_cast %swap3A_579 : i32 to index
      %swap3A_581 = arith.constant 96 : index
      %swap3A_582 = tpu.vector_load %arg11[%swap3A_580, %swap3A_581] {strides = array<i32>} : memref<4x128xi32, #tpu.memory_space<vmem>>, vector<1x16xi32>,
      %swap3A_583 = vector.shape_cast %swap3A_582 : vector<1x16xi32> to vector<16xi32>
      %swap3A_584 = vector.shape_cast %add3A_554 : vector<16xi32> to vector<1x16xi32>
      tpu.vector_store %arg11[%swap3A_580, %swap3A_581], %swap3A_584 {strides = array<i32>} : memref<4x128xi32, #tpu.memory_space<vmem>>, vector<1x16xi32>,
      %swap3A_585 = arith.constant 2 : i32
      %swap3A_586 = arith.index_cast %swap3A_585 : i32 to index
      %swap3A_587 = arith.constant 96 : index
      %swap3A_588 = tpu.vector_load %arg11[%swap3A_586, %swap3A_587] {strides = array<i32>} : memref<4x128xi32, #tpu.memory_space<vmem>>, vector<1x16xi32>,
      %swap3A_589 = vector.shape_cast %swap3A_588 : vector<1x16xi32> to vector<16xi32>
      %swap3A_590 = vector.shape_cast %add3A_563 : vector<16xi32> to vector<1x16xi32>
      tpu.vector_store %arg11[%swap3A_586, %swap3A_587], %swap3A_590 {strides = array<i32>} : memref<4x128xi32, #tpu.memory_space<vmem>>, vector<1x16xi32>,
      %swap3A_591 = arith.constant 3 : i32
      %swap3A_592 = arith.index_cast %swap3A_591 : i32 to index
      %swap3A_593 = arith.constant 96 : index
      %swap3A_594 = tpu.vector_load %arg11[%swap3A_592, %swap3A_593] {strides = array<i32>} : memref<4x128xi32, #tpu.memory_space<vmem>>, vector<1x16xi32>,
      %swap3A_595 = vector.shape_cast %swap3A_594 : vector<1x16xi32> to vector<16xi32>
      %swap3A_596 = vector.shape_cast %add3A_572 : vector<16xi32> to vector<1x16xi32>
      tpu.vector_store %arg11[%swap3A_592, %swap3A_593], %swap3A_596 {strides = array<i32>} : memref<4x128xi32, #tpu.memory_space<vmem>>, vector<1x16xi32>,
      %get3A_597 = arith.constant 0 : i32
      %get3A_598 = arith.index_cast %get3A_597 : i32 to index
      %get3A_599 = arith.constant 112 : index
      %get3A_600 = tpu.vector_load %arg5[%get3A_598, %get3A_599] {strides = array<i32>} : memref<3x1024xi32, #tpu.memory_space<vmem>>, vector<1x16xi32>,
      %get3A_601 = vector.shape_cast %get3A_600 : vector<1x16xi32> to vector<16xi32>
      %get3A_602 = arith.constant 1 : i32
      %get3A_603 = arith.index_cast %get3A_602 : i32 to index
      %get3A_604 = arith.constant 112 : index
      %get3A_605 = tpu.vector_load %arg5[%get3A_603, %get3A_604] {strides = array<i32>} : memref<3x1024xi32, #tpu.memory_space<vmem>>, vector<1x16xi32>,
      %get3A_606 = vector.shape_cast %get3A_605 : vector<1x16xi32> to vector<16xi32>
      %get3A_607 = arith.constant 2 : i32
      %get3A_608 = arith.index_cast %get3A_607 : i32 to index
      %get3A_609 = arith.constant 112 : index
      %get3A_610 = tpu.vector_load %arg5[%get3A_608, %get3A_609] {strides = array<i32>} : memref<3x1024xi32, #tpu.memory_space<vmem>>, vector<1x16xi32>,
      %get3A_611 = vector.shape_cast %get3A_610 : vector<1x16xi32> to vector<16xi32>
      %mul3A_612 = arith.constant 65536 : i32
      %mul3A_613 = vector.broadcast %mul3A_612 : i32 to vector<16xi32>
      %mul3A_614 = arith.muli %get3A_601, %mul3A_613 : vector<16xi32>
      %mul3A_615 = arith.constant 256 : i32
      %mul3A_616 = vector.broadcast %mul3A_615 : i32 to vector<16xi32>
      %mul3A_617 = arith.muli %get3A_606, %mul3A_616 : vector<16xi32>
      %add3A_618 = arith.addi %mul3A_614, %mul3A_617 : vector<16xi32>
      %add3A_619 = arith.addi %add3A_618, %get3A_611 : vector<16xi32>
      %eq3A_620 = arith.constant 0 : i32
      %eq3A_621 = vector.broadcast %eq3A_620 : i32 to vector<16xi32>
      %eq3A_622 = arith.cmpi eq, %get3A_601, %eq3A_621 : vector<16xi32>
      %jit3A_623 = arith.constant 16711680 : i32
      %jit3A_624 = arith.constant -65536 : i32
      %broadcast_in_dim3A_625 = vector.broadcast %jit3A_623 : i32 to vector<16xi32>
      %broadcast_in_dim3A_626 = vector.broadcast %jit3A_624 : i32 to vector<16xi32>
      %select_n3A_627 = arith.select %eq3A_622, %broadcast_in_dim3A_625, %broadcast_in_dim3A_626 : vector<16xi1>, vector<16xi32>
      %add3A_628 = arith.addi %add3A_619, %select_n3A_627 : vector<16xi32>
      %eq3A_629 = arith.constant 0 : i32
      %eq3A_630 = vector.broadcast %eq3A_629 : i32 to vector<16xi32>
      %eq3A_631 = arith.cmpi eq, %get3A_606, %eq3A_630 : vector<16xi32>
      %jit3A_632 = arith.constant 65280 : i32
      %jit3A_633 = arith.constant -256 : i32
      %broadcast_in_dim3A_634 = vector.broadcast %jit3A_632 : i32 to vector<16xi32>
      %broadcast_in_dim3A_635 = vector.broadcast %jit3A_633 : i32 to vector<16xi32>
      %select_n3A_636 = arith.select %eq3A_631, %broadcast_in_dim3A_634, %broadcast_in_dim3A_635 : vector<16xi1>, vector<16xi32>
      %add3A_637 = arith.addi %add3A_619, %select_n3A_636 : vector<16xi32>
      %eq3A_638 = arith.constant 0 : i32
      %eq3A_639 = vector.broadcast %eq3A_638 : i32 to vector<16xi32>
      %eq3A_640 = arith.cmpi eq, %get3A_611, %eq3A_639 : vector<16xi32>
      %jit3A_641 = arith.constant 255 : i32
      %jit3A_642 = arith.constant -1 : i32
      %broadcast_in_dim3A_643 = vector.broadcast %jit3A_641 : i32 to vector<16xi32>
      %broadcast_in_dim3A_644 = vector.broadcast %jit3A_642 : i32 to vector<16xi32>
      %select_n3A_645 = arith.select %eq3A_640, %broadcast_in_dim3A_643, %broadcast_in_dim3A_644 : vector<16xi1>, vector<16xi32>
      %add3A_646 = arith.addi %add3A_619, %select_n3A_645 : vector<16xi32>
      %swap3A_647 = arith.constant 0 : i32
      %swap3A_648 = arith.index_cast %swap3A_647 : i32 to index
      %swap3A_649 = arith.constant 112 : index
      %swap3A_650 = tpu.vector_load %arg11[%swap3A_648, %swap3A_649] {strides = array<i32>} : memref<4x128xi32, #tpu.memory_space<vmem>>, vector<1x16xi32>,
      %swap3A_651 = vector.shape_cast %swap3A_650 : vector<1x16xi32> to vector<16xi32>
      %swap3A_652 = vector.shape_cast %add3A_619 : vector<16xi32> to vector<1x16xi32>
      tpu.vector_store %arg11[%swap3A_648, %swap3A_649], %swap3A_652 {strides = array<i32>} : memref<4x128xi32, #tpu.memory_space<vmem>>, vector<1x16xi32>,
      %swap3A_653 = arith.constant 1 : i32
      %swap3A_654 = arith.index_cast %swap3A_653 : i32 to index
      %swap3A_655 = arith.constant 112 : index
      %swap3A_656 = tpu.vector_load %arg11[%swap3A_654, %swap3A_655] {strides = array<i32>} : memref<4x128xi32, #tpu.memory_space<vmem>>, vector<1x16xi32>,
      %swap3A_657 = vector.shape_cast %swap3A_656 : vector<1x16xi32> to vector<16xi32>
      %swap3A_658 = vector.shape_cast %add3A_628 : vector<16xi32> to vector<1x16xi32>
      tpu.vector_store %arg11[%swap3A_654, %swap3A_655], %swap3A_658 {strides = array<i32>} : memref<4x128xi32, #tpu.memory_space<vmem>>, vector<1x16xi32>,
      %swap3A_659 = arith.constant 2 : i32
      %swap3A_660 = arith.index_cast %swap3A_659 : i32 to index
      %swap3A_661 = arith.constant 112 : index
      %swap3A_662 = tpu.vector_load %arg11[%swap3A_660, %swap3A_661] {strides = array<i32>} : memref<4x128xi32, #tpu.memory_space<vmem>>, vector<1x16xi32>,
      %swap3A_663 = vector.shape_cast %swap3A_662 : vector<1x16xi32> to vector<16xi32>
      %swap3A_664 = vector.shape_cast %add3A_637 : vector<16xi32> to vector<1x16xi32>
      tpu.vector_store %arg11[%swap3A_660, %swap3A_661], %swap3A_664 {strides = array<i32>} : memref<4x128xi32, #tpu.memory_space<vmem>>, vector<1x16xi32>,
      %swap3A_665 = arith.constant 3 : i32
      %swap3A_666 = arith.index_cast %swap3A_665 : i32 to index
      %swap3A_667 = arith.constant 112 : index
      %swap3A_668 = tpu.vector_load %arg11[%swap3A_666, %swap3A_667] {strides = array<i32>} : memref<4x128xi32, #tpu.memory_space<vmem>>, vector<1x16xi32>,
      %swap3A_669 = vector.shape_cast %swap3A_668 : vector<1x16xi32> to vector<16xi32>
      %swap3A_670 = vector.shape_cast %add3A_646 : vector<16xi32> to vector<1x16xi32>
      tpu.vector_store %arg11[%swap3A_666, %swap3A_667], %swap3A_670 {strides = array<i32>} : memref<4x128xi32, #tpu.memory_space<vmem>>, vector<1x16xi32>,
      %dma_start3A_671 = arith.constant 0 : i32
      %dma_start3A_672 = arith.constant 0 : i32
      %dma_start3A_673 = arith.constant 0 : i32
      %dma_start3A_674 = tpu.memref_slice %arg12[%dma_start3A_672, %dma_start3A_673] : memref<4x128xf32, #tpu.memory_space<vmem>> -> memref<1x128xf32, #tpu.memory_space<vmem>>
      %dma_start3A_675 = tpu.memref_squeeze %dma_start3A_674 : memref<1x128xf32, #tpu.memory_space<vmem>> -> memref<128xf32, #tpu.memory_space<vmem>>
      %dma_start3A_676 = arith.constant 0 : i32
      %dma_start3A_677 = tpu.memref_slice %arg11[%dma_start3A_671, %dma_start3A_676] : memref<4x128xi32, #tpu.memory_space<vmem>> -> memref<1x128xi32, #tpu.memory_space<vmem>>
      %dma_start3A_678 = tpu.memref_squeeze %dma_start3A_677 : memref<1x128xi32, #tpu.memory_space<vmem>> -> memref<128xi32, #tpu.memory_space<vmem>>
      %dma_start3A_679 = arith.constant 0 : i32
      %dma_start3A_680 = tpu.memref_slice %arg3[%cond3A, %dma_start3A_679] : memref<1x16777216xf32, #tpu.memory_space<hbm>> -> memref<1x16777216xf32, #tpu.memory_space<hbm>>
      %dma_start3A_681 = tpu.memref_squeeze %dma_start3A_680 : memref<1x16777216xf32, #tpu.memory_space<hbm>> -> memref<16777216xf32, #tpu.memory_space<hbm>>
      %dma_start3A_682 = arith.constant 0 : i32
      %dma_start3A_683 = tpu.memref_slice %dma_start3A_681[%dma_start3A_682] : memref<16777216xf32, #tpu.memory_space<hbm>> -> memref<16777216xf32, #tpu.memory_space<hbm>>
      tpu.enqueue_indirect_dma source(%dma_start3A_683 : memref<16777216xf32, #tpu.memory_space<hbm>>) target(%dma_start3A_675 : memref<128xf32, #tpu.memory_space<vmem>>) offsets(%dma_start3A_678 : memref<128xi32, #tpu.memory_space<vmem>>) semaphore(%arg16 : memref<!tpu.dma_semaphore, #tpu.memory_space<semaphore_mem>>)
      %dma_start3A_684 = arith.constant 1 : i32
      %dma_start3A_685 = arith.constant 1 : i32
      %dma_start3A_686 = arith.constant 0 : i32
      %dma_start3A_687 = tpu.memref_slice %arg12[%dma_start3A_685, %dma_start3A_686] : memref<4x128xf32, #tpu.memory_space<vmem>> -> memref<1x128xf32, #tpu.memory_space<vmem>>
      %dma_start3A_688 = tpu.memref_squeeze %dma_start3A_687 : memref<1x128xf32, #tpu.memory_space<vmem>> -> memref<128xf32, #tpu.memory_space<vmem>>
      %dma_start3A_689 = arith.constant 0 : i32
      %dma_start3A_690 = tpu.memref_slice %arg11[%dma_start3A_684, %dma_start3A_689] : memref<4x128xi32, #tpu.memory_space<vmem>> -> memref<1x128xi32, #tpu.memory_space<vmem>>
      %dma_start3A_691 = tpu.memref_squeeze %dma_start3A_690 : memref<1x128xi32, #tpu.memory_space<vmem>> -> memref<128xi32, #tpu.memory_space<vmem>>
      %dma_start3A_692 = arith.constant 0 : i32
      %dma_start3A_693 = tpu.memref_slice %arg3[%cond3A, %dma_start3A_692] : memref<1x16777216xf32, #tpu.memory_space<hbm>> -> memref<1x16777216xf32, #tpu.memory_space<hbm>>
      %dma_start3A_694 = tpu.memref_squeeze %dma_start3A_693 : memref<1x16777216xf32, #tpu.memory_space<hbm>> -> memref<16777216xf32, #tpu.memory_space<hbm>>
      %dma_start3A_695 = arith.constant 0 : i32
      %dma_start3A_696 = tpu.memref_slice %dma_start3A_694[%dma_start3A_695] : memref<16777216xf32, #tpu.memory_space<hbm>> -> memref<16777216xf32, #tpu.memory_space<hbm>>
      tpu.enqueue_indirect_dma source(%dma_start3A_696 : memref<16777216xf32, #tpu.memory_space<hbm>>) target(%dma_start3A_688 : memref<128xf32, #tpu.memory_space<vmem>>) offsets(%dma_start3A_691 : memref<128xi32, #tpu.memory_space<vmem>>) semaphore(%arg16 : memref<!tpu.dma_semaphore, #tpu.memory_space<semaphore_mem>>)
      %dma_start3A_697 = arith.constant 2 : i32
      %dma_start3A_698 = arith.constant 2 : i32
      %dma_start3A_699 = arith.constant 0 : i32
      %dma_start3A_700 = tpu.memref_slice %arg12[%dma_start3A_698, %dma_start3A_699] : memref<4x128xf32, #tpu.memory_space<vmem>> -> memref<1x128xf32, #tpu.memory_space<vmem>>
      %dma_start3A_701 = tpu.memref_squeeze %dma_start3A_700 : memref<1x128xf32, #tpu.memory_space<vmem>> -> memref<128xf32, #tpu.memory_space<vmem>>
      %dma_start3A_702 = arith.constant 0 : i32
      %dma_start3A_703 = tpu.memref_slice %arg11[%dma_start3A_697, %dma_start3A_702] : memref<4x128xi32, #tpu.memory_space<vmem>> -> memref<1x128xi32, #tpu.memory_space<vmem>>
      %dma_start3A_704 = tpu.memref_squeeze %dma_start3A_703 : memref<1x128xi32, #tpu.memory_space<vmem>> -> memref<128xi32, #tpu.memory_space<vmem>>
      %dma_start3A_705 = arith.constant 0 : i32
      %dma_start3A_706 = tpu.memref_slice %arg3[%cond3A, %dma_start3A_705] : memref<1x16777216xf32, #tpu.memory_space<hbm>> -> memref<1x16777216xf32, #tpu.memory_space<hbm>>
      %dma_start3A_707 = tpu.memref_squeeze %dma_start3A_706 : memref<1x16777216xf32, #tpu.memory_space<hbm>> -> memref<16777216xf32, #tpu.memory_space<hbm>>
      %dma_start3A_708 = arith.constant 0 : i32
      %dma_start3A_709 = tpu.memref_slice %dma_start3A_707[%dma_start3A_708] : memref<16777216xf32, #tpu.memory_space<hbm>> -> memref<16777216xf32, #tpu.memory_space<hbm>>
      tpu.enqueue_indirect_dma source(%dma_start3A_709 : memref<16777216xf32, #tpu.memory_space<hbm>>) target(%dma_start3A_701 : memref<128xf32, #tpu.memory_space<vmem>>) offsets(%dma_start3A_704 : memref<128xi32, #tpu.memory_space<vmem>>) semaphore(%arg16 : memref<!tpu.dma_semaphore, #tpu.memory_space<semaphore_mem>>)
      %dma_start3A_710 = arith.constant 3 : i32
      %dma_start3A_711 = arith.constant 3 : i32
      %dma_start3A_712 = arith.constant 0 : i32
      %dma_start3A_713 = tpu.memref_slice %arg12[%dma_start3A_711, %dma_start3A_712] : memref<4x128xf32, #tpu.memory_space<vmem>> -> memref<1x128xf32, #tpu.memory_space<vmem>>
      %dma_start3A_714 = tpu.memref_squeeze %dma_start3A_713 : memref<1x128xf32, #tpu.memory_space<vmem>> -> memref<128xf32, #tpu.memory_space<vmem>>
      %dma_start3A_715 = arith.constant 0 : i32
      %dma_start3A_716 = tpu.memref_slice %arg11[%dma_start3A_710, %dma_start3A_715] : memref<4x128xi32, #tpu.memory_space<vmem>> -> memref<1x128xi32, #tpu.memory_space<vmem>>
      %dma_start3A_717 = tpu.memref_squeeze %dma_start3A_716 : memref<1x128xi32, #tpu.memory_space<vmem>> -> memref<128xi32, #tpu.memory_space<vmem>>
      %dma_start3A_718 = arith.constant 0 : i32
      %dma_start3A_719 = tpu.memref_slice %arg3[%cond3A, %dma_start3A_718] : memref<1x16777216xf32, #tpu.memory_space<hbm>> -> memref<1x16777216xf32, #tpu.memory_space<hbm>>
      %dma_start3A_720 = tpu.memref_squeeze %dma_start3A_719 : memref<1x16777216xf32, #tpu.memory_space<hbm>> -> memref<16777216xf32, #tpu.memory_space<hbm>>
      %dma_start3A_721 = arith.constant 0 : i32
      %dma_start3A_722 = tpu.memref_slice %dma_start3A_720[%dma_start3A_721] : memref<16777216xf32, #tpu.memory_space<hbm>> -> memref<16777216xf32, #tpu.memory_space<hbm>>
      tpu.enqueue_indirect_dma source(%dma_start3A_722 : memref<16777216xf32, #tpu.memory_space<hbm>>) target(%dma_start3A_714 : memref<128xf32, #tpu.memory_space<vmem>>) offsets(%dma_start3A_717 : memref<128xi32, #tpu.memory_space<vmem>>) semaphore(%arg16 : memref<!tpu.dma_semaphore, #tpu.memory_space<semaphore_mem>>)
      %dma_wait3A_723 = arith.constant 0 : i32
      %dma_wait3A_724 = arith.constant 0 : i32
      %dma_wait3A_725 = arith.constant 0 : i32
      %dma_wait3A_726 = tpu.memref_slice %arg12[%dma_wait3A_724, %dma_wait3A_725] : memref<4x128xf32, #tpu.memory_space<vmem>> -> memref<1x128xf32, #tpu.memory_space<vmem>>
      %dma_wait3A_727 = tpu.memref_squeeze %dma_wait3A_726 : memref<1x128xf32, #tpu.memory_space<vmem>> -> memref<128xf32, #tpu.memory_space<vmem>>
      %dma_wait3A_728 = arith.constant 0 : i32
      %dma_wait3A_729 = tpu.memref_slice %arg11[%dma_wait3A_723, %dma_wait3A_728] : memref<4x128xi32, #tpu.memory_space<vmem>> -> memref<1x128xi32, #tpu.memory_space<vmem>>
      %dma_wait3A_730 = tpu.memref_squeeze %dma_wait3A_729 : memref<1x128xi32, #tpu.memory_space<vmem>> -> memref<128xi32, #tpu.memory_space<vmem>>
      %dma_wait3A_731 = arith.constant 0 : i32
      %dma_wait3A_732 = tpu.memref_slice %arg3[%cond3A, %dma_wait3A_731] : memref<1x16777216xf32, #tpu.memory_space<hbm>> -> memref<1x16777216xf32, #tpu.memory_space<hbm>>
      %dma_wait3A_733 = tpu.memref_squeeze %dma_wait3A_732 : memref<1x16777216xf32, #tpu.memory_space<hbm>> -> memref<16777216xf32, #tpu.memory_space<hbm>>
      %dma_wait3A_734 = arith.constant 0 : i32
      %dma_wait3A_735 = tpu.memref_slice %dma_wait3A_733[%dma_wait3A_734] : memref<16777216xf32, #tpu.memory_space<hbm>> -> memref<16777216xf32, #tpu.memory_space<hbm>>
      tpu.wait_indirect_dma semaphore(%arg16 : memref<!tpu.dma_semaphore, #tpu.memory_space<semaphore_mem>>) src(%dma_wait3A_735 : memref<16777216xf32, #tpu.memory_space<hbm>>) dst(%dma_wait3A_727 : memref<128xf32, #tpu.memory_space<vmem>>)
      %dma_wait3A_736 = arith.constant 1 : i32
      %dma_wait3A_737 = arith.constant 1 : i32
      %dma_wait3A_738 = arith.constant 0 : i32
      %dma_wait3A_739 = tpu.memref_slice %arg12[%dma_wait3A_737, %dma_wait3A_738] : memref<4x128xf32, #tpu.memory_space<vmem>> -> memref<1x128xf32, #tpu.memory_space<vmem>>
      %dma_wait3A_740 = tpu.memref_squeeze %dma_wait3A_739 : memref<1x128xf32, #tpu.memory_space<vmem>> -> memref<128xf32, #tpu.memory_space<vmem>>
      %dma_wait3A_741 = arith.constant 0 : i32
      %dma_wait3A_742 = tpu.memref_slice %arg11[%dma_wait3A_736, %dma_wait3A_741] : memref<4x128xi32, #tpu.memory_space<vmem>> -> memref<1x128xi32, #tpu.memory_space<vmem>>
      %dma_wait3A_743 = tpu.memref_squeeze %dma_wait3A_742 : memref<1x128xi32, #tpu.memory_space<vmem>> -> memref<128xi32, #tpu.memory_space<vmem>>
      %dma_wait3A_744 = arith.constant 0 : i32
      %dma_wait3A_745 = tpu.memref_slice %arg3[%cond3A, %dma_wait3A_744] : memref<1x16777216xf32, #tpu.memory_space<hbm>> -> memref<1x16777216xf32, #tpu.memory_space<hbm>>
      %dma_wait3A_746 = tpu.memref_squeeze %dma_wait3A_745 : memref<1x16777216xf32, #tpu.memory_space<hbm>> -> memref<16777216xf32, #tpu.memory_space<hbm>>
      %dma_wait3A_747 = arith.constant 0 : i32
      %dma_wait3A_748 = tpu.memref_slice %dma_wait3A_746[%dma_wait3A_747] : memref<16777216xf32, #tpu.memory_space<hbm>> -> memref<16777216xf32, #tpu.memory_space<hbm>>
      tpu.wait_indirect_dma semaphore(%arg16 : memref<!tpu.dma_semaphore, #tpu.memory_space<semaphore_mem>>) src(%dma_wait3A_748 : memref<16777216xf32, #tpu.memory_space<hbm>>) dst(%dma_wait3A_740 : memref<128xf32, #tpu.memory_space<vmem>>)
      %dma_wait3A_749 = arith.constant 2 : i32
      %dma_wait3A_750 = arith.constant 2 : i32
      %dma_wait3A_751 = arith.constant 0 : i32
      %dma_wait3A_752 = tpu.memref_slice %arg12[%dma_wait3A_750, %dma_wait3A_751] : memref<4x128xf32, #tpu.memory_space<vmem>> -> memref<1x128xf32, #tpu.memory_space<vmem>>
      %dma_wait3A_753 = tpu.memref_squeeze %dma_wait3A_752 : memref<1x128xf32, #tpu.memory_space<vmem>> -> memref<128xf32, #tpu.memory_space<vmem>>
      %dma_wait3A_754 = arith.constant 0 : i32
      %dma_wait3A_755 = tpu.memref_slice %arg11[%dma_wait3A_749, %dma_wait3A_754] : memref<4x128xi32, #tpu.memory_space<vmem>> -> memref<1x128xi32, #tpu.memory_space<vmem>>
      %dma_wait3A_756 = tpu.memref_squeeze %dma_wait3A_755 : memref<1x128xi32, #tpu.memory_space<vmem>> -> memref<128xi32, #tpu.memory_space<vmem>>
      %dma_wait3A_757 = arith.constant 0 : i32
      %dma_wait3A_758 = tpu.memref_slice %arg3[%cond3A, %dma_wait3A_757] : memref<1x16777216xf32, #tpu.memory_space<hbm>> -> memref<1x16777216xf32, #tpu.memory_space<hbm>>
      %dma_wait3A_759 = tpu.memref_squeeze %dma_wait3A_758 : memref<1x16777216xf32, #tpu.memory_space<hbm>> -> memref<16777216xf32, #tpu.memory_space<hbm>>
      %dma_wait3A_760 = arith.constant 0 : i32
      %dma_wait3A_761 = tpu.memref_slice %dma_wait3A_759[%dma_wait3A_760] : memref<16777216xf32, #tpu.memory_space<hbm>> -> memref<16777216xf32, #tpu.memory_space<hbm>>
      tpu.wait_indirect_dma semaphore(%arg16 : memref<!tpu.dma_semaphore, #tpu.memory_space<semaphore_mem>>) src(%dma_wait3A_761 : memref<16777216xf32, #tpu.memory_space<hbm>>) dst(%dma_wait3A_753 : memref<128xf32, #tpu.memory_space<vmem>>)
      %dma_wait3A_762 = arith.constant 3 : i32
      %dma_wait3A_763 = arith.constant 3 : i32
      %dma_wait3A_764 = arith.constant 0 : i32
      %dma_wait3A_765 = tpu.memref_slice %arg12[%dma_wait3A_763, %dma_wait3A_764] : memref<4x128xf32, #tpu.memory_space<vmem>> -> memref<1x128xf32, #tpu.memory_space<vmem>>
      %dma_wait3A_766 = tpu.memref_squeeze %dma_wait3A_765 : memref<1x128xf32, #tpu.memory_space<vmem>> -> memref<128xf32, #tpu.memory_space<vmem>>
      %dma_wait3A_767 = arith.constant 0 : i32
      %dma_wait3A_768 = tpu.memref_slice %arg11[%dma_wait3A_762, %dma_wait3A_767] : memref<4x128xi32, #tpu.memory_space<vmem>> -> memref<1x128xi32, #tpu.memory_space<vmem>>
      %dma_wait3A_769 = tpu.memref_squeeze %dma_wait3A_768 : memref<1x128xi32, #tpu.memory_space<vmem>> -> memref<128xi32, #tpu.memory_space<vmem>>
      %dma_wait3A_770 = arith.constant 0 : i32
      %dma_wait3A_771 = tpu.memref_slice %arg3[%cond3A, %dma_wait3A_770] : memref<1x16777216xf32, #tpu.memory_space<hbm>> -> memref<1x16777216xf32, #tpu.memory_space<hbm>>
      %dma_wait3A_772 = tpu.memref_squeeze %dma_wait3A_771 : memref<1x16777216xf32, #tpu.memory_space<hbm>> -> memref<16777216xf32, #tpu.memory_space<hbm>>
      %dma_wait3A_773 = arith.constant 0 : i32
      %dma_wait3A_774 = tpu.memref_slice %dma_wait3A_772[%dma_wait3A_773] : memref<16777216xf32, #tpu.memory_space<hbm>> -> memref<16777216xf32, #tpu.memory_space<hbm>>
      tpu.wait_indirect_dma semaphore(%arg16 : memref<!tpu.dma_semaphore, #tpu.memory_space<semaphore_mem>>) src(%dma_wait3A_774 : memref<16777216xf32, #tpu.memory_space<hbm>>) dst(%dma_wait3A_766 : memref<128xf32, #tpu.memory_space<vmem>>)
      %broadcast_in_dim3A_775 = arith.constant 0.000000e+00 : f32
      %broadcast_in_dim3A_776 = vector.broadcast %broadcast_in_dim3A_775 : f32 to vector<16xf32>
      %get3A_777 = arith.constant 0 : i32
      %get3A_778 = arith.index_cast %get3A_777 : i32 to index
      %get3A_779 = arith.constant 0 : index
      %get3A_780 = tpu.vector_load %arg12[%get3A_778, %get3A_779] {strides = array<i32>} : memref<4x128xf32, #tpu.memory_space<vmem>>, vector<1x16xf32>,
      %get3A_781 = vector.shape_cast %get3A_780 : vector<1x16xf32> to vector<16xf32>
      %get3A_782 = arith.constant 1 : i32
      %get3A_783 = arith.index_cast %get3A_782 : i32 to index
      %get3A_784 = arith.constant 0 : index
      %get3A_785 = tpu.vector_load %arg12[%get3A_783, %get3A_784] {strides = array<i32>} : memref<4x128xf32, #tpu.memory_space<vmem>>, vector<1x16xf32>,
      %get3A_786 = vector.shape_cast %get3A_785 : vector<1x16xf32> to vector<16xf32>
      %sub3A = arith.subf %get3A_781, %get3A_786 : vector<16xf32>
      %get3A_787 = arith.constant 2 : i32
      %get3A_788 = arith.index_cast %get3A_787 : i32 to index
      %get3A_789 = arith.constant 0 : index
      %get3A_790 = tpu.vector_load %arg12[%get3A_788, %get3A_789] {strides = array<i32>} : memref<4x128xf32, #tpu.memory_space<vmem>>, vector<1x16xf32>,
      %get3A_791 = vector.shape_cast %get3A_790 : vector<1x16xf32> to vector<16xf32>
      %sub3A_792 = arith.subf %get3A_781, %get3A_791 : vector<16xf32>
      %get3A_793 = arith.constant 3 : i32
      %get3A_794 = arith.index_cast %get3A_793 : i32 to index
      %get3A_795 = arith.constant 0 : index
      %get3A_796 = tpu.vector_load %arg12[%get3A_794, %get3A_795] {strides = array<i32>} : memref<4x128xf32, #tpu.memory_space<vmem>>, vector<1x16xf32>,
      %get3A_797 = vector.shape_cast %get3A_796 : vector<1x16xf32> to vector<16xf32>
      %sub3A_798 = arith.subf %get3A_781, %get3A_797 : vector<16xf32>
      %mul3A_799 = arith.mulf %sub3A, %sub3A : vector<16xf32>
      %mul3A_800 = arith.mulf %sub3A_792, %sub3A_792 : vector<16xf32>
      %add3A_801 = arith.addf %mul3A_799, %mul3A_800 : vector<16xf32>
      %mul3A_802 = arith.mulf %sub3A_798, %sub3A_798 : vector<16xf32>
      %add3A_803 = arith.addf %add3A_801, %mul3A_802 : vector<16xf32>
      %add3A_804 = arith.constant 0 : i32
      %add3A_805 = arith.addi %mul3A_77, %add3A_804 : i32
      %add3A_806 = vector.broadcast %add3A_805 : i32 to vector<16xi32>
      %add3A_807 = arith.addi %add3A_806, %iota3A : vector<16xi32>
      %lt3A_808 = arith.constant 2000000 : i32
      %lt3A_809 = vector.broadcast %lt3A_808 : i32 to vector<16xi32>
      %lt3A_810 = arith.cmpi slt, %add3A_807, %lt3A_809 : vector<16xi32>
      %jit3A_811 = arith.constant 0.000000e+00 : f32
      %broadcast_in_dim3A_812 = vector.broadcast %jit3A_811 : f32 to vector<16xf32>
      %select_n3A_813 = arith.select %lt3A_810, %add3A_803, %broadcast_in_dim3A_812 : vector<16xi1>, vector<16xf32>
      %add3A_814 = arith.addf %broadcast_in_dim3A_776, %select_n3A_813 : vector<16xf32>
      %get3A_815 = arith.constant 0 : i32
      %get3A_816 = arith.index_cast %get3A_815 : i32 to index
      %get3A_817 = arith.constant 16 : index
      %get3A_818 = tpu.vector_load %arg12[%get3A_816, %get3A_817] {strides = array<i32>} : memref<4x128xf32, #tpu.memory_space<vmem>>, vector<1x16xf32>,
      %get3A_819 = vector.shape_cast %get3A_818 : vector<1x16xf32> to vector<16xf32>
      %get3A_820 = arith.constant 1 : i32
      %get3A_821 = arith.index_cast %get3A_820 : i32 to index
      %get3A_822 = arith.constant 16 : index
      %get3A_823 = tpu.vector_load %arg12[%get3A_821, %get3A_822] {strides = array<i32>} : memref<4x128xf32, #tpu.memory_space<vmem>>, vector<1x16xf32>,
      %get3A_824 = vector.shape_cast %get3A_823 : vector<1x16xf32> to vector<16xf32>
      %sub3A_825 = arith.subf %get3A_819, %get3A_824 : vector<16xf32>
      %get3A_826 = arith.constant 2 : i32
      %get3A_827 = arith.index_cast %get3A_826 : i32 to index
      %get3A_828 = arith.constant 16 : index
      %get3A_829 = tpu.vector_load %arg12[%get3A_827, %get3A_828] {strides = array<i32>} : memref<4x128xf32, #tpu.memory_space<vmem>>, vector<1x16xf32>,
      %get3A_830 = vector.shape_cast %get3A_829 : vector<1x16xf32> to vector<16xf32>
      %sub3A_831 = arith.subf %get3A_819, %get3A_830 : vector<16xf32>
      %get3A_832 = arith.constant 3 : i32
      %get3A_833 = arith.index_cast %get3A_832 : i32 to index
      %get3A_834 = arith.constant 16 : index
      %get3A_835 = tpu.vector_load %arg12[%get3A_833, %get3A_834] {strides = array<i32>} : memref<4x128xf32, #tpu.memory_space<vmem>>, vector<1x16xf32>,
      %get3A_836 = vector.shape_cast %get3A_835 : vector<1x16xf32> to vector<16xf32>
      %sub3A_837 = arith.subf %get3A_819, %get3A_836 : vector<16xf32>
      %mul3A_838 = arith.mulf %sub3A_825, %sub3A_825 : vector<16xf32>
      %mul3A_839 = arith.mulf %sub3A_831, %sub3A_831 : vector<16xf32>
      %add3A_840 = arith.addf %mul3A_838, %mul3A_839 : vector<16xf32>
      %mul3A_841 = arith.mulf %sub3A_837, %sub3A_837 : vector<16xf32>
      %add3A_842 = arith.addf %add3A_840, %mul3A_841 : vector<16xf32>
      %add3A_843 = arith.constant 16 : i32
      %add3A_844 = arith.addi %mul3A_77, %add3A_843 : i32
      %add3A_845 = vector.broadcast %add3A_844 : i32 to vector<16xi32>
      %add3A_846 = arith.addi %add3A_845, %iota3A : vector<16xi32>
      %lt3A_847 = arith.constant 2000000 : i32
      %lt3A_848 = vector.broadcast %lt3A_847 : i32 to vector<16xi32>
      %lt3A_849 = arith.cmpi slt, %add3A_846, %lt3A_848 : vector<16xi32>
      %jit3A_850 = arith.constant 0.000000e+00 : f32
      %broadcast_in_dim3A_851 = vector.broadcast %jit3A_850 : f32 to vector<16xf32>
      %select_n3A_852 = arith.select %lt3A_849, %add3A_842, %broadcast_in_dim3A_851 : vector<16xi1>, vector<16xf32>
      %add3A_853 = arith.addf %add3A_814, %select_n3A_852 : vector<16xf32>
      %get3A_854 = arith.constant 0 : i32
      %get3A_855 = arith.index_cast %get3A_854 : i32 to index
      %get3A_856 = arith.constant 32 : index
      %get3A_857 = tpu.vector_load %arg12[%get3A_855, %get3A_856] {strides = array<i32>} : memref<4x128xf32, #tpu.memory_space<vmem>>, vector<1x16xf32>,
      %get3A_858 = vector.shape_cast %get3A_857 : vector<1x16xf32> to vector<16xf32>
      %get3A_859 = arith.constant 1 : i32
      %get3A_860 = arith.index_cast %get3A_859 : i32 to index
      %get3A_861 = arith.constant 32 : index
      %get3A_862 = tpu.vector_load %arg12[%get3A_860, %get3A_861] {strides = array<i32>} : memref<4x128xf32, #tpu.memory_space<vmem>>, vector<1x16xf32>,
      %get3A_863 = vector.shape_cast %get3A_862 : vector<1x16xf32> to vector<16xf32>
      %sub3A_864 = arith.subf %get3A_858, %get3A_863 : vector<16xf32>
      %get3A_865 = arith.constant 2 : i32
      %get3A_866 = arith.index_cast %get3A_865 : i32 to index
      %get3A_867 = arith.constant 32 : index
      %get3A_868 = tpu.vector_load %arg12[%get3A_866, %get3A_867] {strides = array<i32>} : memref<4x128xf32, #tpu.memory_space<vmem>>, vector<1x16xf32>,
      %get3A_869 = vector.shape_cast %get3A_868 : vector<1x16xf32> to vector<16xf32>
      %sub3A_870 = arith.subf %get3A_858, %get3A_869 : vector<16xf32>
      %get3A_871 = arith.constant 3 : i32
      %get3A_872 = arith.index_cast %get3A_871 : i32 to index
      %get3A_873 = arith.constant 32 : index
      %get3A_874 = tpu.vector_load %arg12[%get3A_872, %get3A_873] {strides = array<i32>} : memref<4x128xf32, #tpu.memory_space<vmem>>, vector<1x16xf32>,
      %get3A_875 = vector.shape_cast %get3A_874 : vector<1x16xf32> to vector<16xf32>
      %sub3A_876 = arith.subf %get3A_858, %get3A_875 : vector<16xf32>
      %mul3A_877 = arith.mulf %sub3A_864, %sub3A_864 : vector<16xf32>
      %mul3A_878 = arith.mulf %sub3A_870, %sub3A_870 : vector<16xf32>
      %add3A_879 = arith.addf %mul3A_877, %mul3A_878 : vector<16xf32>
      %mul3A_880 = arith.mulf %sub3A_876, %sub3A_876 : vector<16xf32>
      %add3A_881 = arith.addf %add3A_879, %mul3A_880 : vector<16xf32>
      %add3A_882 = arith.constant 32 : i32
      %add3A_883 = arith.addi %mul3A_77, %add3A_882 : i32
      %add3A_884 = vector.broadcast %add3A_883 : i32 to vector<16xi32>
      %add3A_885 = arith.addi %add3A_884, %iota3A : vector<16xi32>
      %lt3A_886 = arith.constant 2000000 : i32
      %lt3A_887 = vector.broadcast %lt3A_886 : i32 to vector<16xi32>
      %lt3A_888 = arith.cmpi slt, %add3A_885, %lt3A_887 : vector<16xi32>
      %jit3A_889 = arith.constant 0.000000e+00 : f32
      %broadcast_in_dim3A_890 = vector.broadcast %jit3A_889 : f32 to vector<16xf32>
      %select_n3A_891 = arith.select %lt3A_888, %add3A_881, %broadcast_in_dim3A_890 : vector<16xi1>, vector<16xf32>
      %add3A_892 = arith.addf %add3A_853, %select_n3A_891 : vector<16xf32>
      %get3A_893 = arith.constant 0 : i32
      %get3A_894 = arith.index_cast %get3A_893 : i32 to index
      %get3A_895 = arith.constant 48 : index
      %get3A_896 = tpu.vector_load %arg12[%get3A_894, %get3A_895] {strides = array<i32>} : memref<4x128xf32, #tpu.memory_space<vmem>>, vector<1x16xf32>,
      %get3A_897 = vector.shape_cast %get3A_896 : vector<1x16xf32> to vector<16xf32>
      %get3A_898 = arith.constant 1 : i32
      %get3A_899 = arith.index_cast %get3A_898 : i32 to index
      %get3A_900 = arith.constant 48 : index
      %get3A_901 = tpu.vector_load %arg12[%get3A_899, %get3A_900] {strides = array<i32>} : memref<4x128xf32, #tpu.memory_space<vmem>>, vector<1x16xf32>,
      %get3A_902 = vector.shape_cast %get3A_901 : vector<1x16xf32> to vector<16xf32>
      %sub3A_903 = arith.subf %get3A_897, %get3A_902 : vector<16xf32>
      %get3A_904 = arith.constant 2 : i32
      %get3A_905 = arith.index_cast %get3A_904 : i32 to index
      %get3A_906 = arith.constant 48 : index
      %get3A_907 = tpu.vector_load %arg12[%get3A_905, %get3A_906] {strides = array<i32>} : memref<4x128xf32, #tpu.memory_space<vmem>>, vector<1x16xf32>,
      %get3A_908 = vector.shape_cast %get3A_907 : vector<1x16xf32> to vector<16xf32>
      %sub3A_909 = arith.subf %get3A_897, %get3A_908 : vector<16xf32>
      %get3A_910 = arith.constant 3 : i32
      %get3A_911 = arith.index_cast %get3A_910 : i32 to index
      %get3A_912 = arith.constant 48 : index
      %get3A_913 = tpu.vector_load %arg12[%get3A_911, %get3A_912] {strides = array<i32>} : memref<4x128xf32, #tpu.memory_space<vmem>>, vector<1x16xf32>,
      %get3A_914 = vector.shape_cast %get3A_913 : vector<1x16xf32> to vector<16xf32>
      %sub3A_915 = arith.subf %get3A_897, %get3A_914 : vector<16xf32>
      %mul3A_916 = arith.mulf %sub3A_903, %sub3A_903 : vector<16xf32>
      %mul3A_917 = arith.mulf %sub3A_909, %sub3A_909 : vector<16xf32>
      %add3A_918 = arith.addf %mul3A_916, %mul3A_917 : vector<16xf32>
      %mul3A_919 = arith.mulf %sub3A_915, %sub3A_915 : vector<16xf32>
      %add3A_920 = arith.addf %add3A_918, %mul3A_919 : vector<16xf32>
      %add3A_921 = arith.constant 48 : i32
      %add3A_922 = arith.addi %mul3A_77, %add3A_921 : i32
      %add3A_923 = vector.broadcast %add3A_922 : i32 to vector<16xi32>
      %add3A_924 = arith.addi %add3A_923, %iota3A : vector<16xi32>
      %lt3A_925 = arith.constant 2000000 : i32
      %lt3A_926 = vector.broadcast %lt3A_925 : i32 to vector<16xi32>
      %lt3A_927 = arith.cmpi slt, %add3A_924, %lt3A_926 : vector<16xi32>
      %jit3A_928 = arith.constant 0.000000e+00 : f32
      %broadcast_in_dim3A_929 = vector.broadcast %jit3A_928 : f32 to vector<16xf32>
      %select_n3A_930 = arith.select %lt3A_927, %add3A_920, %broadcast_in_dim3A_929 : vector<16xi1>, vector<16xf32>
      %add3A_931 = arith.addf %add3A_892, %select_n3A_930 : vector<16xf32>
      %get3A_932 = arith.constant 0 : i32
      %get3A_933 = arith.index_cast %get3A_932 : i32 to index
      %get3A_934 = arith.constant 64 : index
      %get3A_935 = tpu.vector_load %arg12[%get3A_933, %get3A_934] {strides = array<i32>} : memref<4x128xf32, #tpu.memory_space<vmem>>, vector<1x16xf32>,
      %get3A_936 = vector.shape_cast %get3A_935 : vector<1x16xf32> to vector<16xf32>
      %get3A_937 = arith.constant 1 : i32
      %get3A_938 = arith.index_cast %get3A_937 : i32 to index
      %get3A_939 = arith.constant 64 : index
      %get3A_940 = tpu.vector_load %arg12[%get3A_938, %get3A_939] {strides = array<i32>} : memref<4x128xf32, #tpu.memory_space<vmem>>, vector<1x16xf32>,
      %get3A_941 = vector.shape_cast %get3A_940 : vector<1x16xf32> to vector<16xf32>
      %sub3A_942 = arith.subf %get3A_936, %get3A_941 : vector<16xf32>
      %get3A_943 = arith.constant 2 : i32
      %get3A_944 = arith.index_cast %get3A_943 : i32 to index
      %get3A_945 = arith.constant 64 : index
      %get3A_946 = tpu.vector_load %arg12[%get3A_944, %get3A_945] {strides = array<i32>} : memref<4x128xf32, #tpu.memory_space<vmem>>, vector<1x16xf32>,
      %get3A_947 = vector.shape_cast %get3A_946 : vector<1x16xf32> to vector<16xf32>
      %sub3A_948 = arith.subf %get3A_936, %get3A_947 : vector<16xf32>
      %get3A_949 = arith.constant 3 : i32
      %get3A_950 = arith.index_cast %get3A_949 : i32 to index
      %get3A_951 = arith.constant 64 : index
      %get3A_952 = tpu.vector_load %arg12[%get3A_950, %get3A_951] {strides = array<i32>} : memref<4x128xf32, #tpu.memory_space<vmem>>, vector<1x16xf32>,
      %get3A_953 = vector.shape_cast %get3A_952 : vector<1x16xf32> to vector<16xf32>
      %sub3A_954 = arith.subf %get3A_936, %get3A_953 : vector<16xf32>
      %mul3A_955 = arith.mulf %sub3A_942, %sub3A_942 : vector<16xf32>
      %mul3A_956 = arith.mulf %sub3A_948, %sub3A_948 : vector<16xf32>
      %add3A_957 = arith.addf %mul3A_955, %mul3A_956 : vector<16xf32>
      %mul3A_958 = arith.mulf %sub3A_954, %sub3A_954 : vector<16xf32>
      %add3A_959 = arith.addf %add3A_957, %mul3A_958 : vector<16xf32>
      %add3A_960 = arith.constant 64 : i32
      %add3A_961 = arith.addi %mul3A_77, %add3A_960 : i32
      %add3A_962 = vector.broadcast %add3A_961 : i32 to vector<16xi32>
      %add3A_963 = arith.addi %add3A_962, %iota3A : vector<16xi32>
      %lt3A_964 = arith.constant 2000000 : i32
      %lt3A_965 = vector.broadcast %lt3A_964 : i32 to vector<16xi32>
      %lt3A_966 = arith.cmpi slt, %add3A_963, %lt3A_965 : vector<16xi32>
      %jit3A_967 = arith.constant 0.000000e+00 : f32
      %broadcast_in_dim3A_968 = vector.broadcast %jit3A_967 : f32 to vector<16xf32>
      %select_n3A_969 = arith.select %lt3A_966, %add3A_959, %broadcast_in_dim3A_968 : vector<16xi1>, vector<16xf32>
      %add3A_970 = arith.addf %add3A_931, %select_n3A_969 : vector<16xf32>
      %get3A_971 = arith.constant 0 : i32
      %get3A_972 = arith.index_cast %get3A_971 : i32 to index
      %get3A_973 = arith.constant 80 : index
      %get3A_974 = tpu.vector_load %arg12[%get3A_972, %get3A_973] {strides = array<i32>} : memref<4x128xf32, #tpu.memory_space<vmem>>, vector<1x16xf32>,
      %get3A_975 = vector.shape_cast %get3A_974 : vector<1x16xf32> to vector<16xf32>
      %get3A_976 = arith.constant 1 : i32
      %get3A_977 = arith.index_cast %get3A_976 : i32 to index
      %get3A_978 = arith.constant 80 : index
      %get3A_979 = tpu.vector_load %arg12[%get3A_977, %get3A_978] {strides = array<i32>} : memref<4x128xf32, #tpu.memory_space<vmem>>, vector<1x16xf32>,
      %get3A_980 = vector.shape_cast %get3A_979 : vector<1x16xf32> to vector<16xf32>
      %sub3A_981 = arith.subf %get3A_975, %get3A_980 : vector<16xf32>
      %get3A_982 = arith.constant 2 : i32
      %get3A_983 = arith.index_cast %get3A_982 : i32 to index
      %get3A_984 = arith.constant 80 : index
      %get3A_985 = tpu.vector_load %arg12[%get3A_983, %get3A_984] {strides = array<i32>} : memref<4x128xf32, #tpu.memory_space<vmem>>, vector<1x16xf32>,
      %get3A_986 = vector.shape_cast %get3A_985 : vector<1x16xf32> to vector<16xf32>
      %sub3A_987 = arith.subf %get3A_975, %get3A_986 : vector<16xf32>
      %get3A_988 = arith.constant 3 : i32
      %get3A_989 = arith.index_cast %get3A_988 : i32 to index
      %get3A_990 = arith.constant 80 : index
      %get3A_991 = tpu.vector_load %arg12[%get3A_989, %get3A_990] {strides = array<i32>} : memref<4x128xf32, #tpu.memory_space<vmem>>, vector<1x16xf32>,
      %get3A_992 = vector.shape_cast %get3A_991 : vector<1x16xf32> to vector<16xf32>
      %sub3A_993 = arith.subf %get3A_975, %get3A_992 : vector<16xf32>
      %mul3A_994 = arith.mulf %sub3A_981, %sub3A_981 : vector<16xf32>
      %mul3A_995 = arith.mulf %sub3A_987, %sub3A_987 : vector<16xf32>
      %add3A_996 = arith.addf %mul3A_994, %mul3A_995 : vector<16xf32>
      %mul3A_997 = arith.mulf %sub3A_993, %sub3A_993 : vector<16xf32>
      %add3A_998 = arith.addf %add3A_996, %mul3A_997 : vector<16xf32>
      %add3A_999 = arith.constant 80 : i32
      %add3A_1000 = arith.addi %mul3A_77, %add3A_999 : i32
      %add3A_1001 = vector.broadcast %add3A_1000 : i32 to vector<16xi32>
      %add3A_1002 = arith.addi %add3A_1001, %iota3A : vector<16xi32>
      %lt3A_1003 = arith.constant 2000000 : i32
      %lt3A_1004 = vector.broadcast %lt3A_1003 : i32 to vector<16xi32>
      %lt3A_1005 = arith.cmpi slt, %add3A_1002, %lt3A_1004 : vector<16xi32>
      %jit3A_1006 = arith.constant 0.000000e+00 : f32
      %broadcast_in_dim3A_1007 = vector.broadcast %jit3A_1006 : f32 to vector<16xf32>
      %select_n3A_1008 = arith.select %lt3A_1005, %add3A_998, %broadcast_in_dim3A_1007 : vector<16xi1>, vector<16xf32>
      %add3A_1009 = arith.addf %add3A_970, %select_n3A_1008 : vector<16xf32>
      %get3A_1010 = arith.constant 0 : i32
      %get3A_1011 = arith.index_cast %get3A_1010 : i32 to index
      %get3A_1012 = arith.constant 96 : index
      %get3A_1013 = tpu.vector_load %arg12[%get3A_1011, %get3A_1012] {strides = array<i32>} : memref<4x128xf32, #tpu.memory_space<vmem>>, vector<1x16xf32>,
      %get3A_1014 = vector.shape_cast %get3A_1013 : vector<1x16xf32> to vector<16xf32>
      %get3A_1015 = arith.constant 1 : i32
      %get3A_1016 = arith.index_cast %get3A_1015 : i32 to index
      %get3A_1017 = arith.constant 96 : index
      %get3A_1018 = tpu.vector_load %arg12[%get3A_1016, %get3A_1017] {strides = array<i32>} : memref<4x128xf32, #tpu.memory_space<vmem>>, vector<1x16xf32>,
      %get3A_1019 = vector.shape_cast %get3A_1018 : vector<1x16xf32> to vector<16xf32>
      %sub3A_1020 = arith.subf %get3A_1014, %get3A_1019 : vector<16xf32>
      %get3A_1021 = arith.constant 2 : i32
      %get3A_1022 = arith.index_cast %get3A_1021 : i32 to index
      %get3A_1023 = arith.constant 96 : index
      %get3A_1024 = tpu.vector_load %arg12[%get3A_1022, %get3A_1023] {strides = array<i32>} : memref<4x128xf32, #tpu.memory_space<vmem>>, vector<1x16xf32>,
      %get3A_1025 = vector.shape_cast %get3A_1024 : vector<1x16xf32> to vector<16xf32>
      %sub3A_1026 = arith.subf %get3A_1014, %get3A_1025 : vector<16xf32>
      %get3A_1027 = arith.constant 3 : i32
      %get3A_1028 = arith.index_cast %get3A_1027 : i32 to index
      %get3A_1029 = arith.constant 96 : index
      %get3A_1030 = tpu.vector_load %arg12[%get3A_1028, %get3A_1029] {strides = array<i32>} : memref<4x128xf32, #tpu.memory_space<vmem>>, vector<1x16xf32>,
      %get3A_1031 = vector.shape_cast %get3A_1030 : vector<1x16xf32> to vector<16xf32>
      %sub3A_1032 = arith.subf %get3A_1014, %get3A_1031 : vector<16xf32>
      %mul3A_1033 = arith.mulf %sub3A_1020, %sub3A_1020 : vector<16xf32>
      %mul3A_1034 = arith.mulf %sub3A_1026, %sub3A_1026 : vector<16xf32>
      %add3A_1035 = arith.addf %mul3A_1033, %mul3A_1034 : vector<16xf32>
      %mul3A_1036 = arith.mulf %sub3A_1032, %sub3A_1032 : vector<16xf32>
      %add3A_1037 = arith.addf %add3A_1035, %mul3A_1036 : vector<16xf32>
      %add3A_1038 = arith.constant 96 : i32
      %add3A_1039 = arith.addi %mul3A_77, %add3A_1038 : i32
      %add3A_1040 = vector.broadcast %add3A_1039 : i32 to vector<16xi32>
      %add3A_1041 = arith.addi %add3A_1040, %iota3A : vector<16xi32>
      %lt3A_1042 = arith.constant 2000000 : i32
      %lt3A_1043 = vector.broadcast %lt3A_1042 : i32 to vector<16xi32>
      %lt3A_1044 = arith.cmpi slt, %add3A_1041, %lt3A_1043 : vector<16xi32>
      %jit3A_1045 = arith.constant 0.000000e+00 : f32
      %broadcast_in_dim3A_1046 = vector.broadcast %jit3A_1045 : f32 to vector<16xf32>
      %select_n3A_1047 = arith.select %lt3A_1044, %add3A_1037, %broadcast_in_dim3A_1046 : vector<16xi1>, vector<16xf32>
      %add3A_1048 = arith.addf %add3A_1009, %select_n3A_1047 : vector<16xf32>
      %get3A_1049 = arith.constant 0 : i32
      %get3A_1050 = arith.index_cast %get3A_1049 : i32 to index
      %get3A_1051 = arith.constant 112 : index
      %get3A_1052 = tpu.vector_load %arg12[%get3A_1050, %get3A_1051] {strides = array<i32>} : memref<4x128xf32, #tpu.memory_space<vmem>>, vector<1x16xf32>,
      %get3A_1053 = vector.shape_cast %get3A_1052 : vector<1x16xf32> to vector<16xf32>
      %get3A_1054 = arith.constant 1 : i32
      %get3A_1055 = arith.index_cast %get3A_1054 : i32 to index
      %get3A_1056 = arith.constant 112 : index
      %get3A_1057 = tpu.vector_load %arg12[%get3A_1055, %get3A_1056] {strides = array<i32>} : memref<4x128xf32, #tpu.memory_space<vmem>>, vector<1x16xf32>,
      %get3A_1058 = vector.shape_cast %get3A_1057 : vector<1x16xf32> to vector<16xf32>
      %sub3A_1059 = arith.subf %get3A_1053, %get3A_1058 : vector<16xf32>
      %get3A_1060 = arith.constant 2 : i32
      %get3A_1061 = arith.index_cast %get3A_1060 : i32 to index
      %get3A_1062 = arith.constant 112 : index
      %get3A_1063 = tpu.vector_load %arg12[%get3A_1061, %get3A_1062] {strides = array<i32>} : memref<4x128xf32, #tpu.memory_space<vmem>>, vector<1x16xf32>,
      %get3A_1064 = vector.shape_cast %get3A_1063 : vector<1x16xf32> to vector<16xf32>
      %sub3A_1065 = arith.subf %get3A_1053, %get3A_1064 : vector<16xf32>
      %get3A_1066 = arith.constant 3 : i32
      %get3A_1067 = arith.index_cast %get3A_1066 : i32 to index
      %get3A_1068 = arith.constant 112 : index
      %get3A_1069 = tpu.vector_load %arg12[%get3A_1067, %get3A_1068] {strides = array<i32>} : memref<4x128xf32, #tpu.memory_space<vmem>>, vector<1x16xf32>,
      %get3A_1070 = vector.shape_cast %get3A_1069 : vector<1x16xf32> to vector<16xf32>
      %sub3A_1071 = arith.subf %get3A_1053, %get3A_1070 : vector<16xf32>
      %mul3A_1072 = arith.mulf %sub3A_1059, %sub3A_1059 : vector<16xf32>
      %mul3A_1073 = arith.mulf %sub3A_1065, %sub3A_1065 : vector<16xf32>
      %add3A_1074 = arith.addf %mul3A_1072, %mul3A_1073 : vector<16xf32>
      %mul3A_1075 = arith.mulf %sub3A_1071, %sub3A_1071 : vector<16xf32>
      %add3A_1076 = arith.addf %add3A_1074, %mul3A_1075 : vector<16xf32>
      %add3A_1077 = arith.constant 112 : i32
      %add3A_1078 = arith.addi %mul3A_77, %add3A_1077 : i32
      %add3A_1079 = vector.broadcast %add3A_1078 : i32 to vector<16xi32>
      %add3A_1080 = arith.addi %add3A_1079, %iota3A : vector<16xi32>
      %lt3A_1081 = arith.constant 2000000 : i32
      %lt3A_1082 = vector.broadcast %lt3A_1081 : i32 to vector<16xi32>
      %lt3A_1083 = arith.cmpi slt, %add3A_1080, %lt3A_1082 : vector<16xi32>
      %jit3A_1084 = arith.constant 0.000000e+00 : f32
      %broadcast_in_dim3A_1085 = vector.broadcast %jit3A_1084 : f32 to vector<16xf32>
      %select_n3A_1086 = arith.select %lt3A_1083, %add3A_1076, %broadcast_in_dim3A_1085 : vector<16xi1>, vector<16xf32>
      %add3A_1087 = arith.addf %add3A_1048, %select_n3A_1086 : vector<16xf32>
      %get3A_1088 = arith.constant 0 : index
      %get3A_1089 = tpu.vector_load %arg13[%get3A_1088] {strides = array<i32>} : memref<16xf32, #tpu.memory_space<vmem>>, vector<16xf32>,
      %get3A_1090 = vector.shape_cast %get3A_1089 : vector<16xf32> to vector<16xf32>
      %add3A_1091 = arith.addf %get3A_1090, %add3A_1087 : vector<16xf32>
      %swap3A_1092 = arith.constant 0 : index
      %swap3A_1093 = tpu.vector_load %arg13[%swap3A_1092] {strides = array<i32>} : memref<16xf32, #tpu.memory_space<vmem>>, vector<16xf32>,
      %swap3A_1094 = vector.shape_cast %swap3A_1093 : vector<16xf32> to vector<16xf32>
      %swap3A_1095 = vector.shape_cast %add3A_1091 : vector<16xf32> to vector<16xf32>
      tpu.vector_store %arg13[%swap3A_1092], %swap3A_1095 {strides = array<i32>} : memref<16xf32, #tpu.memory_space<vmem>>, vector<16xf32>,
    } else {
    }
    "tpu.region"() ({
      %run_scoped3A = tpu.sem_alloc : memref<!tpu.dma_semaphore, #tpu.memory_space<semaphore_mem>>
      %dma_start3A_83 = arith.constant 0 : i32
      %dma_start3A_84 = tpu.memref_slice %arg4[%add3A, %dma_start3A_83] : memref<32x16xf32, #tpu.memory_space<hbm>> -> memref<1x16xf32, #tpu.memory_space<hbm>>
      %dma_start3A_85 = tpu.memref_squeeze %dma_start3A_84 : memref<1x16xf32, #tpu.memory_space<hbm>> -> memref<16xf32, #tpu.memory_space<hbm>>
      %dma_start3A_86 = arith.constant 0 : i32
      %dma_start3A_87 = tpu.memref_slice %arg4[%add3A, %dma_start3A_86] : memref<32x16xf32, #tpu.memory_space<hbm>> -> memref<1x16xf32, #tpu.memory_space<hbm>>
      %dma_start3A_88 = tpu.memref_squeeze %dma_start3A_87 : memref<1x16xf32, #tpu.memory_space<hbm>> -> memref<16xf32, #tpu.memory_space<hbm>>
      tpu.enqueue_dma source(%arg13 : memref<16xf32, #tpu.memory_space<vmem>>) target(%dma_start3A_88 : memref<16xf32, #tpu.memory_space<hbm>>) target_semaphore(%run_scoped3A : memref<!tpu.dma_semaphore, #tpu.memory_space<semaphore_mem>>)
      %dma_wait3A_89 = arith.constant 0 : i32
      %dma_wait3A_90 = tpu.memref_slice %arg4[%add3A, %dma_wait3A_89] : memref<32x16xf32, #tpu.memory_space<hbm>> -> memref<1x16xf32, #tpu.memory_space<hbm>>
      %dma_wait3A_91 = tpu.memref_squeeze %dma_wait3A_90 : memref<1x16xf32, #tpu.memory_space<hbm>> -> memref<16xf32, #tpu.memory_space<hbm>>
      %dma_wait3A_92 = arith.constant 0 : i32
      %dma_wait3A_93 = tpu.memref_slice %arg4[%add3A, %dma_wait3A_92] : memref<32x16xf32, #tpu.memory_space<hbm>> -> memref<1x16xf32, #tpu.memory_space<hbm>>
      %dma_wait3A_94 = tpu.memref_squeeze %dma_wait3A_93 : memref<1x16xf32, #tpu.memory_space<hbm>> -> memref<16xf32, #tpu.memory_space<hbm>>
      tpu.wait_dma2 semaphore(%run_scoped3A : memref<!tpu.dma_semaphore, #tpu.memory_space<semaphore_mem>>) src(%arg13 : memref<16xf32, #tpu.memory_space<vmem>>) dst(%dma_wait3A_94 : memref<16xf32, #tpu.memory_space<hbm>>)
      tpu.yield
    }) : () -> ()
    return
  }
}

</mosaic_0001>

<sc_bundles>
// kernel: kernel.3.cloned.1.call-start
scs
__scs_entry_jumppad:
0x0: {  	(pc) =	sbr.rel $0x88, $3  }
0x1: {  	(tag) =	ssettag $0x0;
	lr =	simm.s32 $0x1  }
0x2: {  	[smem:$0x3F9F] =	sst lr;
	_ =	strace $0xD0000000  }
0x3: {  	_ = 	snop  }
0x4: {  	_ = 	snop  }
0x5: {  	_ = 	snop  }
0x6: {  	_ = 	snop  }
0x7: {  	_ = 	snop  }
__scs_overlays_trampoline_lowered:
0x8: {  	[smem:$0x3FAE] =	sst s0  }
0x9: {  	[smem:$0x3FAF] =	sst s1  }
0xa: {  	[smem:$0x3FB0] =	sst s2  }
0xb: {  	[smem:$0x3FB1] =	sst s3  }
0xc: {  	[smem:$0x3FB2] =	sst s4  }
0xd: {  	[smem:$0x3FB3] =	sst s5  }
0xe: {  	[smem:$0x3FB4] =	sst s6  }
0xf: {  	[smem:$0x3FB5] =	sst s7  }
0x10: {  	[smem:$0x3FB6] =	sst s8  }
0x11: {  	[smem:$0x3FB7] =	sst s9;
	s0 =	simm.s32 @!p0 $0x0  }
0x12: {  	s1 =	sld [smem:$0x3F9D];
	s0 =	simm.s32 @p0 $0x1  }
0x13: {  	[smem:$0x3FB8] =	sst s0;
	s0 =	simm.s32 @!p1 $0x0  }
0x14: {  	s2 =	sld [smem:$0x3F9C];
	s0 =	simm.s32 @p1 $0x1  }
0x15: {  	[smem:$0x3FB9] =	sst s0;
	s0 =	simm.s32 @!p2 $0x0  }
0x16: {  	s3 =	sld [smem:$0x3FDB];
	s0 =	simm.s32 @p2 $0x1  }
0x17: {  	s4 =	simm.s32 $0x1BF5;
	[smem:$0x3FBB] =	sst s0  }
0x18: {  	s0 =	sld [smem:$0x3F9E];
	_ =	swait.ge [sflag:s4], $0x0  }
0x19: {  	s7 =	sld [smem:$0x3F9F]  }
0x1a: {  	s8 =	sadd.s32 $0xFFFFE003, lr  }
0x1b: {  	s9 =	sadd.s32 $0xFFFFFEF7, lr;
	s5 =	simm.s32 $0xFFFFFFFF;
	p2 =	slt.u32 s8, $0xFFFFF086  }
0x1c: {  	p1 =	slt.u32 s9, $0xF7A;
	s5 =	simm.s32 @!p2 $0x0  }
0x1d: {  	s5 =	simm.s32 @p1 $0x1;
	p0 =	seq.s32 s7, s2  }
0x1e: {  	s7 =	smul.u32 @!p0 $0xF7A, s2;
	p2 =	seq.s32 @!p0 s5, $0x0  }
0x1f: {  	s9 =	smul.u32 $0xF7A, s1;
	s8 =	simm.s32 @!p0 $0x1BF5;
	p2 =	por !p2, p0  }
0x20: {  	[sflag:s8] =	ssyncset.s32 @!p0 $0xFFFFF086;
	s6 =	sadd.s32 @!p0 s3, s7;
	s7 =	simm.s32 @!p0 $0x108  }
0x21: {  	s3 =	sadd.s32 s3, s9;
	s6 =	sadd.s32 @!p0 $0x88, s6;
	s7 =	simm.s32 @p2 $0x1082  }
0x22: {  	[simem:s7], [sflag:s8] =	dma.local @!p0 [hbm:s6], $0xF7A  }
0x23: {  	s9 =	sor.u32 $0xD0000000, s2;
	s6 =	simm.s32 $0x108;
	_ =	swait.ge @!p0 [sflag:s8], $0x0  }
0x24: {  	s3 =	sadd.s32 $0x88, s3;
	s6 =	simm.s32 @!p1 $0x1082;
	[sflag:s4] =	ssyncset.s32 $0xFFFFF086  }
0x25: {  	[simem:s6], [sflag:s4] =	dma.local [hbm:s3], $0xF7A  }
0x26: {  	[smem:$0x3F9F] =	sst s1;
	(tag) =	ssettag s2;
	_ =	strace s9  }
0x27: {  	s1 =	sld [smem:$0x3FAF]  }
0x28: {  	s2 =	sld [smem:$0x3FB0]  }
0x29: {  	s4 =	sld [smem:$0x3FB2]  }
0x2a: {  	p0 =	seq.s32 s5, $0x0;
	s5 =	sld [smem:$0x3FB3]  }
0x2b: {  	s6 =	sld [smem:$0x3FB4]  }
0x2c: {  	s7 =	sld [smem:$0x3FB5]  }
0x2d: {  	s3 =	simm.s32 $0x108;
	s8 =	sld [smem:$0x3FB6]  }
0x2e: {  	s3 =	simm.s32 @!p0 $0x1082;
	s9 =	sld [smem:$0x3FB7]  }
0x2f: {  	lr =	sadd.s32 s0, s3;
	s0 =	sld [smem:$0x3FAE]  }
0x30: {  	s3 =	sld [smem:$0x3FB1]  }
0x31: {  	[smem:$0x3FBA] =	sst s10  }
0x32: {  	s10 =	sld [smem:$0x3FB8];
	_ =	sdelay $0x3  }
0x33: {  	p0 =	seq.s32 s10, $0x1;
	s10 =	sld [smem:$0x3FBA];
	_ =	sdelay $0x3  }
0x34: {  	[smem:$0x3FBA] =	sst s10  }
0x35: {  	s10 =	sld [smem:$0x3FB9];
	_ =	sdelay $0x3  }
0x36: {  	p1 =	seq.s32 s10, $0x1;
	s10 =	sld [smem:$0x3FBA];
	_ =	sdelay $0x3  }
0x37: {  	[smem:$0x3FBA] =	sst s10  }
0x38: {  	s10 =	sld [smem:$0x3FBB]  }
0x39: {  	_ = 	snop;
	(pc) =	sbr.ind lr, $3  }
0x3a: {  	_ = 	snop  }
0x3b: {  	_ = 	snop  }
0x3c: {  	p2 =	seq.s32 s10, $0x1;
	s10 =	sld [smem:$0x3FBA]  }
0x3d: {  	_ =	shalt  }
0x3e: {  	_ =	shalt  }
0x3f: {  	_ =	shalt  }
0x40: {  	_ =	shalt  }
0x41: {  	_ =	shalt  }
0x42: {  	_ =	shalt  }
0x43: {  	_ =	shalt  }
0x44: {  	_ =	shalt  }
0x45: {  	_ =	shalt  }
0x46: {  	_ =	shalt  }
0x47: {  	_ =	shalt  }
0x48: {  	_ =	shalt  }
0x49: {  	_ =	shalt  }
0x4a: {  	_ =	shalt  }
0x4b: {  	_ =	shalt  }
0x4c: {  	_ =	shalt  }
0x4d: {  	_ =	shalt  }
0x4e: {  	_ =	shalt  }
0x4f: {  	_ =	shalt  }
0x50: {  	_ =	shalt  }
0x51: {  	_ =	shalt  }
0x52: {  	_ =	shalt  }
0x53: {  	_ =	shalt  }
0x54: {  	_ =	shalt  }
0x55: {  	_ =	shalt  }
0x56: {  	_ =	shalt  }
0x57: {  	_ =	shalt  }
0x58: {  	_ =	shalt  }
0x59: {  	_ =	shalt  }
0x5a: {  	_ =	shalt  }
0x5b: {  	_ =	shalt  }
0x5c: {  	_ =	shalt  }
0x5d: {  	_ =	shalt  }
0x5e: {  	_ =	shalt  }
0x5f: {  	_ =	shalt  }
0x60: {  	_ =	shalt  }
0x61: {  	_ =	shalt  }
0x62: {  	_ =	shalt  }
0x63: {  	_ =	shalt  }
0x64: {  	_ =	shalt  }
0x65: {  	_ =	shalt  }
0x66: {  	_ =	shalt  }
0x67: {  	_ =	shalt  }
0x68: {  	_ =	shalt  }
0x69: {  	_ =	shalt  }
0x6a: {  	_ =	shalt  }
0x6b: {  	_ =	shalt  }
0x6c: {  	_ =	shalt  }
0x6d: {  	_ =	shalt  }
0x6e: {  	_ =	shalt  }
0x6f: {  	_ =	shalt  }
0x70: {  	_ =	shalt  }
0x71: {  	_ =	shalt  }
0x72: {  	_ =	shalt  }
0x73: {  	_ =	shalt  }
0x74: {  	_ =	shalt  }
0x75: {  	_ =	shalt  }
0x76: {  	_ =	shalt  }
0x77: {  	_ =	shalt  }
0x78: {  	_ =	shalt  }
0x79: {  	_ =	shalt  }
0x7a: {  	_ =	shalt  }
0x7b: {  	_ =	shalt  }
0x7c: {  	_ =	shalt  }
0x7d: {  	_ =	shalt  }
0x7e: {  	_ =	shalt  }
0x7f: {  	_ =	shalt  }
0x80: {  	_ =	shalt  }
0x81: {  	_ =	shalt  }
0x82: {  	_ =	shalt  }
0x83: {  	_ =	shalt  }
0x84: {  	_ =	shalt  }
0x85: {  	_ =	shalt  }
0x86: {  	_ =	shalt  }
0x87: {  	_ =	shalt  }
.Lfunc_end0:
.L_simem_size_0:
called_computation.1_lowered:
.L_overlay_start_0:
0x88: {  	s2 =	sld [smem:$0x3FD9]  }
0x89: {  	s3 =	sld [smem:$0x3FFE];
	_ =	sdelay $0x1  }
0x8a: {  	s1 =	srdreg.scid  }
0x8b: {  	s0 =	sand.u32 $0x1, s1  }
0x8c: {  	s17 =	sshll.u32 s0, $0xA;
	s2 =	sadd.s32 s3, s2  }
0x8d: {  	s2 =	sadd.s32 s2, s17  }
0x8e: {  	[smem:$0x3FC6] =	sst s2  }
0x8f: {  	_ = 	snop  }
0x90: {  	s2 =	sld [smem:$0x3FC8];
	(tm) =	ssettm $0x1  }
0x91: {  	s18 =	sld [smem:$0x3FFB];
	_ =	sdelay $0x3  }
0x92: {  	_ =	strace s18  }
0x93: {  	s3 =	sld [smem:$0x3FFC];
	_ =	sdelay $0x3  }
0x94: {  	_ =	strace s3  }
0x95: {  	s3 =	sld [smem:$0x3FFD];
	_ =	sdelay $0x3  }
0x96: {  	_ =	strace s3  }
0x97: {  	_ =	strace $0x8FFFFFFF  }
0x98: {  	s19 =	sld [smem:$0x3FDB];
	_ =	sdelay $0x1  }
0x99: {  	s4 =	simm.s32 $_scs_section_size  }
0x9a: {  	s5 =	simm.s32 $_size__tile_overlayer_lowered;
	s6 =	simm.s32 $_tile_overlayer_lowered  }
0x9b: {  	s22 =	simm.s32 $0x1BFF;
	s21 =	sshll.u32 s6, $0x1;
	s3 =	sadd.s32 s4, s19  }
0x9c: {  	s7 =	simm.s32 $0x0;
	s20 =	sshll.u32 s5, $0x1;
	s5 =	sadd.s32 s21, s3  }
0x9d: {  	[timem:s7], [sflag:s22] =	dma.local [hbm:s5], s20  }
0x9e: {  	_ =	swait.ge [sflag:s22], s20  }
0x9f: {  	s4 =	ssub.s32 $0x0, s20;
	[sflag:s22] =	ssyncset.done $0x0  }
0xa0: {  	[sflag:s22] =	ssyncadd.s32 s4;
	_ =	sdelay $0x1  }
0xa1: {  	s23 =	simm.s32 $0x1B8B  }
0xa2: {  	_ =	swait.ge [sflag:s23], $0x1  }
0xa3: {  	[sflag:s23] =	ssyncset.done $0x0  }
0xa4: {  	s25 =	simm.s32 $0x1B8E;
	s24 =	sld [smem:$0x3FFE];
	[sflag:s23] =	ssyncadd.s32 $0xFFFFFFFF  }
0xa5: {  	s26 =	simm.s32 $execute0_lowered;
	[smem:$0x3FD2] =	sst s25  }
0xa6: {  	s5 =	sshll.u32 s26, $0x1;
	_ =	strace $0x80000049;
	[dreg:$0x1] =	wrdreg $0xFFFFFFFF  }
0xa7: {  	s28 =	simm.s32 $_size_execute0_lowered;
	s3 =	sadd.s32 s3, s5;
	[dreg:$0x0] =	wrdreg $0x0  }
0xa8: {  	s5 =	sshll.u32 s28, $0x1;
	[dreg:$0x2] =	wrdreg s3  }
0xa9: {  	[dreg:$0x3] =	wrdreg s5  }
0xaa: {  	[dreg:$0x4] =	wrdreg $0xC0  }
0xab: {  	_ =	task [dreg:s7], $0x5FFFF  }
0xac: {  	[dreg:$0x1] =	wrdreg $0xFFFFFFFF  }
0xad: {  	[dreg:$0x0] =	wrdreg $0x60  }
0xae: {  	[dreg:$0x2] =	wrdreg s2  }
0xaf: {  	[dreg:$0x3] =	wrdreg s24  }
0xb0: {  	[dreg:$0x4] =	wrdreg $0x9  }
0xb1: {  	_ =	task.clear_ibuf [dreg:s7], $0x5FFFF;
	_ =	strace $0x90000049  }
0xb2: {  	s29 =	simm.s32 $0x9;
	_ =	strace $0x8000004B  }
0xb3: {  	_ =	swait.ge [sflag:s29], $0x1  }
0xb4: {  	[sflag:s29] =	ssyncadd.s32 $0xFFFFFFFF  }
0xb5: {  	_ =	strace $0x9000004B  }
0xb6: {  	_ =	sfence  }
0xb7: {  	s30 =	sld [smem:$0x0];
	_ =	sdelay $0x2  }
0xb8: {  	s31 =	sshll.u32 s1, $0xD;
	s1 =	sshrl.u32 s1, $0x2  }
0xb9: {  	s3 =	sand.u32 $0x4000, s31;
	s1 =	sadd.s32 s1, s30  }
0xba: {  	s0 =	sor.u32 s3, s0;
	s1 =	sshll.u32 s1, $0x11  }
0xbb: {  	s0 =	sor.u32 s1, s0  }
0xbc: {  	s0 =	sadd.s32 $0x8F2B, s0  }
0xbd: {  	[sflag:s0] =	ssyncadd.remote.s32 $0x1  }
0xbe: {  	_ =	sfence.sel $0xFFFF  }
0xbf: {  	[dreg:$0x0] =	wrdreg $0xFFFFFFFF;
	(pc) =	sbr.abs _section_cstart, $3  }
0xc0: {  	[dreg:$0x1] =	wrdreg $0xFFFFFFFF  }
0xc1: {  	_ =	task.clear_ibuf [dreg:s7], $0x2FFFF;
	_ =	strace $0x9FFFFFFF  }
0xc2: {  	(tm) =	ssettm $0x7FFFFFFF  }
0xc3: {  	_ =	shalt  }
tec
execute0_lowered:
.L_overlay_start_1:
0x0: {  	(tag) =	ssettag $0x1  }
0x1: {  	s2 =	rddreg [dreg:$0x0]  }
0x2: {  	s0 =	rddreg [dreg:$0x1]  }
0x3: {  	s1 =	srdreg.scid;
	s4 =	stileid.u32  }
0x4: {  	s3 =	simm.s32 $0x0;
	s13 =	simm.s32 $0x1;
	s14 =	simm.s32 $0x80  }
0x5: {  	s15 =	simm.s32 $0x2800;
	s28 =	simm.s32 $0x2B00;
	s29 =	simm.s32 $0x4B00  }
0x6: {  	s30 =	simm.s32 $0x2B80;
	s31 =	simm.s32 $0x4B80;
	s12 =	simm.s32 $0x4  }
0x7: {  	s1 =	sand.u32 $0x1, s1;
	s4 =	sshll.u32 s4, $0x1;
	[smem:$0x7FF] =	sst s3  }
0x8: {  	s5 =	sor.u32 s1, s4;
	_ =	strace $0x8000004A;
	s4 =	sadd.s32 $0x400, s0  }
0x9: {  	s1 =	ssub.s32 $0x2, s1;
	s6 =	sshll.u32 s5, $0x4;
	s7 =	smul.u32 $0x3D000, s5  }
0xa: {  	s17 =	sshrl.u32 s1, $0x1;
	s8 =	smul.u32 $0x7A00, s5;
	s9 =	sshll.u32 s5, $0x7  }
0xb: {  	s18 =	smul.u32 $0x3D, s5;
	s10 =	sor.u32 $0x1E8000, s9;
	s11 =	sor.u32 $0x1E8010, s9  }
0xc: {  	p1 =	sgt.u32 s5, $0x8;
	s20 =	sor.u32 $0x1E8020, s9;
	s21 =	sor.u32 $0x1E8030, s9  }
0xd: {  	s0 =	sadd.s32 s6, s0;
	s22 =	sor.u32 $0x1E8040, s9;
	s23 =	sor.u32 $0x1E8050, s9  }
0xe: {  	s1 =	ssub.s32 s1, s17;
	s24 =	sor.u32 $0x1E8060, s9;
	s25 =	sor.u32 $0x1E8070, s9  }
0xf: {  	s9 =	simm.s32 $0x0;
	s7 =	sshrl.u32 s7, $0x3;
	s8 =	sadd.s32 s2, s8  }
0x10: {  	p0 =	slt.u32 s10, $0x1E8480;
	s19 =	sshrl.u32 s10, $0x1;
	p3 =	slt.u32 s21, $0x1E8480  }
0x11: {  	p4 =	slt.u32 s22, $0x1E8480;
	p5 =	slt.u32 s23, $0x1E8480;
	p6 =	slt.u32 s24, $0x1E8480  }
0x12: {  	s0 =	sadd.s32 $0x200400, s0;
	s26 =	smax.u32 s1, $0x1;
	s21 =	simm.s32 $0x2980  }
0x13: {  	s22 =	simm.s32 $0x4980;
	s23 =	simm.s32 $0x2A00;
	s24 =	simm.s32 $0x4A00  }
0x14: {  	s1 =	simm.s32 $0x3;
	s7 =	sadd.s32 s2, s7;
	[dreg:$0x3] =	wrdreg s8  }
0x15: {  	s8 =	sadd.s32 $0x3, s18;
	s6 =	simm.s32 @!p0 $0x0;
	[dreg:$0x6] =	wrdreg s0  }
0x16: {  	[dreg:$0x7] =	wrdreg s26;
	s26 =	simm.s32 $0x4A80;
	s7 =	sadd.s32 $0x200, s7  }
0x17: {  	s0 =	simm.s32 $0x2;
	s6 =	simm.s32 @p0 $0x1;
	[dreg:$0x4] =	wrdreg s7  }
0x18: {  	p0 =	slt.u32 s11, $0x1E8480;
	s7 =	sadd.s32 $0x2, s18;
	[smem:$0x7FB] =	sst s6  }
.Ltmp0:
0x19: {  	s6 =	simm.s32 @!p0 $0x0;
	s18 =	simm.s32 $0x4880;
	(pc) =	sbr.rel .LBB2_1-.Ltmp0, $4  }
0x1a: {  	s6 =	simm.s32 @p0 $0x1;
	p0 =	slt.u32 s20, $0x1E8480;
	s20 =	simm.s32 $0x4900  }
0x1b: {  	[smem:$0x7FC] =	sst s6;
	s10 =	simm.s32 @!p0 $0x0;
	s6 =	sadd.s32 s2, s19  }
0x1c: {  	s19 =	simm.s32 $0x2900;
	s10 =	simm.s32 @p0 $0x1;
	[dreg:$0x5] =	wrdreg s6  }
0x1d: {  	v0 =	vimm.s32 $0xFFFF0000;
	v1 =	vimm.s32 $0xFFFFFF00;
	v2 =	vimm.s32 $0xFFFFFFFF;
	p0 =	slt.u32 s25, $0x1E8480;
	s25 =	simm.s32 $0x2A80;
	[smem:$0x7FD] =	sst s10  }
.LBB2_17:
0x1e: {  	s5 =	rddreg [dreg:$0x6];
	s6 =	simm.s32 $0x6400;
	s16 =	simm.s32 $0x5  }
0x1f: {  	[hbm4b:s5+s3] =	stream.linear.scatter [tilespmem:s6], [sflag:$0x5], $0x80, $0x38;
	[tilespmem:$0x6480] =	vst v63  }
0x20: {  	_ =	swait.ge [sflag:s16], $0x80  }
0x21: {  	s9 =	sadd.s32 $0x1, s9;
	s17 =	rddreg [dreg:$0x7]  }
0x22: {  	p2 =	sne.s32 s9, s17  }
.Ltmp1:
0x23: {  	_ = 	snop;
	(pc) =	sbr.rel @!p2 .LBB2_18-.Ltmp1, $3  }
0x24: {  	_ =	sdelay $0x1  }
0x25: {  	[sflag:s16] =	ssyncset.done $0x0  }
0x26: {  	[sflag:s16] =	ssyncadd.s32 $0xFFFFFF80  }
.LBB2_1:
0x27: {  	[dreg:$0x8] =	wrdreg s9  }
0x28: {  	s5 =	rddreg [dreg:$0x3]  }
0x29: {  	[tilespmem:s3], [sflag:$0x1] =	stream.linear.gather [hbm4b:s5+s3], $0x1000, $0x38;
	[tilespmem:$0x6480] =	vst v63  }
0x2a: {  	s17 =	rddreg [dreg:$0x4];
	s6 =	simm.s32 $0x1000  }
0x2b: {  	[tilespmem:s6], [sflag:$0x2] =	stream.linear.gather [hbm4b:s17+s3], $0x1000, $0x38;
	[tilespmem:$0x6480] =	vst v63  }
0x2c: {  	_ =	swait.ge [sflag:s13], $0x1000  }
0x2d: {  	[sflag:s13] =	ssyncset.done $0x0  }
0x2e: {  	s5 =	simm.s32 $0x0;
	[sflag:s13] =	ssyncadd.s32 $0xFFFFF000  }
0x2f: {  	v3 =	vld [tilespmem:s5+$0x0]  }
0x30: {  	v4 =	vld [tilespmem:s5+$0x80]  }
0x31: {  	v5 =	vld [tilespmem:s5+$0x100];
	_ =	sdelay $0x3  }
0x32: {  	v6 =	vshll.u32 v3, $0x10;
	v7 =	vshll.u32 v4, $0x8  }
0x33: {  	vm0 =	veq.s32 v5, $0x0;
	v6 =	vadd.s32 v6, v7  }
0x34: {  	vm1 =	veq.s32 v4, $0x0;
	v4 =	vadd.s32 v5, v6;
	v5 =	vsel vm0, $0xFF, v2  }
0x35: {  	vm12 =	veq.s32 v3, $0x0;
	v3 =	vsel vm1, $0xFF00, v1;
	v5 =	vadd.s32 v5, v4;
	[tilespmem:s15+$0xFFFFF800] =	vst v4  }
0x36: {  	v46 =	vsel vm12, $0xFF0000, v0;
	v3 =	vadd.s32 v3, v4;
	[tilespmem:s15+$0x400] =	vst v5  }
0x37: {  	v4 =	vadd.s32 v46, v4;
	[tilespmem:s15+$0x0] =	vst v3  }
0x38: {  	[tilespmem:s15+$0xFFFFFC00] =	vst v4  }
0x39: {  	v3 =	vld [tilespmem:s5+$0x10]  }
0x3a: {  	v4 =	vld [tilespmem:s5+$0x90];
	_ =	sdelay $0x1  }
0x3b: {  	v5 =	vld [tilespmem:s5+$0x110];
	_ =	sdelay $0x2  }
0x3c: {  	v47 =	vshll.u32 v3, $0x10;
	v48 =	vshll.u32 v4, $0x8  }
0x3d: {  	vm13 =	veq.s32 v4, $0x0;
	v4 =	vadd.s32 v47, v48  }
0x3e: {  	vm14 =	veq.s32 v3, $0x0;
	v3 =	vadd.s32 v5, v4;
	v4 =	vsel vm13, $0xFF00, v1  }
0x3f: {  	vm15 =	veq.s32 v5, $0x0;
	v49 =	vsel vm14, $0xFF0000, v0;
	v4 =	vadd.s32 v4, v3;
	[tilespmem:s15+$0xFFFFF810] =	vst v3  }
0x40: {  	v5 =	vsel vm15, $0xFF, v2;
	v6 =	vadd.s32 v49, v3;
	[tilespmem:s15+$0x10] =	vst v4  }
0x41: {  	v3 =	vadd.s32 v5, v3;
	[tilespmem:s15+$0xFFFFFC10] =	vst v6  }
0x42: {  	[tilespmem:s15+$0x410] =	vst v3  }
0x43: {  	v3 =	vld [tilespmem:s5+$0x20]  }
0x44: {  	v4 =	vld [tilespmem:s5+$0xA0];
	_ =	sdelay $0x1  }
0x45: {  	v5 =	vld [tilespmem:s5+$0x120];
	_ =	sdelay $0x2  }
0x46: {  	v50 =	vshll.u32 v3, $0x10;
	v51 =	vshll.u32 v4, $0x8  }
0x47: {  	vm4 =	veq.s32 v4, $0x0;
	v4 =	vadd.s32 v50, v51  }
0x48: {  	vm5 =	veq.s32 v3, $0x0;
	v3 =	vadd.s32 v5, v4;
	v4 =	vsel vm4, $0xFF00, v1  }
0x49: {  	vm6 =	veq.s32 v5, $0x0;
	v52 =	vsel vm5, $0xFF0000, v0;
	v4 =	vadd.s32 v4, v3;
	[tilespmem:s15+$0xFFFFF820] =	vst v3  }
0x4a: {  	v5 =	vsel vm6, $0xFF, v2;
	v6 =	vadd.s32 v52, v3;
	[tilespmem:s15+$0x20] =	vst v4  }
0x4b: {  	v3 =	vadd.s32 v5, v3;
	[tilespmem:s15+$0xFFFFFC20] =	vst v6  }
0x4c: {  	[tilespmem:s15+$0x420] =	vst v3  }
0x4d: {  	v3 =	vld [tilespmem:s5+$0x30]  }
0x4e: {  	v4 =	vld [tilespmem:s5+$0xB0];
	_ =	sdelay $0x1  }
0x4f: {  	v5 =	vld [tilespmem:s5+$0x130];
	_ =	sdelay $0x2  }
0x50: {  	v53 =	vshll.u32 v3, $0x10;
	v54 =	vshll.u32 v4, $0x8  }
0x51: {  	vm7 =	veq.s32 v4, $0x0;
	v4 =	vadd.s32 v53, v54  }
0x52: {  	vm8 =	veq.s32 v3, $0x0;
	v3 =	vadd.s32 v5, v4;
	v4 =	vsel vm7, $0xFF00, v1  }
0x53: {  	vm9 =	veq.s32 v5, $0x0;
	v55 =	vsel vm8, $0xFF0000, v0;
	v4 =	vadd.s32 v4, v3;
	[tilespmem:s15+$0xFFFFF830] =	vst v3  }
0x54: {  	v5 =	vsel vm9, $0xFF, v2;
	v6 =	vadd.s32 v55, v3;
	[tilespmem:s15+$0x30] =	vst v4  }
0x55: {  	v3 =	vadd.s32 v5, v3;
	[tilespmem:s15+$0xFFFFFC30] =	vst v6  }
0x56: {  	[tilespmem:s15+$0x430] =	vst v3  }
0x57: {  	v3 =	vld [tilespmem:s5+$0x40]  }
0x58: {  	v4 =	vld [tilespmem:s5+$0xC0];
	_ =	sdelay $0x1  }
0x59: {  	v5 =	vld [tilespmem:s5+$0x140];
	_ =	sdelay $0x2  }
0x5a: {  	v56 =	vshll.u32 v3, $0x10;
	v57 =	vshll.u32 v4, $0x8  }
0x5b: {  	vm10 =	veq.s32 v4, $0x0;
	v4 =	vadd.s32 v56, v57  }
0x5c: {  	vm11 =	veq.s32 v3, $0x0;
	v3 =	vadd.s32 v5, v4;
	v4 =	vsel vm10, $0xFF00, v1  }
0x5d: {  	vm12 =	veq.s32 v5, $0x0;
	v58 =	vsel vm11, $0xFF0000, v0;
	v4 =	vadd.s32 v4, v3;
	[tilespmem:s15+$0xFFFFF840] =	vst v3  }
0x5e: {  	v5 =	vsel vm12, $0xFF, v2;
	v6 =	vadd.s32 v58, v3;
	[tilespmem:s15+$0x40] =	vst v4  }
0x5f: {  	v3 =	vadd.s32 v5, v3;
	[tilespmem:s15+$0xFFFFFC40] =	vst v6  }
0x60: {  	[tilespmem:s15+$0x440] =	vst v3  }
0x61: {  	v3 =	vld [tilespmem:s5+$0x50]  }
0x62: {  	v4 =	vld [tilespmem:s5+$0xD0]  }
0x63: {  	v5 =	vld [tilespmem:s5+$0x150];
	_ =	sdelay $0x3  }
0x64: {  	v59 =	vshll.u32 v3, $0x10;
	v60 =	vshll.u32 v4, $0x8  }
0x65: {  	vm13 =	veq.s32 v5, $0x0;
	v6 =	vadd.s32 v59, v60  }
0x66: {  	vm14 =	veq.s32 v4, $0x0;
	v61 =	vsel vm13, $0xFF, v2;
	v4 =	vadd.s32 v5, v6  }
0x67: {  	vm15 =	veq.s32 v3, $0x0;
	v3 =	vsel vm14, $0xFF00, v1;
	v5 =	vadd.s32 v61, v4;
	[tilespmem:s15+$0xFFFFF850] =	vst v4  }
0x68: {  	v62 =	vsel vm15, $0xFF0000, v0;
	v63 =	vadd.s32 v3, v4;
	[tilespmem:s15+$0x450] =	vst v5  }
0x69: {  	s9 =	simm.s32 $0x800;
	s10 =	simm.s32 $0x2800;
	s6 =	simm.s32 $0x2800;
	v3 =	vadd.s32 v62, v4;
	[tilespmem:s15+$0x50] =	vst v63  }
.LBB2_2:
0x6a: {  	p2 =	sne.s32 s9, $0x3800  }
0x6b: {  	[tilespmem:s6+$0xFFFFFC50] =	vst v3;
	s10 =	sadd.s32 $0x80, s10;
	s11 =	smov.u32 s9;
	s9 =	sadd.s32 $0x800, s9  }
0x6c: {  	v3 =	vld [tilespmem:s5+$0x60]  }
0x6d: {  	v4 =	vld [tilespmem:s5+$0xE0]  }
0x6e: {  	v5 =	vld [tilespmem:s5+$0x160];
	_ =	sdelay $0x2  }
0x6f: {  	vm0 =	veq.s32 v3, $0x0  }
0x70: {  	v3 =	vshll.u32 v3, $0x10;
	v6 =	vshll.u32 v4, $0x8;
	vm1 =	veq.s32 v4, $0x0  }
0x71: {  	v4 =	vsel vm0, $0xFF0000, v0;
	v3 =	vadd.s32 v3, v6;
	vm0 =	veq.s32 v5, $0x0  }
0x72: {  	v3 =	vadd.s32 v5, v3;
	v5 =	vsel vm1, $0xFF00, v1;
	v6 =	vsel vm0, $0xFF, v2  }
0x73: {  	v4 =	vadd.s32 v4, v3;
	v5 =	vadd.s32 v5, v3;
	v6 =	vadd.s32 v6, v3;
	[tilespmem:s6+$0xFFFFF860] =	vst v3  }
0x74: {  	[tilespmem:s6+$0x460] =	vst v6  }
0x75: {  	[tilespmem:s6+$0x60] =	vst v5  }
0x76: {  	[tilespmem:s6+$0xFFFFFC60] =	vst v4  }
0x77: {  	v3 =	vld [tilespmem:s5+$0x70]  }
0x78: {  	v4 =	vld [tilespmem:s5+$0xF0]  }
0x79: {  	v5 =	vld [tilespmem:s5+$0x170];
	_ =	sdelay $0x2  }
0x7a: {  	vm0 =	veq.s32 v3, $0x0  }
0x7b: {  	v3 =	vshll.u32 v3, $0x10;
	v6 =	vshll.u32 v4, $0x8;
	v7 =	vsel vm0, $0xFF0000, v0  }
0x7c: {  	vm0 =	veq.s32 v4, $0x0;
	v3 =	vadd.s32 v3, v6;
	vm1 =	veq.s32 v5, $0x0  }
0x7d: {  	v4 =	vsel vm0, $0xFF00, v1;
	v3 =	vadd.s32 v5, v3;
	v5 =	vsel vm1, $0xFF, v2  }
0x7e: {  	v6 =	vadd.s32 v7, v3;
	v4 =	vadd.s32 v4, v3;
	v5 =	vadd.s32 v5, v3;
	[tilespmem:s6+$0xFFFFF870] =	vst v3  }
0x7f: {  	[tilespmem:s6+$0xFFFFFC70] =	vst v6  }
0x80: {  	s5 =	sshra.s32 s11, $0x2;
	[tilespmem:s6+$0x470] =	vst v5  }
0x81: {  	[tilespmem:s6+$0x70] =	vst v4;
	s6 =	smov.u32 s10  }
0x82: {  	v3 =	vld [tilespmem:s5+$0x0]  }
0x83: {  	v4 =	vld [tilespmem:s5+$0x80]  }
0x84: {  	v5 =	vld [tilespmem:s5+$0x100];
	_ =	sdelay $0x2  }
0x85: {  	vm0 =	veq.s32 v3, $0x0  }
0x86: {  	v3 =	vshll.u32 v3, $0x10;
	v6 =	vshll.u32 v4, $0x8;
	vm1 =	veq.s32 v4, $0x0  }
0x87: {  	v4 =	vsel vm0, $0xFF0000, v0;
	v3 =	vadd.s32 v3, v6;
	vm0 =	veq.s32 v5, $0x0  }
0x88: {  	v3 =	vadd.s32 v5, v3;
	v5 =	vsel vm1, $0xFF00, v1;
	v6 =	vsel vm0, $0xFF, v2  }
0x89: {  	v4 =	vadd.s32 v4, v3;
	v5 =	vadd.s32 v5, v3;
	v6 =	vadd.s32 v6, v3;
	[tilespmem:s10+$0xFFFFF800] =	vst v3  }
0x8a: {  	[tilespmem:s10+$0x400] =	vst v6  }
0x8b: {  	[tilespmem:s10+$0x0] =	vst v5  }
0x8c: {  	[tilespmem:s10+$0xFFFFFC00] =	vst v4  }
0x8d: {  	v3 =	vld [tilespmem:s5+$0x10]  }
0x8e: {  	v4 =	vld [tilespmem:s5+$0x90]  }
0x8f: {  	v5 =	vld [tilespmem:s5+$0x110];
	_ =	sdelay $0x2  }
0x90: {  	vm0 =	veq.s32 v3, $0x0  }
0x91: {  	v3 =	vshll.u32 v3, $0x10;
	v6 =	vshll.u32 v4, $0x8;
	vm1 =	veq.s32 v4, $0x0  }
0x92: {  	v4 =	vsel vm0, $0xFF0000, v0;
	v3 =	vadd.s32 v3, v6;
	vm0 =	veq.s32 v5, $0x0  }
0x93: {  	v3 =	vadd.s32 v5, v3;
	v5 =	vsel vm1, $0xFF00, v1;
	v6 =	vsel vm0, $0xFF, v2  }
0x94: {  	v4 =	vadd.s32 v4, v3;
	v5 =	vadd.s32 v5, v3;
	v6 =	vadd.s32 v6, v3;
	[tilespmem:s10+$0xFFFFF810] =	vst v3  }
0x95: {  	[tilespmem:s10+$0x10] =	vst v5  }
0x96: {  	[tilespmem:s10+$0xFFFFFC10] =	vst v4  }
0x97: {  	[tilespmem:s10+$0x410] =	vst v6  }
0x98: {  	v3 =	vld [tilespmem:s5+$0x20]  }
0x99: {  	v4 =	vld [tilespmem:s5+$0xA0]  }
0x9a: {  	v5 =	vld [tilespmem:s5+$0x120];
	_ =	sdelay $0x2  }
0x9b: {  	vm0 =	veq.s32 v3, $0x0  }
0x9c: {  	v3 =	vshll.u32 v3, $0x10;
	v6 =	vshll.u32 v4, $0x8;
	vm1 =	veq.s32 v4, $0x0  }
0x9d: {  	v4 =	vsel vm0, $0xFF0000, v0;
	v3 =	vadd.s32 v3, v6;
	vm0 =	veq.s32 v5, $0x0  }
0x9e: {  	v3 =	vadd.s32 v5, v3;
	v5 =	vsel vm1, $0xFF00, v1;
	v6 =	vsel vm0, $0xFF, v2  }
0x9f: {  	v4 =	vadd.s32 v4, v3;
	v5 =	vadd.s32 v5, v3;
	v6 =	vadd.s32 v6, v3;
	[tilespmem:s10+$0xFFFFF820] =	vst v3  }
0xa0: {  	[tilespmem:s10+$0x20] =	vst v5  }
0xa1: {  	[tilespmem:s10+$0xFFFFFC20] =	vst v4  }
0xa2: {  	[tilespmem:s10+$0x420] =	vst v6  }
0xa3: {  	v3 =	vld [tilespmem:s5+$0x30]  }
0xa4: {  	v4 =	vld [tilespmem:s5+$0xB0]  }
0xa5: {  	v5 =	vld [tilespmem:s5+$0x130];
	_ =	sdelay $0x2  }
0xa6: {  	vm0 =	veq.s32 v3, $0x0  }
0xa7: {  	v3 =	vshll.u32 v3, $0x10;
	v6 =	vshll.u32 v4, $0x8;
	vm1 =	veq.s32 v4, $0x0  }
0xa8: {  	v4 =	vsel vm0, $0xFF0000, v0;
	v3 =	vadd.s32 v3, v6;
	vm0 =	veq.s32 v5, $0x0  }
0xa9: {  	v3 =	vadd.s32 v5, v3;
	v5 =	vsel vm1, $0xFF00, v1;
	v6 =	vsel vm0, $0xFF, v2  }
0xaa: {  	v4 =	vadd.s32 v4, v3;
	v5 =	vadd.s32 v5, v3;
	v6 =	vadd.s32 v6, v3;
	[tilespmem:s10+$0xFFFFF830] =	vst v3  }
0xab: {  	[tilespmem:s10+$0x30] =	vst v5  }
0xac: {  	[tilespmem:s10+$0xFFFFFC30] =	vst v4  }
0xad: {  	[tilespmem:s10+$0x430] =	vst v6  }
0xae: {  	v3 =	vld [tilespmem:s5+$0x40]  }
0xaf: {  	v4 =	vld [tilespmem:s5+$0xC0]  }
0xb0: {  	v5 =	vld [tilespmem:s5+$0x140];
	_ =	sdelay $0x2  }
0xb1: {  	vm0 =	veq.s32 v3, $0x0  }
0xb2: {  	v3 =	vshll.u32 v3, $0x10;
	v6 =	vshll.u32 v4, $0x8;
	vm1 =	veq.s32 v4, $0x0  }
0xb3: {  	v4 =	vsel vm0, $0xFF0000, v0;
	v3 =	vadd.s32 v3, v6;
	vm0 =	veq.s32 v5, $0x0  }
0xb4: {  	v3 =	vadd.s32 v5, v3;
	v5 =	vsel vm1, $0xFF00, v1;
	v6 =	vsel vm0, $0xFF, v2  }
0xb5: {  	v4 =	vadd.s32 v4, v3;
	v5 =	vadd.s32 v5, v3;
	v6 =	vadd.s32 v6, v3;
	[tilespmem:s10+$0xFFFFF840] =	vst v3  }
0xb6: {  	[tilespmem:s10+$0x40] =	vst v5  }
0xb7: {  	[tilespmem:s10+$0xFFFFFC40] =	vst v4  }
0xb8: {  	[tilespmem:s10+$0x440] =	vst v6  }
0xb9: {  	v3 =	vld [tilespmem:s5+$0x150]  }
0xba: {  	v4 =	vld [tilespmem:s5+$0x50]  }
0xbb: {  	v5 =	vld [tilespmem:s5+$0xD0];
	_ =	sdelay $0x2  }
0xbc: {  	vm0 =	veq.s32 v3, $0x0  }
0xbd: {  	v6 =	vsel vm0, $0xFF, v2  }
0xbe: {  	v7 =	vshll.u32 v4, $0x10;
	v8 =	vshll.u32 v5, $0x8;
	vm0 =	veq.s32 v5, $0x0  }
.Ltmp2:
0xbf: {  	vm1 =	veq.s32 v4, $0x0;
	v5 =	vadd.s32 v7, v8;
	(pc) =	sbr.rel @p2 .LBB2_2-.Ltmp2, $4  }
0xc0: {  	v4 =	vadd.s32 v3, v5;
	v3 =	vsel vm1, $0xFF0000, v0;
	v5 =	vsel vm0, $0xFF00, v1  }
0xc1: {  	v3 =	vadd.s32 v3, v4;
	v5 =	vadd.s32 v5, v4;
	v6 =	vadd.s32 v6, v4;
	[tilespmem:s10+$0xFFFFF850] =	vst v4  }
0xc2: {  	[tilespmem:s10+$0x450] =	vst v6  }
0xc3: {  	[tilespmem:s10+$0x50] =	vst v5  }
0xc4: {  	[tilespmem:s6+$0xFFFFFC50] =	vst v3  }
0xc5: {  	v3 =	vld [tilespmem:s5+$0x60]  }
0xc6: {  	v4 =	vld [tilespmem:s5+$0xE0]  }
0xc7: {  	v5 =	vld [tilespmem:s5+$0x160];
	_ =	sdelay $0x3  }
0xc8: {  	v6 =	vshll.u32 v3, $0x10;
	v7 =	vshll.u32 v4, $0x8  }
0xc9: {  	vm0 =	veq.s32 v5, $0x0;
	v6 =	vadd.s32 v6, v7  }
0xca: {  	vm1 =	veq.s32 v4, $0x0;
	v4 =	vadd.s32 v5, v6;
	v5 =	vsel vm0, $0xFF, v2  }
0xcb: {  	vm12 =	veq.s32 v3, $0x0;
	v3 =	vsel vm1, $0xFF00, v1;
	v5 =	vadd.s32 v5, v4;
	[tilespmem:s6+$0xFFFFF860] =	vst v4  }
0xcc: {  	v59 =	vsel vm12, $0xFF0000, v0;
	v3 =	vadd.s32 v3, v4;
	[tilespmem:s6+$0x460] =	vst v5  }
0xcd: {  	v4 =	vadd.s32 v59, v4;
	[tilespmem:s6+$0x60] =	vst v3  }
0xce: {  	[tilespmem:s6+$0xFFFFFC60] =	vst v4  }
0xcf: {  	v3 =	vld [tilespmem:s5+$0x70]  }
0xd0: {  	v4 =	vld [tilespmem:s5+$0xF0];
	_ =	sdelay $0x1  }
0xd1: {  	v5 =	vld [tilespmem:s5+$0x170];
	_ =	sdelay $0x2  }
0xd2: {  	v60 =	vshll.u32 v3, $0x10;
	v61 =	vshll.u32 v4, $0x8  }
0xd3: {  	vm13 =	veq.s32 v3, $0x0;
	v3 =	vadd.s32 v60, v61  }
0xd4: {  	vm14 =	veq.s32 v5, $0x0;
	v62 =	vsel vm13, $0xFF0000, v0;
	v3 =	vadd.s32 v5, v3  }
0xd5: {  	vm15 =	veq.s32 v4, $0x0;
	v4 =	vsel vm14, $0xFF, v2;
	v5 =	vadd.s32 v62, v3;
	[tilespmem:s6+$0xFFFFF870] =	vst v3  }
0xd6: {  	v63 =	vsel vm15, $0xFF00, v1;
	v4 =	vadd.s32 v4, v3;
	[tilespmem:s6+$0xFFFFFC70] =	vst v5  }
0xd7: {  	v3 =	vadd.s32 v63, v3;
	[tilespmem:s6+$0x470] =	vst v4  }
0xd8: {  	s16 =	simm.s32 $0x2000;
	s17 =	simm.s32 $0x4000;
	[tilespmem:s6+$0x70] =	vst v3  }
0xd9: {  	[tilespmem:s17], [sflag:$0x3] =	stream.indirect.gather [hbm4b:s4+s14], $0x1, s16, s14, $0xb8;
	[tilespmem:$0x6480] =	vst v63  }
0xda: {  	s9 =	simm.s32 $0x4C00;
	s6 =	simm.s32 $0x2C00  }
0xdb: {  	[tilespmem:s9], [sflag:$0x3] =	stream.indirect.gather [hbm4b:s4+s14], $0x1, s6, s14, $0xb8;
	[tilespmem:$0x6480] =	vst v63  }
0xdc: {  	s10 =	simm.s32 $0x2080;
	s11 =	simm.s32 $0x4080  }
0xdd: {  	[tilespmem:s11], [sflag:$0x3] =	stream.indirect.gather [hbm4b:s4+s14], $0x1, s10, s14, $0xb8;
	[tilespmem:$0x6480] =	vst v63  }
0xde: {  	s16 =	simm.s32 $0x2C80;
	s17 =	simm.s32 $0x4C80  }
0xdf: {  	[tilespmem:s17], [sflag:$0x3] =	stream.indirect.gather [hbm4b:s4+s14], $0x1, s16, s14, $0xb8;
	[tilespmem:$0x6480] =	vst v63  }
0xe0: {  	s6 =	simm.s32 $0x2100;
	s9 =	simm.s32 $0x4100  }
0xe1: {  	[tilespmem:s9], [sflag:$0x3] =	stream.indirect.gather [hbm4b:s4+s14], $0x1, s6, s14, $0xb8;
	[tilespmem:$0x6480] =	vst v63  }
0xe2: {  	s10 =	simm.s32 $0x2D00;
	s11 =	simm.s32 $0x4D00  }
0xe3: {  	[tilespmem:s11], [sflag:$0x3] =	stream.indirect.gather [hbm4b:s4+s14], $0x1, s10, s14, $0xb8;
	[tilespmem:$0x6480] =	vst v63  }
0xe4: {  	s16 =	simm.s32 $0x2180;
	s17 =	simm.s32 $0x4180  }
0xe5: {  	[tilespmem:s17], [sflag:$0x3] =	stream.indirect.gather [hbm4b:s4+s14], $0x1, s16, s14, $0xb8;
	[tilespmem:$0x6480] =	vst v63  }
0xe6: {  	s6 =	simm.s32 $0x2D80;
	s9 =	simm.s32 $0x4D80  }
0xe7: {  	[tilespmem:s9], [sflag:$0x3] =	stream.indirect.gather [hbm4b:s4+s14], $0x1, s6, s14, $0xb8;
	[tilespmem:$0x6480] =	vst v63  }
0xe8: {  	s10 =	simm.s32 $0x2200;
	s11 =	simm.s32 $0x4200  }
0xe9: {  	[tilespmem:s11], [sflag:$0x3] =	stream.indirect.gather [hbm4b:s4+s14], $0x1, s10, s14, $0xb8;
	[tilespmem:$0x6480] =	vst v63  }
0xea: {  	s16 =	simm.s32 $0x2E00;
	s17 =	simm.s32 $0x4E00  }
0xeb: {  	[tilespmem:s17], [sflag:$0x3] =	stream.indirect.gather [hbm4b:s4+s14], $0x1, s16, s14, $0xb8;
	[tilespmem:$0x6480] =	vst v63  }
0xec: {  	s6 =	simm.s32 $0x2280;
	s9 =	simm.s32 $0x4280  }
0xed: {  	[tilespmem:s9], [sflag:$0x3] =	stream.indirect.gather [hbm4b:s4+s14], $0x1, s6, s14, $0xb8;
	[tilespmem:$0x6480] =	vst v63  }
0xee: {  	s10 =	simm.s32 $0x2E80;
	s11 =	simm.s32 $0x4E80  }
0xef: {  	[tilespmem:s11], [sflag:$0x3] =	stream.indirect.gather [hbm4b:s4+s14], $0x1, s10, s14, $0xb8;
	[tilespmem:$0x6480] =	vst v63  }
0xf0: {  	s16 =	simm.s32 $0x2300;
	s17 =	simm.s32 $0x4300  }
0xf1: {  	[tilespmem:s17], [sflag:$0x3] =	stream.indirect.gather [hbm4b:s4+s14], $0x1, s16, s14, $0xb8;
	[tilespmem:$0x6480] =	vst v63  }
0xf2: {  	s6 =	simm.s32 $0x2F00;
	s9 =	simm.s32 $0x4F00  }
0xf3: {  	[tilespmem:s9], [sflag:$0x3] =	stream.indirect.gather [hbm4b:s4+s14], $0x1, s6, s14, $0xb8;
	[tilespmem:$0x6480] =	vst v63  }
0xf4: {  	s10 =	simm.s32 $0x2380;
	s11 =	simm.s32 $0x4380  }
0xf5: {  	[tilespmem:s11], [sflag:$0x3] =	stream.indirect.gather [hbm4b:s4+s14], $0x1, s10, s14, $0xb8;
	[tilespmem:$0x6480] =	vst v63  }
0xf6: {  	s16 =	simm.s32 $0x2F80;
	s17 =	simm.s32 $0x4F80  }
0xf7: {  	[tilespmem:s17], [sflag:$0x3] =	stream.indirect.gather [hbm4b:s4+s14], $0x1, s16, s14, $0xb8;
	[tilespmem:$0x6480] =	vst v63  }
0xf8: {  	s6 =	simm.s32 $0x2400;
	s9 =	simm.s32 $0x4400  }
0xf9: {  	[tilespmem:s9], [sflag:$0x3] =	stream.indirect.gather [hbm4b:s4+s14], $0x1, s6, s14, $0xb8;
	[tilespmem:$0x6480] =	vst v63  }
0xfa: {  	s10 =	simm.s32 $0x2480;
	s11 =	simm.s32 $0x4480  }
0xfb: {  	[tilespmem:s11], [sflag:$0x3] =	stream.indirect.gather [hbm4b:s4+s14], $0x1, s10, s14, $0xb8;
	[tilespmem:$0x6480] =	vst v63  }
0xfc: {  	s16 =	simm.s32 $0x2500;
	s17 =	simm.s32 $0x4500  }
0xfd: {  	[tilespmem:s17], [sflag:$0x3] =	stream.indirect.gather [hbm4b:s4+s14], $0x1, s16, s14, $0xb8;
	[tilespmem:$0x6480] =	vst v63  }
0xfe: {  	s6 =	simm.s32 $0x2580;
	s9 =	simm.s32 $0x4580  }
0xff: {  	[tilespmem:s9], [sflag:$0x3] =	stream.indirect.gather [hbm4b:s4+s14], $0x1, s6, s14, $0xb8;
	[tilespmem:$0x6480] =	vst v63  }
0x100: {  	s10 =	simm.s32 $0x2600;
	s11 =	simm.s32 $0x4600  }
0x101: {  	[tilespmem:s11], [sflag:$0x3] =	stream.indirect.gather [hbm4b:s4+s14], $0x1, s10, s14, $0xb8;
	[tilespmem:$0x6480] =	vst v63  }
0x102: {  	s16 =	simm.s32 $0x2680;
	s17 =	simm.s32 $0x4680  }
0x103: {  	[tilespmem:s17], [sflag:$0x3] =	stream.indirect.gather [hbm4b:s4+s14], $0x1, s16, s14, $0xb8;
	[tilespmem:$0x6480] =	vst v63  }
0x104: {  	s6 =	simm.s32 $0x2700;
	s9 =	simm.s32 $0x4700  }
0x105: {  	[tilespmem:s9], [sflag:$0x3] =	stream.indirect.gather [hbm4b:s4+s14], $0x1, s6, s14, $0xb8;
	[tilespmem:$0x6480] =	vst v63  }
0x106: {  	s10 =	simm.s32 $0x2780;
	s11 =	simm.s32 $0x4780  }
0x107: {  	[tilespmem:s11], [sflag:$0x3] =	stream.indirect.gather [hbm4b:s4+s14], $0x1, s10, s14, $0xb8;
	[tilespmem:$0x6480] =	vst v63  }
0x108: {  	s16 =	simm.s32 $0x4800  }
0x109: {  	[tilespmem:s16], [sflag:$0x3] =	stream.indirect.gather [hbm4b:s4+s14], $0x1, s15, s14, $0xb8;
	[tilespmem:$0x6480] =	vst v63  }
0x10a: {  	s17 =	simm.s32 $0x2880  }
0x10b: {  	[tilespmem:s18], [sflag:$0x3] =	stream.indirect.gather [hbm4b:s4+s14], $0x1, s17, s14, $0xb8;
	[tilespmem:$0x6480] =	vst v63  }
0x10c: {  	_ = 	snop  }
0x10d: {  	[tilespmem:s20], [sflag:$0x3] =	stream.indirect.gather [hbm4b:s4+s14], $0x1, s19, s14, $0xb8;
	[tilespmem:$0x6480] =	vst v63  }
0x10e: {  	_ = 	snop  }
0x10f: {  	[tilespmem:s22], [sflag:$0x3] =	stream.indirect.gather [hbm4b:s4+s14], $0x1, s21, s14, $0xb8;
	[tilespmem:$0x6480] =	vst v63  }
0x110: {  	_ = 	snop  }
0x111: {  	[tilespmem:s24], [sflag:$0x3] =	stream.indirect.gather [hbm4b:s4+s14], $0x1, s23, s14, $0xb8;
	[tilespmem:$0x6480] =	vst v63  }
0x112: {  	_ = 	snop  }
0x113: {  	[tilespmem:s26], [sflag:$0x3] =	stream.indirect.gather [hbm4b:s4+s14], $0x1, s25, s14, $0xb8;
	[tilespmem:$0x6480] =	vst v63  }
0x114: {  	_ = 	snop  }
0x115: {  	[tilespmem:s29], [sflag:$0x3] =	stream.indirect.gather [hbm4b:s4+s14], $0x1, s28, s14, $0xb8;
	[tilespmem:$0x6480] =	vst v63  }
0x116: {  	s9 =	simm.s32 $0x0  }
0x117: {  	v3 =	vimm.f32 $0.0e+00;
	[tilespmem:s31], [sflag:$0x3] =	stream.indirect.gather [hbm4b:s4+s14], $0x1, s30, s14, $0xb8;
	[tilespmem:$0x6480] =	vst v63  }
.LBB2_4:
0x118: {  	_ =	swait.ge [sflag:s0], $0x1000  }
0x119: {  	[sflag:s0] =	ssyncset.done $0x0  }
0x11a: {  	s6 =	simm.s32 $0x0;
	[sflag:s0] =	ssyncadd.s32 $0xFFFFF000  }
0x11b: {  	v4 =	vld [tilespmem:s6+$0x1000]  }
0x11c: {  	v5 =	vld [tilespmem:s6+$0x1080]  }
0x11d: {  	v6 =	vld [tilespmem:s6+$0x1100];
	_ =	sdelay $0x3  }
0x11e: {  	v7 =	vshll.u32 v4, $0x10;
	v8 =	vshll.u32 v5, $0x8  }
0x11f: {  	vm0 =	veq.s32 v6, $0x0;
	v7 =	vadd.s32 v7, v8  }
0x120: {  	s5 =	simm.s32 $0x3800;
	vm1 =	veq.s32 v5, $0x0;
	v5 =	vadd.s32 v6, v7;
	v6 =	vsel vm0, $0xFF, v2  }
0x121: {  	vm12 =	veq.s32 v4, $0x0;
	v4 =	vsel vm1, $0xFF00, v1;
	v6 =	vadd.s32 v6, v5;
	[tilespmem:s5+$0xFFFFF800] =	vst v5  }
0x122: {  	v7 =	vsel vm12, $0xFF0000, v0;
	v4 =	vadd.s32 v4, v5;
	[tilespmem:s5+$0x400] =	vst v6  }
0x123: {  	v5 =	vadd.s32 v7, v5;
	[tilespmem:s5+$0x0] =	vst v4  }
0x124: {  	[tilespmem:s5+$0xFFFFFC00] =	vst v5  }
0x125: {  	v4 =	vld [tilespmem:s6+$0x1010]  }
0x126: {  	v5 =	vld [tilespmem:s6+$0x1090];
	_ =	sdelay $0x1  }
0x127: {  	v6 =	vld [tilespmem:s6+$0x1110];
	_ =	sdelay $0x2  }
0x128: {  	v7 =	vshll.u32 v4, $0x10;
	v57 =	vshll.u32 v5, $0x8  }
0x129: {  	vm13 =	veq.s32 v5, $0x0;
	v5 =	vadd.s32 v7, v57  }
0x12a: {  	vm14 =	veq.s32 v4, $0x0;
	v4 =	vadd.s32 v6, v5;
	v5 =	vsel vm13, $0xFF00, v1  }
0x12b: {  	vm15 =	veq.s32 v6, $0x0;
	v7 =	vsel vm14, $0xFF0000, v0;
	v5 =	vadd.s32 v5, v4;
	[tilespmem:s5+$0xFFFFF810] =	vst v4  }
0x12c: {  	v6 =	vsel vm15, $0xFF, v2;
	v7 =	vadd.s32 v7, v4;
	[tilespmem:s5+$0x10] =	vst v5  }
0x12d: {  	v4 =	vadd.s32 v6, v4;
	[tilespmem:s5+$0xFFFFFC10] =	vst v7  }
0x12e: {  	[tilespmem:s5+$0x410] =	vst v4  }
0x12f: {  	v4 =	vld [tilespmem:s6+$0x1020]  }
0x130: {  	v5 =	vld [tilespmem:s6+$0x10A0];
	_ =	sdelay $0x1  }
0x131: {  	v6 =	vld [tilespmem:s6+$0x1120];
	_ =	sdelay $0x2  }
0x132: {  	v7 =	vshll.u32 v4, $0x10;
	v58 =	vshll.u32 v5, $0x8  }
0x133: {  	vm4 =	veq.s32 v5, $0x0;
	v5 =	vadd.s32 v7, v58  }
0x134: {  	vm5 =	veq.s32 v4, $0x0;
	v4 =	vadd.s32 v6, v5;
	v5 =	vsel vm4, $0xFF00, v1  }
0x135: {  	vm6 =	veq.s32 v6, $0x0;
	v7 =	vsel vm5, $0xFF0000, v0;
	v5 =	vadd.s32 v5, v4;
	[tilespmem:s5+$0xFFFFF820] =	vst v4  }
0x136: {  	v6 =	vsel vm6, $0xFF, v2;
	v7 =	vadd.s32 v7, v4;
	[tilespmem:s5+$0x20] =	vst v5  }
0x137: {  	v4 =	vadd.s32 v6, v4;
	[tilespmem:s5+$0xFFFFFC20] =	vst v7  }
0x138: {  	[tilespmem:s5+$0x420] =	vst v4  }
0x139: {  	v4 =	vld [tilespmem:s6+$0x1030]  }
0x13a: {  	v5 =	vld [tilespmem:s6+$0x10B0];
	_ =	sdelay $0x1  }
0x13b: {  	v6 =	vld [tilespmem:s6+$0x1130];
	_ =	sdelay $0x2  }
0x13c: {  	v7 =	vshll.u32 v4, $0x10;
	v59 =	vshll.u32 v5, $0x8  }
0x13d: {  	vm7 =	veq.s32 v5, $0x0;
	v5 =	vadd.s32 v7, v59  }
0x13e: {  	vm8 =	veq.s32 v4, $0x0;
	v4 =	vadd.s32 v6, v5;
	v5 =	vsel vm7, $0xFF00, v1  }
0x13f: {  	vm9 =	veq.s32 v6, $0x0;
	v7 =	vsel vm8, $0xFF0000, v0;
	v5 =	vadd.s32 v5, v4;
	[tilespmem:s5+$0xFFFFF830] =	vst v4  }
0x140: {  	v6 =	vsel vm9, $0xFF, v2;
	v7 =	vadd.s32 v7, v4;
	[tilespmem:s5+$0x30] =	vst v5  }
0x141: {  	v4 =	vadd.s32 v6, v4;
	[tilespmem:s5+$0xFFFFFC30] =	vst v7  }
0x142: {  	[tilespmem:s5+$0x430] =	vst v4  }
0x143: {  	v4 =	vld [tilespmem:s6+$0x1040]  }
0x144: {  	v5 =	vld [tilespmem:s6+$0x10C0];
	_ =	sdelay $0x1  }
0x145: {  	v6 =	vld [tilespmem:s6+$0x1140];
	_ =	sdelay $0x2  }
0x146: {  	v7 =	vshll.u32 v4, $0x10;
	v60 =	vshll.u32 v5, $0x8  }
0x147: {  	vm10 =	veq.s32 v5, $0x0;
	v5 =	vadd.s32 v7, v60  }
0x148: {  	vm11 =	veq.s32 v4, $0x0;
	v4 =	vadd.s32 v6, v5;
	v5 =	vsel vm10, $0xFF00, v1  }
0x149: {  	vm12 =	veq.s32 v6, $0x0;
	v7 =	vsel vm11, $0xFF0000, v0;
	v5 =	vadd.s32 v5, v4;
	[tilespmem:s5+$0xFFFFF840] =	vst v4  }
0x14a: {  	v6 =	vsel vm12, $0xFF, v2;
	v7 =	vadd.s32 v7, v4;
	[tilespmem:s5+$0x40] =	vst v5  }
0x14b: {  	v4 =	vadd.s32 v6, v4;
	[tilespmem:s5+$0xFFFFFC40] =	vst v7  }
0x14c: {  	[tilespmem:s5+$0x440] =	vst v4  }
0x14d: {  	v4 =	vld [tilespmem:s6+$0x1050]  }
0x14e: {  	v5 =	vld [tilespmem:s6+$0x10D0]  }
0x14f: {  	v6 =	vld [tilespmem:s6+$0x1150];
	_ =	sdelay $0x3  }
0x150: {  	v7 =	vshll.u32 v4, $0x10;
	v61 =	vshll.u32 v5, $0x8  }
0x151: {  	vm13 =	veq.s32 v6, $0x0;
	v7 =	vadd.s32 v7, v61  }
0x152: {  	vm14 =	veq.s32 v5, $0x0;
	v62 =	vsel vm13, $0xFF, v2;
	v5 =	vadd.s32 v6, v7  }
0x153: {  	vm15 =	veq.s32 v4, $0x0;
	v4 =	vsel vm14, $0xFF00, v1;
	v6 =	vadd.s32 v62, v5;
	[tilespmem:s5+$0xFFFFF850] =	vst v5  }
0x154: {  	v7 =	vsel vm15, $0xFF0000, v0;
	v63 =	vadd.s32 v4, v5;
	[tilespmem:s5+$0x450] =	vst v6  }
0x155: {  	s10 =	simm.s32 $0x800;
	s11 =	simm.s32 $0x3800;
	v4 =	vadd.s32 v7, v5;
	[tilespmem:s5+$0x50] =	vst v63  }
.LBB2_5:
0x156: {  	p2 =	sne.s32 s10, $0x3800  }
0x157: {  	[tilespmem:s5+$0xFFFFFC50] =	vst v4;
	s11 =	sadd.s32 $0x80, s11;
	s16 =	smov.u32 s10;
	s10 =	sadd.s32 $0x800, s10  }
0x158: {  	v4 =	vld [tilespmem:s6+$0x1060]  }
0x159: {  	v5 =	vld [tilespmem:s6+$0x10E0]  }
0x15a: {  	v6 =	vld [tilespmem:s6+$0x1160];
	_ =	sdelay $0x2  }
0x15b: {  	vm0 =	veq.s32 v4, $0x0  }
0x15c: {  	v4 =	vshll.u32 v4, $0x10;
	v7 =	vshll.u32 v5, $0x8;
	vm1 =	veq.s32 v5, $0x0  }
0x15d: {  	v5 =	vsel vm0, $0xFF0000, v0;
	v4 =	vadd.s32 v4, v7;
	vm0 =	veq.s32 v6, $0x0  }
0x15e: {  	v4 =	vadd.s32 v6, v4;
	v6 =	vsel vm1, $0xFF00, v1;
	v7 =	vsel vm0, $0xFF, v2  }
0x15f: {  	v5 =	vadd.s32 v5, v4;
	v6 =	vadd.s32 v6, v4;
	v7 =	vadd.s32 v7, v4;
	[tilespmem:s5+$0xFFFFF860] =	vst v4  }
0x160: {  	[tilespmem:s5+$0x460] =	vst v7  }
0x161: {  	[tilespmem:s5+$0x60] =	vst v6  }
0x162: {  	[tilespmem:s5+$0xFFFFFC60] =	vst v5  }
0x163: {  	v4 =	vld [tilespmem:s6+$0x1070]  }
0x164: {  	v5 =	vld [tilespmem:s6+$0x10F0]  }
0x165: {  	v6 =	vld [tilespmem:s6+$0x1170];
	_ =	sdelay $0x2  }
0x166: {  	vm0 =	veq.s32 v4, $0x0  }
0x167: {  	v4 =	vshll.u32 v4, $0x10;
	v7 =	vshll.u32 v5, $0x8;
	v8 =	vsel vm0, $0xFF0000, v0  }
0x168: {  	vm0 =	veq.s32 v5, $0x0;
	v4 =	vadd.s32 v4, v7;
	vm1 =	veq.s32 v6, $0x0  }
0x169: {  	v5 =	vsel vm0, $0xFF00, v1;
	v4 =	vadd.s32 v6, v4;
	v6 =	vsel vm1, $0xFF, v2  }
0x16a: {  	v7 =	vadd.s32 v8, v4;
	v5 =	vadd.s32 v5, v4;
	v6 =	vadd.s32 v6, v4;
	[tilespmem:s5+$0xFFFFF870] =	vst v4  }
0x16b: {  	[tilespmem:s5+$0xFFFFFC70] =	vst v7  }
0x16c: {  	s6 =	sshra.s32 s16, $0x2;
	[tilespmem:s5+$0x470] =	vst v6  }
0x16d: {  	[tilespmem:s5+$0x70] =	vst v5;
	s5 =	smov.u32 s11  }
0x16e: {  	v4 =	vld [tilespmem:s6+$0x1000]  }
0x16f: {  	v5 =	vld [tilespmem:s6+$0x1080]  }
0x170: {  	v6 =	vld [tilespmem:s6+$0x1100];
	_ =	sdelay $0x2  }
0x171: {  	vm0 =	veq.s32 v4, $0x0  }
0x172: {  	v4 =	vshll.u32 v4, $0x10;
	v7 =	vshll.u32 v5, $0x8;
	vm1 =	veq.s32 v5, $0x0  }
0x173: {  	v5 =	vsel vm0, $0xFF0000, v0;
	v4 =	vadd.s32 v4, v7;
	vm0 =	veq.s32 v6, $0x0  }
0x174: {  	v4 =	vadd.s32 v6, v4;
	v6 =	vsel vm1, $0xFF00, v1;
	v7 =	vsel vm0, $0xFF, v2  }
0x175: {  	v5 =	vadd.s32 v5, v4;
	v6 =	vadd.s32 v6, v4;
	v7 =	vadd.s32 v7, v4;
	[tilespmem:s11+$0xFFFFF800] =	vst v4  }
0x176: {  	[tilespmem:s11+$0x400] =	vst v7  }
0x177: {  	[tilespmem:s11+$0x0] =	vst v6  }
0x178: {  	[tilespmem:s11+$0xFFFFFC00] =	vst v5  }
0x179: {  	v4 =	vld [tilespmem:s6+$0x1010]  }
0x17a: {  	v5 =	vld [tilespmem:s6+$0x1090]  }
0x17b: {  	v6 =	vld [tilespmem:s6+$0x1110];
	_ =	sdelay $0x2  }
0x17c: {  	vm0 =	veq.s32 v4, $0x0  }
0x17d: {  	v4 =	vshll.u32 v4, $0x10;
	v7 =	vshll.u32 v5, $0x8;
	vm1 =	veq.s32 v5, $0x0  }
0x17e: {  	v5 =	vsel vm0, $0xFF0000, v0;
	v4 =	vadd.s32 v4, v7;
	vm0 =	veq.s32 v6, $0x0  }
0x17f: {  	v4 =	vadd.s32 v6, v4;
	v6 =	vsel vm1, $0xFF00, v1;
	v7 =	vsel vm0, $0xFF, v2  }
0x180: {  	v5 =	vadd.s32 v5, v4;
	v6 =	vadd.s32 v6, v4;
	v7 =	vadd.s32 v7, v4;
	[tilespmem:s11+$0xFFFFF810] =	vst v4  }
0x181: {  	[tilespmem:s11+$0x10] =	vst v6  }
0x182: {  	[tilespmem:s11+$0xFFFFFC10] =	vst v5  }
0x183: {  	[tilespmem:s11+$0x410] =	vst v7  }
0x184: {  	v4 =	vld [tilespmem:s6+$0x1020]  }
0x185: {  	v5 =	vld [tilespmem:s6+$0x10A0]  }
0x186: {  	v6 =	vld [tilespmem:s6+$0x1120];
	_ =	sdelay $0x2  }
0x187: {  	vm0 =	veq.s32 v4, $0x0  }
0x188: {  	v4 =	vshll.u32 v4, $0x10;
	v7 =	vshll.u32 v5, $0x8;
	vm1 =	veq.s32 v5, $0x0  }
0x189: {  	v5 =	vsel vm0, $0xFF0000, v0;
	v4 =	vadd.s32 v4, v7;
	vm0 =	veq.s32 v6, $0x0  }
0x18a: {  	v4 =	vadd.s32 v6, v4;
	v6 =	vsel vm1, $0xFF00, v1;
	v7 =	vsel vm0, $0xFF, v2  }
0x18b: {  	v5 =	vadd.s32 v5, v4;
	v6 =	vadd.s32 v6, v4;
	v7 =	vadd.s32 v7, v4;
	[tilespmem:s11+$0xFFFFF820] =	vst v4  }
0x18c: {  	[tilespmem:s11+$0x20] =	vst v6  }
0x18d: {  	[tilespmem:s11+$0xFFFFFC20] =	vst v5  }
0x18e: {  	[tilespmem:s11+$0x420] =	vst v7  }
0x18f: {  	v4 =	vld [tilespmem:s6+$0x1030]  }
0x190: {  	v5 =	vld [tilespmem:s6+$0x10B0]  }
0x191: {  	v6 =	vld [tilespmem:s6+$0x1130];
	_ =	sdelay $0x2  }
0x192: {  	vm0 =	veq.s32 v4, $0x0  }
0x193: {  	v4 =	vshll.u32 v4, $0x10;
	v7 =	vshll.u32 v5, $0x8;
	vm1 =	veq.s32 v5, $0x0  }
0x194: {  	v5 =	vsel vm0, $0xFF0000, v0;
	v4 =	vadd.s32 v4, v7;
	vm0 =	veq.s32 v6, $0x0  }
0x195: {  	v4 =	vadd.s32 v6, v4;
	v6 =	vsel vm1, $0xFF00, v1;
	v7 =	vsel vm0, $0xFF, v2  }
0x196: {  	v5 =	vadd.s32 v5, v4;
	v6 =	vadd.s32 v6, v4;
	v7 =	vadd.s32 v7, v4;
	[tilespmem:s11+$0xFFFFF830] =	vst v4  }
0x197: {  	[tilespmem:s11+$0x30] =	vst v6  }
0x198: {  	[tilespmem:s11+$0xFFFFFC30] =	vst v5  }
0x199: {  	[tilespmem:s11+$0x430] =	vst v7  }
0x19a: {  	v4 =	vld [tilespmem:s6+$0x1040]  }
0x19b: {  	v5 =	vld [tilespmem:s6+$0x10C0]  }
0x19c: {  	v6 =	vld [tilespmem:s6+$0x1140];
	_ =	sdelay $0x2  }
0x19d: {  	vm0 =	veq.s32 v4, $0x0  }
0x19e: {  	v4 =	vshll.u32 v4, $0x10;
	v7 =	vshll.u32 v5, $0x8;
	vm1 =	veq.s32 v5, $0x0  }
0x19f: {  	v5 =	vsel vm0, $0xFF0000, v0;
	v4 =	vadd.s32 v4, v7;
	vm0 =	veq.s32 v6, $0x0  }
0x1a0: {  	v4 =	vadd.s32 v6, v4;
	v6 =	vsel vm1, $0xFF00, v1;
	v7 =	vsel vm0, $0xFF, v2  }
0x1a1: {  	v5 =	vadd.s32 v5, v4;
	v6 =	vadd.s32 v6, v4;
	v7 =	vadd.s32 v7, v4;
	[tilespmem:s11+$0xFFFFF840] =	vst v4  }
0x1a2: {  	[tilespmem:s11+$0x40] =	vst v6  }
0x1a3: {  	[tilespmem:s11+$0xFFFFFC40] =	vst v5  }
0x1a4: {  	[tilespmem:s11+$0x440] =	vst v7  }
0x1a5: {  	v4 =	vld [tilespmem:s6+$0x1150]  }
0x1a6: {  	v5 =	vld [tilespmem:s6+$0x1050]  }
0x1a7: {  	v6 =	vld [tilespmem:s6+$0x10D0];
	_ =	sdelay $0x2  }
0x1a8: {  	vm0 =	veq.s32 v4, $0x0  }
0x1a9: {  	v7 =	vsel vm0, $0xFF, v2  }
0x1aa: {  	v8 =	vshll.u32 v5, $0x10;
	v9 =	vshll.u32 v6, $0x8;
	vm0 =	veq.s32 v6, $0x0  }
.Ltmp3:
0x1ab: {  	vm1 =	veq.s32 v5, $0x0;
	v6 =	vadd.s32 v8, v9;
	(pc) =	sbr.rel @p2 .LBB2_5-.Ltmp3, $4  }
0x1ac: {  	v5 =	vadd.s32 v4, v6;
	v4 =	vsel vm1, $0xFF0000, v0;
	v6 =	vsel vm0, $0xFF00, v1  }
0x1ad: {  	v4 =	vadd.s32 v4, v5;
	v6 =	vadd.s32 v6, v5;
	v7 =	vadd.s32 v7, v5;
	[tilespmem:s11+$0xFFFFF850] =	vst v5  }
0x1ae: {  	[tilespmem:s11+$0x450] =	vst v7  }
0x1af: {  	[tilespmem:s11+$0x50] =	vst v6  }
0x1b0: {  	[tilespmem:s5+$0xFFFFFC50] =	vst v4  }
0x1b1: {  	v4 =	vld [tilespmem:s6+$0x1060]  }
0x1b2: {  	v5 =	vld [tilespmem:s6+$0x10E0]  }
0x1b3: {  	v6 =	vld [tilespmem:s6+$0x1160];
	_ =	sdelay $0x3  }
0x1b4: {  	v7 =	vshll.u32 v4, $0x10;
	v8 =	vshll.u32 v5, $0x8  }
0x1b5: {  	vm0 =	veq.s32 v6, $0x0;
	v7 =	vadd.s32 v7, v8  }
0x1b6: {  	vm1 =	veq.s32 v5, $0x0;
	v5 =	vadd.s32 v6, v7;
	v6 =	vsel vm0, $0xFF, v2  }
0x1b7: {  	vm12 =	veq.s32 v4, $0x0;
	v4 =	vsel vm1, $0xFF00, v1;
	v6 =	vadd.s32 v6, v5;
	[tilespmem:s5+$0xFFFFF860] =	vst v5  }
0x1b8: {  	v7 =	vsel vm12, $0xFF0000, v0;
	v4 =	vadd.s32 v4, v5;
	[tilespmem:s5+$0x460] =	vst v6  }
0x1b9: {  	v5 =	vadd.s32 v7, v5;
	[tilespmem:s5+$0x60] =	vst v4  }
0x1ba: {  	[tilespmem:s5+$0xFFFFFC60] =	vst v5  }
0x1bb: {  	v4 =	vld [tilespmem:s6+$0x1070]  }
0x1bc: {  	v5 =	vld [tilespmem:s6+$0x10F0];
	_ =	sdelay $0x1  }
0x1bd: {  	v6 =	vld [tilespmem:s6+$0x1170];
	_ =	sdelay $0x2  }
0x1be: {  	v7 =	vshll.u32 v4, $0x10;
	v8 =	vshll.u32 v5, $0x8  }
0x1bf: {  	vm13 =	veq.s32 v4, $0x0;
	v4 =	vadd.s32 v7, v8  }
0x1c0: {  	vm14 =	veq.s32 v6, $0x0;
	v7 =	vsel vm13, $0xFF0000, v0;
	v4 =	vadd.s32 v6, v4  }
0x1c1: {  	vm15 =	veq.s32 v5, $0x0;
	v5 =	vsel vm14, $0xFF, v2;
	v6 =	vadd.s32 v7, v4;
	[tilespmem:s5+$0xFFFFF870] =	vst v4  }
0x1c2: {  	v7 =	vsel vm15, $0xFF00, v1;
	v5 =	vadd.s32 v5, v4;
	[tilespmem:s5+$0xFFFFFC70] =	vst v6  }
0x1c3: {  	v4 =	vadd.s32 v7, v4;
	[tilespmem:s5+$0x470] =	vst v5  }
0x1c4: {  	s10 =	simm.s32 $0x3000;
	s11 =	simm.s32 $0x5000;
	[tilespmem:s5+$0x70] =	vst v4  }
0x1c5: {  	[tilespmem:s11], [sflag:$0x4] =	stream.indirect.gather [hbm4b:s4+s14], $0x1, s10, s14, $0xb8;
	[tilespmem:$0x6480] =	vst v63  }
0x1c6: {  	s16 =	simm.s32 $0x3C00;
	s17 =	simm.s32 $0x5C00  }
0x1c7: {  	[tilespmem:s17], [sflag:$0x4] =	stream.indirect.gather [hbm4b:s4+s14], $0x1, s16, s14, $0xb8;
	[tilespmem:$0x6480] =	vst v63  }
0x1c8: {  	s10 =	simm.s32 $0x3080;
	s11 =	simm.s32 $0x5080  }
0x1c9: {  	[tilespmem:s11], [sflag:$0x4] =	stream.indirect.gather [hbm4b:s4+s14], $0x1, s10, s14, $0xb8;
	[tilespmem:$0x6480] =	vst v63  }
0x1ca: {  	s16 =	simm.s32 $0x3C80;
	s17 =	simm.s32 $0x5C80  }
0x1cb: {  	[tilespmem:s17], [sflag:$0x4] =	stream.indirect.gather [hbm4b:s4+s14], $0x1, s16, s14, $0xb8;
	[tilespmem:$0x6480] =	vst v63  }
0x1cc: {  	s10 =	simm.s32 $0x3100;
	s11 =	simm.s32 $0x5100  }
0x1cd: {  	[tilespmem:s11], [sflag:$0x4] =	stream.indirect.gather [hbm4b:s4+s14], $0x1, s10, s14, $0xb8;
	[tilespmem:$0x6480] =	vst v63  }
0x1ce: {  	s16 =	simm.s32 $0x3D00;
	s17 =	simm.s32 $0x5D00  }
0x1cf: {  	[tilespmem:s17], [sflag:$0x4] =	stream.indirect.gather [hbm4b:s4+s14], $0x1, s16, s14, $0xb8;
	[tilespmem:$0x6480] =	vst v63  }
0x1d0: {  	s10 =	simm.s32 $0x3180;
	s11 =	simm.s32 $0x5180  }
0x1d1: {  	[tilespmem:s11], [sflag:$0x4] =	stream.indirect.gather [hbm4b:s4+s14], $0x1, s10, s14, $0xb8;
	[tilespmem:$0x6480] =	vst v63  }
0x1d2: {  	s16 =	simm.s32 $0x3D80;
	s17 =	simm.s32 $0x5D80  }
0x1d3: {  	[tilespmem:s17], [sflag:$0x4] =	stream.indirect.gather [hbm4b:s4+s14], $0x1, s16, s14, $0xb8;
	[tilespmem:$0x6480] =	vst v63  }
0x1d4: {  	s10 =	simm.s32 $0x3200;
	s11 =	simm.s32 $0x5200  }
0x1d5: {  	[tilespmem:s11], [sflag:$0x4] =	stream.indirect.gather [hbm4b:s4+s14], $0x1, s10, s14, $0xb8;
	[tilespmem:$0x6480] =	vst v63  }
0x1d6: {  	s16 =	simm.s32 $0x3E00;
	s17 =	simm.s32 $0x5E00  }
0x1d7: {  	[tilespmem:s17], [sflag:$0x4] =	stream.indirect.gather [hbm4b:s4+s14], $0x1, s16, s14, $0xb8;
	[tilespmem:$0x6480] =	vst v63  }
0x1d8: {  	s10 =	simm.s32 $0x3280;
	s11 =	simm.s32 $0x5280  }
0x1d9: {  	[tilespmem:s11], [sflag:$0x4] =	stream.indirect.gather [hbm4b:s4+s14], $0x1, s10, s14, $0xb8;
	[tilespmem:$0x6480] =	vst v63  }
0x1da: {  	s16 =	simm.s32 $0x3E80;
	s17 =	simm.s32 $0x5E80  }
0x1db: {  	[tilespmem:s17], [sflag:$0x4] =	stream.indirect.gather [hbm4b:s4+s14], $0x1, s16, s14, $0xb8;
	[tilespmem:$0x6480] =	vst v63  }
0x1dc: {  	s10 =	simm.s32 $0x3300;
	s11 =	simm.s32 $0x5300  }
0x1dd: {  	[tilespmem:s11], [sflag:$0x4] =	stream.indirect.gather [hbm4b:s4+s14], $0x1, s10, s14, $0xb8;
	[tilespmem:$0x6480] =	vst v63  }
0x1de: {  	s16 =	simm.s32 $0x3F00;
	s17 =	simm.s32 $0x5F00  }
0x1df: {  	[tilespmem:s17], [sflag:$0x4] =	stream.indirect.gather [hbm4b:s4+s14], $0x1, s16, s14, $0xb8;
	[tilespmem:$0x6480] =	vst v63  }
0x1e0: {  	s10 =	simm.s32 $0x3380;
	s11 =	simm.s32 $0x5380  }
0x1e1: {  	[tilespmem:s11], [sflag:$0x4] =	stream.indirect.gather [hbm4b:s4+s14], $0x1, s10, s14, $0xb8;
	[tilespmem:$0x6480] =	vst v63  }
0x1e2: {  	s16 =	simm.s32 $0x3F80;
	s17 =	simm.s32 $0x5F80  }
0x1e3: {  	[tilespmem:s17], [sflag:$0x4] =	stream.indirect.gather [hbm4b:s4+s14], $0x1, s16, s14, $0xb8;
	[tilespmem:$0x6480] =	vst v63  }
0x1e4: {  	s10 =	simm.s32 $0x3400;
	s11 =	simm.s32 $0x5400  }
0x1e5: {  	[tilespmem:s11], [sflag:$0x4] =	stream.indirect.gather [hbm4b:s4+s14], $0x1, s10, s14, $0xb8;
	[tilespmem:$0x6480] =	vst v63  }
0x1e6: {  	s16 =	simm.s32 $0x3480;
	s17 =	simm.s32 $0x5480  }
0x1e7: {  	[tilespmem:s17], [sflag:$0x4] =	stream.indirect.gather [hbm4b:s4+s14], $0x1, s16, s14, $0xb8;
	[tilespmem:$0x6480] =	vst v63  }
0x1e8: {  	s10 =	simm.s32 $0x3500;
	s11 =	simm.s32 $0x5500  }
0x1e9: {  	[tilespmem:s11], [sflag:$0x4] =	stream.indirect.gather [hbm4b:s4+s14], $0x1, s10, s14, $0xb8;
	[tilespmem:$0x6480] =	vst v63  }
0x1ea: {  	s16 =	simm.s32 $0x3580;
	s17 =	simm.s32 $0x5580  }
0x1eb: {  	[tilespmem:s17], [sflag:$0x4] =	stream.indirect.gather [hbm4b:s4+s14], $0x1, s16, s14, $0xb8;
	[tilespmem:$0x6480] =	vst v63  }
0x1ec: {  	s10 =	simm.s32 $0x3600;
	s11 =	simm.s32 $0x5600  }
0x1ed: {  	[tilespmem:s11], [sflag:$0x4] =	stream.indirect.gather [hbm4b:s4+s14], $0x1, s10, s14, $0xb8;
	[tilespmem:$0x6480] =	vst v63  }
0x1ee: {  	s16 =	simm.s32 $0x3680;
	s17 =	simm.s32 $0x5680  }
0x1ef: {  	[tilespmem:s17], [sflag:$0x4] =	stream.indirect.gather [hbm4b:s4+s14], $0x1, s16, s14, $0xb8;
	[tilespmem:$0x6480] =	vst v63  }
0x1f0: {  	s10 =	simm.s32 $0x3700;
	s11 =	simm.s32 $0x5700  }
0x1f1: {  	[tilespmem:s11], [sflag:$0x4] =	stream.indirect.gather [hbm4b:s4+s14], $0x1, s10, s14, $0xb8;
	[tilespmem:$0x6480] =	vst v63  }
0x1f2: {  	s16 =	simm.s32 $0x3780;
	s17 =	simm.s32 $0x5780  }
0x1f3: {  	[tilespmem:s17], [sflag:$0x4] =	stream.indirect.gather [hbm4b:s4+s14], $0x1, s16, s14, $0xb8;
	[tilespmem:$0x6480] =	vst v63  }
0x1f4: {  	s10 =	simm.s32 $0x3800;
	s11 =	simm.s32 $0x5800  }
0x1f5: {  	[tilespmem:s11], [sflag:$0x4] =	stream.indirect.gather [hbm4b:s4+s14], $0x1, s10, s14, $0xb8;
	[tilespmem:$0x6480] =	vst v63  }
0x1f6: {  	s16 =	simm.s32 $0x3880;
	s17 =	simm.s32 $0x5880  }
0x1f7: {  	[tilespmem:s17], [sflag:$0x4] =	stream.indirect.gather [hbm4b:s4+s14], $0x1, s16, s14, $0xb8;
	[tilespmem:$0x6480] =	vst v63  }
0x1f8: {  	s10 =	simm.s32 $0x3900;
	s11 =	simm.s32 $0x5900  }
0x1f9: {  	[tilespmem:s11], [sflag:$0x4] =	stream.indirect.gather [hbm4b:s4+s14], $0x1, s10, s14, $0xb8;
	[tilespmem:$0x6480] =	vst v63  }
0x1fa: {  	s16 =	simm.s32 $0x3980;
	s17 =	simm.s32 $0x5980  }
0x1fb: {  	[tilespmem:s17], [sflag:$0x4] =	stream.indirect.gather [hbm4b:s4+s14], $0x1, s16, s14, $0xb8;
	[tilespmem:$0x6480] =	vst v63  }
0x1fc: {  	s10 =	simm.s32 $0x3A00;
	s11 =	simm.s32 $0x5A00  }
0x1fd: {  	[tilespmem:s11], [sflag:$0x4] =	stream.indirect.gather [hbm4b:s4+s14], $0x1, s10, s14, $0xb8;
	[tilespmem:$0x6480] =	vst v63  }
0x1fe: {  	s5 =	sshll.u32 s9, $0x1;
	s16 =	simm.s32 $0x3A80;
	s17 =	simm.s32 $0x5A80  }
0x1ff: {  	[tilespmem:s17], [sflag:$0x4] =	stream.indirect.gather [hbm4b:s4+s14], $0x1, s16, s14, $0xb8;
	[tilespmem:$0x6480] =	vst v63  }
0x200: {  	s6 =	simm.s32 $0x3B00;
	s10 =	simm.s32 $0x5B00;
	s17 =	sadd.s32 s5, s7  }
0x201: {  	[tilespmem:s10], [sflag:$0x4] =	stream.indirect.gather [hbm4b:s4+s14], $0x1, s6, s14, $0xb8;
	[tilespmem:$0x6480] =	vst v63  }
0x202: {  	s6 =	sshll.u32 s17, $0x9  }
0x203: {  	s11 =	simm.s32 $0x3B80;
	s16 =	simm.s32 $0x5B80;
	s6 =	sand.u32 $0x1FFFFE00, s6  }
0x204: {  	[tilespmem:s16], [sflag:$0x4] =	stream.indirect.gather [hbm4b:s4+s14], $0x1, s11, s14, $0xb8;
	[tilespmem:$0x6480] =	vst v63  }
0x205: {  	s6 =	sadd.s32 s2, s6  }
0x206: {  	[tilespmem:s3], [sflag:$0x1] =	stream.linear.gather [hbm4b:s6+s3], $0x1000, $0x38;
	[tilespmem:$0x6480] =	vst v63  }
0x207: {  	_ =	swait.ge [sflag:s1], $0x80  }
0x208: {  	[sflag:s1] =	ssyncset.done $0x0  }
0x209: {  	[sflag:s1] =	ssyncadd.s32 $0xFFFFFF80  }
0x20a: {  	_ =	swait.ge [sflag:s1], $0x80  }
0x20b: {  	[sflag:s1] =	ssyncset.done $0x0  }
0x20c: {  	[sflag:s1] =	ssyncadd.s32 $0xFFFFFF80  }
0x20d: {  	_ =	swait.ge [sflag:s1], $0x80  }
0x20e: {  	[sflag:s1] =	ssyncset.done $0x0  }
0x20f: {  	[sflag:s1] =	ssyncadd.s32 $0xFFFFFF80  }
0x210: {  	_ =	swait.ge [sflag:s1], $0x80  }
0x211: {  	[sflag:s1] =	ssyncset.done $0x0  }
0x212: {  	[sflag:s1] =	ssyncadd.s32 $0xFFFFFF80  }
0x213: {  	_ =	swait.ge [sflag:s1], $0x80  }
0x214: {  	[sflag:s1] =	ssyncset.done $0x0  }
0x215: {  	[sflag:s1] =	ssyncadd.s32 $0xFFFFFF80  }
0x216: {  	_ =	swait.ge [sflag:s1], $0x80  }
0x217: {  	[sflag:s1] =	ssyncset.done $0x0  }
0x218: {  	[sflag:s1] =	ssyncadd.s32 $0xFFFFFF80  }
0x219: {  	_ =	swait.ge [sflag:s1], $0x80  }
0x21a: {  	[sflag:s1] =	ssyncset.done $0x0  }
0x21b: {  	[sflag:s1] =	ssyncadd.s32 $0xFFFFFF80  }
0x21c: {  	_ =	swait.ge [sflag:s1], $0x80  }
0x21d: {  	[sflag:s1] =	ssyncset.done $0x0  }
0x21e: {  	[sflag:s1] =	ssyncadd.s32 $0xFFFFFF80  }
0x21f: {  	_ =	swait.ge [sflag:s1], $0x80  }
0x220: {  	[sflag:s1] =	ssyncset.done $0x0  }
0x221: {  	[sflag:s1] =	ssyncadd.s32 $0xFFFFFF80  }
0x222: {  	_ =	swait.ge [sflag:s1], $0x80  }
0x223: {  	[sflag:s1] =	ssyncset.done $0x0  }
0x224: {  	[sflag:s1] =	ssyncadd.s32 $0xFFFFFF80  }
0x225: {  	_ =	swait.ge [sflag:s1], $0x80  }
0x226: {  	[sflag:s1] =	ssyncset.done $0x0  }
0x227: {  	[sflag:s1] =	ssyncadd.s32 $0xFFFFFF80  }
0x228: {  	_ =	swait.ge [sflag:s1], $0x80  }
0x229: {  	[sflag:s1] =	ssyncset.done $0x0  }
0x22a: {  	[sflag:s1] =	ssyncadd.s32 $0xFFFFFF80  }
0x22b: {  	_ =	swait.ge [sflag:s1], $0x80  }
0x22c: {  	[sflag:s1] =	ssyncset.done $0x0  }
0x22d: {  	[sflag:s1] =	ssyncadd.s32 $0xFFFFFF80  }
0x22e: {  	_ =	swait.ge [sflag:s1], $0x80  }
0x22f: {  	[sflag:s1] =	ssyncset.done $0x0  }
0x230: {  	[sflag:s1] =	ssyncadd.s32 $0xFFFFFF80  }
0x231: {  	_ =	swait.ge [sflag:s1], $0x80  }
0x232: {  	[sflag:s1] =	ssyncset.done $0x0  }
0x233: {  	[sflag:s1] =	ssyncadd.s32 $0xFFFFFF80  }
0x234: {  	_ =	swait.ge [sflag:s1], $0x80  }
0x235: {  	[sflag:s1] =	ssyncset.done $0x0  }
0x236: {  	[sflag:s1] =	ssyncadd.s32 $0xFFFFFF80  }
0x237: {  	_ =	swait.ge [sflag:s1], $0x80  }
0x238: {  	[sflag:s1] =	ssyncset.done $0x0  }
0x239: {  	[sflag:s1] =	ssyncadd.s32 $0xFFFFFF80  }
0x23a: {  	_ =	swait.ge [sflag:s1], $0x80  }
0x23b: {  	[sflag:s1] =	ssyncset.done $0x0  }
0x23c: {  	[sflag:s1] =	ssyncadd.s32 $0xFFFFFF80  }
0x23d: {  	_ =	swait.ge [sflag:s1], $0x80  }
0x23e: {  	[sflag:s1] =	ssyncset.done $0x0  }
0x23f: {  	[sflag:s1] =	ssyncadd.s32 $0xFFFFFF80  }
0x240: {  	_ =	swait.ge [sflag:s1], $0x80  }
0x241: {  	[sflag:s1] =	ssyncset.done $0x0  }
0x242: {  	[sflag:s1] =	ssyncadd.s32 $0xFFFFFF80  }
0x243: {  	_ =	swait.ge [sflag:s1], $0x80  }
0x244: {  	[sflag:s1] =	ssyncset.done $0x0  }
0x245: {  	[sflag:s1] =	ssyncadd.s32 $0xFFFFFF80  }
0x246: {  	_ =	swait.ge [sflag:s1], $0x80  }
0x247: {  	[sflag:s1] =	ssyncset.done $0x0  }
0x248: {  	[sflag:s1] =	ssyncadd.s32 $0xFFFFFF80  }
0x249: {  	_ =	swait.ge [sflag:s1], $0x80  }
0x24a: {  	[sflag:s1] =	ssyncset.done $0x0  }
0x24b: {  	[sflag:s1] =	ssyncadd.s32 $0xFFFFFF80  }
0x24c: {  	_ =	swait.ge [sflag:s1], $0x80  }
0x24d: {  	[sflag:s1] =	ssyncset.done $0x0  }
0x24e: {  	[sflag:s1] =	ssyncadd.s32 $0xFFFFFF80  }
0x24f: {  	_ =	swait.ge [sflag:s1], $0x80  }
0x250: {  	[sflag:s1] =	ssyncset.done $0x0  }
0x251: {  	[sflag:s1] =	ssyncadd.s32 $0xFFFFFF80  }
0x252: {  	_ =	swait.ge [sflag:s1], $0x80  }
0x253: {  	[sflag:s1] =	ssyncset.done $0x0  }
0x254: {  	[sflag:s1] =	ssyncadd.s32 $0xFFFFFF80  }
0x255: {  	_ =	swait.ge [sflag:s1], $0x80  }
0x256: {  	[sflag:s1] =	ssyncset.done $0x0  }
0x257: {  	[sflag:s1] =	ssyncadd.s32 $0xFFFFFF80  }
0x258: {  	_ =	swait.ge [sflag:s1], $0x80  }
0x259: {  	[sflag:s1] =	ssyncset.done $0x0  }
0x25a: {  	[sflag:s1] =	ssyncadd.s32 $0xFFFFFF80  }
0x25b: {  	_ =	swait.ge [sflag:s1], $0x80  }
0x25c: {  	[sflag:s1] =	ssyncset.done $0x0  }
0x25d: {  	[sflag:s1] =	ssyncadd.s32 $0xFFFFFF80  }
0x25e: {  	_ =	swait.ge [sflag:s1], $0x80  }
0x25f: {  	[sflag:s1] =	ssyncset.done $0x0  }
0x260: {  	[sflag:s1] =	ssyncadd.s32 $0xFFFFFF80  }
0x261: {  	_ =	swait.ge [sflag:s1], $0x80  }
0x262: {  	[sflag:s1] =	ssyncset.done $0x0  }
0x263: {  	[sflag:s1] =	ssyncadd.s32 $0xFFFFFF80  }
0x264: {  	_ =	swait.ge [sflag:s1], $0x80  }
0x265: {  	[sflag:s1] =	ssyncset.done $0x0  }
0x266: {  	s6 =	simm.s32 $0xFFFFFC00;
	[sflag:s1] =	ssyncadd.s32 $0xFFFFFF80  }
0x267: {  	v4 =	vld [tilespmem:s6+$0x5070]  }
0x268: {  	v5 =	vld [tilespmem:s6+$0x5060]  }
0x269: {  	v7 =	vld [tilespmem:s6+$0x4470]  }
0x26a: {  	v6 =	vld [tilespmem:s6+$0x4870]  }
0x26b: {  	v8 =	vld [tilespmem:s6+$0x4C70]  }
0x26c: {  	v9 =	vld [tilespmem:s6+$0x5050]  }
0x26d: {  	v14 =	vld [tilespmem:s6+$0x4460]  }
0x26e: {  	v30 =	vld [tilespmem:s6+$0x4860]  }
0x26f: {  	v16 =	vld [tilespmem:s6+$0x4C60]  }
0x270: {  	v12 =	vld [tilespmem:s6+$0x5040]  }
0x271: {  	v17 =	vld [tilespmem:s6+$0x4450]  }
0x272: {  	v19 =	vld [tilespmem:s6+$0x4850]  }
0x273: {  	v21 =	vld [tilespmem:s6+$0x4C50]  }
0x274: {  	v15 =	vld [tilespmem:s6+$0x5030]  }
0x275: {  	v11 =	vld [tilespmem:s6+$0x4440]  }
0x276: {  	v18 =	vld [tilespmem:s6+$0x4840]  }
0x277: {  	v13 =	vld [tilespmem:s6+$0x4C40]  }
0x278: {  	v24 =	vld [tilespmem:s6+$0x5020]  }
0x279: {  	v10 =	vld [tilespmem:s6+$0x4430]  }
0x27a: {  	v20 =	vld [tilespmem:s6+$0x4830]  }
0x27b: {  	v26 =	vld [tilespmem:s6+$0x5010]  }
0x27c: {  	v22 =	vld [tilespmem:s6+$0x4420]  }
0x27d: {  	v23 =	vld [tilespmem:s6+$0x4820]  }
0x27e: {  	v27 =	vld [tilespmem:s6+$0x5000]  }
0x27f: {  	v25 =	vld [tilespmem:s6+$0x4410];
	v5 =	vsub.f32 v14, v5;
	v4 =	vsub.f32 v7, v4  }
0x280: {  	v28 =	vld [tilespmem:s6+$0x4400];
	v6 =	vsub.f32 v7, v6;
	v7 =	vsub.f32 v7, v8  }
0x281: {  	s10 =	simm.s32 $0xFFFFF200;
	v29 =	vld [tilespmem:s6+$0x4800];
	v8 =	vsub.f32 v17, v9;
	v9 =	vsub.f32 v14, v30  }
.LBB2_7:
0x282: {  	p2 =	sne.s32 s10, $0xFFFFFE00;
	v30 =	vld [tilespmem:s6+$0x4C00];
	v31 =	vsub.f32 v11, v12;
	v32 =	vsub.f32 v14, v16  }
0x283: {  	v33 =	vsub.f32 v17, v19;
	v21 =	vsub.f32 v17, v21;
	v12 =	vld [tilespmem:s6+$0x4810]  }
0x284: {  	v15 =	vsub.f32 v10, v15;
	v17 =	vsub.f32 v11, v18;
	v14 =	vld [tilespmem:s6+$0x4C10]  }
0x285: {  	s11 =	sshra.s32 s10, $0x2;
	v18 =	vsub.f32 v22, v24;
	v11 =	vsub.f32 v11, v13;
	v16 =	vld [tilespmem:s6+$0x4C20]  }
0x286: {  	v19 =	vsub.f32 v10, v20;
	v13 =	vsub.f32 v25, v26;
	v34 =	vld [tilespmem:s11+$0x5070]  }
0x287: {  	v20 =	vsub.f32 v28, v29;
	v24 =	vsub.f32 v28, v30;
	v26 =	vld [tilespmem:s6+$0x4C30];
	s6 =	smov.u32 s11  }
0x288: {  	v27 =	vsub.f32 v28, v27;
	v29 =	vld [tilespmem:s6+$0x5060];
	v12 =	vsub.f32 v25, v12  }
0x289: {  	v20 =	vmul.f32 v20, v20;
	v30 =	vld [tilespmem:s6+$0x4470];
	v24 =	vmul.f32 v24, v24;
	v14 =	vsub.f32 v25, v14  }
0x28a: {  	v23 =	vsub.f32 v22, v23;
	v25 =	vmul.f32 v27, v27;
	v35 =	vld [tilespmem:s6+$0x4870];
	v16 =	vsub.f32 v22, v16  }
0x28b: {  	v12 =	vmul.f32 v12, v12;
	v36 =	vld [tilespmem:s6+$0x4C70];
	v20 =	vadd.f32 v24, v20;
	v22 =	vmul.f32 v14, v14  }
0x28c: {  	v23 =	vmul.f32 v23, v23;
	v37 =	vld [tilespmem:s6+$0x5050];
	v16 =	vmul.f32 v16, v16;
	v10 =	vsub.f32 v10, v26  }
0x28d: {  	v13 =	vmul.f32 v13, v13;
	v14 =	vld [tilespmem:s6+$0x4460];
	v20 =	vadd.f32 v20, v25;
	v12 =	vadd.f32 v22, v12  }
0x28e: {  	v19 =	vmul.f32 v19, v19;
	v38 =	vld [tilespmem:s6+$0x4860];
	v22 =	vadd.f32 v16, v23;
	v10 =	vmul.f32 v10, v10  }
0x28f: {  	v18 =	vmul.f32 v18, v18;
	v16 =	vld [tilespmem:s6+$0x4C60];
	v3 =	vadd.f32 v20, v3;
	v13 =	vadd.f32 v12, v13  }
0x290: {  	v11 =	vmul.f32 v11, v11;
	v20 =	vmul.f32 v17, v17;
	v12 =	vld [tilespmem:s6+$0x5040];
	v10 =	vadd.f32 v10, v19  }
0x291: {  	v15 =	vmul.f32 v15, v15;
	v17 =	vld [tilespmem:s6+$0x4450];
	v3 =	vadd.f32 v13, v3;
	v13 =	vadd.f32 v22, v18  }
0x292: {  	v18 =	vadd.f32 v11, v20;
	v11 =	vmul.f32 v33, v33;
	v20 =	vmul.f32 v21, v21;
	v19 =	vld [tilespmem:s6+$0x4850]  }
0x293: {  	v10 =	vadd.f32 v10, v15;
	v21 =	vld [tilespmem:s6+$0x4C50];
	v3 =	vadd.f32 v13, v3;
	v13 =	vmul.f32 v31, v31  }
0x294: {  	v9 =	vmul.f32 v9, v9;
	v22 =	vmul.f32 v32, v32;
	v20 =	vadd.f32 v20, v11;
	v15 =	vld [tilespmem:s6+$0x5030]  }
0x295: {  	v8 =	vmul.f32 v8, v8;
	v11 =	vld [tilespmem:s6+$0x4440];
	v3 =	vadd.f32 v10, v3;
	v10 =	vadd.f32 v18, v13  }
0x296: {  	v6 =	vmul.f32 v6, v6;
	v7 =	vmul.f32 v7, v7;
	v9 =	vadd.f32 v22, v9;
	v18 =	vld [tilespmem:s6+$0x4840]  }
0x297: {  	v5 =	vmul.f32 v5, v5;
	v8 =	vadd.f32 v20, v8;
	v13 =	vld [tilespmem:s6+$0x4C40];
	v3 =	vadd.f32 v10, v3  }
0x298: {  	v6 =	vadd.f32 v7, v6;
	v24 =	vld [tilespmem:s6+$0x5020]  }
0x299: {  	v4 =	vmul.f32 v4, v4;
	v5 =	vadd.f32 v9, v5;
	v10 =	vld [tilespmem:s6+$0x4430];
	v3 =	vadd.f32 v8, v3  }
0x29a: {  	v20 =	vld [tilespmem:s6+$0x4830]  }
0x29b: {  	v4 =	vadd.f32 v6, v4;
	v26 =	vld [tilespmem:s6+$0x5010];
	v3 =	vadd.f32 v5, v3  }
0x29c: {  	v22 =	vld [tilespmem:s6+$0x4420]  }
.Ltmp4:
0x29d: {  	v23 =	vld [tilespmem:s6+$0x4820];
	v3 =	vadd.f32 v4, v3;
	(pc) =	sbr.rel @p2 .LBB2_7-.Ltmp4, $4  }
0x29e: {  	v27 =	vld [tilespmem:s6+$0x5000]  }
0x29f: {  	v5 =	vsub.f32 v14, v29;
	v4 =	vsub.f32 v30, v34;
	v25 =	vld [tilespmem:s6+$0x4410]  }
0x2a0: {  	v6 =	vsub.f32 v30, v35;
	v7 =	vsub.f32 v30, v36;
	v28 =	vld [tilespmem:s6+$0x4400]  }
0x2a1: {  	s10 =	sadd.s32 $0x200, s10;
	v9 =	vsub.f32 v14, v38;
	v8 =	vsub.f32 v17, v37;
	v29 =	vld [tilespmem:s6+$0x4800]  }
0x2a2: {  	v30 =	vld [tilespmem:s6+$0x4C00]  }
0x2a3: {  	v31 =	vld [tilespmem:s6+$0x4810]  }
0x2a4: {  	v32 =	vld [tilespmem:s6+$0x4C10]  }
0x2a5: {  	v33 =	vld [tilespmem:s6+$0x4C20]  }
0x2a6: {  	v34 =	vld [tilespmem:s6+$0x4C30];
	_ =	swait.ge [sflag:s13], $0x1000  }
0x2a7: {  	[sflag:s13] =	ssyncset.done $0x0  }
0x2a8: {  	s10 =	simm.s32 $0x0;
	[sflag:s13] =	ssyncadd.s32 $0xFFFFF000  }
0x2a9: {  	v35 =	vld [tilespmem:s10+$0x0]  }
0x2aa: {  	v36 =	vld [tilespmem:s10+$0x80]  }
0x2ab: {  	v37 =	vld [tilespmem:s10+$0x100];
	_ =	sdelay $0x3  }
0x2ac: {  	v38 =	vshll.u32 v35, $0x10;
	v39 =	vshll.u32 v36, $0x8  }
0x2ad: {  	vm0 =	veq.s32 v37, $0x0;
	v38 =	vadd.s32 v38, v39  }
0x2ae: {  	s6 =	simm.s32 $0x2800;
	vm1 =	veq.s32 v36, $0x0;
	v60 =	vsel vm0, $0xFF, v2;
	v59 =	vadd.s32 v37, v38  }
0x2af: {  	vm12 =	veq.s32 v35, $0x0;
	v61 =	vsel vm1, $0xFF00, v1;
	v37 =	vadd.s32 v60, v59;
	[tilespmem:s6+$0xFFFFF800] =	vst v59  }
0x2b0: {  	v62 =	vsel vm12, $0xFF0000, v0;
	v35 =	vadd.s32 v61, v59;
	[tilespmem:s6+$0x400] =	vst v37  }
0x2b1: {  	v36 =	vadd.s32 v62, v59;
	[tilespmem:s6+$0x0] =	vst v35  }
0x2b2: {  	[tilespmem:s6+$0xFFFFFC00] =	vst v36  }
0x2b3: {  	v35 =	vld [tilespmem:s10+$0x10]  }
0x2b4: {  	v36 =	vld [tilespmem:s10+$0x90];
	_ =	sdelay $0x1  }
0x2b5: {  	v37 =	vld [tilespmem:s10+$0x110];
	_ =	sdelay $0x2  }
0x2b6: {  	v63 =	vshll.u32 v35, $0x10;
	v42 =	vshll.u32 v36, $0x8  }
0x2b7: {  	vm13 =	veq.s32 v36, $0x0;
	v43 =	vadd.s32 v63, v42  }
0x2b8: {  	vm14 =	veq.s32 v35, $0x0;
	v45 =	vsel vm13, $0xFF00, v1;
	v44 =	vadd.s32 v37, v43  }
0x2b9: {  	vm15 =	veq.s32 v37, $0x0;
	v46 =	vsel vm14, $0xFF0000, v0;
	v36 =	vadd.s32 v45, v44;
	[tilespmem:s6+$0xFFFFF810] =	vst v44  }
0x2ba: {  	v37 =	vsel vm15, $0xFF, v2;
	v38 =	vadd.s32 v46, v44;
	[tilespmem:s6+$0x10] =	vst v36  }
0x2bb: {  	v35 =	vadd.s32 v37, v44;
	[tilespmem:s6+$0xFFFFFC10] =	vst v38  }
0x2bc: {  	[tilespmem:s6+$0x410] =	vst v35  }
0x2bd: {  	v35 =	vld [tilespmem:s10+$0x20]  }
0x2be: {  	v36 =	vld [tilespmem:s10+$0xA0];
	_ =	sdelay $0x1  }
0x2bf: {  	v47 =	vld [tilespmem:s10+$0x120];
	_ =	sdelay $0x2  }
0x2c0: {  	v48 =	vshll.u32 v35, $0x10;
	v49 =	vshll.u32 v36, $0x8  }
0x2c1: {  	vm4 =	veq.s32 v36, $0x0;
	v38 =	vadd.s32 v48, v49  }
0x2c2: {  	vm5 =	veq.s32 v35, $0x0;
	v51 =	vsel vm4, $0xFF00, v1;
	v50 =	vadd.s32 v47, v38  }
0x2c3: {  	vm6 =	veq.s32 v47, $0x0;
	v53 =	vsel vm5, $0xFF0000, v0;
	v52 =	vadd.s32 v51, v50;
	[tilespmem:s6+$0xFFFFF820] =	vst v50  }
0x2c4: {  	v37 =	vsel vm6, $0xFF, v2;
	v35 =	vadd.s32 v53, v50;
	[tilespmem:s6+$0x20] =	vst v52  }
0x2c5: {  	v36 =	vadd.s32 v37, v50;
	[tilespmem:s6+$0xFFFFFC20] =	vst v35  }
0x2c6: {  	v14 =	vsub.f32 v14, v16;
	v54 =	vsub.f32 v17, v19;
	[tilespmem:s6+$0x420] =	vst v36  }
0x2c7: {  	v17 =	vsub.f32 v17, v21;
	v24 =	vsub.f32 v22, v24;
	v55 =	vld [tilespmem:s10+$0x30]  }
0x2c8: {  	v23 =	vsub.f32 v22, v23;
	v12 =	vsub.f32 v11, v12;
	v58 =	vld [tilespmem:s10+$0xB0]  }
0x2c9: {  	v56 =	vsub.f32 v28, v29;
	v57 =	vsub.f32 v28, v30  }
0x2ca: {  	v15 =	vsub.f32 v10, v15;
	v18 =	vsub.f32 v11, v18;
	v61 =	vld [tilespmem:s10+$0x130]  }
0x2cb: {  	v20 =	vsub.f32 v10, v20;
	v21 =	vmul.f32 v56, v56;
	v29 =	vmul.f32 v57, v57  }
0x2cc: {  	v23 =	vmul.f32 v23, v23;
	v18 =	vmul.f32 v18, v18;
	v27 =	vsub.f32 v28, v27  }
0x2cd: {  	v21 =	vadd.f32 v29, v21;
	v63 =	vshll.u32 v55, $0x10;
	v36 =	vshll.u32 v58, $0x8  }
0x2ce: {  	v59 =	vsub.f32 v25, v31;
	vm7 =	veq.s32 v58, $0x0;
	v29 =	vadd.s32 v63, v36  }
0x2cf: {  	vm9 =	veq.s32 v61, $0x0;
	v38 =	vsel vm7, $0xFF00, v1;
	v37 =	vadd.s32 v61, v29  }
0x2d0: {  	vm8 =	veq.s32 v55, $0x0;
	v40 =	vsel vm9, $0xFF, v2;
	v29 =	vadd.s32 v38, v37;
	[tilespmem:s6+$0xFFFFF830] =	vst v37  }
0x2d1: {  	v60 =	vsub.f32 v25, v32;
	v39 =	vsel vm8, $0xFF0000, v0;
	v19 =	vadd.s32 v40, v37;
	[tilespmem:s6+$0x30] =	vst v29  }
0x2d2: {  	v15 =	vmul.f32 v15, v15;
	v27 =	vmul.f32 v27, v27;
	v29 =	vadd.s32 v39, v37;
	[tilespmem:s6+$0x430] =	vst v19  }
0x2d3: {  	v26 =	vsub.f32 v25, v26;
	v28 =	vmul.f32 v59, v59;
	v25 =	vmul.f32 v60, v60;
	[tilespmem:s6+$0xFFFFFC30] =	vst v29  }
0x2d4: {  	v16 =	vmul.f32 v54, v54;
	v62 =	vsub.f32 v22, v33;
	v42 =	vadd.f32 v21, v27;
	v45 =	vld [tilespmem:s10+$0x40]  }
0x2d5: {  	v43 =	vadd.f32 v25, v28;
	v44 =	vmul.f32 v26, v26;
	v46 =	vsub.f32 v11, v13;
	v48 =	vld [tilespmem:s10+$0xC0]  }
0x2d6: {  	v17 =	vmul.f32 v17, v17;
	v41 =	vsub.f32 v10, v34;
	v22 =	vmul.f32 v62, v62  }
0x2d7: {  	v3 =	vadd.f32 v42, v3;
	v11 =	vmul.f32 v46, v46;
	v49 =	vadd.f32 v43, v44;
	v51 =	vld [tilespmem:s10+$0x140]  }
0x2d8: {  	v10 =	vmul.f32 v41, v41;
	v22 =	vadd.f32 v22, v23;
	v47 =	vmul.f32 v20, v20  }
0x2d9: {  	v11 =	vadd.f32 v11, v18;
	v50 =	vmul.f32 v24, v24;
	v3 =	vadd.f32 v49, v3  }
0x2da: {  	v10 =	vadd.f32 v10, v47;
	v53 =	vshll.u32 v45, $0x10;
	v54 =	vshll.u32 v48, $0x8  }
0x2db: {  	v52 =	vadd.f32 v22, v50;
	vm10 =	veq.s32 v48, $0x0;
	v18 =	vadd.s32 v53, v54  }
0x2dc: {  	vm11 =	veq.s32 v45, $0x0;
	v55 =	vsel vm10, $0xFF00, v1;
	v18 =	vadd.s32 v51, v18  }
0x2dd: {  	vm12 =	veq.s32 v51, $0x0;
	v56 =	vsel vm11, $0xFF0000, v0;
	v19 =	vadd.s32 v55, v18;
	[tilespmem:s6+$0xFFFFF840] =	vst v18  }
0x2de: {  	v12 =	vmul.f32 v12, v12;
	v57 =	vsel vm12, $0xFF, v2;
	v20 =	vadd.s32 v56, v18;
	[tilespmem:s6+$0x40] =	vst v19  }
0x2df: {  	v10 =	vadd.f32 v10, v15;
	v3 =	vadd.f32 v52, v3;
	v13 =	vadd.s32 v57, v18;
	[tilespmem:s6+$0xFFFFFC40] =	vst v20  }
0x2e0: {  	v9 =	vmul.f32 v9, v9;
	v14 =	vmul.f32 v14, v14;
	v59 =	vadd.f32 v11, v12;
	[tilespmem:s6+$0x440] =	vst v13  }
0x2e1: {  	v8 =	vmul.f32 v8, v8;
	v3 =	vadd.f32 v10, v3;
	v58 =	vadd.f32 v17, v16;
	v60 =	vld [tilespmem:s10+$0x50]  }
0x2e2: {  	v9 =	vadd.f32 v14, v9;
	v61 =	vld [tilespmem:s10+$0xD0]  }
0x2e3: {  	v5 =	vmul.f32 v5, v5;
	v3 =	vadd.f32 v59, v3;
	v8 =	vadd.f32 v58, v8;
	v62 =	vld [tilespmem:s10+$0x150]  }
0x2e4: {  	v6 =	vmul.f32 v6, v6;
	v7 =	vmul.f32 v7, v7  }
0x2e5: {  	v5 =	vadd.f32 v9, v5;
	v3 =	vadd.f32 v8, v3  }
0x2e6: {  	v4 =	vmul.f32 v4, v4;
	v6 =	vadd.f32 v7, v6  }
0x2e7: {  	v3 =	vadd.f32 v5, v3;
	v5 =	vshll.u32 v60, $0x10;
	v7 =	vshll.u32 v61, $0x8  }
0x2e8: {  	v4 =	vadd.f32 v6, v4;
	vm13 =	veq.s32 v62, $0x0;
	v5 =	vadd.s32 v5, v7  }
0x2e9: {  	vm14 =	veq.s32 v61, $0x0;
	v6 =	vsel vm13, $0xFF, v2;
	v5 =	vadd.s32 v62, v5  }
0x2ea: {  	vm15 =	veq.s32 v60, $0x0;
	v7 =	vsel vm14, $0xFF00, v1;
	v6 =	vadd.s32 v6, v5;
	[tilespmem:s6+$0xFFFFF850] =	vst v5  }
0x2eb: {  	v63 =	vsel vm15, $0xFF0000, v0;
	v7 =	vadd.s32 v7, v5;
	[tilespmem:s6+$0x450] =	vst v6  }
0x2ec: {  	s11 =	simm.s32 $0x800;
	s16 =	simm.s32 $0x2800;
	v3 =	vadd.f32 v4, v3;
	v4 =	vadd.s32 v63, v5;
	[tilespmem:s6+$0x50] =	vst v7  }
.LBB2_9:
0x2ed: {  	p2 =	sne.s32 s11, $0x3800  }
0x2ee: {  	[tilespmem:s6+$0xFFFFFC50] =	vst v4;
	s16 =	sadd.s32 $0x80, s16;
	s17 =	smov.u32 s11;
	s11 =	sadd.s32 $0x800, s11  }
0x2ef: {  	v4 =	vld [tilespmem:s10+$0x60]  }
0x2f0: {  	v5 =	vld [tilespmem:s10+$0xE0]  }
0x2f1: {  	v6 =	vld [tilespmem:s10+$0x160];
	_ =	sdelay $0x2  }
0x2f2: {  	vm0 =	veq.s32 v4, $0x0  }
0x2f3: {  	v4 =	vshll.u32 v4, $0x10;
	v7 =	vshll.u32 v5, $0x8;
	vm1 =	veq.s32 v5, $0x0  }
0x2f4: {  	v5 =	vsel vm0, $0xFF0000, v0;
	v4 =	vadd.s32 v4, v7;
	vm0 =	veq.s32 v6, $0x0  }
0x2f5: {  	v4 =	vadd.s32 v6, v4;
	v6 =	vsel vm1, $0xFF00, v1;
	v7 =	vsel vm0, $0xFF, v2  }
0x2f6: {  	v5 =	vadd.s32 v5, v4;
	v6 =	vadd.s32 v6, v4;
	v7 =	vadd.s32 v7, v4;
	[tilespmem:s6+$0xFFFFF860] =	vst v4  }
0x2f7: {  	[tilespmem:s6+$0x460] =	vst v7  }
0x2f8: {  	[tilespmem:s6+$0x60] =	vst v6  }
0x2f9: {  	[tilespmem:s6+$0xFFFFFC60] =	vst v5  }
0x2fa: {  	v4 =	vld [tilespmem:s10+$0x70]  }
0x2fb: {  	v5 =	vld [tilespmem:s10+$0xF0]  }
0x2fc: {  	v6 =	vld [tilespmem:s10+$0x170];
	_ =	sdelay $0x2  }
0x2fd: {  	vm0 =	veq.s32 v4, $0x0  }
0x2fe: {  	v4 =	vshll.u32 v4, $0x10;
	v7 =	vshll.u32 v5, $0x8;
	v8 =	vsel vm0, $0xFF0000, v0  }
0x2ff: {  	vm0 =	veq.s32 v5, $0x0;
	v4 =	vadd.s32 v4, v7;
	vm1 =	veq.s32 v6, $0x0  }
0x300: {  	v5 =	vsel vm0, $0xFF00, v1;
	v4 =	vadd.s32 v6, v4;
	v6 =	vsel vm1, $0xFF, v2  }
0x301: {  	v7 =	vadd.s32 v8, v4;
	v5 =	vadd.s32 v5, v4;
	v6 =	vadd.s32 v6, v4;
	[tilespmem:s6+$0xFFFFF870] =	vst v4  }
0x302: {  	[tilespmem:s6+$0xFFFFFC70] =	vst v7  }
0x303: {  	s10 =	sshra.s32 s17, $0x2;
	[tilespmem:s6+$0x470] =	vst v6  }
0x304: {  	[tilespmem:s6+$0x70] =	vst v5;
	s6 =	smov.u32 s16  }
0x305: {  	v4 =	vld [tilespmem:s10+$0x0]  }
0x306: {  	v5 =	vld [tilespmem:s10+$0x80]  }
0x307: {  	v6 =	vld [tilespmem:s10+$0x100];
	_ =	sdelay $0x2  }
0x308: {  	vm0 =	veq.s32 v4, $0x0  }
0x309: {  	v4 =	vshll.u32 v4, $0x10;
	v7 =	vshll.u32 v5, $0x8;
	vm1 =	veq.s32 v5, $0x0  }
0x30a: {  	v5 =	vsel vm0, $0xFF0000, v0;
	v4 =	vadd.s32 v4, v7;
	vm0 =	veq.s32 v6, $0x0  }
0x30b: {  	v4 =	vadd.s32 v6, v4;
	v6 =	vsel vm1, $0xFF00, v1;
	v7 =	vsel vm0, $0xFF, v2  }
0x30c: {  	v5 =	vadd.s32 v5, v4;
	v6 =	vadd.s32 v6, v4;
	v7 =	vadd.s32 v7, v4;
	[tilespmem:s16+$0xFFFFF800] =	vst v4  }
0x30d: {  	[tilespmem:s16+$0x400] =	vst v7  }
0x30e: {  	[tilespmem:s16+$0x0] =	vst v6  }
0x30f: {  	[tilespmem:s16+$0xFFFFFC00] =	vst v5  }
0x310: {  	v4 =	vld [tilespmem:s10+$0x10]  }
0x311: {  	v5 =	vld [tilespmem:s10+$0x90]  }
0x312: {  	v6 =	vld [tilespmem:s10+$0x110];
	_ =	sdelay $0x2  }
0x313: {  	vm0 =	veq.s32 v4, $0x0  }
0x314: {  	v4 =	vshll.u32 v4, $0x10;
	v7 =	vshll.u32 v5, $0x8;
	vm1 =	veq.s32 v5, $0x0  }
0x315: {  	v5 =	vsel vm0, $0xFF0000, v0;
	v4 =	vadd.s32 v4, v7;
	vm0 =	veq.s32 v6, $0x0  }
0x316: {  	v4 =	vadd.s32 v6, v4;
	v6 =	vsel vm1, $0xFF00, v1;
	v7 =	vsel vm0, $0xFF, v2  }
0x317: {  	v5 =	vadd.s32 v5, v4;
	v6 =	vadd.s32 v6, v4;
	v7 =	vadd.s32 v7, v4;
	[tilespmem:s16+$0xFFFFF810] =	vst v4  }
0x318: {  	[tilespmem:s16+$0x10] =	vst v6  }
0x319: {  	[tilespmem:s16+$0xFFFFFC10] =	vst v5  }
0x31a: {  	[tilespmem:s16+$0x410] =	vst v7  }
0x31b: {  	v4 =	vld [tilespmem:s10+$0x20]  }
0x31c: {  	v5 =	vld [tilespmem:s10+$0xA0]  }
0x31d: {  	v6 =	vld [tilespmem:s10+$0x120];
	_ =	sdelay $0x2  }
0x31e: {  	vm0 =	veq.s32 v4, $0x0  }
0x31f: {  	v4 =	vshll.u32 v4, $0x10;
	v7 =	vshll.u32 v5, $0x8;
	vm1 =	veq.s32 v5, $0x0  }
0x320: {  	v5 =	vsel vm0, $0xFF0000, v0;
	v4 =	vadd.s32 v4, v7;
	vm0 =	veq.s32 v6, $0x0  }
0x321: {  	v4 =	vadd.s32 v6, v4;
	v6 =	vsel vm1, $0xFF00, v1;
	v7 =	vsel vm0, $0xFF, v2  }
0x322: {  	v5 =	vadd.s32 v5, v4;
	v6 =	vadd.s32 v6, v4;
	v7 =	vadd.s32 v7, v4;
	[tilespmem:s16+$0xFFFFF820] =	vst v4  }
0x323: {  	[tilespmem:s16+$0x20] =	vst v6  }
0x324: {  	[tilespmem:s16+$0xFFFFFC20] =	vst v5  }
0x325: {  	[tilespmem:s16+$0x420] =	vst v7  }
0x326: {  	v4 =	vld [tilespmem:s10+$0x30]  }
0x327: {  	v5 =	vld [tilespmem:s10+$0xB0]  }
0x328: {  	v6 =	vld [tilespmem:s10+$0x130];
	_ =	sdelay $0x2  }
0x329: {  	vm0 =	veq.s32 v4, $0x0  }
0x32a: {  	v4 =	vshll.u32 v4, $0x10;
	v7 =	vshll.u32 v5, $0x8;
	vm1 =	veq.s32 v5, $0x0  }
0x32b: {  	v5 =	vsel vm0, $0xFF0000, v0;
	v4 =	vadd.s32 v4, v7;
	vm0 =	veq.s32 v6, $0x0  }
0x32c: {  	v4 =	vadd.s32 v6, v4;
	v6 =	vsel vm1, $0xFF00, v1;
	v7 =	vsel vm0, $0xFF, v2  }
0x32d: {  	v5 =	vadd.s32 v5, v4;
	v6 =	vadd.s32 v6, v4;
	v7 =	vadd.s32 v7, v4;
	[tilespmem:s16+$0xFFFFF830] =	vst v4  }
0x32e: {  	[tilespmem:s16+$0x30] =	vst v6  }
0x32f: {  	[tilespmem:s16+$0xFFFFFC30] =	vst v5  }
0x330: {  	[tilespmem:s16+$0x430] =	vst v7  }
0x331: {  	v4 =	vld [tilespmem:s10+$0x40]  }
0x332: {  	v5 =	vld [tilespmem:s10+$0xC0]  }
0x333: {  	v6 =	vld [tilespmem:s10+$0x140];
	_ =	sdelay $0x2  }
0x334: {  	vm0 =	veq.s32 v4, $0x0  }
0x335: {  	v4 =	vshll.u32 v4, $0x10;
	v7 =	vshll.u32 v5, $0x8;
	vm1 =	veq.s32 v5, $0x0  }
0x336: {  	v5 =	vsel vm0, $0xFF0000, v0;
	v4 =	vadd.s32 v4, v7;
	vm0 =	veq.s32 v6, $0x0  }
0x337: {  	v4 =	vadd.s32 v6, v4;
	v6 =	vsel vm1, $0xFF00, v1;
	v7 =	vsel vm0, $0xFF, v2  }
0x338: {  	v5 =	vadd.s32 v5, v4;
	v6 =	vadd.s32 v6, v4;
	v7 =	vadd.s32 v7, v4;
	[tilespmem:s16+$0xFFFFF840] =	vst v4  }
0x339: {  	[tilespmem:s16+$0x40] =	vst v6  }
0x33a: {  	[tilespmem:s16+$0xFFFFFC40] =	vst v5  }
0x33b: {  	[tilespmem:s16+$0x440] =	vst v7  }
0x33c: {  	v4 =	vld [tilespmem:s10+$0x150]  }
0x33d: {  	v5 =	vld [tilespmem:s10+$0x50]  }
0x33e: {  	v6 =	vld [tilespmem:s10+$0xD0];
	_ =	sdelay $0x2  }
0x33f: {  	vm0 =	veq.s32 v4, $0x0  }
0x340: {  	v7 =	vsel vm0, $0xFF, v2  }
0x341: {  	v8 =	vshll.u32 v5, $0x10;
	v9 =	vshll.u32 v6, $0x8;
	vm0 =	veq.s32 v6, $0x0  }
.Ltmp5:
0x342: {  	vm1 =	veq.s32 v5, $0x0;
	v6 =	vadd.s32 v8, v9;
	(pc) =	sbr.rel @p2 .LBB2_9-.Ltmp5, $4  }
0x343: {  	v5 =	vadd.s32 v4, v6;
	v4 =	vsel vm1, $0xFF0000, v0;
	v6 =	vsel vm0, $0xFF00, v1  }
0x344: {  	v4 =	vadd.s32 v4, v5;
	v6 =	vadd.s32 v6, v5;
	v7 =	vadd.s32 v7, v5;
	[tilespmem:s16+$0xFFFFF850] =	vst v5  }
0x345: {  	[tilespmem:s16+$0x450] =	vst v7  }
0x346: {  	[tilespmem:s16+$0x50] =	vst v6  }
0x347: {  	[tilespmem:s6+$0xFFFFFC50] =	vst v4  }
0x348: {  	v4 =	vld [tilespmem:s10+$0x60]  }
0x349: {  	v5 =	vld [tilespmem:s10+$0xE0]  }
0x34a: {  	v6 =	vld [tilespmem:s10+$0x160];
	_ =	sdelay $0x3  }
0x34b: {  	v7 =	vshll.u32 v4, $0x10;
	v8 =	vshll.u32 v5, $0x8  }
0x34c: {  	vm0 =	veq.s32 v6, $0x0;
	v7 =	vadd.s32 v7, v8  }
0x34d: {  	vm1 =	veq.s32 v5, $0x0;
	v5 =	vadd.s32 v6, v7;
	v6 =	vsel vm0, $0xFF, v2  }
0x34e: {  	vm12 =	veq.s32 v4, $0x0;
	v4 =	vsel vm1, $0xFF00, v1;
	v6 =	vadd.s32 v6, v5;
	[tilespmem:s6+$0xFFFFF860] =	vst v5  }
0x34f: {  	v7 =	vsel vm12, $0xFF0000, v0;
	v4 =	vadd.s32 v4, v5;
	[tilespmem:s6+$0x460] =	vst v6  }
0x350: {  	v5 =	vadd.s32 v7, v5;
	[tilespmem:s6+$0x60] =	vst v4  }
0x351: {  	[tilespmem:s6+$0xFFFFFC60] =	vst v5  }
0x352: {  	v4 =	vld [tilespmem:s10+$0x70]  }
0x353: {  	v5 =	vld [tilespmem:s10+$0xF0];
	_ =	sdelay $0x1  }
0x354: {  	v6 =	vld [tilespmem:s10+$0x170];
	_ =	sdelay $0x2  }
0x355: {  	v7 =	vshll.u32 v4, $0x10;
	v8 =	vshll.u32 v5, $0x8  }
0x356: {  	vm13 =	veq.s32 v4, $0x0;
	v4 =	vadd.s32 v7, v8  }
0x357: {  	vm14 =	veq.s32 v6, $0x0;
	v7 =	vsel vm13, $0xFF0000, v0;
	v4 =	vadd.s32 v6, v4  }
0x358: {  	vm15 =	veq.s32 v5, $0x0;
	v5 =	vsel vm14, $0xFF, v2;
	v6 =	vadd.s32 v7, v4;
	[tilespmem:s6+$0xFFFFF870] =	vst v4  }
0x359: {  	v7 =	vsel vm15, $0xFF00, v1;
	v5 =	vadd.s32 v5, v4;
	[tilespmem:s6+$0xFFFFFC70] =	vst v6  }
0x35a: {  	v4 =	vadd.s32 v7, v4;
	[tilespmem:s6+$0x470] =	vst v5  }
0x35b: {  	s16 =	simm.s32 $0x2000;
	s17 =	simm.s32 $0x4000;
	[tilespmem:s6+$0x70] =	vst v4  }
0x35c: {  	[tilespmem:s17], [sflag:$0x3] =	stream.indirect.gather [hbm4b:s4+s14], $0x1, s16, s14, $0xb8;
	[tilespmem:$0x6480] =	vst v63  }
0x35d: {  	s11 =	simm.s32 $0x4C00;
	s10 =	simm.s32 $0x2C00  }
0x35e: {  	[tilespmem:s11], [sflag:$0x3] =	stream.indirect.gather [hbm4b:s4+s14], $0x1, s10, s14, $0xb8;
	[tilespmem:$0x6480] =	vst v63  }
0x35f: {  	s16 =	simm.s32 $0x2080;
	s17 =	simm.s32 $0x4080  }
0x360: {  	[tilespmem:s17], [sflag:$0x3] =	stream.indirect.gather [hbm4b:s4+s14], $0x1, s16, s14, $0xb8;
	[tilespmem:$0x6480] =	vst v63  }
0x361: {  	s10 =	simm.s32 $0x2C80;
	s11 =	simm.s32 $0x4C80  }
0x362: {  	[tilespmem:s11], [sflag:$0x3] =	stream.indirect.gather [hbm4b:s4+s14], $0x1, s10, s14, $0xb8;
	[tilespmem:$0x6480] =	vst v63  }
0x363: {  	s16 =	simm.s32 $0x2100;
	s17 =	simm.s32 $0x4100  }
0x364: {  	[tilespmem:s17], [sflag:$0x3] =	stream.indirect.gather [hbm4b:s4+s14], $0x1, s16, s14, $0xb8;
	[tilespmem:$0x6480] =	vst v63  }
0x365: {  	s10 =	simm.s32 $0x2D00;
	s11 =	simm.s32 $0x4D00  }
0x366: {  	[tilespmem:s11], [sflag:$0x3] =	stream.indirect.gather [hbm4b:s4+s14], $0x1, s10, s14, $0xb8;
	[tilespmem:$0x6480] =	vst v63  }
0x367: {  	s16 =	simm.s32 $0x2180;
	s17 =	simm.s32 $0x4180  }
0x368: {  	[tilespmem:s17], [sflag:$0x3] =	stream.indirect.gather [hbm4b:s4+s14], $0x1, s16, s14, $0xb8;
	[tilespmem:$0x6480] =	vst v63  }
0x369: {  	s10 =	simm.s32 $0x2D80;
	s11 =	simm.s32 $0x4D80  }
0x36a: {  	[tilespmem:s11], [sflag:$0x3] =	stream.indirect.gather [hbm4b:s4+s14], $0x1, s10, s14, $0xb8;
	[tilespmem:$0x6480] =	vst v63  }
0x36b: {  	s16 =	simm.s32 $0x2200;
	s17 =	simm.s32 $0x4200  }
0x36c: {  	[tilespmem:s17], [sflag:$0x3] =	stream.indirect.gather [hbm4b:s4+s14], $0x1, s16, s14, $0xb8;
	[tilespmem:$0x6480] =	vst v63  }
0x36d: {  	s10 =	simm.s32 $0x2E00;
	s11 =	simm.s32 $0x4E00  }
0x36e: {  	[tilespmem:s11], [sflag:$0x3] =	stream.indirect.gather [hbm4b:s4+s14], $0x1, s10, s14, $0xb8;
	[tilespmem:$0x6480] =	vst v63  }
0x36f: {  	s16 =	simm.s32 $0x2280;
	s17 =	simm.s32 $0x4280  }
0x370: {  	[tilespmem:s17], [sflag:$0x3] =	stream.indirect.gather [hbm4b:s4+s14], $0x1, s16, s14, $0xb8;
	[tilespmem:$0x6480] =	vst v63  }
0x371: {  	s10 =	simm.s32 $0x2E80;
	s11 =	simm.s32 $0x4E80  }
0x372: {  	[tilespmem:s11], [sflag:$0x3] =	stream.indirect.gather [hbm4b:s4+s14], $0x1, s10, s14, $0xb8;
	[tilespmem:$0x6480] =	vst v63  }
0x373: {  	s16 =	simm.s32 $0x2300;
	s17 =	simm.s32 $0x4300  }
0x374: {  	[tilespmem:s17], [sflag:$0x3] =	stream.indirect.gather [hbm4b:s4+s14], $0x1, s16, s14, $0xb8;
	[tilespmem:$0x6480] =	vst v63  }
0x375: {  	s10 =	simm.s32 $0x2F00;
	s11 =	simm.s32 $0x4F00  }
0x376: {  	[tilespmem:s11], [sflag:$0x3] =	stream.indirect.gather [hbm4b:s4+s14], $0x1, s10, s14, $0xb8;
	[tilespmem:$0x6480] =	vst v63  }
0x377: {  	s16 =	simm.s32 $0x2380;
	s17 =	simm.s32 $0x4380  }
0x378: {  	[tilespmem:s17], [sflag:$0x3] =	stream.indirect.gather [hbm4b:s4+s14], $0x1, s16, s14, $0xb8;
	[tilespmem:$0x6480] =	vst v63  }
0x379: {  	s10 =	simm.s32 $0x2F80;
	s11 =	simm.s32 $0x4F80  }
0x37a: {  	[tilespmem:s11], [sflag:$0x3] =	stream.indirect.gather [hbm4b:s4+s14], $0x1, s10, s14, $0xb8;
	[tilespmem:$0x6480] =	vst v63  }
0x37b: {  	s16 =	simm.s32 $0x2400;
	s17 =	simm.s32 $0x4400  }
0x37c: {  	[tilespmem:s17], [sflag:$0x3] =	stream.indirect.gather [hbm4b:s4+s14], $0x1, s16, s14, $0xb8;
	[tilespmem:$0x6480] =	vst v63  }
0x37d: {  	s10 =	simm.s32 $0x2480;
	s11 =	simm.s32 $0x4480  }
0x37e: {  	[tilespmem:s11], [sflag:$0x3] =	stream.indirect.gather [hbm4b:s4+s14], $0x1, s10, s14, $0xb8;
	[tilespmem:$0x6480] =	vst v63  }
0x37f: {  	s16 =	simm.s32 $0x2500;
	s17 =	simm.s32 $0x4500  }
0x380: {  	[tilespmem:s17], [sflag:$0x3] =	stream.indirect.gather [hbm4b:s4+s14], $0x1, s16, s14, $0xb8;
	[tilespmem:$0x6480] =	vst v63  }
0x381: {  	s10 =	simm.s32 $0x2580;
	s11 =	simm.s32 $0x4580  }
0x382: {  	[tilespmem:s11], [sflag:$0x3] =	stream.indirect.gather [hbm4b:s4+s14], $0x1, s10, s14, $0xb8;
	[tilespmem:$0x6480] =	vst v63  }
0x383: {  	s16 =	simm.s32 $0x2600;
	s17 =	simm.s32 $0x4600  }
0x384: {  	[tilespmem:s17], [sflag:$0x3] =	stream.indirect.gather [hbm4b:s4+s14], $0x1, s16, s14, $0xb8;
	[tilespmem:$0x6480] =	vst v63  }
0x385: {  	s10 =	simm.s32 $0x2680;
	s11 =	simm.s32 $0x4680  }
0x386: {  	[tilespmem:s11], [sflag:$0x3] =	stream.indirect.gather [hbm4b:s4+s14], $0x1, s10, s14, $0xb8;
	[tilespmem:$0x6480] =	vst v63  }
0x387: {  	s16 =	simm.s32 $0x2700;
	s17 =	simm.s32 $0x4700  }
0x388: {  	[tilespmem:s17], [sflag:$0x3] =	stream.indirect.gather [hbm4b:s4+s14], $0x1, s16, s14, $0xb8;
	[tilespmem:$0x6480] =	vst v63  }
0x389: {  	s10 =	simm.s32 $0x2780;
	s11 =	simm.s32 $0x4780  }
0x38a: {  	[tilespmem:s11], [sflag:$0x3] =	stream.indirect.gather [hbm4b:s4+s14], $0x1, s10, s14, $0xb8;
	[tilespmem:$0x6480] =	vst v63  }
0x38b: {  	s16 =	simm.s32 $0x4800  }
0x38c: {  	[tilespmem:s16], [sflag:$0x3] =	stream.indirect.gather [hbm4b:s4+s14], $0x1, s15, s14, $0xb8;
	[tilespmem:$0x6480] =	vst v63  }
0x38d: {  	s17 =	simm.s32 $0x2880  }
0x38e: {  	[tilespmem:s18], [sflag:$0x3] =	stream.indirect.gather [hbm4b:s4+s14], $0x1, s17, s14, $0xb8;
	[tilespmem:$0x6480] =	vst v63  }
0x38f: {  	_ = 	snop  }
0x390: {  	[tilespmem:s20], [sflag:$0x3] =	stream.indirect.gather [hbm4b:s4+s14], $0x1, s19, s14, $0xb8;
	[tilespmem:$0x6480] =	vst v63  }
0x391: {  	_ = 	snop  }
0x392: {  	[tilespmem:s22], [sflag:$0x3] =	stream.indirect.gather [hbm4b:s4+s14], $0x1, s21, s14, $0xb8;
	[tilespmem:$0x6480] =	vst v63  }
0x393: {  	p2 =	seq.s32 s9, $0x1D  }
0x394: {  	[tilespmem:s24], [sflag:$0x3] =	stream.indirect.gather [hbm4b:s4+s14], $0x1, s23, s14, $0xb8;
	[tilespmem:$0x6480] =	vst v63  }
0x395: {  	s5 =	sadd.s32 @!p2 s5, s8  }
0x396: {  	[tilespmem:s26], [sflag:$0x3] =	stream.indirect.gather [hbm4b:s4+s14], $0x1, s25, s14, $0xb8;
	[tilespmem:$0x6480] =	vst v63  }
0x397: {  	s5 =	sshll.u32 @!p2 s5, $0x9  }
0x398: {  	[tilespmem:s29], [sflag:$0x3] =	stream.indirect.gather [hbm4b:s4+s14], $0x1, s28, s14, $0xb8;
	[tilespmem:$0x6480] =	vst v63  }
0x399: {  	s5 =	sand.u32 @!p2 $0x1FFFFE00, s5  }
0x39a: {  	[tilespmem:s31], [sflag:$0x3] =	stream.indirect.gather [hbm4b:s4+s14], $0x1, s30, s14, $0xb8;
	[tilespmem:$0x6480] =	vst v63  }
0x39b: {  	s5 =	sadd.s32 @!p2 s2, s5;
	s6 =	simm.s32 @!p2 $0x0;
	s10 =	simm.s32 @!p2 $0x1000  }
0x39c: {  	[tilespmem:s10], [sflag:$0x2] =	stream.linear.gather @!p2 [hbm4b:s5+s6], $0x1000, $0x38;
	[tilespmem:$0x6480] =	vst v63  }
0x39d: {  	_ =	swait.ge [sflag:s12], $0x80  }
0x39e: {  	[sflag:s12] =	ssyncset.done $0x0  }
0x39f: {  	[sflag:s12] =	ssyncadd.s32 $0xFFFFFF80  }
0x3a0: {  	_ =	swait.ge [sflag:s12], $0x80  }
0x3a1: {  	[sflag:s12] =	ssyncset.done $0x0  }
0x3a2: {  	[sflag:s12] =	ssyncadd.s32 $0xFFFFFF80  }
0x3a3: {  	_ =	swait.ge [sflag:s12], $0x80  }
0x3a4: {  	[sflag:s12] =	ssyncset.done $0x0  }
0x3a5: {  	[sflag:s12] =	ssyncadd.s32 $0xFFFFFF80  }
0x3a6: {  	_ =	swait.ge [sflag:s12], $0x80  }
0x3a7: {  	[sflag:s12] =	ssyncset.done $0x0  }
0x3a8: {  	[sflag:s12] =	ssyncadd.s32 $0xFFFFFF80  }
0x3a9: {  	_ =	swait.ge [sflag:s12], $0x80  }
0x3aa: {  	[sflag:s12] =	ssyncset.done $0x0  }
0x3ab: {  	[sflag:s12] =	ssyncadd.s32 $0xFFFFFF80  }
0x3ac: {  	_ =	swait.ge [sflag:s12], $0x80  }
0x3ad: {  	[sflag:s12] =	ssyncset.done $0x0  }
0x3ae: {  	[sflag:s12] =	ssyncadd.s32 $0xFFFFFF80  }
0x3af: {  	_ =	swait.ge [sflag:s12], $0x80  }
0x3b0: {  	[sflag:s12] =	ssyncset.done $0x0  }
0x3b1: {  	[sflag:s12] =	ssyncadd.s32 $0xFFFFFF80  }
0x3b2: {  	_ =	swait.ge [sflag:s12], $0x80  }
0x3b3: {  	[sflag:s12] =	ssyncset.done $0x0  }
0x3b4: {  	[sflag:s12] =	ssyncadd.s32 $0xFFFFFF80  }
0x3b5: {  	_ =	swait.ge [sflag:s12], $0x80  }
0x3b6: {  	[sflag:s12] =	ssyncset.done $0x0  }
0x3b7: {  	[sflag:s12] =	ssyncadd.s32 $0xFFFFFF80  }
0x3b8: {  	_ =	swait.ge [sflag:s12], $0x80  }
0x3b9: {  	[sflag:s12] =	ssyncset.done $0x0  }
0x3ba: {  	[sflag:s12] =	ssyncadd.s32 $0xFFFFFF80  }
0x3bb: {  	_ =	swait.ge [sflag:s12], $0x80  }
0x3bc: {  	[sflag:s12] =	ssyncset.done $0x0  }
0x3bd: {  	[sflag:s12] =	ssyncadd.s32 $0xFFFFFF80  }
0x3be: {  	_ =	swait.ge [sflag:s12], $0x80  }
0x3bf: {  	[sflag:s12] =	ssyncset.done $0x0  }
0x3c0: {  	[sflag:s12] =	ssyncadd.s32 $0xFFFFFF80  }
0x3c1: {  	_ =	swait.ge [sflag:s12], $0x80  }
0x3c2: {  	[sflag:s12] =	ssyncset.done $0x0  }
0x3c3: {  	[sflag:s12] =	ssyncadd.s32 $0xFFFFFF80  }
0x3c4: {  	_ =	swait.ge [sflag:s12], $0x80  }
0x3c5: {  	[sflag:s12] =	ssyncset.done $0x0  }
0x3c6: {  	[sflag:s12] =	ssyncadd.s32 $0xFFFFFF80  }
0x3c7: {  	_ =	swait.ge [sflag:s12], $0x80  }
0x3c8: {  	[sflag:s12] =	ssyncset.done $0x0  }
0x3c9: {  	[sflag:s12] =	ssyncadd.s32 $0xFFFFFF80  }
0x3ca: {  	_ =	swait.ge [sflag:s12], $0x80  }
0x3cb: {  	[sflag:s12] =	ssyncset.done $0x0  }
0x3cc: {  	[sflag:s12] =	ssyncadd.s32 $0xFFFFFF80  }
0x3cd: {  	_ =	swait.ge [sflag:s12], $0x80  }
0x3ce: {  	[sflag:s12] =	ssyncset.done $0x0  }
0x3cf: {  	[sflag:s12] =	ssyncadd.s32 $0xFFFFFF80  }
0x3d0: {  	_ =	swait.ge [sflag:s12], $0x80  }
0x3d1: {  	[sflag:s12] =	ssyncset.done $0x0  }
0x3d2: {  	[sflag:s12] =	ssyncadd.s32 $0xFFFFFF80  }
0x3d3: {  	_ =	swait.ge [sflag:s12], $0x80  }
0x3d4: {  	[sflag:s12] =	ssyncset.done $0x0  }
0x3d5: {  	[sflag:s12] =	ssyncadd.s32 $0xFFFFFF80  }
0x3d6: {  	_ =	swait.ge [sflag:s12], $0x80  }
0x3d7: {  	[sflag:s12] =	ssyncset.done $0x0  }
0x3d8: {  	[sflag:s12] =	ssyncadd.s32 $0xFFFFFF80  }
0x3d9: {  	_ =	swait.ge [sflag:s12], $0x80  }
0x3da: {  	[sflag:s12] =	ssyncset.done $0x0  }
0x3db: {  	[sflag:s12] =	ssyncadd.s32 $0xFFFFFF80  }
0x3dc: {  	_ =	swait.ge [sflag:s12], $0x80  }
0x3dd: {  	[sflag:s12] =	ssyncset.done $0x0  }
0x3de: {  	[sflag:s12] =	ssyncadd.s32 $0xFFFFFF80  }
0x3df: {  	_ =	swait.ge [sflag:s12], $0x80  }
0x3e0: {  	[sflag:s12] =	ssyncset.done $0x0  }
0x3e1: {  	[sflag:s12] =	ssyncadd.s32 $0xFFFFFF80  }
0x3e2: {  	_ =	swait.ge [sflag:s12], $0x80  }
0x3e3: {  	[sflag:s12] =	ssyncset.done $0x0  }
0x3e4: {  	[sflag:s12] =	ssyncadd.s32 $0xFFFFFF80  }
0x3e5: {  	_ =	swait.ge [sflag:s12], $0x80  }
0x3e6: {  	[sflag:s12] =	ssyncset.done $0x0  }
0x3e7: {  	[sflag:s12] =	ssyncadd.s32 $0xFFFFFF80  }
0x3e8: {  	_ =	swait.ge [sflag:s12], $0x80  }
0x3e9: {  	[sflag:s12] =	ssyncset.done $0x0  }
0x3ea: {  	[sflag:s12] =	ssyncadd.s32 $0xFFFFFF80  }
0x3eb: {  	_ =	swait.ge [sflag:s12], $0x80  }
0x3ec: {  	[sflag:s12] =	ssyncset.done $0x0  }
0x3ed: {  	[sflag:s12] =	ssyncadd.s32 $0xFFFFFF80  }
0x3ee: {  	_ =	swait.ge [sflag:s12], $0x80  }
0x3ef: {  	[sflag:s12] =	ssyncset.done $0x0  }
0x3f0: {  	[sflag:s12] =	ssyncadd.s32 $0xFFFFFF80  }
0x3f1: {  	_ =	swait.ge [sflag:s12], $0x80  }
0x3f2: {  	[sflag:s12] =	ssyncset.done $0x0  }
0x3f3: {  	[sflag:s12] =	ssyncadd.s32 $0xFFFFFF80  }
0x3f4: {  	_ =	swait.ge [sflag:s12], $0x80  }
0x3f5: {  	[sflag:s12] =	ssyncset.done $0x0  }
0x3f6: {  	[sflag:s12] =	ssyncadd.s32 $0xFFFFFF80  }
0x3f7: {  	_ =	swait.ge [sflag:s12], $0x80  }
0x3f8: {  	[sflag:s12] =	ssyncset.done $0x0  }
0x3f9: {  	[sflag:s12] =	ssyncadd.s32 $0xFFFFFF80  }
0x3fa: {  	_ =	swait.ge [sflag:s12], $0x80  }
0x3fb: {  	[sflag:s12] =	ssyncset.done $0x0  }
0x3fc: {  	s5 =	simm.s32 $0xFFFFFC00;
	[sflag:s12] =	ssyncadd.s32 $0xFFFFFF80  }
0x3fd: {  	v4 =	vld [tilespmem:s5+$0x6070]  }
0x3fe: {  	v5 =	vld [tilespmem:s5+$0x6060]  }
0x3ff: {  	v7 =	vld [tilespmem:s5+$0x5470]  }
0x400: {  	v6 =	vld [tilespmem:s5+$0x5870]  }
0x401: {  	v8 =	vld [tilespmem:s5+$0x5C70]  }
0x402: {  	v9 =	vld [tilespmem:s5+$0x6050]  }
0x403: {  	v11 =	vld [tilespmem:s5+$0x5460]  }
0x404: {  	v30 =	vld [tilespmem:s5+$0x5860]  }
0x405: {  	v12 =	vld [tilespmem:s5+$0x5C60]  }
0x406: {  	v14 =	vld [tilespmem:s5+$0x6040]  }
0x407: {  	v13 =	vld [tilespmem:s5+$0x5450]  }
0x408: {  	v15 =	vld [tilespmem:s5+$0x5850]  }
0x409: {  	v18 =	vld [tilespmem:s5+$0x5C50]  }
0x40a: {  	v19 =	vld [tilespmem:s5+$0x6030]  }
0x40b: {  	v16 =	vld [tilespmem:s5+$0x5440]  }
0x40c: {  	v22 =	vld [tilespmem:s5+$0x5840]  }
0x40d: {  	v21 =	vld [tilespmem:s5+$0x5C40]  }
0x40e: {  	v24 =	vld [tilespmem:s5+$0x6020]  }
0x40f: {  	v10 =	vld [tilespmem:s5+$0x5430]  }
0x410: {  	v25 =	vld [tilespmem:s5+$0x5830]  }
0x411: {  	v27 =	vld [tilespmem:s5+$0x6010]  }
0x412: {  	v17 =	vld [tilespmem:s5+$0x5420]  }
0x413: {  	v20 =	vld [tilespmem:s5+$0x5820]  }
0x414: {  	v26 =	vld [tilespmem:s5+$0x6000]  }
0x415: {  	v23 =	vld [tilespmem:s5+$0x5410];
	v5 =	vsub.f32 v11, v5;
	v4 =	vsub.f32 v7, v4  }
0x416: {  	v28 =	vld [tilespmem:s5+$0x5400];
	v6 =	vsub.f32 v7, v6;
	v7 =	vsub.f32 v7, v8  }
0x417: {  	s6 =	simm.s32 $0xFFFFF200;
	v29 =	vld [tilespmem:s5+$0x5800];
	v8 =	vsub.f32 v13, v9;
	v9 =	vsub.f32 v11, v30  }
.LBB2_11:
0x418: {  	p2 =	sne.s32 s6, $0xFFFFFE00;
	v30 =	vld [tilespmem:s5+$0x5C00];
	v31 =	vsub.f32 v16, v14;
	v32 =	vsub.f32 v11, v12  }
0x419: {  	v33 =	vsub.f32 v13, v15;
	v18 =	vsub.f32 v13, v18;
	v11 =	vld [tilespmem:s5+$0x5810]  }
0x41a: {  	v15 =	vsub.f32 v10, v19;
	v13 =	vsub.f32 v16, v22;
	v12 =	vld [tilespmem:s5+$0x5C10]  }
0x41b: {  	s10 =	sshra.s32 s6, $0x2;
	v19 =	vsub.f32 v17, v24;
	v16 =	vsub.f32 v16, v21;
	v14 =	vld [tilespmem:s5+$0x5C20]  }
0x41c: {  	v22 =	vsub.f32 v10, v25;
	v21 =	vsub.f32 v23, v27;
	v34 =	vld [tilespmem:s10+$0x6070]  }
0x41d: {  	v24 =	vsub.f32 v28, v29;
	v25 =	vsub.f32 v28, v30;
	v27 =	vld [tilespmem:s5+$0x5C30];
	s5 =	smov.u32 s10  }
0x41e: {  	v26 =	vsub.f32 v28, v26;
	v29 =	vld [tilespmem:s5+$0x6060];
	v11 =	vsub.f32 v23, v11  }
0x41f: {  	v24 =	vmul.f32 v24, v24;
	v30 =	vld [tilespmem:s5+$0x5470];
	v25 =	vmul.f32 v25, v25;
	v12 =	vsub.f32 v23, v12  }
0x420: {  	v20 =	vsub.f32 v17, v20;
	v23 =	vmul.f32 v26, v26;
	v35 =	vld [tilespmem:s5+$0x5870];
	v14 =	vsub.f32 v17, v14  }
0x421: {  	v36 =	vld [tilespmem:s5+$0x5C70];
	v17 =	vadd.f32 v25, v24;
	v24 =	vmul.f32 v11, v11;
	v12 =	vmul.f32 v12, v12  }
0x422: {  	v20 =	vmul.f32 v20, v20;
	v37 =	vld [tilespmem:s5+$0x6050];
	v14 =	vmul.f32 v14, v14;
	v10 =	vsub.f32 v10, v27  }
0x423: {  	v21 =	vmul.f32 v21, v21;
	v11 =	vld [tilespmem:s5+$0x5460];
	v17 =	vadd.f32 v17, v23;
	v23 =	vadd.f32 v12, v24  }
0x424: {  	v22 =	vmul.f32 v22, v22;
	v38 =	vld [tilespmem:s5+$0x5860];
	v20 =	vadd.f32 v14, v20;
	v10 =	vmul.f32 v10, v10  }
0x425: {  	v19 =	vmul.f32 v19, v19;
	v12 =	vld [tilespmem:s5+$0x5C60];
	v3 =	vadd.f32 v17, v3;
	v17 =	vadd.f32 v23, v21  }
0x426: {  	v16 =	vmul.f32 v16, v16;
	v21 =	vmul.f32 v13, v13;
	v14 =	vld [tilespmem:s5+$0x6040];
	v10 =	vadd.f32 v10, v22  }
0x427: {  	v13 =	vld [tilespmem:s5+$0x5450];
	v3 =	vadd.f32 v17, v3;
	v17 =	vadd.f32 v20, v19;
	v19 =	vmul.f32 v15, v15  }
0x428: {  	v20 =	vadd.f32 v16, v21;
	v16 =	vmul.f32 v33, v33;
	v21 =	vmul.f32 v18, v18;
	v15 =	vld [tilespmem:s5+$0x5850]  }
0x429: {  	v18 =	vld [tilespmem:s5+$0x5C50];
	v3 =	vadd.f32 v17, v3;
	v10 =	vadd.f32 v10, v19;
	v17 =	vmul.f32 v31, v31  }
0x42a: {  	v9 =	vmul.f32 v9, v9;
	v23 =	vadd.f32 v21, v16;
	v21 =	vmul.f32 v32, v32;
	v19 =	vld [tilespmem:s5+$0x6030]  }
0x42b: {  	v8 =	vmul.f32 v8, v8;
	v16 =	vld [tilespmem:s5+$0x5440];
	v3 =	vadd.f32 v10, v3;
	v10 =	vadd.f32 v20, v17  }
0x42c: {  	v6 =	vmul.f32 v6, v6;
	v7 =	vmul.f32 v7, v7;
	v9 =	vadd.f32 v21, v9;
	v22 =	vld [tilespmem:s5+$0x5840]  }
0x42d: {  	v5 =	vmul.f32 v5, v5;
	v8 =	vadd.f32 v23, v8;
	v21 =	vld [tilespmem:s5+$0x5C40];
	v3 =	vadd.f32 v10, v3  }
0x42e: {  	v6 =	vadd.f32 v7, v6;
	v24 =	vld [tilespmem:s5+$0x6020]  }
0x42f: {  	v4 =	vmul.f32 v4, v4;
	v5 =	vadd.f32 v9, v5;
	v10 =	vld [tilespmem:s5+$0x5430];
	v3 =	vadd.f32 v8, v3  }
0x430: {  	v25 =	vld [tilespmem:s5+$0x5830]  }
0x431: {  	v4 =	vadd.f32 v6, v4;
	v27 =	vld [tilespmem:s5+$0x6010];
	v3 =	vadd.f32 v5, v3  }
0x432: {  	v17 =	vld [tilespmem:s5+$0x5420]  }
.Ltmp6:
0x433: {  	v20 =	vld [tilespmem:s5+$0x5820];
	v3 =	vadd.f32 v4, v3;
	(pc) =	sbr.rel @p2 .LBB2_11-.Ltmp6, $4  }
0x434: {  	v26 =	vld [tilespmem:s5+$0x6000]  }
0x435: {  	v5 =	vsub.f32 v11, v29;
	v4 =	vsub.f32 v30, v34;
	v23 =	vld [tilespmem:s5+$0x5410]  }
0x436: {  	v6 =	vsub.f32 v30, v35;
	v7 =	vsub.f32 v30, v36;
	v28 =	vld [tilespmem:s5+$0x5400]  }
0x437: {  	s6 =	sadd.s32 $0x200, s6;
	v9 =	vsub.f32 v11, v38;
	v8 =	vsub.f32 v13, v37;
	v29 =	vld [tilespmem:s5+$0x5800]  }
0x438: {  	v30 =	vld [tilespmem:s5+$0x5C00];
	v14 =	vsub.f32 v16, v14;
	v11 =	vsub.f32 v11, v12  }
0x439: {  	v43 =	vld [tilespmem:s5+$0x5810];
	v15 =	vsub.f32 v13, v15;
	v44 =	vsub.f32 v13, v18  }
0x43a: {  	v45 =	vld [tilespmem:s5+$0x5C10];
	v19 =	vsub.f32 v10, v19;
	v22 =	vsub.f32 v16, v22  }
0x43b: {  	v31 =	vld [tilespmem:s5+$0x5C20];
	v24 =	vsub.f32 v17, v24;
	v46 =	vsub.f32 v16, v21  }
0x43c: {  	v25 =	vsub.f32 v10, v25;
	v47 =	vsub.f32 v23, v27  }
0x43d: {  	v50 =	vld [tilespmem:s5+$0x5C30];
	v48 =	vsub.f32 v28, v29;
	v49 =	vsub.f32 v28, v30  }
0x43e: {  	v26 =	vsub.f32 v28, v26;
	v12 =	vsub.f32 v23, v43  }
0x43f: {  	v18 =	vsub.f32 v23, v45;
	v27 =	vmul.f32 v48, v48;
	v51 =	vmul.f32 v49, v49  }
0x440: {  	v20 =	vsub.f32 v17, v20;
	v52 =	vmul.f32 v26, v26;
	v53 =	vsub.f32 v17, v31  }
0x441: {  	v12 =	vmul.f32 v12, v12;
	v18 =	vmul.f32 v18, v18;
	v54 =	vadd.f32 v51, v27  }
0x442: {  	v20 =	vmul.f32 v20, v20;
	v55 =	vsub.f32 v10, v50;
	v17 =	vmul.f32 v53, v53  }
0x443: {  	v56 =	vmul.f32 v47, v47;
	v12 =	vadd.f32 v18, v12;
	v23 =	vadd.f32 v54, v52  }
0x444: {  	v57 =	vmul.f32 v25, v25;
	v10 =	vmul.f32 v55, v55;
	v17 =	vadd.f32 v17, v20  }
0x445: {  	v58 =	vmul.f32 v24, v24;
	v12 =	vadd.f32 v12, v56;
	v3 =	vadd.f32 v23, v3  }
0x446: {  	v59 =	vmul.f32 v22, v22;
	v16 =	vmul.f32 v46, v46;
	v10 =	vadd.f32 v10, v57  }
0x447: {  	v61 =	vmul.f32 v19, v19;
	v60 =	vadd.f32 v17, v58;
	v3 =	vadd.f32 v12, v3  }
0x448: {  	v15 =	vmul.f32 v15, v15;
	v13 =	vmul.f32 v44, v44;
	v16 =	vadd.f32 v16, v59  }
0x449: {  	v62 =	vmul.f32 v14, v14;
	v10 =	vadd.f32 v10, v61;
	v3 =	vadd.f32 v60, v3  }
0x44a: {  	v9 =	vmul.f32 v9, v9;
	v11 =	vmul.f32 v11, v11;
	v13 =	vadd.f32 v13, v15  }
0x44b: {  	v8 =	vmul.f32 v8, v8;
	v63 =	vadd.f32 v16, v62;
	v3 =	vadd.f32 v10, v3  }
0x44c: {  	v6 =	vmul.f32 v6, v6;
	v7 =	vmul.f32 v7, v7;
	v9 =	vadd.f32 v11, v9  }
0x44d: {  	v5 =	vmul.f32 v5, v5;
	s9 =	sadd.s32 $0x1, s9;
	v8 =	vadd.f32 v13, v8;
	v3 =	vadd.f32 v63, v3  }
0x44e: {  	p2 =	seq.s32 s9, $0x1E;
	v6 =	vadd.f32 v7, v6  }
.Ltmp7:
0x44f: {  	v4 =	vmul.f32 v4, v4;
	v5 =	vadd.f32 v9, v5;
	v3 =	vadd.f32 v8, v3;
	(pc) =	sbr.rel @!p2 .LBB2_4-.Ltmp7, $3  }
0x450: {  	_ = 	snop  }
0x451: {  	v4 =	vadd.f32 v6, v4;
	v3 =	vadd.f32 v5, v3;
	_ =	sdelay $0x1  }
0x452: {  	v3 =	vadd.f32 v4, v3  }
0x453: {  	_ =	swait.ge [sflag:s1], $0x80  }
0x454: {  	[sflag:s1] =	ssyncset.done $0x0  }
0x455: {  	[sflag:s1] =	ssyncadd.s32 $0xFFFFFF80  }
0x456: {  	_ =	swait.ge [sflag:s1], $0x80  }
0x457: {  	[sflag:s1] =	ssyncset.done $0x0  }
0x458: {  	[sflag:s1] =	ssyncadd.s32 $0xFFFFFF80  }
0x459: {  	_ =	swait.ge [sflag:s1], $0x80  }
0x45a: {  	[sflag:s1] =	ssyncset.done $0x0  }
0x45b: {  	[sflag:s1] =	ssyncadd.s32 $0xFFFFFF80  }
0x45c: {  	_ =	swait.ge [sflag:s1], $0x80  }
0x45d: {  	[sflag:s1] =	ssyncset.done $0x0  }
0x45e: {  	[sflag:s1] =	ssyncadd.s32 $0xFFFFFF80  }
0x45f: {  	_ =	swait.ge [sflag:s1], $0x80  }
0x460: {  	[sflag:s1] =	ssyncset.done $0x0  }
0x461: {  	[sflag:s1] =	ssyncadd.s32 $0xFFFFFF80  }
0x462: {  	_ =	swait.ge [sflag:s1], $0x80  }
0x463: {  	[sflag:s1] =	ssyncset.done $0x0  }
0x464: {  	[sflag:s1] =	ssyncadd.s32 $0xFFFFFF80  }
0x465: {  	_ =	swait.ge [sflag:s1], $0x80  }
0x466: {  	[sflag:s1] =	ssyncset.done $0x0  }
0x467: {  	[sflag:s1] =	ssyncadd.s32 $0xFFFFFF80  }
0x468: {  	_ =	swait.ge [sflag:s1], $0x80  }
0x469: {  	[sflag:s1] =	ssyncset.done $0x0  }
0x46a: {  	[sflag:s1] =	ssyncadd.s32 $0xFFFFFF80  }
0x46b: {  	_ =	swait.ge [sflag:s1], $0x80  }
0x46c: {  	[sflag:s1] =	ssyncset.done $0x0  }
0x46d: {  	[sflag:s1] =	ssyncadd.s32 $0xFFFFFF80  }
0x46e: {  	_ =	swait.ge [sflag:s1], $0x80  }
0x46f: {  	[sflag:s1] =	ssyncset.done $0x0  }
0x470: {  	[sflag:s1] =	ssyncadd.s32 $0xFFFFFF80  }
0x471: {  	_ =	swait.ge [sflag:s1], $0x80  }
0x472: {  	[sflag:s1] =	ssyncset.done $0x0  }
0x473: {  	[sflag:s1] =	ssyncadd.s32 $0xFFFFFF80  }
0x474: {  	_ =	swait.ge [sflag:s1], $0x80  }
0x475: {  	[sflag:s1] =	ssyncset.done $0x0  }
0x476: {  	[sflag:s1] =	ssyncadd.s32 $0xFFFFFF80  }
0x477: {  	_ =	swait.ge [sflag:s1], $0x80  }
0x478: {  	[sflag:s1] =	ssyncset.done $0x0  }
0x479: {  	[sflag:s1] =	ssyncadd.s32 $0xFFFFFF80  }
0x47a: {  	_ =	swait.ge [sflag:s1], $0x80  }
0x47b: {  	[sflag:s1] =	ssyncset.done $0x0  }
0x47c: {  	[sflag:s1] =	ssyncadd.s32 $0xFFFFFF80  }
0x47d: {  	_ =	swait.ge [sflag:s1], $0x80  }
0x47e: {  	[sflag:s1] =	ssyncset.done $0x0  }
0x47f: {  	[sflag:s1] =	ssyncadd.s32 $0xFFFFFF80  }
0x480: {  	_ =	swait.ge [sflag:s1], $0x80  }
0x481: {  	[sflag:s1] =	ssyncset.done $0x0  }
0x482: {  	[sflag:s1] =	ssyncadd.s32 $0xFFFFFF80  }
0x483: {  	_ =	swait.ge [sflag:s1], $0x80  }
0x484: {  	[sflag:s1] =	ssyncset.done $0x0  }
0x485: {  	[sflag:s1] =	ssyncadd.s32 $0xFFFFFF80  }
0x486: {  	_ =	swait.ge [sflag:s1], $0x80  }
0x487: {  	[sflag:s1] =	ssyncset.done $0x0  }
0x488: {  	[sflag:s1] =	ssyncadd.s32 $0xFFFFFF80  }
0x489: {  	_ =	swait.ge [sflag:s1], $0x80  }
0x48a: {  	[sflag:s1] =	ssyncset.done $0x0  }
0x48b: {  	[sflag:s1] =	ssyncadd.s32 $0xFFFFFF80  }
0x48c: {  	_ =	swait.ge [sflag:s1], $0x80  }
0x48d: {  	[sflag:s1] =	ssyncset.done $0x0  }
0x48e: {  	[sflag:s1] =	ssyncadd.s32 $0xFFFFFF80  }
0x48f: {  	_ =	swait.ge [sflag:s1], $0x80  }
0x490: {  	[sflag:s1] =	ssyncset.done $0x0  }
0x491: {  	[sflag:s1] =	ssyncadd.s32 $0xFFFFFF80  }
0x492: {  	_ =	swait.ge [sflag:s1], $0x80  }
0x493: {  	[sflag:s1] =	ssyncset.done $0x0  }
0x494: {  	[sflag:s1] =	ssyncadd.s32 $0xFFFFFF80  }
0x495: {  	_ =	swait.ge [sflag:s1], $0x80  }
0x496: {  	[sflag:s1] =	ssyncset.done $0x0  }
0x497: {  	[sflag:s1] =	ssyncadd.s32 $0xFFFFFF80  }
0x498: {  	_ =	swait.ge [sflag:s1], $0x80  }
0x499: {  	[sflag:s1] =	ssyncset.done $0x0  }
0x49a: {  	[sflag:s1] =	ssyncadd.s32 $0xFFFFFF80  }
0x49b: {  	_ =	swait.ge [sflag:s1], $0x80  }
0x49c: {  	[sflag:s1] =	ssyncset.done $0x0  }
0x49d: {  	[sflag:s1] =	ssyncadd.s32 $0xFFFFFF80  }
0x49e: {  	_ =	swait.ge [sflag:s1], $0x80  }
0x49f: {  	[sflag:s1] =	ssyncset.done $0x0  }
0x4a0: {  	[sflag:s1] =	ssyncadd.s32 $0xFFFFFF80  }
0x4a1: {  	_ =	swait.ge [sflag:s1], $0x80  }
0x4a2: {  	[sflag:s1] =	ssyncset.done $0x0  }
0x4a3: {  	[sflag:s1] =	ssyncadd.s32 $0xFFFFFF80  }
0x4a4: {  	_ =	swait.ge [sflag:s1], $0x80  }
0x4a5: {  	[sflag:s1] =	ssyncset.done $0x0  }
0x4a6: {  	[sflag:s1] =	ssyncadd.s32 $0xFFFFFF80  }
0x4a7: {  	_ =	swait.ge [sflag:s1], $0x80  }
0x4a8: {  	[sflag:s1] =	ssyncset.done $0x0  }
0x4a9: {  	[sflag:s1] =	ssyncadd.s32 $0xFFFFFF80  }
0x4aa: {  	_ =	swait.ge [sflag:s1], $0x80  }
0x4ab: {  	[sflag:s1] =	ssyncset.done $0x0  }
0x4ac: {  	[sflag:s1] =	ssyncadd.s32 $0xFFFFFF80  }
0x4ad: {  	_ =	swait.ge [sflag:s1], $0x80  }
0x4ae: {  	[sflag:s1] =	ssyncset.done $0x0  }
0x4af: {  	[sflag:s1] =	ssyncadd.s32 $0xFFFFFF80  }
0x4b0: {  	_ =	swait.ge [sflag:s1], $0x80  }
0x4b1: {  	[sflag:s1] =	ssyncset.done $0x0  }
0x4b2: {  	s5 =	simm.s32 $0xFFFFFC00;
	[sflag:s1] =	ssyncadd.s32 $0xFFFFFF80  }
0x4b3: {  	v4 =	vld [tilespmem:s5+$0x5070]  }
0x4b4: {  	v5 =	vld [tilespmem:s5+$0x5060]  }
0x4b5: {  	v7 =	vld [tilespmem:s5+$0x4470]  }
0x4b6: {  	v6 =	vld [tilespmem:s5+$0x4870]  }
0x4b7: {  	v8 =	vld [tilespmem:s5+$0x4C70]  }
0x4b8: {  	v9 =	vld [tilespmem:s5+$0x5050]  }
0x4b9: {  	v11 =	vld [tilespmem:s5+$0x4460]  }
0x4ba: {  	v30 =	vld [tilespmem:s5+$0x4860]  }
0x4bb: {  	v12 =	vld [tilespmem:s5+$0x4C60]  }
0x4bc: {  	v14 =	vld [tilespmem:s5+$0x5040]  }
0x4bd: {  	v13 =	vld [tilespmem:s5+$0x4450]  }
0x4be: {  	v15 =	vld [tilespmem:s5+$0x4850]  }
0x4bf: {  	v18 =	vld [tilespmem:s5+$0x4C50]  }
0x4c0: {  	v19 =	vld [tilespmem:s5+$0x5030]  }
0x4c1: {  	v16 =	vld [tilespmem:s5+$0x4440]  }
0x4c2: {  	v22 =	vld [tilespmem:s5+$0x4840]  }
0x4c3: {  	v21 =	vld [tilespmem:s5+$0x4C40]  }
0x4c4: {  	v24 =	vld [tilespmem:s5+$0x5020]  }
0x4c5: {  	v10 =	vld [tilespmem:s5+$0x4430]  }
0x4c6: {  	v25 =	vld [tilespmem:s5+$0x4830]  }
0x4c7: {  	v27 =	vld [tilespmem:s5+$0x5010]  }
0x4c8: {  	v17 =	vld [tilespmem:s5+$0x4420]  }
0x4c9: {  	v20 =	vld [tilespmem:s5+$0x4820]  }
0x4ca: {  	v26 =	vld [tilespmem:s5+$0x5000]  }
0x4cb: {  	v23 =	vld [tilespmem:s5+$0x4410];
	v5 =	vsub.f32 v11, v5;
	v4 =	vsub.f32 v7, v4  }
0x4cc: {  	v28 =	vld [tilespmem:s5+$0x4400];
	v6 =	vsub.f32 v7, v6;
	v7 =	vsub.f32 v7, v8  }
0x4cd: {  	s6 =	simm.s32 $0xFFFFF200;
	v29 =	vld [tilespmem:s5+$0x4800];
	v8 =	vsub.f32 v13, v9;
	v9 =	vsub.f32 v11, v30  }
.LBB2_14:
0x4ce: {  	p2 =	sne.s32 s6, $0xFFFFFE00;
	v30 =	vld [tilespmem:s5+$0x4C00];
	v31 =	vsub.f32 v16, v14;
	v32 =	vsub.f32 v11, v12  }
0x4cf: {  	v33 =	vsub.f32 v13, v15;
	v18 =	vsub.f32 v13, v18;
	v11 =	vld [tilespmem:s5+$0x4810]  }
0x4d0: {  	v15 =	vsub.f32 v10, v19;
	v13 =	vsub.f32 v16, v22;
	v12 =	vld [tilespmem:s5+$0x4C10]  }
0x4d1: {  	s9 =	sshra.s32 s6, $0x2;
	v19 =	vsub.f32 v17, v24;
	v16 =	vsub.f32 v16, v21;
	v14 =	vld [tilespmem:s5+$0x4C20]  }
0x4d2: {  	v22 =	vsub.f32 v10, v25;
	v21 =	vsub.f32 v23, v27;
	v34 =	vld [tilespmem:s9+$0x5070]  }
0x4d3: {  	v24 =	vsub.f32 v28, v29;
	v25 =	vsub.f32 v28, v30;
	v27 =	vld [tilespmem:s5+$0x4C30];
	s5 =	smov.u32 s9  }
0x4d4: {  	v26 =	vsub.f32 v28, v26;
	v29 =	vld [tilespmem:s5+$0x5060];
	v11 =	vsub.f32 v23, v11  }
0x4d5: {  	v24 =	vmul.f32 v24, v24;
	v30 =	vld [tilespmem:s5+$0x4470];
	v25 =	vmul.f32 v25, v25;
	v12 =	vsub.f32 v23, v12  }
0x4d6: {  	v20 =	vsub.f32 v17, v20;
	v23 =	vmul.f32 v26, v26;
	v35 =	vld [tilespmem:s5+$0x4870];
	v14 =	vsub.f32 v17, v14  }
0x4d7: {  	v36 =	vld [tilespmem:s5+$0x4C70];
	v17 =	vadd.f32 v25, v24;
	v24 =	vmul.f32 v11, v11;
	v12 =	vmul.f32 v12, v12  }
0x4d8: {  	v20 =	vmul.f32 v20, v20;
	v37 =	vld [tilespmem:s5+$0x5050];
	v14 =	vmul.f32 v14, v14;
	v10 =	vsub.f32 v10, v27  }
0x4d9: {  	v21 =	vmul.f32 v21, v21;
	v11 =	vld [tilespmem:s5+$0x4460];
	v17 =	vadd.f32 v17, v23;
	v23 =	vadd.f32 v12, v24  }
0x4da: {  	v22 =	vmul.f32 v22, v22;
	v38 =	vld [tilespmem:s5+$0x4860];
	v20 =	vadd.f32 v14, v20;
	v10 =	vmul.f32 v10, v10  }
0x4db: {  	v19 =	vmul.f32 v19, v19;
	v12 =	vld [tilespmem:s5+$0x4C60];
	v3 =	vadd.f32 v17, v3;
	v17 =	vadd.f32 v23, v21  }
0x4dc: {  	v16 =	vmul.f32 v16, v16;
	v21 =	vmul.f32 v13, v13;
	v14 =	vld [tilespmem:s5+$0x5040];
	v10 =	vadd.f32 v10, v22  }
0x4dd: {  	v13 =	vld [tilespmem:s5+$0x4450];
	v3 =	vadd.f32 v17, v3;
	v17 =	vadd.f32 v20, v19;
	v19 =	vmul.f32 v15, v15  }
0x4de: {  	v20 =	vadd.f32 v16, v21;
	v16 =	vmul.f32 v33, v33;
	v21 =	vmul.f32 v18, v18;
	v15 =	vld [tilespmem:s5+$0x4850]  }
0x4df: {  	v18 =	vld [tilespmem:s5+$0x4C50];
	v3 =	vadd.f32 v17, v3;
	v10 =	vadd.f32 v10, v19;
	v17 =	vmul.f32 v31, v31  }
0x4e0: {  	v9 =	vmul.f32 v9, v9;
	v23 =	vadd.f32 v21, v16;
	v21 =	vmul.f32 v32, v32;
	v19 =	vld [tilespmem:s5+$0x5030]  }
0x4e1: {  	v8 =	vmul.f32 v8, v8;
	v16 =	vld [tilespmem:s5+$0x4440];
	v3 =	vadd.f32 v10, v3;
	v10 =	vadd.f32 v20, v17  }
0x4e2: {  	v6 =	vmul.f32 v6, v6;
	v7 =	vmul.f32 v7, v7;
	v9 =	vadd.f32 v21, v9;
	v22 =	vld [tilespmem:s5+$0x4840]  }
0x4e3: {  	v5 =	vmul.f32 v5, v5;
	v8 =	vadd.f32 v23, v8;
	v21 =	vld [tilespmem:s5+$0x4C40];
	v3 =	vadd.f32 v10, v3  }
0x4e4: {  	v6 =	vadd.f32 v7, v6;
	v24 =	vld [tilespmem:s5+$0x5020]  }
0x4e5: {  	v4 =	vmul.f32 v4, v4;
	v5 =	vadd.f32 v9, v5;
	v10 =	vld [tilespmem:s5+$0x4430];
	v3 =	vadd.f32 v8, v3  }
0x4e6: {  	v25 =	vld [tilespmem:s5+$0x4830]  }
0x4e7: {  	v4 =	vadd.f32 v6, v4;
	v27 =	vld [tilespmem:s5+$0x5010];
	v3 =	vadd.f32 v5, v3  }
0x4e8: {  	v17 =	vld [tilespmem:s5+$0x4420]  }
.Ltmp8:
0x4e9: {  	v20 =	vld [tilespmem:s5+$0x4820];
	v3 =	vadd.f32 v4, v3;
	(pc) =	sbr.rel @p2 .LBB2_14-.Ltmp8, $4  }
0x4ea: {  	v26 =	vld [tilespmem:s5+$0x5000]  }
0x4eb: {  	v5 =	vsub.f32 v11, v29;
	v4 =	vsub.f32 v30, v34;
	v23 =	vld [tilespmem:s5+$0x4410]  }
0x4ec: {  	v6 =	vsub.f32 v30, v35;
	v7 =	vsub.f32 v30, v36;
	v28 =	vld [tilespmem:s5+$0x4400]  }
0x4ed: {  	s6 =	sadd.s32 $0x200, s6;
	v9 =	vsub.f32 v11, v38;
	v8 =	vsub.f32 v13, v37;
	v29 =	vld [tilespmem:s5+$0x4800]  }
0x4ee: {  	v30 =	vld [tilespmem:s5+$0x4C00];
	v14 =	vsub.f32 v16, v14;
	v11 =	vsub.f32 v11, v12  }
0x4ef: {  	v43 =	vld [tilespmem:s5+$0x4810];
	v15 =	vsub.f32 v13, v15;
	v44 =	vsub.f32 v13, v18  }
0x4f0: {  	v45 =	vld [tilespmem:s5+$0x4C10];
	v19 =	vsub.f32 v10, v19;
	v22 =	vsub.f32 v16, v22  }
0x4f1: {  	v31 =	vld [tilespmem:s5+$0x4C20];
	v24 =	vsub.f32 v17, v24;
	v46 =	vsub.f32 v16, v21  }
0x4f2: {  	v25 =	vsub.f32 v10, v25;
	v47 =	vsub.f32 v23, v27  }
0x4f3: {  	v50 =	vld [tilespmem:s5+$0x4C30];
	v48 =	vsub.f32 v28, v29;
	v49 =	vsub.f32 v28, v30  }
0x4f4: {  	v26 =	vsub.f32 v28, v26;
	v12 =	vsub.f32 v23, v43  }
0x4f5: {  	v18 =	vsub.f32 v23, v45;
	v27 =	vmul.f32 v48, v48;
	v51 =	vmul.f32 v49, v49  }
0x4f6: {  	v20 =	vsub.f32 v17, v20;
	v52 =	vmul.f32 v26, v26;
	v53 =	vsub.f32 v17, v31  }
0x4f7: {  	v12 =	vmul.f32 v12, v12;
	v18 =	vmul.f32 v18, v18;
	v54 =	vadd.f32 v51, v27  }
0x4f8: {  	v20 =	vmul.f32 v20, v20;
	v55 =	vsub.f32 v10, v50;
	v17 =	vmul.f32 v53, v53  }
0x4f9: {  	v56 =	vmul.f32 v47, v47;
	v12 =	vadd.f32 v18, v12;
	v23 =	vadd.f32 v54, v52  }
0x4fa: {  	v57 =	vmul.f32 v25, v25;
	v10 =	vmul.f32 v55, v55;
	v17 =	vadd.f32 v17, v20  }
0x4fb: {  	v58 =	vmul.f32 v24, v24;
	v12 =	vadd.f32 v12, v56;
	v3 =	vadd.f32 v23, v3  }
0x4fc: {  	v59 =	vmul.f32 v22, v22;
	v16 =	vmul.f32 v46, v46;
	v10 =	vadd.f32 v10, v57  }
0x4fd: {  	v61 =	vmul.f32 v19, v19;
	v60 =	vadd.f32 v17, v58;
	v3 =	vadd.f32 v12, v3  }
0x4fe: {  	v15 =	vmul.f32 v15, v15;
	v13 =	vmul.f32 v44, v44;
	v16 =	vadd.f32 v16, v59  }
0x4ff: {  	v62 =	vmul.f32 v14, v14;
	v10 =	vadd.f32 v10, v61;
	v3 =	vadd.f32 v60, v3  }
0x500: {  	v9 =	vmul.f32 v9, v9;
	v11 =	vmul.f32 v11, v11;
	v13 =	vadd.f32 v13, v15  }
0x501: {  	v8 =	vmul.f32 v8, v8;
	v63 =	vadd.f32 v16, v62;
	v3 =	vadd.f32 v10, v3  }
0x502: {  	v6 =	vmul.f32 v6, v6;
	v7 =	vmul.f32 v7, v7;
	v9 =	vadd.f32 v11, v9  }
0x503: {  	v5 =	vmul.f32 v5, v5;
	v8 =	vadd.f32 v13, v8;
	v3 =	vadd.f32 v63, v3  }
0x504: {  	v6 =	vadd.f32 v7, v6  }
0x505: {  	v4 =	vmul.f32 v4, v4;
	v5 =	vadd.f32 v9, v5;
	v3 =	vadd.f32 v8, v3;
	_ =	sdelay $0x1  }
.Ltmp9:
0x506: {  	v4 =	vadd.f32 v6, v4;
	v3 =	vadd.f32 v5, v3;
	(pc) =	sbr.rel @p1 .LBB2_17-.Ltmp9, $3  }
0x507: {  	_ = 	snop  }
0x508: {  	v3 =	vadd.f32 v4, v3;
	_ =	sdelay $0x1  }
0x509: {  	s9 =	rddreg [dreg:$0x8];
	[tilespmem:$0x6400] =	vst v3  }
0x50a: {  	s5 =	rddreg [dreg:$0x5];
	s16 =	simm.s32 $0x5  }
0x50b: {  	[tilespmem:s3], [sflag:$0x5] =	stream.linear.gather [hbm4b:s5+s3], $0x200, $0x38;
	[tilespmem:$0x6480] =	vst v63  }
0x50c: {  	_ =	swait.ge [sflag:s16], $0x200  }
0x50d: {  	[sflag:s16] =	ssyncset.done $0x0  }
0x50e: {  	[sflag:s16] =	ssyncadd.s32 $0xFFFFFE00  }
0x50f: {  	v3 =	vld [tilespmem:$0x0]  }
0x510: {  	v4 =	vld [tilespmem:$0x80]  }
0x511: {  	v5 =	vld [tilespmem:$0x100]  }
0x512: {  	v6 =	vld [tilespmem:$0x10]  }
0x513: {  	v7 =	vld [tilespmem:$0x90]  }
0x514: {  	v10 =	vld [tilespmem:$0x20]  }
0x515: {  	v54 =	vld [tilespmem:$0xA0]  }
0x516: {  	v8 =	vshll.u32 v3, $0x10;
	v9 =	vshll.u32 v4, $0x8  }
0x517: {  	v56 =	vld [tilespmem:$0x120];
	vm0 =	veq.s32 v3, $0x0;
	vm1 =	veq.s32 v4, $0x0;
	vm6 =	veq.s32 v5, $0x0  }
0x518: {  	v63 =	vld [tilespmem:$0xB0];
	v12 =	vshll.u32 v6, $0x10;
	v13 =	vshll.u32 v7, $0x8;
	vm7 =	veq.s32 v6, $0x0  }
0x519: {  	v3 =	vld [tilespmem:$0x110];
	vm8 =	veq.s32 v7, $0x0;
	v61 =	vshll.u32 v10, $0x10;
	v8 =	vadd.s32 v8, v9  }
0x51a: {  	v62 =	vshll.u32 v54, $0x8;
	v52 =	vsel vm0, $0xFF0000, v0;
	v51 =	vadd.s32 v5, v8  }
0x51b: {  	vm10 =	veq.s32 v10, $0x0;
	v53 =	vsel vm1, $0xFF00, v1;
	v8 =	vadd.s32 v52, v51;
	[tilespmem:$0x6000] =	vst v51  }
0x51c: {  	v17 =	vld [tilespmem:$0x130];
	vm11 =	veq.s32 v54, $0x0;
	v11 =	vsel vm6, $0xFF, v2;
	v9 =	vadd.s32 v53, v51;
	[tilespmem:$0x6080] =	vst v8  }
0x51d: {  	v20 =	vld [tilespmem:$0x40];
	vm12 =	veq.s32 v56, $0x0;
	v55 =	vadd.s32 v12, v13;
	v11 =	vadd.s32 v11, v51;
	[tilespmem:$0x6100] =	vst v9  }
0x51e: {  	v22 =	vld [tilespmem:$0xC0];
	v24 =	vshll.u32 v63, $0x8;
	v57 =	vsel vm7, $0xFF0000, v0;
	[tilespmem:$0x6180] =	vst v11;
	v4 =	vadd.s32 v3, v55  }
0x51f: {  	v59 =	vsel vm8, $0xFF00, v1;
	vm9 =	veq.s32 v3, $0x0;
	v3 =	vld [tilespmem:$0x30];
	v58 =	vadd.s32 v57, v4;
	[tilespmem:$0x6010] =	vst v4  }
0x520: {  	vm14 =	veq.s32 v63, $0x0;
	v60 =	vsel vm9, $0xFF, v2;
	v8 =	vadd.s32 v59, v4;
	[tilespmem:$0x6090] =	vst v58  }
0x521: {  	vm15 =	veq.s32 v17, $0x0;
	v16 =	vadd.s32 v61, v62;
	v9 =	vadd.s32 v60, v4;
	[tilespmem:$0x6110] =	vst v8  }
0x522: {  	v27 =	vld [tilespmem:$0x50];
	v30 =	vshll.u32 v20, $0x10;
	v18 =	vsel vm10, $0xFF0000, v0;
	v4 =	vadd.s32 v56, v16;
	[tilespmem:$0x6190] =	vst v9  }
0x523: {  	v28 =	vld [tilespmem:$0xD0];
	v31 =	vshll.u32 v22, $0x8;
	v19 =	vsel vm11, $0xFF00, v1;
	v7 =	vadd.s32 v18, v4;
	[tilespmem:$0x6020] =	vst v4  }
0x524: {  	v33 =	vld [tilespmem:$0x150];
	v21 =	vsel vm12, $0xFF, v2;
	v8 =	vadd.s32 v19, v4;
	[tilespmem:$0x60A0] =	vst v7;
	v23 =	vshll.u32 v3, $0x10  }
0x525: {  	v40 =	vld [tilespmem:$0xE0];
	v9 =	vadd.s32 v21, v4;
	[tilespmem:$0x6120] =	vst v8;
	vm13 =	veq.s32 v3, $0x0;
	v4 =	vadd.s32 v23, v24  }
0x526: {  	vm4 =	veq.s32 v20, $0x0;
	[tilespmem:$0x61A0] =	vst v9;
	v3 =	vld [tilespmem:$0x140];
	v25 =	vsel vm13, $0xFF0000, v0;
	v4 =	vadd.s32 v17, v4  }
0x527: {  	v47 =	vld [tilespmem:$0xF0];
	v38 =	vshll.u32 v27, $0x10;
	v26 =	vsel vm14, $0xFF00, v1;
	v7 =	vadd.s32 v25, v4;
	[tilespmem:$0x6030] =	vst v4  }
0x528: {  	v39 =	vshll.u32 v28, $0x8;
	v29 =	vsel vm15, $0xFF, v2;
	v8 =	vadd.s32 v26, v4;
	[tilespmem:$0x60B0] =	vst v7  }
0x529: {  	vm5 =	veq.s32 v22, $0x0;
	v41 =	vadd.s32 v38, v39;
	v4 =	vadd.s32 v29, v4;
	[tilespmem:$0x6130] =	vst v8  }
0x52a: {  	v49 =	vshll.u32 v40, $0x8;
	v32 =	vadd.s32 v30, v31;
	[tilespmem:$0x61B0] =	vst v4;
	v4 =	vadd.s32 v33, v41  }
0x52b: {  	v34 =	vsel vm4, $0xFF0000, v0;
	v7 =	vadd.s32 v3, v32;
	vm6 =	veq.s32 v3, $0x0;
	v3 =	vld [tilespmem:$0x60];
	[tilespmem:$0x6050] =	vst v4  }
0x52c: {  	v54 =	vshll.u32 v47, $0x8;
	v36 =	vsel vm5, $0xFF00, v1;
	v35 =	vadd.s32 v34, v7;
	[tilespmem:$0x6040] =	vst v7  }
0x52d: {  	v42 =	vld [tilespmem:$0x160];
	vm8 =	veq.s32 v28, $0x0;
	v37 =	vsel vm6, $0xFF, v2;
	v8 =	vadd.s32 v36, v7;
	[tilespmem:$0x60C0] =	vst v35  }
0x52e: {  	vm7 =	veq.s32 v27, $0x0;
	v44 =	vsel vm8, $0xFF00, v1;
	v7 =	vadd.s32 v37, v7;
	[tilespmem:$0x6140] =	vst v8  }
0x52f: {  	v45 =	vld [tilespmem:$0x70];
	v43 =	vsel vm7, $0xFF0000, v0;
	vm9 =	veq.s32 v33, $0x0;
	v8 =	vadd.s32 v44, v4;
	[tilespmem:$0x61C0] =	vst v7  }
0x530: {  	v46 =	vsel vm9, $0xFF, v2;
	v7 =	vadd.s32 v43, v4;
	[tilespmem:$0x6150] =	vst v8;
	v48 =	vshll.u32 v3, $0x10  }
0x531: {  	v4 =	vadd.s32 v46, v4;
	[tilespmem:$0x60D0] =	vst v7;
	vm10 =	veq.s32 v3, $0x0;
	v3 =	vld [tilespmem:$0x170];
	v7 =	vadd.s32 v48, v49  }
0x532: {  	vm11 =	veq.s32 v40, $0x0;
	[tilespmem:$0x61D0] =	vst v4;
	v50 =	vsel vm10, $0xFF0000, v0;
	v51 =	vadd.s32 v42, v7  }
0x533: {  	vm12 =	veq.s32 v42, $0x0;
	v52 =	vsel vm11, $0xFF00, v1;
	v8 =	vadd.s32 v50, v51;
	[tilespmem:$0x6060] =	vst v51  }
0x534: {  	v5 =	vsel vm12, $0xFF, v2;
	v53 =	vshll.u32 v45, $0x10;
	v7 =	vadd.s32 v52, v51;
	[tilespmem:$0x60E0] =	vst v8  }
0x535: {  	v55 =	vadd.s32 v53, v54;
	vm13 =	veq.s32 v45, $0x0;
	v4 =	vadd.s32 v5, v51;
	[tilespmem:$0x6160] =	vst v7  }
0x536: {  	vm14 =	veq.s32 v47, $0x0;
	v57 =	vsel vm13, $0xFF0000, v0;
	[tilespmem:$0x61E0] =	vst v4;
	v56 =	vadd.s32 v3, v55  }
0x537: {  	v58 =	vsel vm14, $0xFF00, v1;
	vm15 =	veq.s32 v3, $0x0;
	v5 =	vadd.s32 v57, v56;
	[tilespmem:$0x6070] =	vst v56  }
0x538: {  	v3 =	vadd.s32 v58, v56;
	v59 =	vsel vm15, $0xFF, v2;
	[tilespmem:$0x60F0] =	vst v5  }
0x539: {  	v4 =	vadd.s32 v59, v56;
	[tilespmem:$0x6170] =	vst v3  }
0x53a: {  	s17 =	simm.s32 $0x6000;
	s6 =	simm.s32 $0x6200;
	[tilespmem:$0x61F0] =	vst v4  }
0x53b: {  	[tilespmem:s6], [sflag:$0x3] =	stream.indirect.gather [hbm4b:s4+s14], $0x1, s17, s14, $0xb8;
	[tilespmem:$0x6480] =	vst v63  }
0x53c: {  	s10 =	simm.s32 $0x6080;
	s11 =	simm.s32 $0x6280  }
0x53d: {  	[tilespmem:s11], [sflag:$0x3] =	stream.indirect.gather [hbm4b:s4+s14], $0x1, s10, s14, $0xb8;
	[tilespmem:$0x6480] =	vst v63  }
0x53e: {  	s16 =	simm.s32 $0x6100;
	s17 =	simm.s32 $0x6300  }
0x53f: {  	[tilespmem:s17], [sflag:$0x3] =	stream.indirect.gather [hbm4b:s4+s14], $0x1, s16, s14, $0xb8;
	[tilespmem:$0x6480] =	vst v63  }
0x540: {  	s6 =	simm.s32 $0x6180;
	s10 =	simm.s32 $0x6380  }
0x541: {  	[tilespmem:s10], [sflag:$0x3] =	stream.indirect.gather [hbm4b:s4+s14], $0x1, s6, s14, $0xb8;
	[tilespmem:$0x6480] =	vst v63  }
0x542: {  	_ =	swait.ge [sflag:s1], $0x80  }
0x543: {  	[sflag:s1] =	ssyncset.done $0x0  }
0x544: {  	[sflag:s1] =	ssyncadd.s32 $0xFFFFFF80  }
0x545: {  	_ =	swait.ge [sflag:s1], $0x80  }
0x546: {  	[sflag:s1] =	ssyncset.done $0x0  }
0x547: {  	[sflag:s1] =	ssyncadd.s32 $0xFFFFFF80  }
0x548: {  	_ =	swait.ge [sflag:s1], $0x80  }
0x549: {  	[sflag:s1] =	ssyncset.done $0x0  }
0x54a: {  	[sflag:s1] =	ssyncadd.s32 $0xFFFFFF80  }
0x54b: {  	_ =	swait.ge [sflag:s1], $0x80  }
0x54c: {  	[sflag:s1] =	ssyncset.done $0x0  }
0x54d: {  	[sflag:s1] =	ssyncadd.s32 $0xFFFFFF80  }
0x54e: {  	v3 =	vld [tilespmem:$0x6200]  }
0x54f: {  	v60 =	vld [tilespmem:$0x6280]  }
0x550: {  	v61 =	vld [tilespmem:$0x6300]  }
0x551: {  	v62 =	vld [tilespmem:$0x6380]  }
0x552: {  	v63 =	vld [tilespmem:$0x6210]  }
0x553: {  	v17 =	vld [tilespmem:$0x6290]  }
0x554: {  	v18 =	vld [tilespmem:$0x6310]  }
0x555: {  	v19 =	vld [tilespmem:$0x6390]  }
0x556: {  	v20 =	vld [tilespmem:$0x6220]  }
0x557: {  	v21 =	vld [tilespmem:$0x62A0]  }
0x558: {  	v22 =	vld [tilespmem:$0x6320]  }
0x559: {  	v14 =	vld [tilespmem:$0x63A0]  }
0x55a: {  	v23 =	vld [tilespmem:$0x6230]  }
0x55b: {  	v15 =	vld [tilespmem:$0x62B0]  }
0x55c: {  	v25 =	vld [tilespmem:$0x63B0]  }
0x55d: {  	v16 =	vld [tilespmem:$0x6240]  }
0x55e: {  	v27 =	vld [tilespmem:$0x62C0]  }
0x55f: {  	v31 =	vld [tilespmem:$0x6340]  }
0x560: {  	v33 =	vld [tilespmem:$0x63C0]  }
0x561: {  	v35 =	vld [tilespmem:$0x6250]  }
0x562: {  	v42 =	vld [tilespmem:$0x6260];
	v4 =	vsub.f32 v3, v60;
	v5 =	vsub.f32 v3, v61  }
0x563: {  	v47 =	vld [tilespmem:$0x63E0];
	v3 =	vsub.f32 v3, v62;
	v8 =	vsub.f32 v63, v17  }
0x564: {  	v48 =	vld [tilespmem:$0x6270];
	v9 =	vsub.f32 v63, v18;
	v7 =	vsub.f32 v63, v19  }
0x565: {  	v50 =	vld [tilespmem:$0x62F0];
	v12 =	vsub.f32 v20, v21;
	v13 =	vsub.f32 v20, v22  }
0x566: {  	v54 =	vld [tilespmem:$0x63F0];
	v28 =	vsub.f32 v20, v14;
	v32 =	vsub.f32 v23, v15  }
0x567: {  	v37 =	vld [tilespmem:$0x62D0];
	v6 =	vsub.f32 v23, v25;
	v44 =	vsub.f32 v16, v27  }
0x568: {  	v41 =	vld [tilespmem:$0x63D0];
	v45 =	vsub.f32 v16, v31;
	v15 =	vsub.f32 v16, v33;
	v4 =	vmul.f32 v4, v4  }
0x569: {  	v24 =	vld [tilespmem:$0x6330];
	v55 =	vsub.f32 v42, v47;
	v5 =	vmul.f32 v5, v5;
	v3 =	vmul.f32 v3, v3  }
0x56a: {  	v57 =	vsub.f32 v48, v50;
	v8 =	vmul.f32 v8, v8;
	v9 =	vmul.f32 v9, v9  }
0x56b: {  	v58 =	vsub.f32 v48, v54;
	v7 =	vmul.f32 v7, v7;
	v29 =	vmul.f32 v12, v12  }
0x56c: {  	s11 =	sld [smem:$0x7FB];
	v46 =	vld [tilespmem:$0x6360];
	v30 =	vmul.f32 v13, v13;
	v12 =	vsub.f32 v35, v37;
	v4 =	vadd.f32 v5, v4  }
0x56d: {  	s16 =	sld [smem:$0x7FC];
	v40 =	vmul.f32 v6, v6;
	v6 =	vsub.f32 v35, v41;
	v26 =	vadd.f32 v9, v8  }
0x56e: {  	v38 =	vld [tilespmem:$0x6350];
	v36 =	vmul.f32 v32, v32;
	v5 =	vsub.f32 v23, v24;
	v3 =	vadd.f32 v3, v4  }
0x56f: {  	s17 =	sld [smem:$0x7FD];
	p2 =	seq.s32 s11, $0x1;
	v34 =	vadd.f32 v30, v29;
	v9 =	vmul.f32 v28, v28;
	v4 =	vadd.f32 v7, v26  }
0x570: {  	v43 =	vld [tilespmem:$0x62E0];
	v53 =	vmul.f32 v15, v15;
	v5 =	vmul.f32 v5, v5;
	v3 =	vpsel !p2, $0x0, v3;
	p2 =	seq.s32 s16, $0x1  }
0x571: {  	v13 =	vsub.f32 v42, v46;
	v7 =	vadd.f32 v9, v34;
	v4 =	vpsel !p2, $0x0, v4  }
0x572: {  	v8 =	vmul.f32 v45, v45;
	v39 =	vadd.f32 v5, v36;
	p2 =	seq.s32 s17, $0x1;
	v3 =	vadd.f32 v4, v3  }
0x573: {  	v52 =	vld [tilespmem:$0x6370];
	v49 =	vmul.f32 v12, v12;
	v9 =	vsub.f32 v35, v38;
	v7 =	vpsel !p2, $0x0, v7  }
0x574: {  	v4 =	vadd.f32 v40, v39;
	v3 =	vadd.f32 v7, v3;
	v7 =	vmul.f32 v44, v44  }
0x575: {  	v6 =	vmul.f32 v6, v6;
	v9 =	vmul.f32 v9, v9;
	v5 =	vsub.f32 v42, v43  }
0x576: {  	v56 =	vmul.f32 v13, v13;
	v4 =	vpsel !p3, $0x0, v4;
	v51 =	vadd.f32 v8, v7  }
0x577: {  	v9 =	vadd.f32 v9, v49;
	v5 =	vmul.f32 v5, v5;
	v3 =	vadd.f32 v4, v3  }
0x578: {  	v7 =	vsub.f32 v48, v52;
	v4 =	vadd.f32 v53, v51  }
0x579: {  	v10 =	vmul.f32 v57, v57;
	v6 =	vadd.f32 v6, v9;
	v5 =	vadd.f32 v56, v5  }
0x57a: {  	v8 =	vmul.f32 v55, v55;
	v7 =	vmul.f32 v7, v7;
	v4 =	vpsel !p4, $0x0, v4  }
0x57b: {  	v61 =	vmul.f32 v58, v58;
	v3 =	vadd.f32 v4, v3  }
0x57c: {  	v6 =	vpsel !p5, $0x0, v6;
	v59 =	vadd.f32 v8, v5;
	v60 =	vadd.f32 v7, v10  }
0x57d: {  	v3 =	vadd.f32 v6, v3  }
0x57e: {  	v62 =	vld [tilespmem:$0x6400];
	v4 =	vpsel !p6, $0x0, v59;
	v5 =	vadd.f32 v61, v60  }
0x57f: {  	v3 =	vadd.f32 v4, v3  }
0x580: {  	v63 =	vpsel !p0, $0x0, v5  }
.Ltmp10:
0x581: {  	v3 =	vadd.f32 v63, v3;
	(pc) =	sbr.rel .LBB2_17-.Ltmp10, $3  }
0x582: {  	_ = 	snop  }
0x583: {  	v3 =	vadd.f32 v3, v62;
	_ =	sdelay $0x1  }
0x584: {  	[tilespmem:$0x6400] =	vst v3  }
.LBB2_18:
0x585: {  	_ =	sfence.sel $0x180000  }
0x586: {  	[bflag:$0x0] =	sbarrier.arrive $0xFFFF  }
0x587: {  	_ =	strace $0x9000004A  }
0x588: {  	s0 =	stileid.u32;
	[bflag:$0x2] =	sbarrier.arrive $0xFFFF  }
0x589: {  	p0 =	sne.s32 s0, $0x0;
	s0 =	rddreg [dreg:$0x2]  }
0x58a: {  	s0 =	sadd.s32 @!p0 $0x100000, s0  }
0x58b: {  	[sflag:s0] =	ssyncadd.tile.s32 @!p0 $0x1;
	_ =	shalt  }
.Lfunc_end2:
_tile_overlayer_lowered:
.L_overlay_start_2:
0x58c: {  	(tag) =	ssettag $0x2  }
0x58d: {  	s0 =	rddreg [dreg:$0x0];
	s2 =	stileid.u32  }
0x58e: {  	s1 =	rddreg [dreg:$0x1];
	p0 =	sne.s32 s2, $0x0  }
0x58f: {  	s3 =	rddreg [dreg:$0x2];
	[bflag:$0x3] =	sbarrier.arrive $0xFFFF;
	s2 =	simm.s32 @!p0 $0x1C05  }
0x590: {  	[timem:s3], [sflag:s2] =	dma.local @!p0 [hbm:s0], s1  }
0x591: {  	s0 =	simm.s32 @!p0 $0x5  }
0x592: {  	_ =	swait.ge @!p0 [sflag:s0], s1  }
0x593: {  	s1 =	ssub.s32 @!p0 $0x0, s1;
	[sflag:s0] =	ssyncset.done @!p0 $0x0  }
0x594: {  	[sflag:s0] =	ssyncadd.s32 @!p0 s1  }
0x595: {  	[bflag:$0x3] =	sbarrier.arrive $0xFFFF  }
0x596: {  	_ =	shalt  }

// kernel: sparse-core-data-format-call.cloned.1.call-start
scs
called_computation_lowered:
.L_overlay_start_0:
0x0: {  	s2 =	sld [smem:$0x3FD9]  }
0x1: {  	s3 =	sld [smem:$0x3FFE];
	_ =	sdelay $0x1  }
0x2: {  	s1 =	srdreg.scid  }
0x3: {  	s0 =	sand.u32 $0x1, s1  }
0x4: {  	s18 =	sshll.u32 s0, $0xA;
	s2 =	sadd.s32 s3, s2  }
0x5: {  	s2 =	sadd.s32 s2, s18  }
0x6: {  	[smem:$0x3FC6] =	sst s2  }
0x7: {  	_ = 	snop  }
0x8: {  	s2 =	sld [smem:$0x3FC9];
	(tm) =	ssettm $0x1  }
0x9: {  	s19 =	sld [smem:$0x3FFB];
	_ =	sdelay $0x3  }
0xa: {  	_ =	strace s19  }
0xb: {  	s3 =	sld [smem:$0x3FFC];
	_ =	sdelay $0x3  }
0xc: {  	_ =	strace s3  }
0xd: {  	s3 =	sld [smem:$0x3FFD];
	_ =	sdelay $0x3  }
0xe: {  	_ =	strace s3  }
0xf: {  	_ =	strace $0x8FFFFFFF  }
0x10: {  	s20 =	sld [smem:$0x3FDB];
	_ =	sdelay $0x1  }
0x11: {  	s4 =	simm.s32 $_scs_section_size  }
0x12: {  	s5 =	simm.s32 $_size__tile_overlayer_lowered;
	s6 =	simm.s32 $_tile_overlayer_lowered  }
0x13: {  	s23 =	simm.s32 $0x1BFF;
	s22 =	sshll.u32 s6, $0x1;
	s3 =	sadd.s32 s4, s20  }
0x14: {  	s7 =	simm.s32 $0x0;
	s21 =	sshll.u32 s5, $0x1;
	s5 =	sadd.s32 s22, s3  }
0x15: {  	[timem:s7], [sflag:s23] =	dma.local [hbm:s5], s21  }
0x16: {  	_ =	swait.ge [sflag:s23], s21  }
0x17: {  	s4 =	ssub.s32 $0x0, s21;
	[sflag:s23] =	ssyncset.done $0x0  }
0x18: {  	[sflag:s23] =	ssyncadd.s32 s4;
	_ =	sdelay $0x1  }
0x19: {  	s24 =	simm.s32 $0x1B8B  }
0x1a: {  	_ =	swait.ge [sflag:s24], $0x1  }
0x1b: {  	[sflag:s24] =	ssyncset.done $0x0  }
0x1c: {  	s26 =	simm.s32 $0x1B8E;
	s25 =	sld [smem:$0x3FFE];
	[sflag:s24] =	ssyncadd.s32 $0xFFFFFFFF  }
0x1d: {  	s27 =	simm.s32 $execute0_lowered;
	[smem:$0x3FD2] =	sst s26  }
0x1e: {  	s5 =	sshll.u32 s27, $0x1;
	_ =	strace $0x80000046;
	[dreg:$0x1] =	wrdreg $0xFFFFFFFF  }
0x1f: {  	s28 =	simm.s32 $_size_execute0_lowered;
	s3 =	sadd.s32 s3, s5;
	[dreg:$0x0] =	wrdreg $0x0  }
0x20: {  	s5 =	sshll.u32 s28, $0x1;
	[dreg:$0x2] =	wrdreg s3  }
0x21: {  	[dreg:$0x3] =	wrdreg s5  }
0x22: {  	[dreg:$0x4] =	wrdreg $0xC0  }
0x23: {  	_ =	task [dreg:s7], $0x5FFFF  }
0x24: {  	[dreg:$0x1] =	wrdreg $0xFFFFFFFF  }
0x25: {  	[dreg:$0x0] =	wrdreg $0x60  }
0x26: {  	[dreg:$0x2] =	wrdreg s2  }
0x27: {  	[dreg:$0x3] =	wrdreg s25  }
0x28: {  	[dreg:$0x4] =	wrdreg $0x9  }
0x29: {  	_ =	task.clear_ibuf [dreg:s7], $0x5FFFF;
	_ =	strace $0x90000046  }
0x2a: {  	s29 =	simm.s32 $0x9;
	_ =	strace $0x80000048  }
0x2b: {  	_ =	swait.ge [sflag:s29], $0x1  }
0x2c: {  	[sflag:s29] =	ssyncadd.s32 $0xFFFFFFFF  }
0x2d: {  	_ =	strace $0x90000048  }
0x2e: {  	_ =	sfence  }
0x2f: {  	s30 =	sld [smem:$0x0];
	_ =	sdelay $0x2  }
0x30: {  	s31 =	sshll.u32 s1, $0xD;
	s1 =	sshrl.u32 s1, $0x2  }
0x31: {  	s3 =	sand.u32 $0x4000, s31;
	s1 =	sadd.s32 s1, s30  }
0x32: {  	s0 =	sor.u32 s3, s0;
	s1 =	sshll.u32 s1, $0x11  }
0x33: {  	s0 =	sor.u32 s1, s0  }
0x34: {  	s0 =	sadd.s32 $0x8F2B, s0  }
0x35: {  	[sflag:s0] =	ssyncadd.remote.s32 $0x1  }
0x36: {  	_ =	sfence.sel $0xFFFF  }
0x37: {  	[dreg:$0x0] =	wrdreg $0xFFFFFFFF;
	(pc) =	sbr.abs _section_cstart, $3  }
0x38: {  	[dreg:$0x1] =	wrdreg $0xFFFFFFFF  }
0x39: {  	_ =	task.clear_ibuf [dreg:s7], $0x2FFFF;
	_ =	strace $0x9FFFFFFF  }
0x3a: {  	(tm) =	ssettm $0x7FFFFFFF  }
0x3b: {  	_ =	shalt  }
tec
execute0_lowered:
.L_overlay_start_1:
0x0: {  	(tag) =	ssettag $0x1  }
0x1: {  	s0 =	srdreg.scid  }
0x2: {  	s1 =	sshll.u32 s0, $0x4  }
0x3: {  	s2 =	rddreg [dreg:$0x0];
	s0 =	stileid.u32;
	s1 =	sand.u32 $0x10, s1  }
0x4: {  	s4 =	rddreg [dreg:$0x1];
	s7 =	simm.s32 $0x1;
	s1 =	sor.u32 s0, s1  }
0x5: {  	s8 =	simm.s32 $0x2;
	s9 =	simm.s32 $0x0;
	s3 =	sshll.u32 s1, $0x6  }
0x6: {  	s12 =	simm.s32 $0x0;
	s11 =	simm.s32 $0x0;
	s6 =	ssub.s32 $0x10000, s3  }
.Ltmp0:
0x7: {  	s4 =	sadd.s32 $0x400, s4;
	s5 =	sand.u32 $0x7C0, s6;
	(pc) =	sbr.rel .LBB1_1-.Ltmp0, $4  }
0x8: {  	s1 =	rddreg [dreg:$0x2];
	_ =	strace $0x80000047;
	p0 =	sne.s32 s5, $0x0  }
0x9: {  	s6 =	sshrl.u32 s6, $0xB;
	s5 =	simm.s32 $0x1;
	s7 =	simm.s32 @!p0 $0x0  }
0xa: {  	s10 =	smov.u32 s3;
	[sflag:s5] =	ssyncpa.u1 $0x0;
	s6 =	sadd.s32 s7, s6  }
0xb: {  	[sflag:s8] =	ssyncpa.u1 $0x0;
	s8 =	simm.s32 $0x0;
	s7 =	sadd.s32 $0x1, s6  }
.LBB1_4:
0xc: {  	_ = 	snop  }
0xd: {  	[tilespmem:s15+$0xFFFFFFE0] =	vst v8  }
0xe: {  	[tilespmem:s15+$0xFFFFFFF0] =	vst v7  }
0xf: {  	[tilespmem:s15+$0x10] =	vst v1  }
0x10: {  	s18 =	sor.u32 s20, s19;
	v47 =	vld.idx.msk [tilespmem:v0+s16+$0x470 ss:$0x1], $0xffff;
	[tilespmem:s15+$0x20] =	vst v2  }
0x11: {  	[tilespmem:s15+$0x30] =	vst v3;
	v57 =	vld.idx.msk [tilespmem:v0+s18+$0x410 ss:$0x1], $0xffff  }
0x12: {  	[tilespmem:s15+$0x40] =	vst v4;
	v58 =	vld.idx.msk [tilespmem:v0+s18+$0x420 ss:$0x1], $0xffff  }
0x13: {  	[tilespmem:s15+$0x50] =	vst v5;
	v59 =	vld.idx.msk [tilespmem:v0+s18+$0x430 ss:$0x1], $0xffff  }
0x14: {  	[tilespmem:s15+$0x60] =	vst v6;
	v60 =	vld.idx.msk [tilespmem:v0+s18+$0x440 ss:$0x1], $0xffff  }
0x15: {  	s31 =	sadd.s32 $0x100, s15;
	s19 =	sand.u32 $0x3B00, s18;
	v61 =	vld.idx.msk [tilespmem:v0+s18+$0x450 ss:$0x1], $0xffff;
	[tilespmem:s15+$0x70] =	vst v47  }
0x16: {  	s17 =	sand.u32 $0x80, s17;
	v62 =	vld.idx.msk [tilespmem:v0+s18+$0x460 ss:$0x1], $0xffff;
	s14 =	sadd.s32 s19, s14;
	[tilespmem:s31+$0x10] =	vst v57  }
0x17: {  	v63 =	vld.idx.msk [tilespmem:v0+s18+$0x470 ss:$0x1], $0xffff;
	s14 =	sadd.s32 s17, s14;
	[tilespmem:s31+$0x20] =	vst v58  }
0x18: {  	v48 =	vld [tilespmem:s14+$0x400];
	[tilespmem:s31+$0x30] =	vst v59  }
0x19: {  	v49 =	vld [tilespmem:s14+$0x0];
	[tilespmem:s31+$0x40] =	vst v60  }
0x1a: {  	v50 =	vld [tilespmem:s14+$0x10];
	[tilespmem:s31+$0x50] =	vst v61  }
0x1b: {  	v51 =	vld [tilespmem:s14+$0x20];
	[tilespmem:s31+$0x60] =	vst v62  }
0x1c: {  	v52 =	vld [tilespmem:s14+$0x30];
	[tilespmem:s31+$0x70] =	vst v63  }
0x1d: {  	v53 =	vld [tilespmem:s14+$0x40];
	[tilespmem:s31+$0x0] =	vst v48  }
0x1e: {  	v54 =	vld [tilespmem:s14+$0x50];
	[tilespmem:s31+$0xFFFFFF80] =	vst v49  }
0x1f: {  	v55 =	vld [tilespmem:s14+$0x60];
	[tilespmem:s31+$0xFFFFFF90] =	vst v50  }
0x20: {  	v56 =	vld [tilespmem:s14+$0x70];
	[tilespmem:s31+$0xFFFFFFA0] =	vst v51  }
0x21: {  	[tilespmem:s31+$0xFFFFFFB0] =	vst v52  }
0x22: {  	[tilespmem:s31+$0xFFFFFFC0] =	vst v53  }
0x23: {  	[tilespmem:s31+$0xFFFFFFD0] =	vst v54  }
0x24: {  	s12 =	sshll.u32 s12, $0x5;
	[tilespmem:s31+$0xFFFFFFE0] =	vst v55  }
0x25: {  	s12 =	sadd.s32 s4, s12;
	[tilespmem:s31+$0xFFFFFFF0] =	vst v56  }
0x26: {  	[hbm4b:s12+s8] =	stream.linear.scatter [tilespmem:s13], [sflag:$0x2], $0x4000, $0x38;
	[tilespmem:$0x10000] =	vst v63  }
.LBB1_5:
0x27: {  	s14 =	sadd.s32 $0x800, s10  }
0x28: {  	p1 =	sgt.s32 s14, $0xFFFF  }
0x29: {  	s14 =	smov.u32 @p1 s3;
	p1 =	sne.s32 s11, s7  }
.Ltmp1:
0x2a: {  	p0 =	slt.u32 s11, $0x2;
	(pc) =	sbr.rel @!p1 .LBB1_6-.Ltmp1, $4  }
0x2b: {  	s13 =	simm.s32 @!p0 $0x2  }
0x2c: {  	s15 =	sadd.s32 $0x1, s11;
	_ =	swait.ge @!p0 [sflag:s13], $0x4000  }
0x2d: {  	s12 =	smov.u32 s10;
	s9 =	sadd.s32 $0x4000, s9;
	[sflag:s13] =	ssyncset.done @!p0 $0x0  }
0x2e: {  	s11 =	smov.u32 s15;
	s10 =	smov.u32 s14;
	[sflag:s13] =	ssyncadd.s32 @!p0 $0xFFFFC000  }
.LBB1_1:
0x2f: {  	p0 =	sge.u32 s11, s6  }
0x30: {  	s13 =	sshll.u32 @!p0 s10, $0x8;
	s14 =	sshll.u32 @!p0 s10, $0x7  }
0x31: {  	s13 =	sand.u32 @!p0 $0xFFF800, s13;
	s14 =	sand.u32 @!p0 $0x380, s14  }
0x32: {  	s15 =	sxor.u32 @!p0 $0xFFFFFFFF, s11;
	s13 =	sor.u32 @!p0 s14, s13  }
0x33: {  	s31 =	sadd.s32 $0xFFFFFFFF, s11;
	s14 =	sshll.u32 @!p0 s15, $0xE;
	s13 =	sshrl.u32 @!p0 s13, $0x3  }
0x34: {  	s15 =	simm.s32 @!p0 $0x0;
	s14 =	sand.u32 @!p0 $0x4000, s14;
	s13 =	sadd.s32 @!p0 s2, s13  }
0x35: {  	[tilespmem:s14], [sflag:$0x1] =	stream.linear.gather @!p0 [hbm4b:s13+s15], $0x4000, $0x38;
	[tilespmem:$0x10000] =	vst v63  }
0x36: {  	p0 =	sge.u32 s31, s6  }
.Ltmp2:
0x37: {  	_ = 	snop;
	(pc) =	sbr.rel @p0 .LBB1_5-.Ltmp2, $1  }
0x38: {  	_ =	sdelay $0x3  }
0x39: {  	s30 =	simm.s32 $0x0  }
0x3a: {  	s15 =	sand.u32 $0x3800, s30;
	s16 =	sand.u32 $0x380, s30  }
0x3b: {  	s13 =	sshll.u32 s11, $0xE;
	s16 =	sor.u32 s16, s15  }
0x3c: {  	_ =	swait.ge [sflag:s5], $0x4000;
	s14 =	sand.u32 $0x4000, s13;
	s15 =	sand.u32 $0x3B00, s16  }
0x3d: {  	[sflag:s5] =	ssyncset.done $0x0;
	s13 =	sand.u32 $0x80, s30;
	s15 =	sadd.s32 s15, s14  }
0x3e: {  	[sflag:s5] =	ssyncadd.s32 $0xFFFFC000;
	s13 =	sadd.s32 s13, s15  }
0x3f: {  	v4 =	vld [tilespmem:s13+$0x400]  }
0x40: {  	v5 =	vld [tilespmem:s13+$0x0]  }
0x41: {  	v6 =	vld [tilespmem:s13+$0x10]  }
0x42: {  	v0 =	vmov s14;
	v7 =	vld [tilespmem:s13+$0x20]  }
0x43: {  	v9 =	vld [tilespmem:s13+$0x30]  }
0x44: {  	v10 =	vld [tilespmem:s13+$0x40]  }
0x45: {  	s31 =	sand.u32 $0x4000, s9;
	v11 =	vld [tilespmem:s13+$0x50]  }
0x46: {  	s15 =	sor.u32 $0x8080, s31;
	v8 =	vld [tilespmem:s13+$0x60]  }
0x47: {  	v1 =	vld.idx.msk [tilespmem:v0+s16+$0x410 ss:$0x1], $0xffff;
	[tilespmem:s15+$0x0] =	vst v4  }
0x48: {  	v2 =	vld.idx.msk [tilespmem:v0+s16+$0x420 ss:$0x1], $0xffff;
	[tilespmem:s15+$0xFFFFFF80] =	vst v5  }
0x49: {  	v3 =	vld.idx.msk [tilespmem:v0+s16+$0x430 ss:$0x1], $0xffff;
	[tilespmem:s15+$0xFFFFFF90] =	vst v6  }
0x4a: {  	[tilespmem:s15+$0xFFFFFFA0] =	vst v7;
	v7 =	vld [tilespmem:s13+$0x70]  }
0x4b: {  	s18 =	simm.s32 $0x100;
	[tilespmem:s15+$0xFFFFFFB0] =	vst v9;
	v4 =	vld.idx.msk [tilespmem:v0+s16+$0x440 ss:$0x1], $0xffff  }
0x4c: {  	s17 =	simm.s32 $0x80;
	s19 =	sand.u32 $0x3800, s18;
	[tilespmem:s15+$0xFFFFFFC0] =	vst v10;
	v5 =	vld.idx.msk [tilespmem:v0+s16+$0x450 ss:$0x1], $0xffff  }
0x4d: {  	s20 =	sand.u32 $0x380, s17;
	s18 =	simm.s32 $0x200;
	s13 =	sor.u32 $0x8000, s14;
	[tilespmem:s15+$0xFFFFFFD0] =	vst v11;
	v6 =	vld.idx.msk [tilespmem:v0+s16+$0x460 ss:$0x1], $0xffff  }
.LBB1_3:
0x4e: {  	p0 =	sne.s32 s18, $0x3F00;
	[tilespmem:s15+$0xFFFFFFE0] =	vst v8;
	v8 =	vld.idx.msk [tilespmem:v0+s16+$0x470 ss:$0x1], $0xffff;
	s16 =	sor.u32 s20, s19  }
0x4f: {  	s19 =	sand.u32 $0x3B00, s16;
	v9 =	vld.idx.msk [tilespmem:v0+s16+$0x410 ss:$0x1], $0xffff;
	[tilespmem:s15+$0xFFFFFFF0] =	vst v7  }
0x50: {  	s20 =	sand.u32 $0x80, s17;
	s19 =	sadd.s32 s19, s14;
	v7 =	vld.idx.msk [tilespmem:v0+s16+$0x420 ss:$0x1], $0xffff;
	[tilespmem:s15+$0x10] =	vst v1  }
0x51: {  	s19 =	sadd.s32 s20, s19;
	v10 =	vld.idx.msk [tilespmem:v0+s16+$0x430 ss:$0x1], $0xffff;
	[tilespmem:s15+$0x20] =	vst v2  }
0x52: {  	v11 =	vld [tilespmem:s19+$0x400];
	[tilespmem:s15+$0x30] =	vst v3  }
0x53: {  	v12 =	vld [tilespmem:s19+$0x0];
	[tilespmem:s15+$0x40] =	vst v4  }
0x54: {  	v4 =	vld [tilespmem:s19+$0x10];
	[tilespmem:s15+$0x50] =	vst v5  }
0x55: {  	v1 =	vmov v9;
	v5 =	vld [tilespmem:s19+$0x20];
	[tilespmem:s15+$0x60] =	vst v6  }
0x56: {  	v2 =	vmov v7;
	v6 =	vld [tilespmem:s19+$0x30];
	[tilespmem:s15+$0x70] =	vst v8;
	s15 =	sadd.s32 $0x100, s15  }
0x57: {  	v3 =	vmov v10;
	v9 =	vld [tilespmem:s19+$0x40];
	[tilespmem:s15+$0x0] =	vst v11  }
0x58: {  	[tilespmem:s15+$0xFFFFFF80] =	vst v12;
	v10 =	vld [tilespmem:s19+$0x50]  }
.Ltmp3:
0x59: {  	[tilespmem:s15+$0xFFFFFF90] =	vst v4;
	v8 =	vld [tilespmem:s19+$0x60];
	(pc) =	sbr.rel @p0 .LBB1_3-.Ltmp3, $4  }
0x5a: {  	[tilespmem:s15+$0xFFFFFFA0] =	vst v5;
	v7 =	vld [tilespmem:s19+$0x70]  }
0x5b: {  	[tilespmem:s15+$0xFFFFFFB0] =	vst v6;
	v4 =	vld.idx.msk [tilespmem:v0+s16+$0x440 ss:$0x1], $0xffff  }
0x5c: {  	s17 =	sadd.s32 $0x80, s17;
	[tilespmem:s15+$0xFFFFFFC0] =	vst v9;
	v5 =	vld.idx.msk [tilespmem:v0+s16+$0x450 ss:$0x1], $0xffff  }
0x5d: {  	s20 =	sand.u32 $0x380, s17;
	s19 =	sand.u32 $0x3800, s18;
	s18 =	sadd.s32 $0x100, s18;
	[tilespmem:s15+$0xFFFFFFD0] =	vst v10;
	v6 =	vld.idx.msk [tilespmem:v0+s16+$0x460 ss:$0x1], $0xffff  }
.Ltmp4:
0x5e: {  	_ = 	snop;
	(pc) =	sbr.rel .LBB1_4-.Ltmp4, $1  }
0x5f: {  	_ =	sdelay $0x3  }
.LBB1_6:
0x60: {  	_ =	sfence.sel $0x180000  }
0x61: {  	s2 =	simm.s32 $0x1;
	[bflag:$0x0] =	sbarrier.arrive $0xFFFF  }
0x62: {  	s31 =	simm.s32 $0x2;
	[sflag:s2] =	ssyncpa.u1 $0x1  }
0x63: {  	[sflag:s31] =	ssyncpa.u1 $0x1  }
0x64: {  	p0 =	sne.s32 s0, $0x0;
	_ =	strace $0x90000047  }
0x65: {  	s0 =	sadd.s32 @!p0 $0x100000, s1;
	[bflag:$0x2] =	sbarrier.arrive $0xFFFF  }
0x66: {  	[sflag:s0] =	ssyncadd.tile.s32 @!p0 $0x1;
	_ =	shalt  }
.Lfunc_end1:
_tile_overlayer_lowered:
.L_overlay_start_2:
0x67: {  	(tag) =	ssettag $0x2  }
0x68: {  	s0 =	rddreg [dreg:$0x0];
	s2 =	stileid.u32  }
0x69: {  	s1 =	rddreg [dreg:$0x1];
	p0 =	sne.s32 s2, $0x0  }
0x6a: {  	s3 =	rddreg [dreg:$0x2];
	[bflag:$0x3] =	sbarrier.arrive $0xFFFF;
	s2 =	simm.s32 @!p0 $0x1C01  }
0x6b: {  	[timem:s3], [sflag:s2] =	dma.local @!p0 [hbm:s0], s1  }
0x6c: {  	s0 =	simm.s32 @!p0 $0x1  }
0x6d: {  	_ =	swait.ge @!p0 [sflag:s0], s1  }
0x6e: {  	s1 =	ssub.s32 @!p0 $0x0, s1;
	[sflag:s0] =	ssyncset.done @!p0 $0x0  }
0x6f: {  	[sflag:s0] =	ssyncadd.s32 @!p0 s1  }
0x70: {  	[bflag:$0x3] =	sbarrier.arrive $0xFFFF  }
0x71: {  	_ =	shalt  }

</sc_bundles>
